<compile_context>
chip_gen: v7x
topology: tpu7x:2x2x1
jax: 0.10.2.dev20260603
libtpu: 0.0.44.dev20260713+nightly
codegen_flags: <defaults>
</compile_context>

<pallas_src>
import functools

import jax
import jax.numpy as jnp
from jax import lax
from jax.experimental import pallas as pl
from jax.experimental.pallas import tpu as pltpu
from jax.experimental.pallas import tpu_sc as plsc

NUM_FIELDS = 26
FIELD_SIZE = 100000
EMBED_DIM = 16
BATCH = 16384

NC, NS, L = 2, 16, 16
NW = NC * NS
N_ROWS = BATCH * NUM_FIELDS
ROWS_PER_W = N_ROWS // NW
CHUNK = 1664
N_CHUNKS = ROWS_PER_W // CHUNK

FEAT = NUM_FIELDS * EMBED_DIM
CHUNK_B = 128
B_PER_W = BATCH // NW
NB_CHUNKS = B_PER_W // CHUNK_B
NGRP = CHUNK_B // L


@functools.cache
def _make_sc_gather():
    mesh = plsc.VectorSubcoreMesh(
        core_axis_name="c", subcore_axis_name="s",
        num_cores=NC, num_subcores=NS)

    @functools.partial(
        pl.kernel,
        out_type=jax.ShapeDtypeStruct((BATCH, FEAT), jnp.float32),
        mesh=mesh,
        scratch_types=[
            pltpu.VMEM((CHUNK_B * NUM_FIELDS,), jnp.int32),
            pltpu.VMEM((NUM_FIELDS * CHUNK_B,), jnp.int32),
            pltpu.VMEM((NUM_FIELDS * CHUNK_B, EMBED_DIM), jnp.float32),
            pltpu.SemaphoreType.DMA,
        ],
        compiler_params=pltpu.CompilerParams(
            use_tc_tiling_on_sc=False, needs_layout_passes=False),
    )
    def _sc_gather(xs_hbm, table_hbm, out_hbm, idx_v, fidx_v, rows_v, sem):
        wid = lax.axis_index("s") * NC + lax.axis_index("c")
        b_base = wid * B_PER_W

        def body(ci, _):
            vlane = lax.broadcasted_iota(jnp.int32, (L,), 0)
            vbase = vlane * NUM_FIELDS
            b0 = b_base + ci * CHUNK_B
            pltpu.sync_copy(
                xs_hbm.at[pl.ds(b0 * NUM_FIELDS, CHUNK_B * NUM_FIELDS)],
                idx_v)
            for f in range(NUM_FIELDS):
                for g in range(NGRP):
                    src = vbase + (g * L * NUM_FIELDS + f)
                    vals = plsc.load_gather(idx_v, [src]) + f * FIELD_SIZE
                    fidx_v[pl.ds(f * CHUNK_B + g * L, L)] = vals
            copies = [
                pltpu.async_copy(
                    table_hbm.at[fidx_v.at[pl.ds(f * CHUNK_B, CHUNK_B)]],
                    rows_v.at[pl.ds(f * CHUNK_B, CHUNK_B)],
                    sem)
                for f in range(NUM_FIELDS)
            ]
            for c in copies:
                c.wait()
            for f in range(NUM_FIELDS):
                pltpu.sync_copy(
                    rows_v.at[pl.ds(f * CHUNK_B, CHUNK_B)],
                    out_hbm.at[pl.ds(b0, CHUNK_B),
                               pl.ds(f * EMBED_DIM, EMBED_DIM)])
            return 0

        lax.fori_loop(0, NB_CHUNKS, body, 0)

    return _sc_gather


TBL_ROWS = sum([FIELD_SIZE] * NUM_FIELDS)
RPK_BLK = 16384
RPK_GRID = -(-TBL_ROWS // RPK_BLK)


def _repack_body(xt_ref, o_ref):
    x = xt_ref[...]
    emb = jnp.equal(
        lax.broadcasted_iota(jnp.int32, (EMBED_DIM, 128), 0),
        lax.broadcasted_iota(jnp.int32, (EMBED_DIM, 128), 1) % EMBED_DIM,
    ).astype(jnp.float32)
    yc = lax.dot_general(x, emb, (((0,), (0,)), ((), ())),
                         preferred_element_type=jnp.float32)
    yc3 = yc.reshape(RPK_BLK // 8, 8, 128)
    sel = jnp.equal(
        lax.broadcasted_iota(jnp.int32, (8, 128), 0),
        lax.broadcasted_iota(jnp.int32, (8, 128), 1) // EMBED_DIM,
    ).astype(jnp.float32)
    o_ref[...] = jnp.sum(yc3 * sel[None, :, :], axis=1)


def _repack(table_t):
    return pl.pallas_call(
        _repack_body,
        grid=(RPK_GRID,),
        in_specs=[pl.BlockSpec((EMBED_DIM, RPK_BLK), lambda i: (0, i))],
        out_specs=pl.BlockSpec((RPK_BLK // 8, 128), lambda i: (i, 0)),
        out_shape=jax.ShapeDtypeStruct((TBL_ROWS * EMBED_DIM // 128, 128),
                                       jnp.float32),
    )(table_t)


BB = 1024


def _mlp_body(emb_ref, xd_ref, wlin_ref, w1_ref, b1_ref, w2_ref, b2_ref,
              w3_ref, b3_ref, w4_ref, bias_ref, out_ref):
    h = emb_ref[...]
    h = jnp.maximum(
        jnp.dot(h, w1_ref[...], preferred_element_type=jnp.float32)
        + b1_ref[...], 0.0)
    h = jnp.maximum(
        jnp.dot(h, w2_ref[...], preferred_element_type=jnp.float32)
        + b2_ref[...], 0.0)
    h = jnp.maximum(
        jnp.dot(h, w3_ref[...], preferred_element_type=jnp.float32)
        + b3_ref[...], 0.0)
    y_deep = jnp.sum(h * w4_ref[...], axis=1, keepdims=True)
    y_wide = jnp.sum(xd_ref[...] * wlin_ref[...], axis=1, keepdims=True)
    out_ref[...] = jax.nn.sigmoid(y_deep + y_wide + bias_ref[0, 0])


def _mlp(emb, x_dense, wlin_row, W1, b1, W2, b2, W3, b3, w4_row, bias):
    nb = BATCH // BB
    full = lambda shape: pl.BlockSpec(shape, lambda i: (0, 0))
    return pl.pallas_call(
        _mlp_body,
        grid=(nb,),
        in_specs=[
            pl.BlockSpec((BB, NUM_FIELDS * EMBED_DIM), lambda i: (i, 0)),
            pl.BlockSpec((BB, 13), lambda i: (i, 0)),
            full((1, 13)),
            full(W1.shape),
            full((1, 1024)),
            full(W2.shape),
            full((1, 512)),
            full(W3.shape),
            full((1, 256)),
            full((1, 256)),
            full((1, 1)),
        ],
        out_specs=pl.BlockSpec((BB, 1), lambda i: (i, 0)),
        out_shape=jax.ShapeDtypeStruct((BATCH, 1), jnp.float32),
    )(emb, x_dense, wlin_row, W1, b1, W2, b2, W3, b3, w4_row, bias)


def kernel(x_dense, x_sparse, W_lin, b_lin, table, W1, b1, W2, b2, W3, b3,
           W4, b4):
    xs_flat = x_sparse.astype(jnp.int32).reshape(-1)
    table_lin = _repack(table.T).reshape(TBL_ROWS, EMBED_DIM)
    emb = _make_sc_gather()(xs_flat, table_lin)
    bias = (b_lin + b4).reshape(1, 1)
    y = _mlp(emb, x_dense, W_lin.reshape(1, 13), W1, b1.reshape(1, 1024),
             W2, b2.reshape(1, 512), W3, b3.reshape(1, 256),
             W4.reshape(1, 256), bias)
    return y[:, 0]

# --- scband reference (transcript-rebuilt; emitter-appended) ---
"""Pipeline reference for scband-wide-and-deep-5531917877957 (READ-ONLY COPY).

The authoritative reference and input builder live on the scoring server;
editing this copy changes nothing except your own understanding.
"""

import jax, jax.numpy as jnp
import numpy as np

FIELD_DIMS = [100000] * 26
EMBED_DIM = 16
BATCH = 16384
DENSE = 13
MLP_DIMS = [1024, 512, 256]


def setup_inputs(seed: int = 0) -> dict:
    key = jax.random.key(seed)
    ks = jax.random.split(key, 16)
    total = sum(FIELD_DIMS)
    inp = {}
    inp["x_dense"] = jax.random.normal(ks[0], (BATCH, DENSE), dtype=jnp.float32)
    inp["x_sparse"] = jax.random.randint(ks[1], (BATCH, len(FIELD_DIMS)), 0, FIELD_DIMS[0], dtype=jnp.int64)
    inp["W_lin"] = jax.random.normal(ks[2], (DENSE, 1), dtype=jnp.float32) * 0.02
    inp["b_lin"] = jnp.zeros((1,), dtype=jnp.float32)
    inp["table"] = jax.random.normal(ks[3], (total, EMBED_DIM), dtype=jnp.float32) * 0.02
    dims = [len(FIELD_DIMS) * EMBED_DIM] + MLP_DIMS + [1]
    for i in range(len(dims) - 1):
        inp[f"W{i+1}"] = jax.random.normal(ks[4 + i], (dims[i], dims[i + 1]), dtype=jnp.float32) * (1.0 / np.sqrt(dims[i]))
        inp[f"b{i+1}"] = jnp.zeros((dims[i + 1],), dtype=jnp.float32)
    return inp


def reference(x_dense, x_sparse, W_lin, b_lin, table, W1, b1, W2, b2, W3, b3, W4, b4):
    # FeaturesEmbedding: per-field offset into a single concatenated table
    offsets = jnp.asarray(np.cumsum([0] + FIELD_DIMS[:-1]), dtype=x_sparse.dtype)
    idx = x_sparse + offsets[None, :]
    emb = jnp.take(table, idx, axis=0)  # [B, 26, 16]
    # FeaturesLinear (wide part)
    y_wide = x_dense @ W_lin + b_lin  # [B, 1]
    # MultiLayerPerceptron (deep part); dropout is identity at inference
    h = emb.reshape(emb.shape[0], -1)  # [B, 416]
    h = jax.nn.relu(h @ W1 + b1)
    h = jax.nn.relu(h @ W2 + b2)
    h = jax.nn.relu(h @ W3 + b3)
    y_deep = h @ W4 + b4  # [B, 1]
    y = jax.nn.sigmoid((y_wide + y_deep)[:, 0])
    return y

if __name__ == "__main__":
    import jax
    _d = setup_inputs()
    print(jax.jit(kernel)(*tuple(_d.values())))

</pallas_src>

<mosaic_0001>
#map = affine_map<(d0, d1) -> (0)>
#map1 = affine_map<(d0, d1) -> (0, 0)>
module attributes {stable_mosaic.version = 14 : i64} {
  func.func @_sc_gather(%arg0: i32, %arg1: i32, %arg2: memref<425984xi32, #tpu.memory_space<hbm>>, %arg3: memref<2600000x16xf32, #tpu.memory_space<hbm>>, %arg4: memref<16384x416xf32, #tpu.memory_space<hbm>>, %arg5: memref<3328xi32, #tpu.memory_space<vmem>>, %arg6: memref<3328xi32, #tpu.memory_space<vmem>>, %arg7: memref<3328x16xf32, #tpu.memory_space<vmem>>, %arg8: memref<!tpu.dma_semaphore, #tpu.memory_space<semaphore_mem>>) attributes {dimension_semantics = [#tpu.dimension_semantics<core_parallel>, #tpu.dimension_semantics<subcore_parallel>], iteration_bounds = array<i64: 2, 16>, scalar_prefetch = 0 : i64, scratch_operands = 4 : i64, tpu.core_type = #tpu.core_type<sc_vector_subcore>, window_params = [{transform_indices = #map}, {transform_indices = #map1}, {transform_indices = #map1}]} {
    %mul3A = arith.constant 2 : i32
    %mul3A_0 = arith.muli %arg1, %mul3A : i32
    %add3A = arith.addi %mul3A_0, %arg0 : i32
    %mul3A_1 = arith.constant 512 : i32
    %mul3A_2 = arith.muli %add3A, %mul3A_1 : i32
    %scan3A = arith.constant 0 : i32
    %scan3A_3 = arith.constant 0 : i32
    %scan3A_4 = arith.constant 4 : i32
    %scan3A_5 = arith.addi %scan3A_3, %scan3A_4 : i32
    %scan3A_6 = arith.constant 1 : i32
    %scan3A_7 = scf.for %scan3A_9 = %scan3A_3 to %scan3A_5 step %scan3A_6 iter_args(%scan3A_10 = %scan3A) -> (i32)  : i32 {
      %iota3A = tpu.iota {dimensions = array<i32: 0>} : vector<16xi32>
      %mul3A_11 = arith.constant 26 : i32
      %mul3A_12 = vector.broadcast %mul3A_11 : i32 to vector<16xi32>
      %mul3A_13 = arith.muli %iota3A, %mul3A_12 : vector<16xi32>
      %mul3A_14 = arith.constant 128 : i32
      %mul3A_15 = arith.muli %scan3A_9, %mul3A_14 : i32
      %add3A_16 = arith.addi %mul3A_2, %mul3A_15 : i32
      %mul3A_17 = arith.constant 26 : i32
      %mul3A_18 = arith.muli %add3A_16, %mul3A_17 : i32
      "tpu.region"() ({
        %run_scoped3A = tpu.sem_alloc : memref<!tpu.dma_semaphore, #tpu.memory_space<semaphore_mem>>
        %dma_start3A_2304 = tpu.memref_slice %arg2[%mul3A_18] : memref<425984xi32, #tpu.memory_space<hbm>> -> memref<3328xi32, #tpu.memory_space<hbm>>
        %dma_start3A_2305 = tpu.memref_slice %arg2[%mul3A_18] : memref<425984xi32, #tpu.memory_space<hbm>> -> memref<3328xi32, #tpu.memory_space<hbm>>
        tpu.enqueue_dma source(%dma_start3A_2305 : memref<3328xi32, #tpu.memory_space<hbm>>) target(%arg5 : memref<3328xi32, #tpu.memory_space<vmem>>) target_semaphore(%run_scoped3A : memref<!tpu.dma_semaphore, #tpu.memory_space<semaphore_mem>>)
        %dma_wait3A_2306 = tpu.memref_slice %arg2[%mul3A_18] : memref<425984xi32, #tpu.memory_space<hbm>> -> memref<3328xi32, #tpu.memory_space<hbm>>
        %dma_wait3A_2307 = tpu.memref_slice %arg2[%mul3A_18] : memref<425984xi32, #tpu.memory_space<hbm>> -> memref<3328xi32, #tpu.memory_space<hbm>>
        tpu.wait_dma2 semaphore(%run_scoped3A : memref<!tpu.dma_semaphore, #tpu.memory_space<semaphore_mem>>) src(%dma_wait3A_2307 : memref<3328xi32, #tpu.memory_space<hbm>>) dst(%arg5 : memref<3328xi32, #tpu.memory_space<vmem>>)
        tpu.yield
      }) : () -> ()
      %add3A_19 = arith.constant 0 : i32
      %add3A_20 = vector.broadcast %add3A_19 : i32 to vector<16xi32>
      %add3A_21 = arith.addi %mul3A_13, %add3A_20 : vector<16xi32>
      %gather3A = tpu.vector_load_idx %arg5[%add3A_21] : memref<3328xi32, #tpu.memory_space<vmem>>[vector<16xi32>], vector<16xi32>,
      %add3A_22 = arith.constant 0 : i32
      %add3A_23 = vector.broadcast %add3A_22 : i32 to vector<16xi32>
      %add3A_24 = arith.addi %gather3A, %add3A_23 : vector<16xi32>
      %swap3A = arith.constant 0 : index
      %swap3A_25 = tpu.vector_load %arg6[%swap3A] {strides = array<i32>} : memref<3328xi32, #tpu.memory_space<vmem>>, vector<16xi32>,
      tpu.vector_store %arg6[%swap3A], %add3A_24 {strides = array<i32>} : memref<3328xi32, #tpu.memory_space<vmem>>, vector<16xi32>,
      %add3A_26 = arith.constant 416 : i32
      %add3A_27 = vector.broadcast %add3A_26 : i32 to vector<16xi32>
      %add3A_28 = arith.addi %mul3A_13, %add3A_27 : vector<16xi32>
      %gather3A_29 = tpu.vector_load_idx %arg5[%add3A_28] : memref<3328xi32, #tpu.memory_space<vmem>>[vector<16xi32>], vector<16xi32>,
      %add3A_30 = arith.constant 0 : i32
      %add3A_31 = vector.broadcast %add3A_30 : i32 to vector<16xi32>
      %add3A_32 = arith.addi %gather3A_29, %add3A_31 : vector<16xi32>
      %swap3A_33 = arith.constant 16 : index
      %swap3A_34 = tpu.vector_load %arg6[%swap3A_33] {strides = array<i32>} : memref<3328xi32, #tpu.memory_space<vmem>>, vector<16xi32>,
      tpu.vector_store %arg6[%swap3A_33], %add3A_32 {strides = array<i32>} : memref<3328xi32, #tpu.memory_space<vmem>>, vector<16xi32>,
      %add3A_35 = arith.constant 832 : i32
      %add3A_36 = vector.broadcast %add3A_35 : i32 to vector<16xi32>
      %add3A_37 = arith.addi %mul3A_13, %add3A_36 : vector<16xi32>
      %gather3A_38 = tpu.vector_load_idx %arg5[%add3A_37] : memref<3328xi32, #tpu.memory_space<vmem>>[vector<16xi32>], vector<16xi32>,
      %add3A_39 = arith.constant 0 : i32
      %add3A_40 = vector.broadcast %add3A_39 : i32 to vector<16xi32>
      %add3A_41 = arith.addi %gather3A_38, %add3A_40 : vector<16xi32>
      %swap3A_42 = arith.constant 32 : index
      %swap3A_43 = tpu.vector_load %arg6[%swap3A_42] {strides = array<i32>} : memref<3328xi32, #tpu.memory_space<vmem>>, vector<16xi32>,
      tpu.vector_store %arg6[%swap3A_42], %add3A_41 {strides = array<i32>} : memref<3328xi32, #tpu.memory_space<vmem>>, vector<16xi32>,
      %add3A_44 = arith.constant 1248 : i32
      %add3A_45 = vector.broadcast %add3A_44 : i32 to vector<16xi32>
      %add3A_46 = arith.addi %mul3A_13, %add3A_45 : vector<16xi32>
      %gather3A_47 = tpu.vector_load_idx %arg5[%add3A_46] : memref<3328xi32, #tpu.memory_space<vmem>>[vector<16xi32>], vector<16xi32>,
      %add3A_48 = arith.constant 0 : i32
      %add3A_49 = vector.broadcast %add3A_48 : i32 to vector<16xi32>
      %add3A_50 = arith.addi %gather3A_47, %add3A_49 : vector<16xi32>
      %swap3A_51 = arith.constant 48 : index
      %swap3A_52 = tpu.vector_load %arg6[%swap3A_51] {strides = array<i32>} : memref<3328xi32, #tpu.memory_space<vmem>>, vector<16xi32>,
      tpu.vector_store %arg6[%swap3A_51], %add3A_50 {strides = array<i32>} : memref<3328xi32, #tpu.memory_space<vmem>>, vector<16xi32>,
      %add3A_53 = arith.constant 1664 : i32
      %add3A_54 = vector.broadcast %add3A_53 : i32 to vector<16xi32>
      %add3A_55 = arith.addi %mul3A_13, %add3A_54 : vector<16xi32>
      %gather3A_56 = tpu.vector_load_idx %arg5[%add3A_55] : memref<3328xi32, #tpu.memory_space<vmem>>[vector<16xi32>], vector<16xi32>,
      %add3A_57 = arith.constant 0 : i32
      %add3A_58 = vector.broadcast %add3A_57 : i32 to vector<16xi32>
      %add3A_59 = arith.addi %gather3A_56, %add3A_58 : vector<16xi32>
      %swap3A_60 = arith.constant 64 : index
      %swap3A_61 = tpu.vector_load %arg6[%swap3A_60] {strides = array<i32>} : memref<3328xi32, #tpu.memory_space<vmem>>, vector<16xi32>,
      tpu.vector_store %arg6[%swap3A_60], %add3A_59 {strides = array<i32>} : memref<3328xi32, #tpu.memory_space<vmem>>, vector<16xi32>,
      %add3A_62 = arith.constant 2080 : i32
      %add3A_63 = vector.broadcast %add3A_62 : i32 to vector<16xi32>
      %add3A_64 = arith.addi %mul3A_13, %add3A_63 : vector<16xi32>
      %gather3A_65 = tpu.vector_load_idx %arg5[%add3A_64] : memref<3328xi32, #tpu.memory_space<vmem>>[vector<16xi32>], vector<16xi32>,
      %add3A_66 = arith.constant 0 : i32
      %add3A_67 = vector.broadcast %add3A_66 : i32 to vector<16xi32>
      %add3A_68 = arith.addi %gather3A_65, %add3A_67 : vector<16xi32>
      %swap3A_69 = arith.constant 80 : index
      %swap3A_70 = tpu.vector_load %arg6[%swap3A_69] {strides = array<i32>} : memref<3328xi32, #tpu.memory_space<vmem>>, vector<16xi32>,
      tpu.vector_store %arg6[%swap3A_69], %add3A_68 {strides = array<i32>} : memref<3328xi32, #tpu.memory_space<vmem>>, vector<16xi32>,
      %add3A_71 = arith.constant 2496 : i32
      %add3A_72 = vector.broadcast %add3A_71 : i32 to vector<16xi32>
      %add3A_73 = arith.addi %mul3A_13, %add3A_72 : vector<16xi32>
      %gather3A_74 = tpu.vector_load_idx %arg5[%add3A_73] : memref<3328xi32, #tpu.memory_space<vmem>>[vector<16xi32>], vector<16xi32>,
      %add3A_75 = arith.constant 0 : i32
      %add3A_76 = vector.broadcast %add3A_75 : i32 to vector<16xi32>
      %add3A_77 = arith.addi %gather3A_74, %add3A_76 : vector<16xi32>
      %swap3A_78 = arith.constant 96 : index
      %swap3A_79 = tpu.vector_load %arg6[%swap3A_78] {strides = array<i32>} : memref<3328xi32, #tpu.memory_space<vmem>>, vector<16xi32>,
      tpu.vector_store %arg6[%swap3A_78], %add3A_77 {strides = array<i32>} : memref<3328xi32, #tpu.memory_space<vmem>>, vector<16xi32>,
      %add3A_80 = arith.constant 2912 : i32
      %add3A_81 = vector.broadcast %add3A_80 : i32 to vector<16xi32>
      %add3A_82 = arith.addi %mul3A_13, %add3A_81 : vector<16xi32>
      %gather3A_83 = tpu.vector_load_idx %arg5[%add3A_82] : memref<3328xi32, #tpu.memory_space<vmem>>[vector<16xi32>], vector<16xi32>,
      %add3A_84 = arith.constant 0 : i32
      %add3A_85 = vector.broadcast %add3A_84 : i32 to vector<16xi32>
      %add3A_86 = arith.addi %gather3A_83, %add3A_85 : vector<16xi32>
      %swap3A_87 = arith.constant 112 : index
      %swap3A_88 = tpu.vector_load %arg6[%swap3A_87] {strides = array<i32>} : memref<3328xi32, #tpu.memory_space<vmem>>, vector<16xi32>,
      tpu.vector_store %arg6[%swap3A_87], %add3A_86 {strides = array<i32>} : memref<3328xi32, #tpu.memory_space<vmem>>, vector<16xi32>,
      %add3A_89 = arith.constant 1 : i32
      %add3A_90 = vector.broadcast %add3A_89 : i32 to vector<16xi32>
      %add3A_91 = arith.addi %mul3A_13, %add3A_90 : vector<16xi32>
      %gather3A_92 = tpu.vector_load_idx %arg5[%add3A_91] : memref<3328xi32, #tpu.memory_space<vmem>>[vector<16xi32>], vector<16xi32>,
      %add3A_93 = arith.constant 100000 : i32
      %add3A_94 = vector.broadcast %add3A_93 : i32 to vector<16xi32>
      %add3A_95 = arith.addi %gather3A_92, %add3A_94 : vector<16xi32>
      %swap3A_96 = arith.constant 128 : index
      %swap3A_97 = tpu.vector_load %arg6[%swap3A_96] {strides = array<i32>} : memref<3328xi32, #tpu.memory_space<vmem>>, vector<16xi32>,
      tpu.vector_store %arg6[%swap3A_96], %add3A_95 {strides = array<i32>} : memref<3328xi32, #tpu.memory_space<vmem>>, vector<16xi32>,
      %add3A_98 = arith.constant 417 : i32
      %add3A_99 = vector.broadcast %add3A_98 : i32 to vector<16xi32>
      %add3A_100 = arith.addi %mul3A_13, %add3A_99 : vector<16xi32>
      %gather3A_101 = tpu.vector_load_idx %arg5[%add3A_100] : memref<3328xi32, #tpu.memory_space<vmem>>[vector<16xi32>], vector<16xi32>,
      %add3A_102 = arith.constant 100000 : i32
      %add3A_103 = vector.broadcast %add3A_102 : i32 to vector<16xi32>
      %add3A_104 = arith.addi %gather3A_101, %add3A_103 : vector<16xi32>
      %swap3A_105 = arith.constant 144 : index
      %swap3A_106 = tpu.vector_load %arg6[%swap3A_105] {strides = array<i32>} : memref<3328xi32, #tpu.memory_space<vmem>>, vector<16xi32>,
      tpu.vector_store %arg6[%swap3A_105], %add3A_104 {strides = array<i32>} : memref<3328xi32, #tpu.memory_space<vmem>>, vector<16xi32>,
      %add3A_107 = arith.constant 833 : i32
      %add3A_108 = vector.broadcast %add3A_107 : i32 to vector<16xi32>
      %add3A_109 = arith.addi %mul3A_13, %add3A_108 : vector<16xi32>
      %gather3A_110 = tpu.vector_load_idx %arg5[%add3A_109] : memref<3328xi32, #tpu.memory_space<vmem>>[vector<16xi32>], vector<16xi32>,
      %add3A_111 = arith.constant 100000 : i32
      %add3A_112 = vector.broadcast %add3A_111 : i32 to vector<16xi32>
      %add3A_113 = arith.addi %gather3A_110, %add3A_112 : vector<16xi32>
      %swap3A_114 = arith.constant 160 : index
      %swap3A_115 = tpu.vector_load %arg6[%swap3A_114] {strides = array<i32>} : memref<3328xi32, #tpu.memory_space<vmem>>, vector<16xi32>,
      tpu.vector_store %arg6[%swap3A_114], %add3A_113 {strides = array<i32>} : memref<3328xi32, #tpu.memory_space<vmem>>, vector<16xi32>,
      %add3A_116 = arith.constant 1249 : i32
      %add3A_117 = vector.broadcast %add3A_116 : i32 to vector<16xi32>
      %add3A_118 = arith.addi %mul3A_13, %add3A_117 : vector<16xi32>
      %gather3A_119 = tpu.vector_load_idx %arg5[%add3A_118] : memref<3328xi32, #tpu.memory_space<vmem>>[vector<16xi32>], vector<16xi32>,
      %add3A_120 = arith.constant 100000 : i32
      %add3A_121 = vector.broadcast %add3A_120 : i32 to vector<16xi32>
      %add3A_122 = arith.addi %gather3A_119, %add3A_121 : vector<16xi32>
      %swap3A_123 = arith.constant 176 : index
      %swap3A_124 = tpu.vector_load %arg6[%swap3A_123] {strides = array<i32>} : memref<3328xi32, #tpu.memory_space<vmem>>, vector<16xi32>,
      tpu.vector_store %arg6[%swap3A_123], %add3A_122 {strides = array<i32>} : memref<3328xi32, #tpu.memory_space<vmem>>, vector<16xi32>,
      %add3A_125 = arith.constant 1665 : i32
      %add3A_126 = vector.broadcast %add3A_125 : i32 to vector<16xi32>
      %add3A_127 = arith.addi %mul3A_13, %add3A_126 : vector<16xi32>
      %gather3A_128 = tpu.vector_load_idx %arg5[%add3A_127] : memref<3328xi32, #tpu.memory_space<vmem>>[vector<16xi32>], vector<16xi32>,
      %add3A_129 = arith.constant 100000 : i32
      %add3A_130 = vector.broadcast %add3A_129 : i32 to vector<16xi32>
      %add3A_131 = arith.addi %gather3A_128, %add3A_130 : vector<16xi32>
      %swap3A_132 = arith.constant 192 : index
      %swap3A_133 = tpu.vector_load %arg6[%swap3A_132] {strides = array<i32>} : memref<3328xi32, #tpu.memory_space<vmem>>, vector<16xi32>,
      tpu.vector_store %arg6[%swap3A_132], %add3A_131 {strides = array<i32>} : memref<3328xi32, #tpu.memory_space<vmem>>, vector<16xi32>,
      %add3A_134 = arith.constant 2081 : i32
      %add3A_135 = vector.broadcast %add3A_134 : i32 to vector<16xi32>
      %add3A_136 = arith.addi %mul3A_13, %add3A_135 : vector<16xi32>
      %gather3A_137 = tpu.vector_load_idx %arg5[%add3A_136] : memref<3328xi32, #tpu.memory_space<vmem>>[vector<16xi32>], vector<16xi32>,
      %add3A_138 = arith.constant 100000 : i32
      %add3A_139 = vector.broadcast %add3A_138 : i32 to vector<16xi32>
      %add3A_140 = arith.addi %gather3A_137, %add3A_139 : vector<16xi32>
      %swap3A_141 = arith.constant 208 : index
      %swap3A_142 = tpu.vector_load %arg6[%swap3A_141] {strides = array<i32>} : memref<3328xi32, #tpu.memory_space<vmem>>, vector<16xi32>,
      tpu.vector_store %arg6[%swap3A_141], %add3A_140 {strides = array<i32>} : memref<3328xi32, #tpu.memory_space<vmem>>, vector<16xi32>,
      %add3A_143 = arith.constant 2497 : i32
      %add3A_144 = vector.broadcast %add3A_143 : i32 to vector<16xi32>
      %add3A_145 = arith.addi %mul3A_13, %add3A_144 : vector<16xi32>
      %gather3A_146 = tpu.vector_load_idx %arg5[%add3A_145] : memref<3328xi32, #tpu.memory_space<vmem>>[vector<16xi32>], vector<16xi32>,
      %add3A_147 = arith.constant 100000 : i32
      %add3A_148 = vector.broadcast %add3A_147 : i32 to vector<16xi32>
      %add3A_149 = arith.addi %gather3A_146, %add3A_148 : vector<16xi32>
      %swap3A_150 = arith.constant 224 : index
      %swap3A_151 = tpu.vector_load %arg6[%swap3A_150] {strides = array<i32>} : memref<3328xi32, #tpu.memory_space<vmem>>, vector<16xi32>,
      tpu.vector_store %arg6[%swap3A_150], %add3A_149 {strides = array<i32>} : memref<3328xi32, #tpu.memory_space<vmem>>, vector<16xi32>,
      %add3A_152 = arith.constant 2913 : i32
      %add3A_153 = vector.broadcast %add3A_152 : i32 to vector<16xi32>
      %add3A_154 = arith.addi %mul3A_13, %add3A_153 : vector<16xi32>
      %gather3A_155 = tpu.vector_load_idx %arg5[%add3A_154] : memref<3328xi32, #tpu.memory_space<vmem>>[vector<16xi32>], vector<16xi32>,
      %add3A_156 = arith.constant 100000 : i32
      %add3A_157 = vector.broadcast %add3A_156 : i32 to vector<16xi32>
      %add3A_158 = arith.addi %gather3A_155, %add3A_157 : vector<16xi32>
      %swap3A_159 = arith.constant 240 : index
      %swap3A_160 = tpu.vector_load %arg6[%swap3A_159] {strides = array<i32>} : memref<3328xi32, #tpu.memory_space<vmem>>, vector<16xi32>,
      tpu.vector_store %arg6[%swap3A_159], %add3A_158 {strides = array<i32>} : memref<3328xi32, #tpu.memory_space<vmem>>, vector<16xi32>,
      %add3A_161 = arith.constant 2 : i32
      %add3A_162 = vector.broadcast %add3A_161 : i32 to vector<16xi32>
      %add3A_163 = arith.addi %mul3A_13, %add3A_162 : vector<16xi32>
      %gather3A_164 = tpu.vector_load_idx %arg5[%add3A_163] : memref<3328xi32, #tpu.memory_space<vmem>>[vector<16xi32>], vector<16xi32>,
      %add3A_165 = arith.constant 200000 : i32
      %add3A_166 = vector.broadcast %add3A_165 : i32 to vector<16xi32>
      %add3A_167 = arith.addi %gather3A_164, %add3A_166 : vector<16xi32>
      %swap3A_168 = arith.constant 256 : index
      %swap3A_169 = tpu.vector_load %arg6[%swap3A_168] {strides = array<i32>} : memref<3328xi32, #tpu.memory_space<vmem>>, vector<16xi32>,
      tpu.vector_store %arg6[%swap3A_168], %add3A_167 {strides = array<i32>} : memref<3328xi32, #tpu.memory_space<vmem>>, vector<16xi32>,
      %add3A_170 = arith.constant 418 : i32
      %add3A_171 = vector.broadcast %add3A_170 : i32 to vector<16xi32>
      %add3A_172 = arith.addi %mul3A_13, %add3A_171 : vector<16xi32>
      %gather3A_173 = tpu.vector_load_idx %arg5[%add3A_172] : memref<3328xi32, #tpu.memory_space<vmem>>[vector<16xi32>], vector<16xi32>,
      %add3A_174 = arith.constant 200000 : i32
      %add3A_175 = vector.broadcast %add3A_174 : i32 to vector<16xi32>
      %add3A_176 = arith.addi %gather3A_173, %add3A_175 : vector<16xi32>
      %swap3A_177 = arith.constant 272 : index
      %swap3A_178 = tpu.vector_load %arg6[%swap3A_177] {strides = array<i32>} : memref<3328xi32, #tpu.memory_space<vmem>>, vector<16xi32>,
      tpu.vector_store %arg6[%swap3A_177], %add3A_176 {strides = array<i32>} : memref<3328xi32, #tpu.memory_space<vmem>>, vector<16xi32>,
      %add3A_179 = arith.constant 834 : i32
      %add3A_180 = vector.broadcast %add3A_179 : i32 to vector<16xi32>
      %add3A_181 = arith.addi %mul3A_13, %add3A_180 : vector<16xi32>
      %gather3A_182 = tpu.vector_load_idx %arg5[%add3A_181] : memref<3328xi32, #tpu.memory_space<vmem>>[vector<16xi32>], vector<16xi32>,
      %add3A_183 = arith.constant 200000 : i32
      %add3A_184 = vector.broadcast %add3A_183 : i32 to vector<16xi32>
      %add3A_185 = arith.addi %gather3A_182, %add3A_184 : vector<16xi32>
      %swap3A_186 = arith.constant 288 : index
      %swap3A_187 = tpu.vector_load %arg6[%swap3A_186] {strides = array<i32>} : memref<3328xi32, #tpu.memory_space<vmem>>, vector<16xi32>,
      tpu.vector_store %arg6[%swap3A_186], %add3A_185 {strides = array<i32>} : memref<3328xi32, #tpu.memory_space<vmem>>, vector<16xi32>,
      %add3A_188 = arith.constant 1250 : i32
      %add3A_189 = vector.broadcast %add3A_188 : i32 to vector<16xi32>
      %add3A_190 = arith.addi %mul3A_13, %add3A_189 : vector<16xi32>
      %gather3A_191 = tpu.vector_load_idx %arg5[%add3A_190] : memref<3328xi32, #tpu.memory_space<vmem>>[vector<16xi32>], vector<16xi32>,
      %add3A_192 = arith.constant 200000 : i32
      %add3A_193 = vector.broadcast %add3A_192 : i32 to vector<16xi32>
      %add3A_194 = arith.addi %gather3A_191, %add3A_193 : vector<16xi32>
      %swap3A_195 = arith.constant 304 : index
      %swap3A_196 = tpu.vector_load %arg6[%swap3A_195] {strides = array<i32>} : memref<3328xi32, #tpu.memory_space<vmem>>, vector<16xi32>,
      tpu.vector_store %arg6[%swap3A_195], %add3A_194 {strides = array<i32>} : memref<3328xi32, #tpu.memory_space<vmem>>, vector<16xi32>,
      %add3A_197 = arith.constant 1666 : i32
      %add3A_198 = vector.broadcast %add3A_197 : i32 to vector<16xi32>
      %add3A_199 = arith.addi %mul3A_13, %add3A_198 : vector<16xi32>
      %gather3A_200 = tpu.vector_load_idx %arg5[%add3A_199] : memref<3328xi32, #tpu.memory_space<vmem>>[vector<16xi32>], vector<16xi32>,
      %add3A_201 = arith.constant 200000 : i32
      %add3A_202 = vector.broadcast %add3A_201 : i32 to vector<16xi32>
      %add3A_203 = arith.addi %gather3A_200, %add3A_202 : vector<16xi32>
      %swap3A_204 = arith.constant 320 : index
      %swap3A_205 = tpu.vector_load %arg6[%swap3A_204] {strides = array<i32>} : memref<3328xi32, #tpu.memory_space<vmem>>, vector<16xi32>,
      tpu.vector_store %arg6[%swap3A_204], %add3A_203 {strides = array<i32>} : memref<3328xi32, #tpu.memory_space<vmem>>, vector<16xi32>,
      %add3A_206 = arith.constant 2082 : i32
      %add3A_207 = vector.broadcast %add3A_206 : i32 to vector<16xi32>
      %add3A_208 = arith.addi %mul3A_13, %add3A_207 : vector<16xi32>
      %gather3A_209 = tpu.vector_load_idx %arg5[%add3A_208] : memref<3328xi32, #tpu.memory_space<vmem>>[vector<16xi32>], vector<16xi32>,
      %add3A_210 = arith.constant 200000 : i32
      %add3A_211 = vector.broadcast %add3A_210 : i32 to vector<16xi32>
      %add3A_212 = arith.addi %gather3A_209, %add3A_211 : vector<16xi32>
      %swap3A_213 = arith.constant 336 : index
      %swap3A_214 = tpu.vector_load %arg6[%swap3A_213] {strides = array<i32>} : memref<3328xi32, #tpu.memory_space<vmem>>, vector<16xi32>,
      tpu.vector_store %arg6[%swap3A_213], %add3A_212 {strides = array<i32>} : memref<3328xi32, #tpu.memory_space<vmem>>, vector<16xi32>,
      %add3A_215 = arith.constant 2498 : i32
      %add3A_216 = vector.broadcast %add3A_215 : i32 to vector<16xi32>
      %add3A_217 = arith.addi %mul3A_13, %add3A_216 : vector<16xi32>
      %gather3A_218 = tpu.vector_load_idx %arg5[%add3A_217] : memref<3328xi32, #tpu.memory_space<vmem>>[vector<16xi32>], vector<16xi32>,
      %add3A_219 = arith.constant 200000 : i32
      %add3A_220 = vector.broadcast %add3A_219 : i32 to vector<16xi32>
      %add3A_221 = arith.addi %gather3A_218, %add3A_220 : vector<16xi32>
      %swap3A_222 = arith.constant 352 : index
      %swap3A_223 = tpu.vector_load %arg6[%swap3A_222] {strides = array<i32>} : memref<3328xi32, #tpu.memory_space<vmem>>, vector<16xi32>,
      tpu.vector_store %arg6[%swap3A_222], %add3A_221 {strides = array<i32>} : memref<3328xi32, #tpu.memory_space<vmem>>, vector<16xi32>,
      %add3A_224 = arith.constant 2914 : i32
      %add3A_225 = vector.broadcast %add3A_224 : i32 to vector<16xi32>
      %add3A_226 = arith.addi %mul3A_13, %add3A_225 : vector<16xi32>
      %gather3A_227 = tpu.vector_load_idx %arg5[%add3A_226] : memref<3328xi32, #tpu.memory_space<vmem>>[vector<16xi32>], vector<16xi32>,
      %add3A_228 = arith.constant 200000 : i32
      %add3A_229 = vector.broadcast %add3A_228 : i32 to vector<16xi32>
      %add3A_230 = arith.addi %gather3A_227, %add3A_229 : vector<16xi32>
      %swap3A_231 = arith.constant 368 : index
      %swap3A_232 = tpu.vector_load %arg6[%swap3A_231] {strides = array<i32>} : memref<3328xi32, #tpu.memory_space<vmem>>, vector<16xi32>,
      tpu.vector_store %arg6[%swap3A_231], %add3A_230 {strides = array<i32>} : memref<3328xi32, #tpu.memory_space<vmem>>, vector<16xi32>,
      %add3A_233 = arith.constant 3 : i32
      %add3A_234 = vector.broadcast %add3A_233 : i32 to vector<16xi32>
      %add3A_235 = arith.addi %mul3A_13, %add3A_234 : vector<16xi32>
      %gather3A_236 = tpu.vector_load_idx %arg5[%add3A_235] : memref<3328xi32, #tpu.memory_space<vmem>>[vector<16xi32>], vector<16xi32>,
      %add3A_237 = arith.constant 300000 : i32
      %add3A_238 = vector.broadcast %add3A_237 : i32 to vector<16xi32>
      %add3A_239 = arith.addi %gather3A_236, %add3A_238 : vector<16xi32>
      %swap3A_240 = arith.constant 384 : index
      %swap3A_241 = tpu.vector_load %arg6[%swap3A_240] {strides = array<i32>} : memref<3328xi32, #tpu.memory_space<vmem>>, vector<16xi32>,
      tpu.vector_store %arg6[%swap3A_240], %add3A_239 {strides = array<i32>} : memref<3328xi32, #tpu.memory_space<vmem>>, vector<16xi32>,
      %add3A_242 = arith.constant 419 : i32
      %add3A_243 = vector.broadcast %add3A_242 : i32 to vector<16xi32>
      %add3A_244 = arith.addi %mul3A_13, %add3A_243 : vector<16xi32>
      %gather3A_245 = tpu.vector_load_idx %arg5[%add3A_244] : memref<3328xi32, #tpu.memory_space<vmem>>[vector<16xi32>], vector<16xi32>,
      %add3A_246 = arith.constant 300000 : i32
      %add3A_247 = vector.broadcast %add3A_246 : i32 to vector<16xi32>
      %add3A_248 = arith.addi %gather3A_245, %add3A_247 : vector<16xi32>
      %swap3A_249 = arith.constant 400 : index
      %swap3A_250 = tpu.vector_load %arg6[%swap3A_249] {strides = array<i32>} : memref<3328xi32, #tpu.memory_space<vmem>>, vector<16xi32>,
      tpu.vector_store %arg6[%swap3A_249], %add3A_248 {strides = array<i32>} : memref<3328xi32, #tpu.memory_space<vmem>>, vector<16xi32>,
      %add3A_251 = arith.constant 835 : i32
      %add3A_252 = vector.broadcast %add3A_251 : i32 to vector<16xi32>
      %add3A_253 = arith.addi %mul3A_13, %add3A_252 : vector<16xi32>
      %gather3A_254 = tpu.vector_load_idx %arg5[%add3A_253] : memref<3328xi32, #tpu.memory_space<vmem>>[vector<16xi32>], vector<16xi32>,
      %add3A_255 = arith.constant 300000 : i32
      %add3A_256 = vector.broadcast %add3A_255 : i32 to vector<16xi32>
      %add3A_257 = arith.addi %gather3A_254, %add3A_256 : vector<16xi32>
      %swap3A_258 = arith.constant 416 : index
      %swap3A_259 = tpu.vector_load %arg6[%swap3A_258] {strides = array<i32>} : memref<3328xi32, #tpu.memory_space<vmem>>, vector<16xi32>,
      tpu.vector_store %arg6[%swap3A_258], %add3A_257 {strides = array<i32>} : memref<3328xi32, #tpu.memory_space<vmem>>, vector<16xi32>,
      %add3A_260 = arith.constant 1251 : i32
      %add3A_261 = vector.broadcast %add3A_260 : i32 to vector<16xi32>
      %add3A_262 = arith.addi %mul3A_13, %add3A_261 : vector<16xi32>
      %gather3A_263 = tpu.vector_load_idx %arg5[%add3A_262] : memref<3328xi32, #tpu.memory_space<vmem>>[vector<16xi32>], vector<16xi32>,
      %add3A_264 = arith.constant 300000 : i32
      %add3A_265 = vector.broadcast %add3A_264 : i32 to vector<16xi32>
      %add3A_266 = arith.addi %gather3A_263, %add3A_265 : vector<16xi32>
      %swap3A_267 = arith.constant 432 : index
      %swap3A_268 = tpu.vector_load %arg6[%swap3A_267] {strides = array<i32>} : memref<3328xi32, #tpu.memory_space<vmem>>, vector<16xi32>,
      tpu.vector_store %arg6[%swap3A_267], %add3A_266 {strides = array<i32>} : memref<3328xi32, #tpu.memory_space<vmem>>, vector<16xi32>,
      %add3A_269 = arith.constant 1667 : i32
      %add3A_270 = vector.broadcast %add3A_269 : i32 to vector<16xi32>
      %add3A_271 = arith.addi %mul3A_13, %add3A_270 : vector<16xi32>
      %gather3A_272 = tpu.vector_load_idx %arg5[%add3A_271] : memref<3328xi32, #tpu.memory_space<vmem>>[vector<16xi32>], vector<16xi32>,
      %add3A_273 = arith.constant 300000 : i32
      %add3A_274 = vector.broadcast %add3A_273 : i32 to vector<16xi32>
      %add3A_275 = arith.addi %gather3A_272, %add3A_274 : vector<16xi32>
      %swap3A_276 = arith.constant 448 : index
      %swap3A_277 = tpu.vector_load %arg6[%swap3A_276] {strides = array<i32>} : memref<3328xi32, #tpu.memory_space<vmem>>, vector<16xi32>,
      tpu.vector_store %arg6[%swap3A_276], %add3A_275 {strides = array<i32>} : memref<3328xi32, #tpu.memory_space<vmem>>, vector<16xi32>,
      %add3A_278 = arith.constant 2083 : i32
      %add3A_279 = vector.broadcast %add3A_278 : i32 to vector<16xi32>
      %add3A_280 = arith.addi %mul3A_13, %add3A_279 : vector<16xi32>
      %gather3A_281 = tpu.vector_load_idx %arg5[%add3A_280] : memref<3328xi32, #tpu.memory_space<vmem>>[vector<16xi32>], vector<16xi32>,
      %add3A_282 = arith.constant 300000 : i32
      %add3A_283 = vector.broadcast %add3A_282 : i32 to vector<16xi32>
      %add3A_284 = arith.addi %gather3A_281, %add3A_283 : vector<16xi32>
      %swap3A_285 = arith.constant 464 : index
      %swap3A_286 = tpu.vector_load %arg6[%swap3A_285] {strides = array<i32>} : memref<3328xi32, #tpu.memory_space<vmem>>, vector<16xi32>,
      tpu.vector_store %arg6[%swap3A_285], %add3A_284 {strides = array<i32>} : memref<3328xi32, #tpu.memory_space<vmem>>, vector<16xi32>,
      %add3A_287 = arith.constant 2499 : i32
      %add3A_288 = vector.broadcast %add3A_287 : i32 to vector<16xi32>
      %add3A_289 = arith.addi %mul3A_13, %add3A_288 : vector<16xi32>
      %gather3A_290 = tpu.vector_load_idx %arg5[%add3A_289] : memref<3328xi32, #tpu.memory_space<vmem>>[vector<16xi32>], vector<16xi32>,
      %add3A_291 = arith.constant 300000 : i32
      %add3A_292 = vector.broadcast %add3A_291 : i32 to vector<16xi32>
      %add3A_293 = arith.addi %gather3A_290, %add3A_292 : vector<16xi32>
      %swap3A_294 = arith.constant 480 : index
      %swap3A_295 = tpu.vector_load %arg6[%swap3A_294] {strides = array<i32>} : memref<3328xi32, #tpu.memory_space<vmem>>, vector<16xi32>,
      tpu.vector_store %arg6[%swap3A_294], %add3A_293 {strides = array<i32>} : memref<3328xi32, #tpu.memory_space<vmem>>, vector<16xi32>,
      %add3A_296 = arith.constant 2915 : i32
      %add3A_297 = vector.broadcast %add3A_296 : i32 to vector<16xi32>
      %add3A_298 = arith.addi %mul3A_13, %add3A_297 : vector<16xi32>
      %gather3A_299 = tpu.vector_load_idx %arg5[%add3A_298] : memref<3328xi32, #tpu.memory_space<vmem>>[vector<16xi32>], vector<16xi32>,
      %add3A_300 = arith.constant 300000 : i32
      %add3A_301 = vector.broadcast %add3A_300 : i32 to vector<16xi32>
      %add3A_302 = arith.addi %gather3A_299, %add3A_301 : vector<16xi32>
      %swap3A_303 = arith.constant 496 : index
      %swap3A_304 = tpu.vector_load %arg6[%swap3A_303] {strides = array<i32>} : memref<3328xi32, #tpu.memory_space<vmem>>, vector<16xi32>,
      tpu.vector_store %arg6[%swap3A_303], %add3A_302 {strides = array<i32>} : memref<3328xi32, #tpu.memory_space<vmem>>, vector<16xi32>,
      %add3A_305 = arith.constant 4 : i32
      %add3A_306 = vector.broadcast %add3A_305 : i32 to vector<16xi32>
      %add3A_307 = arith.addi %mul3A_13, %add3A_306 : vector<16xi32>
      %gather3A_308 = tpu.vector_load_idx %arg5[%add3A_307] : memref<3328xi32, #tpu.memory_space<vmem>>[vector<16xi32>], vector<16xi32>,
      %add3A_309 = arith.constant 400000 : i32
      %add3A_310 = vector.broadcast %add3A_309 : i32 to vector<16xi32>
      %add3A_311 = arith.addi %gather3A_308, %add3A_310 : vector<16xi32>
      %swap3A_312 = arith.constant 512 : index
      %swap3A_313 = tpu.vector_load %arg6[%swap3A_312] {strides = array<i32>} : memref<3328xi32, #tpu.memory_space<vmem>>, vector<16xi32>,
      tpu.vector_store %arg6[%swap3A_312], %add3A_311 {strides = array<i32>} : memref<3328xi32, #tpu.memory_space<vmem>>, vector<16xi32>,
      %add3A_314 = arith.constant 420 : i32
      %add3A_315 = vector.broadcast %add3A_314 : i32 to vector<16xi32>
      %add3A_316 = arith.addi %mul3A_13, %add3A_315 : vector<16xi32>
      %gather3A_317 = tpu.vector_load_idx %arg5[%add3A_316] : memref<3328xi32, #tpu.memory_space<vmem>>[vector<16xi32>], vector<16xi32>,
      %add3A_318 = arith.constant 400000 : i32
      %add3A_319 = vector.broadcast %add3A_318 : i32 to vector<16xi32>
      %add3A_320 = arith.addi %gather3A_317, %add3A_319 : vector<16xi32>
      %swap3A_321 = arith.constant 528 : index
      %swap3A_322 = tpu.vector_load %arg6[%swap3A_321] {strides = array<i32>} : memref<3328xi32, #tpu.memory_space<vmem>>, vector<16xi32>,
      tpu.vector_store %arg6[%swap3A_321], %add3A_320 {strides = array<i32>} : memref<3328xi32, #tpu.memory_space<vmem>>, vector<16xi32>,
      %add3A_323 = arith.constant 836 : i32
      %add3A_324 = vector.broadcast %add3A_323 : i32 to vector<16xi32>
      %add3A_325 = arith.addi %mul3A_13, %add3A_324 : vector<16xi32>
      %gather3A_326 = tpu.vector_load_idx %arg5[%add3A_325] : memref<3328xi32, #tpu.memory_space<vmem>>[vector<16xi32>], vector<16xi32>,
      %add3A_327 = arith.constant 400000 : i32
      %add3A_328 = vector.broadcast %add3A_327 : i32 to vector<16xi32>
      %add3A_329 = arith.addi %gather3A_326, %add3A_328 : vector<16xi32>
      %swap3A_330 = arith.constant 544 : index
      %swap3A_331 = tpu.vector_load %arg6[%swap3A_330] {strides = array<i32>} : memref<3328xi32, #tpu.memory_space<vmem>>, vector<16xi32>,
      tpu.vector_store %arg6[%swap3A_330], %add3A_329 {strides = array<i32>} : memref<3328xi32, #tpu.memory_space<vmem>>, vector<16xi32>,
      %add3A_332 = arith.constant 1252 : i32
      %add3A_333 = vector.broadcast %add3A_332 : i32 to vector<16xi32>
      %add3A_334 = arith.addi %mul3A_13, %add3A_333 : vector<16xi32>
      %gather3A_335 = tpu.vector_load_idx %arg5[%add3A_334] : memref<3328xi32, #tpu.memory_space<vmem>>[vector<16xi32>], vector<16xi32>,
      %add3A_336 = arith.constant 400000 : i32
      %add3A_337 = vector.broadcast %add3A_336 : i32 to vector<16xi32>
      %add3A_338 = arith.addi %gather3A_335, %add3A_337 : vector<16xi32>
      %swap3A_339 = arith.constant 560 : index
      %swap3A_340 = tpu.vector_load %arg6[%swap3A_339] {strides = array<i32>} : memref<3328xi32, #tpu.memory_space<vmem>>, vector<16xi32>,
      tpu.vector_store %arg6[%swap3A_339], %add3A_338 {strides = array<i32>} : memref<3328xi32, #tpu.memory_space<vmem>>, vector<16xi32>,
      %add3A_341 = arith.constant 1668 : i32
      %add3A_342 = vector.broadcast %add3A_341 : i32 to vector<16xi32>
      %add3A_343 = arith.addi %mul3A_13, %add3A_342 : vector<16xi32>
      %gather3A_344 = tpu.vector_load_idx %arg5[%add3A_343] : memref<3328xi32, #tpu.memory_space<vmem>>[vector<16xi32>], vector<16xi32>,
      %add3A_345 = arith.constant 400000 : i32
      %add3A_346 = vector.broadcast %add3A_345 : i32 to vector<16xi32>
      %add3A_347 = arith.addi %gather3A_344, %add3A_346 : vector<16xi32>
      %swap3A_348 = arith.constant 576 : index
      %swap3A_349 = tpu.vector_load %arg6[%swap3A_348] {strides = array<i32>} : memref<3328xi32, #tpu.memory_space<vmem>>, vector<16xi32>,
      tpu.vector_store %arg6[%swap3A_348], %add3A_347 {strides = array<i32>} : memref<3328xi32, #tpu.memory_space<vmem>>, vector<16xi32>,
      %add3A_350 = arith.constant 2084 : i32
      %add3A_351 = vector.broadcast %add3A_350 : i32 to vector<16xi32>
      %add3A_352 = arith.addi %mul3A_13, %add3A_351 : vector<16xi32>
      %gather3A_353 = tpu.vector_load_idx %arg5[%add3A_352] : memref<3328xi32, #tpu.memory_space<vmem>>[vector<16xi32>], vector<16xi32>,
      %add3A_354 = arith.constant 400000 : i32
      %add3A_355 = vector.broadcast %add3A_354 : i32 to vector<16xi32>
      %add3A_356 = arith.addi %gather3A_353, %add3A_355 : vector<16xi32>
      %swap3A_357 = arith.constant 592 : index
      %swap3A_358 = tpu.vector_load %arg6[%swap3A_357] {strides = array<i32>} : memref<3328xi32, #tpu.memory_space<vmem>>, vector<16xi32>,
      tpu.vector_store %arg6[%swap3A_357], %add3A_356 {strides = array<i32>} : memref<3328xi32, #tpu.memory_space<vmem>>, vector<16xi32>,
      %add3A_359 = arith.constant 2500 : i32
      %add3A_360 = vector.broadcast %add3A_359 : i32 to vector<16xi32>
      %add3A_361 = arith.addi %mul3A_13, %add3A_360 : vector<16xi32>
      %gather3A_362 = tpu.vector_load_idx %arg5[%add3A_361] : memref<3328xi32, #tpu.memory_space<vmem>>[vector<16xi32>], vector<16xi32>,
      %add3A_363 = arith.constant 400000 : i32
      %add3A_364 = vector.broadcast %add3A_363 : i32 to vector<16xi32>
      %add3A_365 = arith.addi %gather3A_362, %add3A_364 : vector<16xi32>
      %swap3A_366 = arith.constant 608 : index
      %swap3A_367 = tpu.vector_load %arg6[%swap3A_366] {strides = array<i32>} : memref<3328xi32, #tpu.memory_space<vmem>>, vector<16xi32>,
      tpu.vector_store %arg6[%swap3A_366], %add3A_365 {strides = array<i32>} : memref<3328xi32, #tpu.memory_space<vmem>>, vector<16xi32>,
      %add3A_368 = arith.constant 2916 : i32
      %add3A_369 = vector.broadcast %add3A_368 : i32 to vector<16xi32>
      %add3A_370 = arith.addi %mul3A_13, %add3A_369 : vector<16xi32>
      %gather3A_371 = tpu.vector_load_idx %arg5[%add3A_370] : memref<3328xi32, #tpu.memory_space<vmem>>[vector<16xi32>], vector<16xi32>,
      %add3A_372 = arith.constant 400000 : i32
      %add3A_373 = vector.broadcast %add3A_372 : i32 to vector<16xi32>
      %add3A_374 = arith.addi %gather3A_371, %add3A_373 : vector<16xi32>
      %swap3A_375 = arith.constant 624 : index
      %swap3A_376 = tpu.vector_load %arg6[%swap3A_375] {strides = array<i32>} : memref<3328xi32, #tpu.memory_space<vmem>>, vector<16xi32>,
      tpu.vector_store %arg6[%swap3A_375], %add3A_374 {strides = array<i32>} : memref<3328xi32, #tpu.memory_space<vmem>>, vector<16xi32>,
      %add3A_377 = arith.constant 5 : i32
      %add3A_378 = vector.broadcast %add3A_377 : i32 to vector<16xi32>
      %add3A_379 = arith.addi %mul3A_13, %add3A_378 : vector<16xi32>
      %gather3A_380 = tpu.vector_load_idx %arg5[%add3A_379] : memref<3328xi32, #tpu.memory_space<vmem>>[vector<16xi32>], vector<16xi32>,
      %add3A_381 = arith.constant 500000 : i32
      %add3A_382 = vector.broadcast %add3A_381 : i32 to vector<16xi32>
      %add3A_383 = arith.addi %gather3A_380, %add3A_382 : vector<16xi32>
      %swap3A_384 = arith.constant 640 : index
      %swap3A_385 = tpu.vector_load %arg6[%swap3A_384] {strides = array<i32>} : memref<3328xi32, #tpu.memory_space<vmem>>, vector<16xi32>,
      tpu.vector_store %arg6[%swap3A_384], %add3A_383 {strides = array<i32>} : memref<3328xi32, #tpu.memory_space<vmem>>, vector<16xi32>,
      %add3A_386 = arith.constant 421 : i32
      %add3A_387 = vector.broadcast %add3A_386 : i32 to vector<16xi32>
      %add3A_388 = arith.addi %mul3A_13, %add3A_387 : vector<16xi32>
      %gather3A_389 = tpu.vector_load_idx %arg5[%add3A_388] : memref<3328xi32, #tpu.memory_space<vmem>>[vector<16xi32>], vector<16xi32>,
      %add3A_390 = arith.constant 500000 : i32
      %add3A_391 = vector.broadcast %add3A_390 : i32 to vector<16xi32>
      %add3A_392 = arith.addi %gather3A_389, %add3A_391 : vector<16xi32>
      %swap3A_393 = arith.constant 656 : index
      %swap3A_394 = tpu.vector_load %arg6[%swap3A_393] {strides = array<i32>} : memref<3328xi32, #tpu.memory_space<vmem>>, vector<16xi32>,
      tpu.vector_store %arg6[%swap3A_393], %add3A_392 {strides = array<i32>} : memref<3328xi32, #tpu.memory_space<vmem>>, vector<16xi32>,
      %add3A_395 = arith.constant 837 : i32
      %add3A_396 = vector.broadcast %add3A_395 : i32 to vector<16xi32>
      %add3A_397 = arith.addi %mul3A_13, %add3A_396 : vector<16xi32>
      %gather3A_398 = tpu.vector_load_idx %arg5[%add3A_397] : memref<3328xi32, #tpu.memory_space<vmem>>[vector<16xi32>], vector<16xi32>,
      %add3A_399 = arith.constant 500000 : i32
      %add3A_400 = vector.broadcast %add3A_399 : i32 to vector<16xi32>
      %add3A_401 = arith.addi %gather3A_398, %add3A_400 : vector<16xi32>
      %swap3A_402 = arith.constant 672 : index
      %swap3A_403 = tpu.vector_load %arg6[%swap3A_402] {strides = array<i32>} : memref<3328xi32, #tpu.memory_space<vmem>>, vector<16xi32>,
      tpu.vector_store %arg6[%swap3A_402], %add3A_401 {strides = array<i32>} : memref<3328xi32, #tpu.memory_space<vmem>>, vector<16xi32>,
      %add3A_404 = arith.constant 1253 : i32
      %add3A_405 = vector.broadcast %add3A_404 : i32 to vector<16xi32>
      %add3A_406 = arith.addi %mul3A_13, %add3A_405 : vector<16xi32>
      %gather3A_407 = tpu.vector_load_idx %arg5[%add3A_406] : memref<3328xi32, #tpu.memory_space<vmem>>[vector<16xi32>], vector<16xi32>,
      %add3A_408 = arith.constant 500000 : i32
      %add3A_409 = vector.broadcast %add3A_408 : i32 to vector<16xi32>
      %add3A_410 = arith.addi %gather3A_407, %add3A_409 : vector<16xi32>
      %swap3A_411 = arith.constant 688 : index
      %swap3A_412 = tpu.vector_load %arg6[%swap3A_411] {strides = array<i32>} : memref<3328xi32, #tpu.memory_space<vmem>>, vector<16xi32>,
      tpu.vector_store %arg6[%swap3A_411], %add3A_410 {strides = array<i32>} : memref<3328xi32, #tpu.memory_space<vmem>>, vector<16xi32>,
      %add3A_413 = arith.constant 1669 : i32
      %add3A_414 = vector.broadcast %add3A_413 : i32 to vector<16xi32>
      %add3A_415 = arith.addi %mul3A_13, %add3A_414 : vector<16xi32>
      %gather3A_416 = tpu.vector_load_idx %arg5[%add3A_415] : memref<3328xi32, #tpu.memory_space<vmem>>[vector<16xi32>], vector<16xi32>,
      %add3A_417 = arith.constant 500000 : i32
      %add3A_418 = vector.broadcast %add3A_417 : i32 to vector<16xi32>
      %add3A_419 = arith.addi %gather3A_416, %add3A_418 : vector<16xi32>
      %swap3A_420 = arith.constant 704 : index
      %swap3A_421 = tpu.vector_load %arg6[%swap3A_420] {strides = array<i32>} : memref<3328xi32, #tpu.memory_space<vmem>>, vector<16xi32>,
      tpu.vector_store %arg6[%swap3A_420], %add3A_419 {strides = array<i32>} : memref<3328xi32, #tpu.memory_space<vmem>>, vector<16xi32>,
      %add3A_422 = arith.constant 2085 : i32
      %add3A_423 = vector.broadcast %add3A_422 : i32 to vector<16xi32>
      %add3A_424 = arith.addi %mul3A_13, %add3A_423 : vector<16xi32>
      %gather3A_425 = tpu.vector_load_idx %arg5[%add3A_424] : memref<3328xi32, #tpu.memory_space<vmem>>[vector<16xi32>], vector<16xi32>,
      %add3A_426 = arith.constant 500000 : i32
      %add3A_427 = vector.broadcast %add3A_426 : i32 to vector<16xi32>
      %add3A_428 = arith.addi %gather3A_425, %add3A_427 : vector<16xi32>
      %swap3A_429 = arith.constant 720 : index
      %swap3A_430 = tpu.vector_load %arg6[%swap3A_429] {strides = array<i32>} : memref<3328xi32, #tpu.memory_space<vmem>>, vector<16xi32>,
      tpu.vector_store %arg6[%swap3A_429], %add3A_428 {strides = array<i32>} : memref<3328xi32, #tpu.memory_space<vmem>>, vector<16xi32>,
      %add3A_431 = arith.constant 2501 : i32
      %add3A_432 = vector.broadcast %add3A_431 : i32 to vector<16xi32>
      %add3A_433 = arith.addi %mul3A_13, %add3A_432 : vector<16xi32>
      %gather3A_434 = tpu.vector_load_idx %arg5[%add3A_433] : memref<3328xi32, #tpu.memory_space<vmem>>[vector<16xi32>], vector<16xi32>,
      %add3A_435 = arith.constant 500000 : i32
      %add3A_436 = vector.broadcast %add3A_435 : i32 to vector<16xi32>
      %add3A_437 = arith.addi %gather3A_434, %add3A_436 : vector<16xi32>
      %swap3A_438 = arith.constant 736 : index
      %swap3A_439 = tpu.vector_load %arg6[%swap3A_438] {strides = array<i32>} : memref<3328xi32, #tpu.memory_space<vmem>>, vector<16xi32>,
      tpu.vector_store %arg6[%swap3A_438], %add3A_437 {strides = array<i32>} : memref<3328xi32, #tpu.memory_space<vmem>>, vector<16xi32>,
      %add3A_440 = arith.constant 2917 : i32
      %add3A_441 = vector.broadcast %add3A_440 : i32 to vector<16xi32>
      %add3A_442 = arith.addi %mul3A_13, %add3A_441 : vector<16xi32>
      %gather3A_443 = tpu.vector_load_idx %arg5[%add3A_442] : memref<3328xi32, #tpu.memory_space<vmem>>[vector<16xi32>], vector<16xi32>,
      %add3A_444 = arith.constant 500000 : i32
      %add3A_445 = vector.broadcast %add3A_444 : i32 to vector<16xi32>
      %add3A_446 = arith.addi %gather3A_443, %add3A_445 : vector<16xi32>
      %swap3A_447 = arith.constant 752 : index
      %swap3A_448 = tpu.vector_load %arg6[%swap3A_447] {strides = array<i32>} : memref<3328xi32, #tpu.memory_space<vmem>>, vector<16xi32>,
      tpu.vector_store %arg6[%swap3A_447], %add3A_446 {strides = array<i32>} : memref<3328xi32, #tpu.memory_space<vmem>>, vector<16xi32>,
      %add3A_449 = arith.constant 6 : i32
      %add3A_450 = vector.broadcast %add3A_449 : i32 to vector<16xi32>
      %add3A_451 = arith.addi %mul3A_13, %add3A_450 : vector<16xi32>
      %gather3A_452 = tpu.vector_load_idx %arg5[%add3A_451] : memref<3328xi32, #tpu.memory_space<vmem>>[vector<16xi32>], vector<16xi32>,
      %add3A_453 = arith.constant 600000 : i32
      %add3A_454 = vector.broadcast %add3A_453 : i32 to vector<16xi32>
      %add3A_455 = arith.addi %gather3A_452, %add3A_454 : vector<16xi32>
      %swap3A_456 = arith.constant 768 : index
      %swap3A_457 = tpu.vector_load %arg6[%swap3A_456] {strides = array<i32>} : memref<3328xi32, #tpu.memory_space<vmem>>, vector<16xi32>,
      tpu.vector_store %arg6[%swap3A_456], %add3A_455 {strides = array<i32>} : memref<3328xi32, #tpu.memory_space<vmem>>, vector<16xi32>,
      %add3A_458 = arith.constant 422 : i32
      %add3A_459 = vector.broadcast %add3A_458 : i32 to vector<16xi32>
      %add3A_460 = arith.addi %mul3A_13, %add3A_459 : vector<16xi32>
      %gather3A_461 = tpu.vector_load_idx %arg5[%add3A_460] : memref<3328xi32, #tpu.memory_space<vmem>>[vector<16xi32>], vector<16xi32>,
      %add3A_462 = arith.constant 600000 : i32
      %add3A_463 = vector.broadcast %add3A_462 : i32 to vector<16xi32>
      %add3A_464 = arith.addi %gather3A_461, %add3A_463 : vector<16xi32>
      %swap3A_465 = arith.constant 784 : index
      %swap3A_466 = tpu.vector_load %arg6[%swap3A_465] {strides = array<i32>} : memref<3328xi32, #tpu.memory_space<vmem>>, vector<16xi32>,
      tpu.vector_store %arg6[%swap3A_465], %add3A_464 {strides = array<i32>} : memref<3328xi32, #tpu.memory_space<vmem>>, vector<16xi32>,
      %add3A_467 = arith.constant 838 : i32
      %add3A_468 = vector.broadcast %add3A_467 : i32 to vector<16xi32>
      %add3A_469 = arith.addi %mul3A_13, %add3A_468 : vector<16xi32>
      %gather3A_470 = tpu.vector_load_idx %arg5[%add3A_469] : memref<3328xi32, #tpu.memory_space<vmem>>[vector<16xi32>], vector<16xi32>,
      %add3A_471 = arith.constant 600000 : i32
      %add3A_472 = vector.broadcast %add3A_471 : i32 to vector<16xi32>
      %add3A_473 = arith.addi %gather3A_470, %add3A_472 : vector<16xi32>
      %swap3A_474 = arith.constant 800 : index
      %swap3A_475 = tpu.vector_load %arg6[%swap3A_474] {strides = array<i32>} : memref<3328xi32, #tpu.memory_space<vmem>>, vector<16xi32>,
      tpu.vector_store %arg6[%swap3A_474], %add3A_473 {strides = array<i32>} : memref<3328xi32, #tpu.memory_space<vmem>>, vector<16xi32>,
      %add3A_476 = arith.constant 1254 : i32
      %add3A_477 = vector.broadcast %add3A_476 : i32 to vector<16xi32>
      %add3A_478 = arith.addi %mul3A_13, %add3A_477 : vector<16xi32>
      %gather3A_479 = tpu.vector_load_idx %arg5[%add3A_478] : memref<3328xi32, #tpu.memory_space<vmem>>[vector<16xi32>], vector<16xi32>,
      %add3A_480 = arith.constant 600000 : i32
      %add3A_481 = vector.broadcast %add3A_480 : i32 to vector<16xi32>
      %add3A_482 = arith.addi %gather3A_479, %add3A_481 : vector<16xi32>
      %swap3A_483 = arith.constant 816 : index
      %swap3A_484 = tpu.vector_load %arg6[%swap3A_483] {strides = array<i32>} : memref<3328xi32, #tpu.memory_space<vmem>>, vector<16xi32>,
      tpu.vector_store %arg6[%swap3A_483], %add3A_482 {strides = array<i32>} : memref<3328xi32, #tpu.memory_space<vmem>>, vector<16xi32>,
      %add3A_485 = arith.constant 1670 : i32
      %add3A_486 = vector.broadcast %add3A_485 : i32 to vector<16xi32>
      %add3A_487 = arith.addi %mul3A_13, %add3A_486 : vector<16xi32>
      %gather3A_488 = tpu.vector_load_idx %arg5[%add3A_487] : memref<3328xi32, #tpu.memory_space<vmem>>[vector<16xi32>], vector<16xi32>,
      %add3A_489 = arith.constant 600000 : i32
      %add3A_490 = vector.broadcast %add3A_489 : i32 to vector<16xi32>
      %add3A_491 = arith.addi %gather3A_488, %add3A_490 : vector<16xi32>
      %swap3A_492 = arith.constant 832 : index
      %swap3A_493 = tpu.vector_load %arg6[%swap3A_492] {strides = array<i32>} : memref<3328xi32, #tpu.memory_space<vmem>>, vector<16xi32>,
      tpu.vector_store %arg6[%swap3A_492], %add3A_491 {strides = array<i32>} : memref<3328xi32, #tpu.memory_space<vmem>>, vector<16xi32>,
      %add3A_494 = arith.constant 2086 : i32
      %add3A_495 = vector.broadcast %add3A_494 : i32 to vector<16xi32>
      %add3A_496 = arith.addi %mul3A_13, %add3A_495 : vector<16xi32>
      %gather3A_497 = tpu.vector_load_idx %arg5[%add3A_496] : memref<3328xi32, #tpu.memory_space<vmem>>[vector<16xi32>], vector<16xi32>,
      %add3A_498 = arith.constant 600000 : i32
      %add3A_499 = vector.broadcast %add3A_498 : i32 to vector<16xi32>
      %add3A_500 = arith.addi %gather3A_497, %add3A_499 : vector<16xi32>
      %swap3A_501 = arith.constant 848 : index
      %swap3A_502 = tpu.vector_load %arg6[%swap3A_501] {strides = array<i32>} : memref<3328xi32, #tpu.memory_space<vmem>>, vector<16xi32>,
      tpu.vector_store %arg6[%swap3A_501], %add3A_500 {strides = array<i32>} : memref<3328xi32, #tpu.memory_space<vmem>>, vector<16xi32>,
      %add3A_503 = arith.constant 2502 : i32
      %add3A_504 = vector.broadcast %add3A_503 : i32 to vector<16xi32>
      %add3A_505 = arith.addi %mul3A_13, %add3A_504 : vector<16xi32>
      %gather3A_506 = tpu.vector_load_idx %arg5[%add3A_505] : memref<3328xi32, #tpu.memory_space<vmem>>[vector<16xi32>], vector<16xi32>,
      %add3A_507 = arith.constant 600000 : i32
      %add3A_508 = vector.broadcast %add3A_507 : i32 to vector<16xi32>
      %add3A_509 = arith.addi %gather3A_506, %add3A_508 : vector<16xi32>
      %swap3A_510 = arith.constant 864 : index
      %swap3A_511 = tpu.vector_load %arg6[%swap3A_510] {strides = array<i32>} : memref<3328xi32, #tpu.memory_space<vmem>>, vector<16xi32>,
      tpu.vector_store %arg6[%swap3A_510], %add3A_509 {strides = array<i32>} : memref<3328xi32, #tpu.memory_space<vmem>>, vector<16xi32>,
      %add3A_512 = arith.constant 2918 : i32
      %add3A_513 = vector.broadcast %add3A_512 : i32 to vector<16xi32>
      %add3A_514 = arith.addi %mul3A_13, %add3A_513 : vector<16xi32>
      %gather3A_515 = tpu.vector_load_idx %arg5[%add3A_514] : memref<3328xi32, #tpu.memory_space<vmem>>[vector<16xi32>], vector<16xi32>,
      %add3A_516 = arith.constant 600000 : i32
      %add3A_517 = vector.broadcast %add3A_516 : i32 to vector<16xi32>
      %add3A_518 = arith.addi %gather3A_515, %add3A_517 : vector<16xi32>
      %swap3A_519 = arith.constant 880 : index
      %swap3A_520 = tpu.vector_load %arg6[%swap3A_519] {strides = array<i32>} : memref<3328xi32, #tpu.memory_space<vmem>>, vector<16xi32>,
      tpu.vector_store %arg6[%swap3A_519], %add3A_518 {strides = array<i32>} : memref<3328xi32, #tpu.memory_space<vmem>>, vector<16xi32>,
      %add3A_521 = arith.constant 7 : i32
      %add3A_522 = vector.broadcast %add3A_521 : i32 to vector<16xi32>
      %add3A_523 = arith.addi %mul3A_13, %add3A_522 : vector<16xi32>
      %gather3A_524 = tpu.vector_load_idx %arg5[%add3A_523] : memref<3328xi32, #tpu.memory_space<vmem>>[vector<16xi32>], vector<16xi32>,
      %add3A_525 = arith.constant 700000 : i32
      %add3A_526 = vector.broadcast %add3A_525 : i32 to vector<16xi32>
      %add3A_527 = arith.addi %gather3A_524, %add3A_526 : vector<16xi32>
      %swap3A_528 = arith.constant 896 : index
      %swap3A_529 = tpu.vector_load %arg6[%swap3A_528] {strides = array<i32>} : memref<3328xi32, #tpu.memory_space<vmem>>, vector<16xi32>,
      tpu.vector_store %arg6[%swap3A_528], %add3A_527 {strides = array<i32>} : memref<3328xi32, #tpu.memory_space<vmem>>, vector<16xi32>,
      %add3A_530 = arith.constant 423 : i32
      %add3A_531 = vector.broadcast %add3A_530 : i32 to vector<16xi32>
      %add3A_532 = arith.addi %mul3A_13, %add3A_531 : vector<16xi32>
      %gather3A_533 = tpu.vector_load_idx %arg5[%add3A_532] : memref<3328xi32, #tpu.memory_space<vmem>>[vector<16xi32>], vector<16xi32>,
      %add3A_534 = arith.constant 700000 : i32
      %add3A_535 = vector.broadcast %add3A_534 : i32 to vector<16xi32>
      %add3A_536 = arith.addi %gather3A_533, %add3A_535 : vector<16xi32>
      %swap3A_537 = arith.constant 912 : index
      %swap3A_538 = tpu.vector_load %arg6[%swap3A_537] {strides = array<i32>} : memref<3328xi32, #tpu.memory_space<vmem>>, vector<16xi32>,
      tpu.vector_store %arg6[%swap3A_537], %add3A_536 {strides = array<i32>} : memref<3328xi32, #tpu.memory_space<vmem>>, vector<16xi32>,
      %add3A_539 = arith.constant 839 : i32
      %add3A_540 = vector.broadcast %add3A_539 : i32 to vector<16xi32>
      %add3A_541 = arith.addi %mul3A_13, %add3A_540 : vector<16xi32>
      %gather3A_542 = tpu.vector_load_idx %arg5[%add3A_541] : memref<3328xi32, #tpu.memory_space<vmem>>[vector<16xi32>], vector<16xi32>,
      %add3A_543 = arith.constant 700000 : i32
      %add3A_544 = vector.broadcast %add3A_543 : i32 to vector<16xi32>
      %add3A_545 = arith.addi %gather3A_542, %add3A_544 : vector<16xi32>
      %swap3A_546 = arith.constant 928 : index
      %swap3A_547 = tpu.vector_load %arg6[%swap3A_546] {strides = array<i32>} : memref<3328xi32, #tpu.memory_space<vmem>>, vector<16xi32>,
      tpu.vector_store %arg6[%swap3A_546], %add3A_545 {strides = array<i32>} : memref<3328xi32, #tpu.memory_space<vmem>>, vector<16xi32>,
      %add3A_548 = arith.constant 1255 : i32
      %add3A_549 = vector.broadcast %add3A_548 : i32 to vector<16xi32>
      %add3A_550 = arith.addi %mul3A_13, %add3A_549 : vector<16xi32>
      %gather3A_551 = tpu.vector_load_idx %arg5[%add3A_550] : memref<3328xi32, #tpu.memory_space<vmem>>[vector<16xi32>], vector<16xi32>,
      %add3A_552 = arith.constant 700000 : i32
      %add3A_553 = vector.broadcast %add3A_552 : i32 to vector<16xi32>
      %add3A_554 = arith.addi %gather3A_551, %add3A_553 : vector<16xi32>
      %swap3A_555 = arith.constant 944 : index
      %swap3A_556 = tpu.vector_load %arg6[%swap3A_555] {strides = array<i32>} : memref<3328xi32, #tpu.memory_space<vmem>>, vector<16xi32>,
      tpu.vector_store %arg6[%swap3A_555], %add3A_554 {strides = array<i32>} : memref<3328xi32, #tpu.memory_space<vmem>>, vector<16xi32>,
      %add3A_557 = arith.constant 1671 : i32
      %add3A_558 = vector.broadcast %add3A_557 : i32 to vector<16xi32>
      %add3A_559 = arith.addi %mul3A_13, %add3A_558 : vector<16xi32>
      %gather3A_560 = tpu.vector_load_idx %arg5[%add3A_559] : memref<3328xi32, #tpu.memory_space<vmem>>[vector<16xi32>], vector<16xi32>,
      %add3A_561 = arith.constant 700000 : i32
      %add3A_562 = vector.broadcast %add3A_561 : i32 to vector<16xi32>
      %add3A_563 = arith.addi %gather3A_560, %add3A_562 : vector<16xi32>
      %swap3A_564 = arith.constant 960 : index
      %swap3A_565 = tpu.vector_load %arg6[%swap3A_564] {strides = array<i32>} : memref<3328xi32, #tpu.memory_space<vmem>>, vector<16xi32>,
      tpu.vector_store %arg6[%swap3A_564], %add3A_563 {strides = array<i32>} : memref<3328xi32, #tpu.memory_space<vmem>>, vector<16xi32>,
      %add3A_566 = arith.constant 2087 : i32
      %add3A_567 = vector.broadcast %add3A_566 : i32 to vector<16xi32>
      %add3A_568 = arith.addi %mul3A_13, %add3A_567 : vector<16xi32>
      %gather3A_569 = tpu.vector_load_idx %arg5[%add3A_568] : memref<3328xi32, #tpu.memory_space<vmem>>[vector<16xi32>], vector<16xi32>,
      %add3A_570 = arith.constant 700000 : i32
      %add3A_571 = vector.broadcast %add3A_570 : i32 to vector<16xi32>
      %add3A_572 = arith.addi %gather3A_569, %add3A_571 : vector<16xi32>
      %swap3A_573 = arith.constant 976 : index
      %swap3A_574 = tpu.vector_load %arg6[%swap3A_573] {strides = array<i32>} : memref<3328xi32, #tpu.memory_space<vmem>>, vector<16xi32>,
      tpu.vector_store %arg6[%swap3A_573], %add3A_572 {strides = array<i32>} : memref<3328xi32, #tpu.memory_space<vmem>>, vector<16xi32>,
      %add3A_575 = arith.constant 2503 : i32
      %add3A_576 = vector.broadcast %add3A_575 : i32 to vector<16xi32>
      %add3A_577 = arith.addi %mul3A_13, %add3A_576 : vector<16xi32>
      %gather3A_578 = tpu.vector_load_idx %arg5[%add3A_577] : memref<3328xi32, #tpu.memory_space<vmem>>[vector<16xi32>], vector<16xi32>,
      %add3A_579 = arith.constant 700000 : i32
      %add3A_580 = vector.broadcast %add3A_579 : i32 to vector<16xi32>
      %add3A_581 = arith.addi %gather3A_578, %add3A_580 : vector<16xi32>
      %swap3A_582 = arith.constant 992 : index
      %swap3A_583 = tpu.vector_load %arg6[%swap3A_582] {strides = array<i32>} : memref<3328xi32, #tpu.memory_space<vmem>>, vector<16xi32>,
      tpu.vector_store %arg6[%swap3A_582], %add3A_581 {strides = array<i32>} : memref<3328xi32, #tpu.memory_space<vmem>>, vector<16xi32>,
      %add3A_584 = arith.constant 2919 : i32
      %add3A_585 = vector.broadcast %add3A_584 : i32 to vector<16xi32>
      %add3A_586 = arith.addi %mul3A_13, %add3A_585 : vector<16xi32>
      %gather3A_587 = tpu.vector_load_idx %arg5[%add3A_586] : memref<3328xi32, #tpu.memory_space<vmem>>[vector<16xi32>], vector<16xi32>,
      %add3A_588 = arith.constant 700000 : i32
      %add3A_589 = vector.broadcast %add3A_588 : i32 to vector<16xi32>
      %add3A_590 = arith.addi %gather3A_587, %add3A_589 : vector<16xi32>
      %swap3A_591 = arith.constant 1008 : index
      %swap3A_592 = tpu.vector_load %arg6[%swap3A_591] {strides = array<i32>} : memref<3328xi32, #tpu.memory_space<vmem>>, vector<16xi32>,
      tpu.vector_store %arg6[%swap3A_591], %add3A_590 {strides = array<i32>} : memref<3328xi32, #tpu.memory_space<vmem>>, vector<16xi32>,
      %add3A_593 = arith.constant 8 : i32
      %add3A_594 = vector.broadcast %add3A_593 : i32 to vector<16xi32>
      %add3A_595 = arith.addi %mul3A_13, %add3A_594 : vector<16xi32>
      %gather3A_596 = tpu.vector_load_idx %arg5[%add3A_595] : memref<3328xi32, #tpu.memory_space<vmem>>[vector<16xi32>], vector<16xi32>,
      %add3A_597 = arith.constant 800000 : i32
      %add3A_598 = vector.broadcast %add3A_597 : i32 to vector<16xi32>
      %add3A_599 = arith.addi %gather3A_596, %add3A_598 : vector<16xi32>
      %swap3A_600 = arith.constant 1024 : index
      %swap3A_601 = tpu.vector_load %arg6[%swap3A_600] {strides = array<i32>} : memref<3328xi32, #tpu.memory_space<vmem>>, vector<16xi32>,
      tpu.vector_store %arg6[%swap3A_600], %add3A_599 {strides = array<i32>} : memref<3328xi32, #tpu.memory_space<vmem>>, vector<16xi32>,
      %add3A_602 = arith.constant 424 : i32
      %add3A_603 = vector.broadcast %add3A_602 : i32 to vector<16xi32>
      %add3A_604 = arith.addi %mul3A_13, %add3A_603 : vector<16xi32>
      %gather3A_605 = tpu.vector_load_idx %arg5[%add3A_604] : memref<3328xi32, #tpu.memory_space<vmem>>[vector<16xi32>], vector<16xi32>,
      %add3A_606 = arith.constant 800000 : i32
      %add3A_607 = vector.broadcast %add3A_606 : i32 to vector<16xi32>
      %add3A_608 = arith.addi %gather3A_605, %add3A_607 : vector<16xi32>
      %swap3A_609 = arith.constant 1040 : index
      %swap3A_610 = tpu.vector_load %arg6[%swap3A_609] {strides = array<i32>} : memref<3328xi32, #tpu.memory_space<vmem>>, vector<16xi32>,
      tpu.vector_store %arg6[%swap3A_609], %add3A_608 {strides = array<i32>} : memref<3328xi32, #tpu.memory_space<vmem>>, vector<16xi32>,
      %add3A_611 = arith.constant 840 : i32
      %add3A_612 = vector.broadcast %add3A_611 : i32 to vector<16xi32>
      %add3A_613 = arith.addi %mul3A_13, %add3A_612 : vector<16xi32>
      %gather3A_614 = tpu.vector_load_idx %arg5[%add3A_613] : memref<3328xi32, #tpu.memory_space<vmem>>[vector<16xi32>], vector<16xi32>,
      %add3A_615 = arith.constant 800000 : i32
      %add3A_616 = vector.broadcast %add3A_615 : i32 to vector<16xi32>
      %add3A_617 = arith.addi %gather3A_614, %add3A_616 : vector<16xi32>
      %swap3A_618 = arith.constant 1056 : index
      %swap3A_619 = tpu.vector_load %arg6[%swap3A_618] {strides = array<i32>} : memref<3328xi32, #tpu.memory_space<vmem>>, vector<16xi32>,
      tpu.vector_store %arg6[%swap3A_618], %add3A_617 {strides = array<i32>} : memref<3328xi32, #tpu.memory_space<vmem>>, vector<16xi32>,
      %add3A_620 = arith.constant 1256 : i32
      %add3A_621 = vector.broadcast %add3A_620 : i32 to vector<16xi32>
      %add3A_622 = arith.addi %mul3A_13, %add3A_621 : vector<16xi32>
      %gather3A_623 = tpu.vector_load_idx %arg5[%add3A_622] : memref<3328xi32, #tpu.memory_space<vmem>>[vector<16xi32>], vector<16xi32>,
      %add3A_624 = arith.constant 800000 : i32
      %add3A_625 = vector.broadcast %add3A_624 : i32 to vector<16xi32>
      %add3A_626 = arith.addi %gather3A_623, %add3A_625 : vector<16xi32>
      %swap3A_627 = arith.constant 1072 : index
      %swap3A_628 = tpu.vector_load %arg6[%swap3A_627] {strides = array<i32>} : memref<3328xi32, #tpu.memory_space<vmem>>, vector<16xi32>,
      tpu.vector_store %arg6[%swap3A_627], %add3A_626 {strides = array<i32>} : memref<3328xi32, #tpu.memory_space<vmem>>, vector<16xi32>,
      %add3A_629 = arith.constant 1672 : i32
      %add3A_630 = vector.broadcast %add3A_629 : i32 to vector<16xi32>
      %add3A_631 = arith.addi %mul3A_13, %add3A_630 : vector<16xi32>
      %gather3A_632 = tpu.vector_load_idx %arg5[%add3A_631] : memref<3328xi32, #tpu.memory_space<vmem>>[vector<16xi32>], vector<16xi32>,
      %add3A_633 = arith.constant 800000 : i32
      %add3A_634 = vector.broadcast %add3A_633 : i32 to vector<16xi32>
      %add3A_635 = arith.addi %gather3A_632, %add3A_634 : vector<16xi32>
      %swap3A_636 = arith.constant 1088 : index
      %swap3A_637 = tpu.vector_load %arg6[%swap3A_636] {strides = array<i32>} : memref<3328xi32, #tpu.memory_space<vmem>>, vector<16xi32>,
      tpu.vector_store %arg6[%swap3A_636], %add3A_635 {strides = array<i32>} : memref<3328xi32, #tpu.memory_space<vmem>>, vector<16xi32>,
      %add3A_638 = arith.constant 2088 : i32
      %add3A_639 = vector.broadcast %add3A_638 : i32 to vector<16xi32>
      %add3A_640 = arith.addi %mul3A_13, %add3A_639 : vector<16xi32>
      %gather3A_641 = tpu.vector_load_idx %arg5[%add3A_640] : memref<3328xi32, #tpu.memory_space<vmem>>[vector<16xi32>], vector<16xi32>,
      %add3A_642 = arith.constant 800000 : i32
      %add3A_643 = vector.broadcast %add3A_642 : i32 to vector<16xi32>
      %add3A_644 = arith.addi %gather3A_641, %add3A_643 : vector<16xi32>
      %swap3A_645 = arith.constant 1104 : index
      %swap3A_646 = tpu.vector_load %arg6[%swap3A_645] {strides = array<i32>} : memref<3328xi32, #tpu.memory_space<vmem>>, vector<16xi32>,
      tpu.vector_store %arg6[%swap3A_645], %add3A_644 {strides = array<i32>} : memref<3328xi32, #tpu.memory_space<vmem>>, vector<16xi32>,
      %add3A_647 = arith.constant 2504 : i32
      %add3A_648 = vector.broadcast %add3A_647 : i32 to vector<16xi32>
      %add3A_649 = arith.addi %mul3A_13, %add3A_648 : vector<16xi32>
      %gather3A_650 = tpu.vector_load_idx %arg5[%add3A_649] : memref<3328xi32, #tpu.memory_space<vmem>>[vector<16xi32>], vector<16xi32>,
      %add3A_651 = arith.constant 800000 : i32
      %add3A_652 = vector.broadcast %add3A_651 : i32 to vector<16xi32>
      %add3A_653 = arith.addi %gather3A_650, %add3A_652 : vector<16xi32>
      %swap3A_654 = arith.constant 1120 : index
      %swap3A_655 = tpu.vector_load %arg6[%swap3A_654] {strides = array<i32>} : memref<3328xi32, #tpu.memory_space<vmem>>, vector<16xi32>,
      tpu.vector_store %arg6[%swap3A_654], %add3A_653 {strides = array<i32>} : memref<3328xi32, #tpu.memory_space<vmem>>, vector<16xi32>,
      %add3A_656 = arith.constant 2920 : i32
      %add3A_657 = vector.broadcast %add3A_656 : i32 to vector<16xi32>
      %add3A_658 = arith.addi %mul3A_13, %add3A_657 : vector<16xi32>
      %gather3A_659 = tpu.vector_load_idx %arg5[%add3A_658] : memref<3328xi32, #tpu.memory_space<vmem>>[vector<16xi32>], vector<16xi32>,
      %add3A_660 = arith.constant 800000 : i32
      %add3A_661 = vector.broadcast %add3A_660 : i32 to vector<16xi32>
      %add3A_662 = arith.addi %gather3A_659, %add3A_661 : vector<16xi32>
      %swap3A_663 = arith.constant 1136 : index
      %swap3A_664 = tpu.vector_load %arg6[%swap3A_663] {strides = array<i32>} : memref<3328xi32, #tpu.memory_space<vmem>>, vector<16xi32>,
      tpu.vector_store %arg6[%swap3A_663], %add3A_662 {strides = array<i32>} : memref<3328xi32, #tpu.memory_space<vmem>>, vector<16xi32>,
      %add3A_665 = arith.constant 9 : i32
      %add3A_666 = vector.broadcast %add3A_665 : i32 to vector<16xi32>
      %add3A_667 = arith.addi %mul3A_13, %add3A_666 : vector<16xi32>
      %gather3A_668 = tpu.vector_load_idx %arg5[%add3A_667] : memref<3328xi32, #tpu.memory_space<vmem>>[vector<16xi32>], vector<16xi32>,
      %add3A_669 = arith.constant 900000 : i32
      %add3A_670 = vector.broadcast %add3A_669 : i32 to vector<16xi32>
      %add3A_671 = arith.addi %gather3A_668, %add3A_670 : vector<16xi32>
      %swap3A_672 = arith.constant 1152 : index
      %swap3A_673 = tpu.vector_load %arg6[%swap3A_672] {strides = array<i32>} : memref<3328xi32, #tpu.memory_space<vmem>>, vector<16xi32>,
      tpu.vector_store %arg6[%swap3A_672], %add3A_671 {strides = array<i32>} : memref<3328xi32, #tpu.memory_space<vmem>>, vector<16xi32>,
      %add3A_674 = arith.constant 425 : i32
      %add3A_675 = vector.broadcast %add3A_674 : i32 to vector<16xi32>
      %add3A_676 = arith.addi %mul3A_13, %add3A_675 : vector<16xi32>
      %gather3A_677 = tpu.vector_load_idx %arg5[%add3A_676] : memref<3328xi32, #tpu.memory_space<vmem>>[vector<16xi32>], vector<16xi32>,
      %add3A_678 = arith.constant 900000 : i32
      %add3A_679 = vector.broadcast %add3A_678 : i32 to vector<16xi32>
      %add3A_680 = arith.addi %gather3A_677, %add3A_679 : vector<16xi32>
      %swap3A_681 = arith.constant 1168 : index
      %swap3A_682 = tpu.vector_load %arg6[%swap3A_681] {strides = array<i32>} : memref<3328xi32, #tpu.memory_space<vmem>>, vector<16xi32>,
      tpu.vector_store %arg6[%swap3A_681], %add3A_680 {strides = array<i32>} : memref<3328xi32, #tpu.memory_space<vmem>>, vector<16xi32>,
      %add3A_683 = arith.constant 841 : i32
      %add3A_684 = vector.broadcast %add3A_683 : i32 to vector<16xi32>
      %add3A_685 = arith.addi %mul3A_13, %add3A_684 : vector<16xi32>
      %gather3A_686 = tpu.vector_load_idx %arg5[%add3A_685] : memref<3328xi32, #tpu.memory_space<vmem>>[vector<16xi32>], vector<16xi32>,
      %add3A_687 = arith.constant 900000 : i32
      %add3A_688 = vector.broadcast %add3A_687 : i32 to vector<16xi32>
      %add3A_689 = arith.addi %gather3A_686, %add3A_688 : vector<16xi32>
      %swap3A_690 = arith.constant 1184 : index
      %swap3A_691 = tpu.vector_load %arg6[%swap3A_690] {strides = array<i32>} : memref<3328xi32, #tpu.memory_space<vmem>>, vector<16xi32>,
      tpu.vector_store %arg6[%swap3A_690], %add3A_689 {strides = array<i32>} : memref<3328xi32, #tpu.memory_space<vmem>>, vector<16xi32>,
      %add3A_692 = arith.constant 1257 : i32
      %add3A_693 = vector.broadcast %add3A_692 : i32 to vector<16xi32>
      %add3A_694 = arith.addi %mul3A_13, %add3A_693 : vector<16xi32>
      %gather3A_695 = tpu.vector_load_idx %arg5[%add3A_694] : memref<3328xi32, #tpu.memory_space<vmem>>[vector<16xi32>], vector<16xi32>,
      %add3A_696 = arith.constant 900000 : i32
      %add3A_697 = vector.broadcast %add3A_696 : i32 to vector<16xi32>
      %add3A_698 = arith.addi %gather3A_695, %add3A_697 : vector<16xi32>
      %swap3A_699 = arith.constant 1200 : index
      %swap3A_700 = tpu.vector_load %arg6[%swap3A_699] {strides = array<i32>} : memref<3328xi32, #tpu.memory_space<vmem>>, vector<16xi32>,
      tpu.vector_store %arg6[%swap3A_699], %add3A_698 {strides = array<i32>} : memref<3328xi32, #tpu.memory_space<vmem>>, vector<16xi32>,
      %add3A_701 = arith.constant 1673 : i32
      %add3A_702 = vector.broadcast %add3A_701 : i32 to vector<16xi32>
      %add3A_703 = arith.addi %mul3A_13, %add3A_702 : vector<16xi32>
      %gather3A_704 = tpu.vector_load_idx %arg5[%add3A_703] : memref<3328xi32, #tpu.memory_space<vmem>>[vector<16xi32>], vector<16xi32>,
      %add3A_705 = arith.constant 900000 : i32
      %add3A_706 = vector.broadcast %add3A_705 : i32 to vector<16xi32>
      %add3A_707 = arith.addi %gather3A_704, %add3A_706 : vector<16xi32>
      %swap3A_708 = arith.constant 1216 : index
      %swap3A_709 = tpu.vector_load %arg6[%swap3A_708] {strides = array<i32>} : memref<3328xi32, #tpu.memory_space<vmem>>, vector<16xi32>,
      tpu.vector_store %arg6[%swap3A_708], %add3A_707 {strides = array<i32>} : memref<3328xi32, #tpu.memory_space<vmem>>, vector<16xi32>,
      %add3A_710 = arith.constant 2089 : i32
      %add3A_711 = vector.broadcast %add3A_710 : i32 to vector<16xi32>
      %add3A_712 = arith.addi %mul3A_13, %add3A_711 : vector<16xi32>
      %gather3A_713 = tpu.vector_load_idx %arg5[%add3A_712] : memref<3328xi32, #tpu.memory_space<vmem>>[vector<16xi32>], vector<16xi32>,
      %add3A_714 = arith.constant 900000 : i32
      %add3A_715 = vector.broadcast %add3A_714 : i32 to vector<16xi32>
      %add3A_716 = arith.addi %gather3A_713, %add3A_715 : vector<16xi32>
      %swap3A_717 = arith.constant 1232 : index
      %swap3A_718 = tpu.vector_load %arg6[%swap3A_717] {strides = array<i32>} : memref<3328xi32, #tpu.memory_space<vmem>>, vector<16xi32>,
      tpu.vector_store %arg6[%swap3A_717], %add3A_716 {strides = array<i32>} : memref<3328xi32, #tpu.memory_space<vmem>>, vector<16xi32>,
      %add3A_719 = arith.constant 2505 : i32
      %add3A_720 = vector.broadcast %add3A_719 : i32 to vector<16xi32>
      %add3A_721 = arith.addi %mul3A_13, %add3A_720 : vector<16xi32>
      %gather3A_722 = tpu.vector_load_idx %arg5[%add3A_721] : memref<3328xi32, #tpu.memory_space<vmem>>[vector<16xi32>], vector<16xi32>,
      %add3A_723 = arith.constant 900000 : i32
      %add3A_724 = vector.broadcast %add3A_723 : i32 to vector<16xi32>
      %add3A_725 = arith.addi %gather3A_722, %add3A_724 : vector<16xi32>
      %swap3A_726 = arith.constant 1248 : index
      %swap3A_727 = tpu.vector_load %arg6[%swap3A_726] {strides = array<i32>} : memref<3328xi32, #tpu.memory_space<vmem>>, vector<16xi32>,
      tpu.vector_store %arg6[%swap3A_726], %add3A_725 {strides = array<i32>} : memref<3328xi32, #tpu.memory_space<vmem>>, vector<16xi32>,
      %add3A_728 = arith.constant 2921 : i32
      %add3A_729 = vector.broadcast %add3A_728 : i32 to vector<16xi32>
      %add3A_730 = arith.addi %mul3A_13, %add3A_729 : vector<16xi32>
      %gather3A_731 = tpu.vector_load_idx %arg5[%add3A_730] : memref<3328xi32, #tpu.memory_space<vmem>>[vector<16xi32>], vector<16xi32>,
      %add3A_732 = arith.constant 900000 : i32
      %add3A_733 = vector.broadcast %add3A_732 : i32 to vector<16xi32>
      %add3A_734 = arith.addi %gather3A_731, %add3A_733 : vector<16xi32>
      %swap3A_735 = arith.constant 1264 : index
      %swap3A_736 = tpu.vector_load %arg6[%swap3A_735] {strides = array<i32>} : memref<3328xi32, #tpu.memory_space<vmem>>, vector<16xi32>,
      tpu.vector_store %arg6[%swap3A_735], %add3A_734 {strides = array<i32>} : memref<3328xi32, #tpu.memory_space<vmem>>, vector<16xi32>,
      %add3A_737 = arith.constant 10 : i32
      %add3A_738 = vector.broadcast %add3A_737 : i32 to vector<16xi32>
      %add3A_739 = arith.addi %mul3A_13, %add3A_738 : vector<16xi32>
      %gather3A_740 = tpu.vector_load_idx %arg5[%add3A_739] : memref<3328xi32, #tpu.memory_space<vmem>>[vector<16xi32>], vector<16xi32>,
      %add3A_741 = arith.constant 1000000 : i32
      %add3A_742 = vector.broadcast %add3A_741 : i32 to vector<16xi32>
      %add3A_743 = arith.addi %gather3A_740, %add3A_742 : vector<16xi32>
      %swap3A_744 = arith.constant 1280 : index
      %swap3A_745 = tpu.vector_load %arg6[%swap3A_744] {strides = array<i32>} : memref<3328xi32, #tpu.memory_space<vmem>>, vector<16xi32>,
      tpu.vector_store %arg6[%swap3A_744], %add3A_743 {strides = array<i32>} : memref<3328xi32, #tpu.memory_space<vmem>>, vector<16xi32>,
      %add3A_746 = arith.constant 426 : i32
      %add3A_747 = vector.broadcast %add3A_746 : i32 to vector<16xi32>
      %add3A_748 = arith.addi %mul3A_13, %add3A_747 : vector<16xi32>
      %gather3A_749 = tpu.vector_load_idx %arg5[%add3A_748] : memref<3328xi32, #tpu.memory_space<vmem>>[vector<16xi32>], vector<16xi32>,
      %add3A_750 = arith.constant 1000000 : i32
      %add3A_751 = vector.broadcast %add3A_750 : i32 to vector<16xi32>
      %add3A_752 = arith.addi %gather3A_749, %add3A_751 : vector<16xi32>
      %swap3A_753 = arith.constant 1296 : index
      %swap3A_754 = tpu.vector_load %arg6[%swap3A_753] {strides = array<i32>} : memref<3328xi32, #tpu.memory_space<vmem>>, vector<16xi32>,
      tpu.vector_store %arg6[%swap3A_753], %add3A_752 {strides = array<i32>} : memref<3328xi32, #tpu.memory_space<vmem>>, vector<16xi32>,
      %add3A_755 = arith.constant 842 : i32
      %add3A_756 = vector.broadcast %add3A_755 : i32 to vector<16xi32>
      %add3A_757 = arith.addi %mul3A_13, %add3A_756 : vector<16xi32>
      %gather3A_758 = tpu.vector_load_idx %arg5[%add3A_757] : memref<3328xi32, #tpu.memory_space<vmem>>[vector<16xi32>], vector<16xi32>,
      %add3A_759 = arith.constant 1000000 : i32
      %add3A_760 = vector.broadcast %add3A_759 : i32 to vector<16xi32>
      %add3A_761 = arith.addi %gather3A_758, %add3A_760 : vector<16xi32>
      %swap3A_762 = arith.constant 1312 : index
      %swap3A_763 = tpu.vector_load %arg6[%swap3A_762] {strides = array<i32>} : memref<3328xi32, #tpu.memory_space<vmem>>, vector<16xi32>,
      tpu.vector_store %arg6[%swap3A_762], %add3A_761 {strides = array<i32>} : memref<3328xi32, #tpu.memory_space<vmem>>, vector<16xi32>,
      %add3A_764 = arith.constant 1258 : i32
      %add3A_765 = vector.broadcast %add3A_764 : i32 to vector<16xi32>
      %add3A_766 = arith.addi %mul3A_13, %add3A_765 : vector<16xi32>
      %gather3A_767 = tpu.vector_load_idx %arg5[%add3A_766] : memref<3328xi32, #tpu.memory_space<vmem>>[vector<16xi32>], vector<16xi32>,
      %add3A_768 = arith.constant 1000000 : i32
      %add3A_769 = vector.broadcast %add3A_768 : i32 to vector<16xi32>
      %add3A_770 = arith.addi %gather3A_767, %add3A_769 : vector<16xi32>
      %swap3A_771 = arith.constant 1328 : index
      %swap3A_772 = tpu.vector_load %arg6[%swap3A_771] {strides = array<i32>} : memref<3328xi32, #tpu.memory_space<vmem>>, vector<16xi32>,
      tpu.vector_store %arg6[%swap3A_771], %add3A_770 {strides = array<i32>} : memref<3328xi32, #tpu.memory_space<vmem>>, vector<16xi32>,
      %add3A_773 = arith.constant 1674 : i32
      %add3A_774 = vector.broadcast %add3A_773 : i32 to vector<16xi32>
      %add3A_775 = arith.addi %mul3A_13, %add3A_774 : vector<16xi32>
      %gather3A_776 = tpu.vector_load_idx %arg5[%add3A_775] : memref<3328xi32, #tpu.memory_space<vmem>>[vector<16xi32>], vector<16xi32>,
      %add3A_777 = arith.constant 1000000 : i32
      %add3A_778 = vector.broadcast %add3A_777 : i32 to vector<16xi32>
      %add3A_779 = arith.addi %gather3A_776, %add3A_778 : vector<16xi32>
      %swap3A_780 = arith.constant 1344 : index
      %swap3A_781 = tpu.vector_load %arg6[%swap3A_780] {strides = array<i32>} : memref<3328xi32, #tpu.memory_space<vmem>>, vector<16xi32>,
      tpu.vector_store %arg6[%swap3A_780], %add3A_779 {strides = array<i32>} : memref<3328xi32, #tpu.memory_space<vmem>>, vector<16xi32>,
      %add3A_782 = arith.constant 2090 : i32
      %add3A_783 = vector.broadcast %add3A_782 : i32 to vector<16xi32>
      %add3A_784 = arith.addi %mul3A_13, %add3A_783 : vector<16xi32>
      %gather3A_785 = tpu.vector_load_idx %arg5[%add3A_784] : memref<3328xi32, #tpu.memory_space<vmem>>[vector<16xi32>], vector<16xi32>,
      %add3A_786 = arith.constant 1000000 : i32
      %add3A_787 = vector.broadcast %add3A_786 : i32 to vector<16xi32>
      %add3A_788 = arith.addi %gather3A_785, %add3A_787 : vector<16xi32>
      %swap3A_789 = arith.constant 1360 : index
      %swap3A_790 = tpu.vector_load %arg6[%swap3A_789] {strides = array<i32>} : memref<3328xi32, #tpu.memory_space<vmem>>, vector<16xi32>,
      tpu.vector_store %arg6[%swap3A_789], %add3A_788 {strides = array<i32>} : memref<3328xi32, #tpu.memory_space<vmem>>, vector<16xi32>,
      %add3A_791 = arith.constant 2506 : i32
      %add3A_792 = vector.broadcast %add3A_791 : i32 to vector<16xi32>
      %add3A_793 = arith.addi %mul3A_13, %add3A_792 : vector<16xi32>
      %gather3A_794 = tpu.vector_load_idx %arg5[%add3A_793] : memref<3328xi32, #tpu.memory_space<vmem>>[vector<16xi32>], vector<16xi32>,
      %add3A_795 = arith.constant 1000000 : i32
      %add3A_796 = vector.broadcast %add3A_795 : i32 to vector<16xi32>
      %add3A_797 = arith.addi %gather3A_794, %add3A_796 : vector<16xi32>
      %swap3A_798 = arith.constant 1376 : index
      %swap3A_799 = tpu.vector_load %arg6[%swap3A_798] {strides = array<i32>} : memref<3328xi32, #tpu.memory_space<vmem>>, vector<16xi32>,
      tpu.vector_store %arg6[%swap3A_798], %add3A_797 {strides = array<i32>} : memref<3328xi32, #tpu.memory_space<vmem>>, vector<16xi32>,
      %add3A_800 = arith.constant 2922 : i32
      %add3A_801 = vector.broadcast %add3A_800 : i32 to vector<16xi32>
      %add3A_802 = arith.addi %mul3A_13, %add3A_801 : vector<16xi32>
      %gather3A_803 = tpu.vector_load_idx %arg5[%add3A_802] : memref<3328xi32, #tpu.memory_space<vmem>>[vector<16xi32>], vector<16xi32>,
      %add3A_804 = arith.constant 1000000 : i32
      %add3A_805 = vector.broadcast %add3A_804 : i32 to vector<16xi32>
      %add3A_806 = arith.addi %gather3A_803, %add3A_805 : vector<16xi32>
      %swap3A_807 = arith.constant 1392 : index
      %swap3A_808 = tpu.vector_load %arg6[%swap3A_807] {strides = array<i32>} : memref<3328xi32, #tpu.memory_space<vmem>>, vector<16xi32>,
      tpu.vector_store %arg6[%swap3A_807], %add3A_806 {strides = array<i32>} : memref<3328xi32, #tpu.memory_space<vmem>>, vector<16xi32>,
      %add3A_809 = arith.constant 11 : i32
      %add3A_810 = vector.broadcast %add3A_809 : i32 to vector<16xi32>
      %add3A_811 = arith.addi %mul3A_13, %add3A_810 : vector<16xi32>
      %gather3A_812 = tpu.vector_load_idx %arg5[%add3A_811] : memref<3328xi32, #tpu.memory_space<vmem>>[vector<16xi32>], vector<16xi32>,
      %add3A_813 = arith.constant 1100000 : i32
      %add3A_814 = vector.broadcast %add3A_813 : i32 to vector<16xi32>
      %add3A_815 = arith.addi %gather3A_812, %add3A_814 : vector<16xi32>
      %swap3A_816 = arith.constant 1408 : index
      %swap3A_817 = tpu.vector_load %arg6[%swap3A_816] {strides = array<i32>} : memref<3328xi32, #tpu.memory_space<vmem>>, vector<16xi32>,
      tpu.vector_store %arg6[%swap3A_816], %add3A_815 {strides = array<i32>} : memref<3328xi32, #tpu.memory_space<vmem>>, vector<16xi32>,
      %add3A_818 = arith.constant 427 : i32
      %add3A_819 = vector.broadcast %add3A_818 : i32 to vector<16xi32>
      %add3A_820 = arith.addi %mul3A_13, %add3A_819 : vector<16xi32>
      %gather3A_821 = tpu.vector_load_idx %arg5[%add3A_820] : memref<3328xi32, #tpu.memory_space<vmem>>[vector<16xi32>], vector<16xi32>,
      %add3A_822 = arith.constant 1100000 : i32
      %add3A_823 = vector.broadcast %add3A_822 : i32 to vector<16xi32>
      %add3A_824 = arith.addi %gather3A_821, %add3A_823 : vector<16xi32>
      %swap3A_825 = arith.constant 1424 : index
      %swap3A_826 = tpu.vector_load %arg6[%swap3A_825] {strides = array<i32>} : memref<3328xi32, #tpu.memory_space<vmem>>, vector<16xi32>,
      tpu.vector_store %arg6[%swap3A_825], %add3A_824 {strides = array<i32>} : memref<3328xi32, #tpu.memory_space<vmem>>, vector<16xi32>,
      %add3A_827 = arith.constant 843 : i32
      %add3A_828 = vector.broadcast %add3A_827 : i32 to vector<16xi32>
      %add3A_829 = arith.addi %mul3A_13, %add3A_828 : vector<16xi32>
      %gather3A_830 = tpu.vector_load_idx %arg5[%add3A_829] : memref<3328xi32, #tpu.memory_space<vmem>>[vector<16xi32>], vector<16xi32>,
      %add3A_831 = arith.constant 1100000 : i32
      %add3A_832 = vector.broadcast %add3A_831 : i32 to vector<16xi32>
      %add3A_833 = arith.addi %gather3A_830, %add3A_832 : vector<16xi32>
      %swap3A_834 = arith.constant 1440 : index
      %swap3A_835 = tpu.vector_load %arg6[%swap3A_834] {strides = array<i32>} : memref<3328xi32, #tpu.memory_space<vmem>>, vector<16xi32>,
      tpu.vector_store %arg6[%swap3A_834], %add3A_833 {strides = array<i32>} : memref<3328xi32, #tpu.memory_space<vmem>>, vector<16xi32>,
      %add3A_836 = arith.constant 1259 : i32
      %add3A_837 = vector.broadcast %add3A_836 : i32 to vector<16xi32>
      %add3A_838 = arith.addi %mul3A_13, %add3A_837 : vector<16xi32>
      %gather3A_839 = tpu.vector_load_idx %arg5[%add3A_838] : memref<3328xi32, #tpu.memory_space<vmem>>[vector<16xi32>], vector<16xi32>,
      %add3A_840 = arith.constant 1100000 : i32
      %add3A_841 = vector.broadcast %add3A_840 : i32 to vector<16xi32>
      %add3A_842 = arith.addi %gather3A_839, %add3A_841 : vector<16xi32>
      %swap3A_843 = arith.constant 1456 : index
      %swap3A_844 = tpu.vector_load %arg6[%swap3A_843] {strides = array<i32>} : memref<3328xi32, #tpu.memory_space<vmem>>, vector<16xi32>,
      tpu.vector_store %arg6[%swap3A_843], %add3A_842 {strides = array<i32>} : memref<3328xi32, #tpu.memory_space<vmem>>, vector<16xi32>,
      %add3A_845 = arith.constant 1675 : i32
      %add3A_846 = vector.broadcast %add3A_845 : i32 to vector<16xi32>
      %add3A_847 = arith.addi %mul3A_13, %add3A_846 : vector<16xi32>
      %gather3A_848 = tpu.vector_load_idx %arg5[%add3A_847] : memref<3328xi32, #tpu.memory_space<vmem>>[vector<16xi32>], vector<16xi32>,
      %add3A_849 = arith.constant 1100000 : i32
      %add3A_850 = vector.broadcast %add3A_849 : i32 to vector<16xi32>
      %add3A_851 = arith.addi %gather3A_848, %add3A_850 : vector<16xi32>
      %swap3A_852 = arith.constant 1472 : index
      %swap3A_853 = tpu.vector_load %arg6[%swap3A_852] {strides = array<i32>} : memref<3328xi32, #tpu.memory_space<vmem>>, vector<16xi32>,
      tpu.vector_store %arg6[%swap3A_852], %add3A_851 {strides = array<i32>} : memref<3328xi32, #tpu.memory_space<vmem>>, vector<16xi32>,
      %add3A_854 = arith.constant 2091 : i32
      %add3A_855 = vector.broadcast %add3A_854 : i32 to vector<16xi32>
      %add3A_856 = arith.addi %mul3A_13, %add3A_855 : vector<16xi32>
      %gather3A_857 = tpu.vector_load_idx %arg5[%add3A_856] : memref<3328xi32, #tpu.memory_space<vmem>>[vector<16xi32>], vector<16xi32>,
      %add3A_858 = arith.constant 1100000 : i32
      %add3A_859 = vector.broadcast %add3A_858 : i32 to vector<16xi32>
      %add3A_860 = arith.addi %gather3A_857, %add3A_859 : vector<16xi32>
      %swap3A_861 = arith.constant 1488 : index
      %swap3A_862 = tpu.vector_load %arg6[%swap3A_861] {strides = array<i32>} : memref<3328xi32, #tpu.memory_space<vmem>>, vector<16xi32>,
      tpu.vector_store %arg6[%swap3A_861], %add3A_860 {strides = array<i32>} : memref<3328xi32, #tpu.memory_space<vmem>>, vector<16xi32>,
      %add3A_863 = arith.constant 2507 : i32
      %add3A_864 = vector.broadcast %add3A_863 : i32 to vector<16xi32>
      %add3A_865 = arith.addi %mul3A_13, %add3A_864 : vector<16xi32>
      %gather3A_866 = tpu.vector_load_idx %arg5[%add3A_865] : memref<3328xi32, #tpu.memory_space<vmem>>[vector<16xi32>], vector<16xi32>,
      %add3A_867 = arith.constant 1100000 : i32
      %add3A_868 = vector.broadcast %add3A_867 : i32 to vector<16xi32>
      %add3A_869 = arith.addi %gather3A_866, %add3A_868 : vector<16xi32>
      %swap3A_870 = arith.constant 1504 : index
      %swap3A_871 = tpu.vector_load %arg6[%swap3A_870] {strides = array<i32>} : memref<3328xi32, #tpu.memory_space<vmem>>, vector<16xi32>,
      tpu.vector_store %arg6[%swap3A_870], %add3A_869 {strides = array<i32>} : memref<3328xi32, #tpu.memory_space<vmem>>, vector<16xi32>,
      %add3A_872 = arith.constant 2923 : i32
      %add3A_873 = vector.broadcast %add3A_872 : i32 to vector<16xi32>
      %add3A_874 = arith.addi %mul3A_13, %add3A_873 : vector<16xi32>
      %gather3A_875 = tpu.vector_load_idx %arg5[%add3A_874] : memref<3328xi32, #tpu.memory_space<vmem>>[vector<16xi32>], vector<16xi32>,
      %add3A_876 = arith.constant 1100000 : i32
      %add3A_877 = vector.broadcast %add3A_876 : i32 to vector<16xi32>
      %add3A_878 = arith.addi %gather3A_875, %add3A_877 : vector<16xi32>
      %swap3A_879 = arith.constant 1520 : index
      %swap3A_880 = tpu.vector_load %arg6[%swap3A_879] {strides = array<i32>} : memref<3328xi32, #tpu.memory_space<vmem>>, vector<16xi32>,
      tpu.vector_store %arg6[%swap3A_879], %add3A_878 {strides = array<i32>} : memref<3328xi32, #tpu.memory_space<vmem>>, vector<16xi32>,
      %add3A_881 = arith.constant 12 : i32
      %add3A_882 = vector.broadcast %add3A_881 : i32 to vector<16xi32>
      %add3A_883 = arith.addi %mul3A_13, %add3A_882 : vector<16xi32>
      %gather3A_884 = tpu.vector_load_idx %arg5[%add3A_883] : memref<3328xi32, #tpu.memory_space<vmem>>[vector<16xi32>], vector<16xi32>,
      %add3A_885 = arith.constant 1200000 : i32
      %add3A_886 = vector.broadcast %add3A_885 : i32 to vector<16xi32>
      %add3A_887 = arith.addi %gather3A_884, %add3A_886 : vector<16xi32>
      %swap3A_888 = arith.constant 1536 : index
      %swap3A_889 = tpu.vector_load %arg6[%swap3A_888] {strides = array<i32>} : memref<3328xi32, #tpu.memory_space<vmem>>, vector<16xi32>,
      tpu.vector_store %arg6[%swap3A_888], %add3A_887 {strides = array<i32>} : memref<3328xi32, #tpu.memory_space<vmem>>, vector<16xi32>,
      %add3A_890 = arith.constant 428 : i32
      %add3A_891 = vector.broadcast %add3A_890 : i32 to vector<16xi32>
      %add3A_892 = arith.addi %mul3A_13, %add3A_891 : vector<16xi32>
      %gather3A_893 = tpu.vector_load_idx %arg5[%add3A_892] : memref<3328xi32, #tpu.memory_space<vmem>>[vector<16xi32>], vector<16xi32>,
      %add3A_894 = arith.constant 1200000 : i32
      %add3A_895 = vector.broadcast %add3A_894 : i32 to vector<16xi32>
      %add3A_896 = arith.addi %gather3A_893, %add3A_895 : vector<16xi32>
      %swap3A_897 = arith.constant 1552 : index
      %swap3A_898 = tpu.vector_load %arg6[%swap3A_897] {strides = array<i32>} : memref<3328xi32, #tpu.memory_space<vmem>>, vector<16xi32>,
      tpu.vector_store %arg6[%swap3A_897], %add3A_896 {strides = array<i32>} : memref<3328xi32, #tpu.memory_space<vmem>>, vector<16xi32>,
      %add3A_899 = arith.constant 844 : i32
      %add3A_900 = vector.broadcast %add3A_899 : i32 to vector<16xi32>
      %add3A_901 = arith.addi %mul3A_13, %add3A_900 : vector<16xi32>
      %gather3A_902 = tpu.vector_load_idx %arg5[%add3A_901] : memref<3328xi32, #tpu.memory_space<vmem>>[vector<16xi32>], vector<16xi32>,
      %add3A_903 = arith.constant 1200000 : i32
      %add3A_904 = vector.broadcast %add3A_903 : i32 to vector<16xi32>
      %add3A_905 = arith.addi %gather3A_902, %add3A_904 : vector<16xi32>
      %swap3A_906 = arith.constant 1568 : index
      %swap3A_907 = tpu.vector_load %arg6[%swap3A_906] {strides = array<i32>} : memref<3328xi32, #tpu.memory_space<vmem>>, vector<16xi32>,
      tpu.vector_store %arg6[%swap3A_906], %add3A_905 {strides = array<i32>} : memref<3328xi32, #tpu.memory_space<vmem>>, vector<16xi32>,
      %add3A_908 = arith.constant 1260 : i32
      %add3A_909 = vector.broadcast %add3A_908 : i32 to vector<16xi32>
      %add3A_910 = arith.addi %mul3A_13, %add3A_909 : vector<16xi32>
      %gather3A_911 = tpu.vector_load_idx %arg5[%add3A_910] : memref<3328xi32, #tpu.memory_space<vmem>>[vector<16xi32>], vector<16xi32>,
      %add3A_912 = arith.constant 1200000 : i32
      %add3A_913 = vector.broadcast %add3A_912 : i32 to vector<16xi32>
      %add3A_914 = arith.addi %gather3A_911, %add3A_913 : vector<16xi32>
      %swap3A_915 = arith.constant 1584 : index
      %swap3A_916 = tpu.vector_load %arg6[%swap3A_915] {strides = array<i32>} : memref<3328xi32, #tpu.memory_space<vmem>>, vector<16xi32>,
      tpu.vector_store %arg6[%swap3A_915], %add3A_914 {strides = array<i32>} : memref<3328xi32, #tpu.memory_space<vmem>>, vector<16xi32>,
      %add3A_917 = arith.constant 1676 : i32
      %add3A_918 = vector.broadcast %add3A_917 : i32 to vector<16xi32>
      %add3A_919 = arith.addi %mul3A_13, %add3A_918 : vector<16xi32>
      %gather3A_920 = tpu.vector_load_idx %arg5[%add3A_919] : memref<3328xi32, #tpu.memory_space<vmem>>[vector<16xi32>], vector<16xi32>,
      %add3A_921 = arith.constant 1200000 : i32
      %add3A_922 = vector.broadcast %add3A_921 : i32 to vector<16xi32>
      %add3A_923 = arith.addi %gather3A_920, %add3A_922 : vector<16xi32>
      %swap3A_924 = arith.constant 1600 : index
      %swap3A_925 = tpu.vector_load %arg6[%swap3A_924] {strides = array<i32>} : memref<3328xi32, #tpu.memory_space<vmem>>, vector<16xi32>,
      tpu.vector_store %arg6[%swap3A_924], %add3A_923 {strides = array<i32>} : memref<3328xi32, #tpu.memory_space<vmem>>, vector<16xi32>,
      %add3A_926 = arith.constant 2092 : i32
      %add3A_927 = vector.broadcast %add3A_926 : i32 to vector<16xi32>
      %add3A_928 = arith.addi %mul3A_13, %add3A_927 : vector<16xi32>
      %gather3A_929 = tpu.vector_load_idx %arg5[%add3A_928] : memref<3328xi32, #tpu.memory_space<vmem>>[vector<16xi32>], vector<16xi32>,
      %add3A_930 = arith.constant 1200000 : i32
      %add3A_931 = vector.broadcast %add3A_930 : i32 to vector<16xi32>
      %add3A_932 = arith.addi %gather3A_929, %add3A_931 : vector<16xi32>
      %swap3A_933 = arith.constant 1616 : index
      %swap3A_934 = tpu.vector_load %arg6[%swap3A_933] {strides = array<i32>} : memref<3328xi32, #tpu.memory_space<vmem>>, vector<16xi32>,
      tpu.vector_store %arg6[%swap3A_933], %add3A_932 {strides = array<i32>} : memref<3328xi32, #tpu.memory_space<vmem>>, vector<16xi32>,
      %add3A_935 = arith.constant 2508 : i32
      %add3A_936 = vector.broadcast %add3A_935 : i32 to vector<16xi32>
      %add3A_937 = arith.addi %mul3A_13, %add3A_936 : vector<16xi32>
      %gather3A_938 = tpu.vector_load_idx %arg5[%add3A_937] : memref<3328xi32, #tpu.memory_space<vmem>>[vector<16xi32>], vector<16xi32>,
      %add3A_939 = arith.constant 1200000 : i32
      %add3A_940 = vector.broadcast %add3A_939 : i32 to vector<16xi32>
      %add3A_941 = arith.addi %gather3A_938, %add3A_940 : vector<16xi32>
      %swap3A_942 = arith.constant 1632 : index
      %swap3A_943 = tpu.vector_load %arg6[%swap3A_942] {strides = array<i32>} : memref<3328xi32, #tpu.memory_space<vmem>>, vector<16xi32>,
      tpu.vector_store %arg6[%swap3A_942], %add3A_941 {strides = array<i32>} : memref<3328xi32, #tpu.memory_space<vmem>>, vector<16xi32>,
      %add3A_944 = arith.constant 2924 : i32
      %add3A_945 = vector.broadcast %add3A_944 : i32 to vector<16xi32>
      %add3A_946 = arith.addi %mul3A_13, %add3A_945 : vector<16xi32>
      %gather3A_947 = tpu.vector_load_idx %arg5[%add3A_946] : memref<3328xi32, #tpu.memory_space<vmem>>[vector<16xi32>], vector<16xi32>,
      %add3A_948 = arith.constant 1200000 : i32
      %add3A_949 = vector.broadcast %add3A_948 : i32 to vector<16xi32>
      %add3A_950 = arith.addi %gather3A_947, %add3A_949 : vector<16xi32>
      %swap3A_951 = arith.constant 1648 : index
      %swap3A_952 = tpu.vector_load %arg6[%swap3A_951] {strides = array<i32>} : memref<3328xi32, #tpu.memory_space<vmem>>, vector<16xi32>,
      tpu.vector_store %arg6[%swap3A_951], %add3A_950 {strides = array<i32>} : memref<3328xi32, #tpu.memory_space<vmem>>, vector<16xi32>,
      %add3A_953 = arith.constant 13 : i32
      %add3A_954 = vector.broadcast %add3A_953 : i32 to vector<16xi32>
      %add3A_955 = arith.addi %mul3A_13, %add3A_954 : vector<16xi32>
      %gather3A_956 = tpu.vector_load_idx %arg5[%add3A_955] : memref<3328xi32, #tpu.memory_space<vmem>>[vector<16xi32>], vector<16xi32>,
      %add3A_957 = arith.constant 1300000 : i32
      %add3A_958 = vector.broadcast %add3A_957 : i32 to vector<16xi32>
      %add3A_959 = arith.addi %gather3A_956, %add3A_958 : vector<16xi32>
      %swap3A_960 = arith.constant 1664 : index
      %swap3A_961 = tpu.vector_load %arg6[%swap3A_960] {strides = array<i32>} : memref<3328xi32, #tpu.memory_space<vmem>>, vector<16xi32>,
      tpu.vector_store %arg6[%swap3A_960], %add3A_959 {strides = array<i32>} : memref<3328xi32, #tpu.memory_space<vmem>>, vector<16xi32>,
      %add3A_962 = arith.constant 429 : i32
      %add3A_963 = vector.broadcast %add3A_962 : i32 to vector<16xi32>
      %add3A_964 = arith.addi %mul3A_13, %add3A_963 : vector<16xi32>
      %gather3A_965 = tpu.vector_load_idx %arg5[%add3A_964] : memref<3328xi32, #tpu.memory_space<vmem>>[vector<16xi32>], vector<16xi32>,
      %add3A_966 = arith.constant 1300000 : i32
      %add3A_967 = vector.broadcast %add3A_966 : i32 to vector<16xi32>
      %add3A_968 = arith.addi %gather3A_965, %add3A_967 : vector<16xi32>
      %swap3A_969 = arith.constant 1680 : index
      %swap3A_970 = tpu.vector_load %arg6[%swap3A_969] {strides = array<i32>} : memref<3328xi32, #tpu.memory_space<vmem>>, vector<16xi32>,
      tpu.vector_store %arg6[%swap3A_969], %add3A_968 {strides = array<i32>} : memref<3328xi32, #tpu.memory_space<vmem>>, vector<16xi32>,
      %add3A_971 = arith.constant 845 : i32
      %add3A_972 = vector.broadcast %add3A_971 : i32 to vector<16xi32>
      %add3A_973 = arith.addi %mul3A_13, %add3A_972 : vector<16xi32>
      %gather3A_974 = tpu.vector_load_idx %arg5[%add3A_973] : memref<3328xi32, #tpu.memory_space<vmem>>[vector<16xi32>], vector<16xi32>,
      %add3A_975 = arith.constant 1300000 : i32
      %add3A_976 = vector.broadcast %add3A_975 : i32 to vector<16xi32>
      %add3A_977 = arith.addi %gather3A_974, %add3A_976 : vector<16xi32>
      %swap3A_978 = arith.constant 1696 : index
      %swap3A_979 = tpu.vector_load %arg6[%swap3A_978] {strides = array<i32>} : memref<3328xi32, #tpu.memory_space<vmem>>, vector<16xi32>,
      tpu.vector_store %arg6[%swap3A_978], %add3A_977 {strides = array<i32>} : memref<3328xi32, #tpu.memory_space<vmem>>, vector<16xi32>,
      %add3A_980 = arith.constant 1261 : i32
      %add3A_981 = vector.broadcast %add3A_980 : i32 to vector<16xi32>
      %add3A_982 = arith.addi %mul3A_13, %add3A_981 : vector<16xi32>
      %gather3A_983 = tpu.vector_load_idx %arg5[%add3A_982] : memref<3328xi32, #tpu.memory_space<vmem>>[vector<16xi32>], vector<16xi32>,
      %add3A_984 = arith.constant 1300000 : i32
      %add3A_985 = vector.broadcast %add3A_984 : i32 to vector<16xi32>
      %add3A_986 = arith.addi %gather3A_983, %add3A_985 : vector<16xi32>
      %swap3A_987 = arith.constant 1712 : index
      %swap3A_988 = tpu.vector_load %arg6[%swap3A_987] {strides = array<i32>} : memref<3328xi32, #tpu.memory_space<vmem>>, vector<16xi32>,
      tpu.vector_store %arg6[%swap3A_987], %add3A_986 {strides = array<i32>} : memref<3328xi32, #tpu.memory_space<vmem>>, vector<16xi32>,
      %add3A_989 = arith.constant 1677 : i32
      %add3A_990 = vector.broadcast %add3A_989 : i32 to vector<16xi32>
      %add3A_991 = arith.addi %mul3A_13, %add3A_990 : vector<16xi32>
      %gather3A_992 = tpu.vector_load_idx %arg5[%add3A_991] : memref<3328xi32, #tpu.memory_space<vmem>>[vector<16xi32>], vector<16xi32>,
      %add3A_993 = arith.constant 1300000 : i32
      %add3A_994 = vector.broadcast %add3A_993 : i32 to vector<16xi32>
      %add3A_995 = arith.addi %gather3A_992, %add3A_994 : vector<16xi32>
      %swap3A_996 = arith.constant 1728 : index
      %swap3A_997 = tpu.vector_load %arg6[%swap3A_996] {strides = array<i32>} : memref<3328xi32, #tpu.memory_space<vmem>>, vector<16xi32>,
      tpu.vector_store %arg6[%swap3A_996], %add3A_995 {strides = array<i32>} : memref<3328xi32, #tpu.memory_space<vmem>>, vector<16xi32>,
      %add3A_998 = arith.constant 2093 : i32
      %add3A_999 = vector.broadcast %add3A_998 : i32 to vector<16xi32>
      %add3A_1000 = arith.addi %mul3A_13, %add3A_999 : vector<16xi32>
      %gather3A_1001 = tpu.vector_load_idx %arg5[%add3A_1000] : memref<3328xi32, #tpu.memory_space<vmem>>[vector<16xi32>], vector<16xi32>,
      %add3A_1002 = arith.constant 1300000 : i32
      %add3A_1003 = vector.broadcast %add3A_1002 : i32 to vector<16xi32>
      %add3A_1004 = arith.addi %gather3A_1001, %add3A_1003 : vector<16xi32>
      %swap3A_1005 = arith.constant 1744 : index
      %swap3A_1006 = tpu.vector_load %arg6[%swap3A_1005] {strides = array<i32>} : memref<3328xi32, #tpu.memory_space<vmem>>, vector<16xi32>,
      tpu.vector_store %arg6[%swap3A_1005], %add3A_1004 {strides = array<i32>} : memref<3328xi32, #tpu.memory_space<vmem>>, vector<16xi32>,
      %add3A_1007 = arith.constant 2509 : i32
      %add3A_1008 = vector.broadcast %add3A_1007 : i32 to vector<16xi32>
      %add3A_1009 = arith.addi %mul3A_13, %add3A_1008 : vector<16xi32>
      %gather3A_1010 = tpu.vector_load_idx %arg5[%add3A_1009] : memref<3328xi32, #tpu.memory_space<vmem>>[vector<16xi32>], vector<16xi32>,
      %add3A_1011 = arith.constant 1300000 : i32
      %add3A_1012 = vector.broadcast %add3A_1011 : i32 to vector<16xi32>
      %add3A_1013 = arith.addi %gather3A_1010, %add3A_1012 : vector<16xi32>
      %swap3A_1014 = arith.constant 1760 : index
      %swap3A_1015 = tpu.vector_load %arg6[%swap3A_1014] {strides = array<i32>} : memref<3328xi32, #tpu.memory_space<vmem>>, vector<16xi32>,
      tpu.vector_store %arg6[%swap3A_1014], %add3A_1013 {strides = array<i32>} : memref<3328xi32, #tpu.memory_space<vmem>>, vector<16xi32>,
      %add3A_1016 = arith.constant 2925 : i32
      %add3A_1017 = vector.broadcast %add3A_1016 : i32 to vector<16xi32>
      %add3A_1018 = arith.addi %mul3A_13, %add3A_1017 : vector<16xi32>
      %gather3A_1019 = tpu.vector_load_idx %arg5[%add3A_1018] : memref<3328xi32, #tpu.memory_space<vmem>>[vector<16xi32>], vector<16xi32>,
      %add3A_1020 = arith.constant 1300000 : i32
      %add3A_1021 = vector.broadcast %add3A_1020 : i32 to vector<16xi32>
      %add3A_1022 = arith.addi %gather3A_1019, %add3A_1021 : vector<16xi32>
      %swap3A_1023 = arith.constant 1776 : index
      %swap3A_1024 = tpu.vector_load %arg6[%swap3A_1023] {strides = array<i32>} : memref<3328xi32, #tpu.memory_space<vmem>>, vector<16xi32>,
      tpu.vector_store %arg6[%swap3A_1023], %add3A_1022 {strides = array<i32>} : memref<3328xi32, #tpu.memory_space<vmem>>, vector<16xi32>,
      %add3A_1025 = arith.constant 14 : i32
      %add3A_1026 = vector.broadcast %add3A_1025 : i32 to vector<16xi32>
      %add3A_1027 = arith.addi %mul3A_13, %add3A_1026 : vector<16xi32>
      %gather3A_1028 = tpu.vector_load_idx %arg5[%add3A_1027] : memref<3328xi32, #tpu.memory_space<vmem>>[vector<16xi32>], vector<16xi32>,
      %add3A_1029 = arith.constant 1400000 : i32
      %add3A_1030 = vector.broadcast %add3A_1029 : i32 to vector<16xi32>
      %add3A_1031 = arith.addi %gather3A_1028, %add3A_1030 : vector<16xi32>
      %swap3A_1032 = arith.constant 1792 : index
      %swap3A_1033 = tpu.vector_load %arg6[%swap3A_1032] {strides = array<i32>} : memref<3328xi32, #tpu.memory_space<vmem>>, vector<16xi32>,
      tpu.vector_store %arg6[%swap3A_1032], %add3A_1031 {strides = array<i32>} : memref<3328xi32, #tpu.memory_space<vmem>>, vector<16xi32>,
      %add3A_1034 = arith.constant 430 : i32
      %add3A_1035 = vector.broadcast %add3A_1034 : i32 to vector<16xi32>
      %add3A_1036 = arith.addi %mul3A_13, %add3A_1035 : vector<16xi32>
      %gather3A_1037 = tpu.vector_load_idx %arg5[%add3A_1036] : memref<3328xi32, #tpu.memory_space<vmem>>[vector<16xi32>], vector<16xi32>,
      %add3A_1038 = arith.constant 1400000 : i32
      %add3A_1039 = vector.broadcast %add3A_1038 : i32 to vector<16xi32>
      %add3A_1040 = arith.addi %gather3A_1037, %add3A_1039 : vector<16xi32>
      %swap3A_1041 = arith.constant 1808 : index
      %swap3A_1042 = tpu.vector_load %arg6[%swap3A_1041] {strides = array<i32>} : memref<3328xi32, #tpu.memory_space<vmem>>, vector<16xi32>,
      tpu.vector_store %arg6[%swap3A_1041], %add3A_1040 {strides = array<i32>} : memref<3328xi32, #tpu.memory_space<vmem>>, vector<16xi32>,
      %add3A_1043 = arith.constant 846 : i32
      %add3A_1044 = vector.broadcast %add3A_1043 : i32 to vector<16xi32>
      %add3A_1045 = arith.addi %mul3A_13, %add3A_1044 : vector<16xi32>
      %gather3A_1046 = tpu.vector_load_idx %arg5[%add3A_1045] : memref<3328xi32, #tpu.memory_space<vmem>>[vector<16xi32>], vector<16xi32>,
      %add3A_1047 = arith.constant 1400000 : i32
      %add3A_1048 = vector.broadcast %add3A_1047 : i32 to vector<16xi32>
      %add3A_1049 = arith.addi %gather3A_1046, %add3A_1048 : vector<16xi32>
      %swap3A_1050 = arith.constant 1824 : index
      %swap3A_1051 = tpu.vector_load %arg6[%swap3A_1050] {strides = array<i32>} : memref<3328xi32, #tpu.memory_space<vmem>>, vector<16xi32>,
      tpu.vector_store %arg6[%swap3A_1050], %add3A_1049 {strides = array<i32>} : memref<3328xi32, #tpu.memory_space<vmem>>, vector<16xi32>,
      %add3A_1052 = arith.constant 1262 : i32
      %add3A_1053 = vector.broadcast %add3A_1052 : i32 to vector<16xi32>
      %add3A_1054 = arith.addi %mul3A_13, %add3A_1053 : vector<16xi32>
      %gather3A_1055 = tpu.vector_load_idx %arg5[%add3A_1054] : memref<3328xi32, #tpu.memory_space<vmem>>[vector<16xi32>], vector<16xi32>,
      %add3A_1056 = arith.constant 1400000 : i32
      %add3A_1057 = vector.broadcast %add3A_1056 : i32 to vector<16xi32>
      %add3A_1058 = arith.addi %gather3A_1055, %add3A_1057 : vector<16xi32>
      %swap3A_1059 = arith.constant 1840 : index
      %swap3A_1060 = tpu.vector_load %arg6[%swap3A_1059] {strides = array<i32>} : memref<3328xi32, #tpu.memory_space<vmem>>, vector<16xi32>,
      tpu.vector_store %arg6[%swap3A_1059], %add3A_1058 {strides = array<i32>} : memref<3328xi32, #tpu.memory_space<vmem>>, vector<16xi32>,
      %add3A_1061 = arith.constant 1678 : i32
      %add3A_1062 = vector.broadcast %add3A_1061 : i32 to vector<16xi32>
      %add3A_1063 = arith.addi %mul3A_13, %add3A_1062 : vector<16xi32>
      %gather3A_1064 = tpu.vector_load_idx %arg5[%add3A_1063] : memref<3328xi32, #tpu.memory_space<vmem>>[vector<16xi32>], vector<16xi32>,
      %add3A_1065 = arith.constant 1400000 : i32
      %add3A_1066 = vector.broadcast %add3A_1065 : i32 to vector<16xi32>
      %add3A_1067 = arith.addi %gather3A_1064, %add3A_1066 : vector<16xi32>
      %swap3A_1068 = arith.constant 1856 : index
      %swap3A_1069 = tpu.vector_load %arg6[%swap3A_1068] {strides = array<i32>} : memref<3328xi32, #tpu.memory_space<vmem>>, vector<16xi32>,
      tpu.vector_store %arg6[%swap3A_1068], %add3A_1067 {strides = array<i32>} : memref<3328xi32, #tpu.memory_space<vmem>>, vector<16xi32>,
      %add3A_1070 = arith.constant 2094 : i32
      %add3A_1071 = vector.broadcast %add3A_1070 : i32 to vector<16xi32>
      %add3A_1072 = arith.addi %mul3A_13, %add3A_1071 : vector<16xi32>
      %gather3A_1073 = tpu.vector_load_idx %arg5[%add3A_1072] : memref<3328xi32, #tpu.memory_space<vmem>>[vector<16xi32>], vector<16xi32>,
      %add3A_1074 = arith.constant 1400000 : i32
      %add3A_1075 = vector.broadcast %add3A_1074 : i32 to vector<16xi32>
      %add3A_1076 = arith.addi %gather3A_1073, %add3A_1075 : vector<16xi32>
      %swap3A_1077 = arith.constant 1872 : index
      %swap3A_1078 = tpu.vector_load %arg6[%swap3A_1077] {strides = array<i32>} : memref<3328xi32, #tpu.memory_space<vmem>>, vector<16xi32>,
      tpu.vector_store %arg6[%swap3A_1077], %add3A_1076 {strides = array<i32>} : memref<3328xi32, #tpu.memory_space<vmem>>, vector<16xi32>,
      %add3A_1079 = arith.constant 2510 : i32
      %add3A_1080 = vector.broadcast %add3A_1079 : i32 to vector<16xi32>
      %add3A_1081 = arith.addi %mul3A_13, %add3A_1080 : vector<16xi32>
      %gather3A_1082 = tpu.vector_load_idx %arg5[%add3A_1081] : memref<3328xi32, #tpu.memory_space<vmem>>[vector<16xi32>], vector<16xi32>,
      %add3A_1083 = arith.constant 1400000 : i32
      %add3A_1084 = vector.broadcast %add3A_1083 : i32 to vector<16xi32>
      %add3A_1085 = arith.addi %gather3A_1082, %add3A_1084 : vector<16xi32>
      %swap3A_1086 = arith.constant 1888 : index
      %swap3A_1087 = tpu.vector_load %arg6[%swap3A_1086] {strides = array<i32>} : memref<3328xi32, #tpu.memory_space<vmem>>, vector<16xi32>,
      tpu.vector_store %arg6[%swap3A_1086], %add3A_1085 {strides = array<i32>} : memref<3328xi32, #tpu.memory_space<vmem>>, vector<16xi32>,
      %add3A_1088 = arith.constant 2926 : i32
      %add3A_1089 = vector.broadcast %add3A_1088 : i32 to vector<16xi32>
      %add3A_1090 = arith.addi %mul3A_13, %add3A_1089 : vector<16xi32>
      %gather3A_1091 = tpu.vector_load_idx %arg5[%add3A_1090] : memref<3328xi32, #tpu.memory_space<vmem>>[vector<16xi32>], vector<16xi32>,
      %add3A_1092 = arith.constant 1400000 : i32
      %add3A_1093 = vector.broadcast %add3A_1092 : i32 to vector<16xi32>
      %add3A_1094 = arith.addi %gather3A_1091, %add3A_1093 : vector<16xi32>
      %swap3A_1095 = arith.constant 1904 : index
      %swap3A_1096 = tpu.vector_load %arg6[%swap3A_1095] {strides = array<i32>} : memref<3328xi32, #tpu.memory_space<vmem>>, vector<16xi32>,
      tpu.vector_store %arg6[%swap3A_1095], %add3A_1094 {strides = array<i32>} : memref<3328xi32, #tpu.memory_space<vmem>>, vector<16xi32>,
      %add3A_1097 = arith.constant 15 : i32
      %add3A_1098 = vector.broadcast %add3A_1097 : i32 to vector<16xi32>
      %add3A_1099 = arith.addi %mul3A_13, %add3A_1098 : vector<16xi32>
      %gather3A_1100 = tpu.vector_load_idx %arg5[%add3A_1099] : memref<3328xi32, #tpu.memory_space<vmem>>[vector<16xi32>], vector<16xi32>,
      %add3A_1101 = arith.constant 1500000 : i32
      %add3A_1102 = vector.broadcast %add3A_1101 : i32 to vector<16xi32>
      %add3A_1103 = arith.addi %gather3A_1100, %add3A_1102 : vector<16xi32>
      %swap3A_1104 = arith.constant 1920 : index
      %swap3A_1105 = tpu.vector_load %arg6[%swap3A_1104] {strides = array<i32>} : memref<3328xi32, #tpu.memory_space<vmem>>, vector<16xi32>,
      tpu.vector_store %arg6[%swap3A_1104], %add3A_1103 {strides = array<i32>} : memref<3328xi32, #tpu.memory_space<vmem>>, vector<16xi32>,
      %add3A_1106 = arith.constant 431 : i32
      %add3A_1107 = vector.broadcast %add3A_1106 : i32 to vector<16xi32>
      %add3A_1108 = arith.addi %mul3A_13, %add3A_1107 : vector<16xi32>
      %gather3A_1109 = tpu.vector_load_idx %arg5[%add3A_1108] : memref<3328xi32, #tpu.memory_space<vmem>>[vector<16xi32>], vector<16xi32>,
      %add3A_1110 = arith.constant 1500000 : i32
      %add3A_1111 = vector.broadcast %add3A_1110 : i32 to vector<16xi32>
      %add3A_1112 = arith.addi %gather3A_1109, %add3A_1111 : vector<16xi32>
      %swap3A_1113 = arith.constant 1936 : index
      %swap3A_1114 = tpu.vector_load %arg6[%swap3A_1113] {strides = array<i32>} : memref<3328xi32, #tpu.memory_space<vmem>>, vector<16xi32>,
      tpu.vector_store %arg6[%swap3A_1113], %add3A_1112 {strides = array<i32>} : memref<3328xi32, #tpu.memory_space<vmem>>, vector<16xi32>,
      %add3A_1115 = arith.constant 847 : i32
      %add3A_1116 = vector.broadcast %add3A_1115 : i32 to vector<16xi32>
      %add3A_1117 = arith.addi %mul3A_13, %add3A_1116 : vector<16xi32>
      %gather3A_1118 = tpu.vector_load_idx %arg5[%add3A_1117] : memref<3328xi32, #tpu.memory_space<vmem>>[vector<16xi32>], vector<16xi32>,
      %add3A_1119 = arith.constant 1500000 : i32
      %add3A_1120 = vector.broadcast %add3A_1119 : i32 to vector<16xi32>
      %add3A_1121 = arith.addi %gather3A_1118, %add3A_1120 : vector<16xi32>
      %swap3A_1122 = arith.constant 1952 : index
      %swap3A_1123 = tpu.vector_load %arg6[%swap3A_1122] {strides = array<i32>} : memref<3328xi32, #tpu.memory_space<vmem>>, vector<16xi32>,
      tpu.vector_store %arg6[%swap3A_1122], %add3A_1121 {strides = array<i32>} : memref<3328xi32, #tpu.memory_space<vmem>>, vector<16xi32>,
      %add3A_1124 = arith.constant 1263 : i32
      %add3A_1125 = vector.broadcast %add3A_1124 : i32 to vector<16xi32>
      %add3A_1126 = arith.addi %mul3A_13, %add3A_1125 : vector<16xi32>
      %gather3A_1127 = tpu.vector_load_idx %arg5[%add3A_1126] : memref<3328xi32, #tpu.memory_space<vmem>>[vector<16xi32>], vector<16xi32>,
      %add3A_1128 = arith.constant 1500000 : i32
      %add3A_1129 = vector.broadcast %add3A_1128 : i32 to vector<16xi32>
      %add3A_1130 = arith.addi %gather3A_1127, %add3A_1129 : vector<16xi32>
      %swap3A_1131 = arith.constant 1968 : index
      %swap3A_1132 = tpu.vector_load %arg6[%swap3A_1131] {strides = array<i32>} : memref<3328xi32, #tpu.memory_space<vmem>>, vector<16xi32>,
      tpu.vector_store %arg6[%swap3A_1131], %add3A_1130 {strides = array<i32>} : memref<3328xi32, #tpu.memory_space<vmem>>, vector<16xi32>,
      %add3A_1133 = arith.constant 1679 : i32
      %add3A_1134 = vector.broadcast %add3A_1133 : i32 to vector<16xi32>
      %add3A_1135 = arith.addi %mul3A_13, %add3A_1134 : vector<16xi32>
      %gather3A_1136 = tpu.vector_load_idx %arg5[%add3A_1135] : memref<3328xi32, #tpu.memory_space<vmem>>[vector<16xi32>], vector<16xi32>,
      %add3A_1137 = arith.constant 1500000 : i32
      %add3A_1138 = vector.broadcast %add3A_1137 : i32 to vector<16xi32>
      %add3A_1139 = arith.addi %gather3A_1136, %add3A_1138 : vector<16xi32>
      %swap3A_1140 = arith.constant 1984 : index
      %swap3A_1141 = tpu.vector_load %arg6[%swap3A_1140] {strides = array<i32>} : memref<3328xi32, #tpu.memory_space<vmem>>, vector<16xi32>,
      tpu.vector_store %arg6[%swap3A_1140], %add3A_1139 {strides = array<i32>} : memref<3328xi32, #tpu.memory_space<vmem>>, vector<16xi32>,
      %add3A_1142 = arith.constant 2095 : i32
      %add3A_1143 = vector.broadcast %add3A_1142 : i32 to vector<16xi32>
      %add3A_1144 = arith.addi %mul3A_13, %add3A_1143 : vector<16xi32>
      %gather3A_1145 = tpu.vector_load_idx %arg5[%add3A_1144] : memref<3328xi32, #tpu.memory_space<vmem>>[vector<16xi32>], vector<16xi32>,
      %add3A_1146 = arith.constant 1500000 : i32
      %add3A_1147 = vector.broadcast %add3A_1146 : i32 to vector<16xi32>
      %add3A_1148 = arith.addi %gather3A_1145, %add3A_1147 : vector<16xi32>
      %swap3A_1149 = arith.constant 2000 : index
      %swap3A_1150 = tpu.vector_load %arg6[%swap3A_1149] {strides = array<i32>} : memref<3328xi32, #tpu.memory_space<vmem>>, vector<16xi32>,
      tpu.vector_store %arg6[%swap3A_1149], %add3A_1148 {strides = array<i32>} : memref<3328xi32, #tpu.memory_space<vmem>>, vector<16xi32>,
      %add3A_1151 = arith.constant 2511 : i32
      %add3A_1152 = vector.broadcast %add3A_1151 : i32 to vector<16xi32>
      %add3A_1153 = arith.addi %mul3A_13, %add3A_1152 : vector<16xi32>
      %gather3A_1154 = tpu.vector_load_idx %arg5[%add3A_1153] : memref<3328xi32, #tpu.memory_space<vmem>>[vector<16xi32>], vector<16xi32>,
      %add3A_1155 = arith.constant 1500000 : i32
      %add3A_1156 = vector.broadcast %add3A_1155 : i32 to vector<16xi32>
      %add3A_1157 = arith.addi %gather3A_1154, %add3A_1156 : vector<16xi32>
      %swap3A_1158 = arith.constant 2016 : index
      %swap3A_1159 = tpu.vector_load %arg6[%swap3A_1158] {strides = array<i32>} : memref<3328xi32, #tpu.memory_space<vmem>>, vector<16xi32>,
      tpu.vector_store %arg6[%swap3A_1158], %add3A_1157 {strides = array<i32>} : memref<3328xi32, #tpu.memory_space<vmem>>, vector<16xi32>,
      %add3A_1160 = arith.constant 2927 : i32
      %add3A_1161 = vector.broadcast %add3A_1160 : i32 to vector<16xi32>
      %add3A_1162 = arith.addi %mul3A_13, %add3A_1161 : vector<16xi32>
      %gather3A_1163 = tpu.vector_load_idx %arg5[%add3A_1162] : memref<3328xi32, #tpu.memory_space<vmem>>[vector<16xi32>], vector<16xi32>,
      %add3A_1164 = arith.constant 1500000 : i32
      %add3A_1165 = vector.broadcast %add3A_1164 : i32 to vector<16xi32>
      %add3A_1166 = arith.addi %gather3A_1163, %add3A_1165 : vector<16xi32>
      %swap3A_1167 = arith.constant 2032 : index
      %swap3A_1168 = tpu.vector_load %arg6[%swap3A_1167] {strides = array<i32>} : memref<3328xi32, #tpu.memory_space<vmem>>, vector<16xi32>,
      tpu.vector_store %arg6[%swap3A_1167], %add3A_1166 {strides = array<i32>} : memref<3328xi32, #tpu.memory_space<vmem>>, vector<16xi32>,
      %add3A_1169 = arith.constant 16 : i32
      %add3A_1170 = vector.broadcast %add3A_1169 : i32 to vector<16xi32>
      %add3A_1171 = arith.addi %mul3A_13, %add3A_1170 : vector<16xi32>
      %gather3A_1172 = tpu.vector_load_idx %arg5[%add3A_1171] : memref<3328xi32, #tpu.memory_space<vmem>>[vector<16xi32>], vector<16xi32>,
      %add3A_1173 = arith.constant 1600000 : i32
      %add3A_1174 = vector.broadcast %add3A_1173 : i32 to vector<16xi32>
      %add3A_1175 = arith.addi %gather3A_1172, %add3A_1174 : vector<16xi32>
      %swap3A_1176 = arith.constant 2048 : index
      %swap3A_1177 = tpu.vector_load %arg6[%swap3A_1176] {strides = array<i32>} : memref<3328xi32, #tpu.memory_space<vmem>>, vector<16xi32>,
      tpu.vector_store %arg6[%swap3A_1176], %add3A_1175 {strides = array<i32>} : memref<3328xi32, #tpu.memory_space<vmem>>, vector<16xi32>,
      %add3A_1178 = arith.constant 432 : i32
      %add3A_1179 = vector.broadcast %add3A_1178 : i32 to vector<16xi32>
      %add3A_1180 = arith.addi %mul3A_13, %add3A_1179 : vector<16xi32>
      %gather3A_1181 = tpu.vector_load_idx %arg5[%add3A_1180] : memref<3328xi32, #tpu.memory_space<vmem>>[vector<16xi32>], vector<16xi32>,
      %add3A_1182 = arith.constant 1600000 : i32
      %add3A_1183 = vector.broadcast %add3A_1182 : i32 to vector<16xi32>
      %add3A_1184 = arith.addi %gather3A_1181, %add3A_1183 : vector<16xi32>
      %swap3A_1185 = arith.constant 2064 : index
      %swap3A_1186 = tpu.vector_load %arg6[%swap3A_1185] {strides = array<i32>} : memref<3328xi32, #tpu.memory_space<vmem>>, vector<16xi32>,
      tpu.vector_store %arg6[%swap3A_1185], %add3A_1184 {strides = array<i32>} : memref<3328xi32, #tpu.memory_space<vmem>>, vector<16xi32>,
      %add3A_1187 = arith.constant 848 : i32
      %add3A_1188 = vector.broadcast %add3A_1187 : i32 to vector<16xi32>
      %add3A_1189 = arith.addi %mul3A_13, %add3A_1188 : vector<16xi32>
      %gather3A_1190 = tpu.vector_load_idx %arg5[%add3A_1189] : memref<3328xi32, #tpu.memory_space<vmem>>[vector<16xi32>], vector<16xi32>,
      %add3A_1191 = arith.constant 1600000 : i32
      %add3A_1192 = vector.broadcast %add3A_1191 : i32 to vector<16xi32>
      %add3A_1193 = arith.addi %gather3A_1190, %add3A_1192 : vector<16xi32>
      %swap3A_1194 = arith.constant 2080 : index
      %swap3A_1195 = tpu.vector_load %arg6[%swap3A_1194] {strides = array<i32>} : memref<3328xi32, #tpu.memory_space<vmem>>, vector<16xi32>,
      tpu.vector_store %arg6[%swap3A_1194], %add3A_1193 {strides = array<i32>} : memref<3328xi32, #tpu.memory_space<vmem>>, vector<16xi32>,
      %add3A_1196 = arith.constant 1264 : i32
      %add3A_1197 = vector.broadcast %add3A_1196 : i32 to vector<16xi32>
      %add3A_1198 = arith.addi %mul3A_13, %add3A_1197 : vector<16xi32>
      %gather3A_1199 = tpu.vector_load_idx %arg5[%add3A_1198] : memref<3328xi32, #tpu.memory_space<vmem>>[vector<16xi32>], vector<16xi32>,
      %add3A_1200 = arith.constant 1600000 : i32
      %add3A_1201 = vector.broadcast %add3A_1200 : i32 to vector<16xi32>
      %add3A_1202 = arith.addi %gather3A_1199, %add3A_1201 : vector<16xi32>
      %swap3A_1203 = arith.constant 2096 : index
      %swap3A_1204 = tpu.vector_load %arg6[%swap3A_1203] {strides = array<i32>} : memref<3328xi32, #tpu.memory_space<vmem>>, vector<16xi32>,
      tpu.vector_store %arg6[%swap3A_1203], %add3A_1202 {strides = array<i32>} : memref<3328xi32, #tpu.memory_space<vmem>>, vector<16xi32>,
      %add3A_1205 = arith.constant 1680 : i32
      %add3A_1206 = vector.broadcast %add3A_1205 : i32 to vector<16xi32>
      %add3A_1207 = arith.addi %mul3A_13, %add3A_1206 : vector<16xi32>
      %gather3A_1208 = tpu.vector_load_idx %arg5[%add3A_1207] : memref<3328xi32, #tpu.memory_space<vmem>>[vector<16xi32>], vector<16xi32>,
      %add3A_1209 = arith.constant 1600000 : i32
      %add3A_1210 = vector.broadcast %add3A_1209 : i32 to vector<16xi32>
      %add3A_1211 = arith.addi %gather3A_1208, %add3A_1210 : vector<16xi32>
      %swap3A_1212 = arith.constant 2112 : index
      %swap3A_1213 = tpu.vector_load %arg6[%swap3A_1212] {strides = array<i32>} : memref<3328xi32, #tpu.memory_space<vmem>>, vector<16xi32>,
      tpu.vector_store %arg6[%swap3A_1212], %add3A_1211 {strides = array<i32>} : memref<3328xi32, #tpu.memory_space<vmem>>, vector<16xi32>,
      %add3A_1214 = arith.constant 2096 : i32
      %add3A_1215 = vector.broadcast %add3A_1214 : i32 to vector<16xi32>
      %add3A_1216 = arith.addi %mul3A_13, %add3A_1215 : vector<16xi32>
      %gather3A_1217 = tpu.vector_load_idx %arg5[%add3A_1216] : memref<3328xi32, #tpu.memory_space<vmem>>[vector<16xi32>], vector<16xi32>,
      %add3A_1218 = arith.constant 1600000 : i32
      %add3A_1219 = vector.broadcast %add3A_1218 : i32 to vector<16xi32>
      %add3A_1220 = arith.addi %gather3A_1217, %add3A_1219 : vector<16xi32>
      %swap3A_1221 = arith.constant 2128 : index
      %swap3A_1222 = tpu.vector_load %arg6[%swap3A_1221] {strides = array<i32>} : memref<3328xi32, #tpu.memory_space<vmem>>, vector<16xi32>,
      tpu.vector_store %arg6[%swap3A_1221], %add3A_1220 {strides = array<i32>} : memref<3328xi32, #tpu.memory_space<vmem>>, vector<16xi32>,
      %add3A_1223 = arith.constant 2512 : i32
      %add3A_1224 = vector.broadcast %add3A_1223 : i32 to vector<16xi32>
      %add3A_1225 = arith.addi %mul3A_13, %add3A_1224 : vector<16xi32>
      %gather3A_1226 = tpu.vector_load_idx %arg5[%add3A_1225] : memref<3328xi32, #tpu.memory_space<vmem>>[vector<16xi32>], vector<16xi32>,
      %add3A_1227 = arith.constant 1600000 : i32
      %add3A_1228 = vector.broadcast %add3A_1227 : i32 to vector<16xi32>
      %add3A_1229 = arith.addi %gather3A_1226, %add3A_1228 : vector<16xi32>
      %swap3A_1230 = arith.constant 2144 : index
      %swap3A_1231 = tpu.vector_load %arg6[%swap3A_1230] {strides = array<i32>} : memref<3328xi32, #tpu.memory_space<vmem>>, vector<16xi32>,
      tpu.vector_store %arg6[%swap3A_1230], %add3A_1229 {strides = array<i32>} : memref<3328xi32, #tpu.memory_space<vmem>>, vector<16xi32>,
      %add3A_1232 = arith.constant 2928 : i32
      %add3A_1233 = vector.broadcast %add3A_1232 : i32 to vector<16xi32>
      %add3A_1234 = arith.addi %mul3A_13, %add3A_1233 : vector<16xi32>
      %gather3A_1235 = tpu.vector_load_idx %arg5[%add3A_1234] : memref<3328xi32, #tpu.memory_space<vmem>>[vector<16xi32>], vector<16xi32>,
      %add3A_1236 = arith.constant 1600000 : i32
      %add3A_1237 = vector.broadcast %add3A_1236 : i32 to vector<16xi32>
      %add3A_1238 = arith.addi %gather3A_1235, %add3A_1237 : vector<16xi32>
      %swap3A_1239 = arith.constant 2160 : index
      %swap3A_1240 = tpu.vector_load %arg6[%swap3A_1239] {strides = array<i32>} : memref<3328xi32, #tpu.memory_space<vmem>>, vector<16xi32>,
      tpu.vector_store %arg6[%swap3A_1239], %add3A_1238 {strides = array<i32>} : memref<3328xi32, #tpu.memory_space<vmem>>, vector<16xi32>,
      %add3A_1241 = arith.constant 17 : i32
      %add3A_1242 = vector.broadcast %add3A_1241 : i32 to vector<16xi32>
      %add3A_1243 = arith.addi %mul3A_13, %add3A_1242 : vector<16xi32>
      %gather3A_1244 = tpu.vector_load_idx %arg5[%add3A_1243] : memref<3328xi32, #tpu.memory_space<vmem>>[vector<16xi32>], vector<16xi32>,
      %add3A_1245 = arith.constant 1700000 : i32
      %add3A_1246 = vector.broadcast %add3A_1245 : i32 to vector<16xi32>
      %add3A_1247 = arith.addi %gather3A_1244, %add3A_1246 : vector<16xi32>
      %swap3A_1248 = arith.constant 2176 : index
      %swap3A_1249 = tpu.vector_load %arg6[%swap3A_1248] {strides = array<i32>} : memref<3328xi32, #tpu.memory_space<vmem>>, vector<16xi32>,
      tpu.vector_store %arg6[%swap3A_1248], %add3A_1247 {strides = array<i32>} : memref<3328xi32, #tpu.memory_space<vmem>>, vector<16xi32>,
      %add3A_1250 = arith.constant 433 : i32
      %add3A_1251 = vector.broadcast %add3A_1250 : i32 to vector<16xi32>
      %add3A_1252 = arith.addi %mul3A_13, %add3A_1251 : vector<16xi32>
      %gather3A_1253 = tpu.vector_load_idx %arg5[%add3A_1252] : memref<3328xi32, #tpu.memory_space<vmem>>[vector<16xi32>], vector<16xi32>,
      %add3A_1254 = arith.constant 1700000 : i32
      %add3A_1255 = vector.broadcast %add3A_1254 : i32 to vector<16xi32>
      %add3A_1256 = arith.addi %gather3A_1253, %add3A_1255 : vector<16xi32>
      %swap3A_1257 = arith.constant 2192 : index
      %swap3A_1258 = tpu.vector_load %arg6[%swap3A_1257] {strides = array<i32>} : memref<3328xi32, #tpu.memory_space<vmem>>, vector<16xi32>,
      tpu.vector_store %arg6[%swap3A_1257], %add3A_1256 {strides = array<i32>} : memref<3328xi32, #tpu.memory_space<vmem>>, vector<16xi32>,
      %add3A_1259 = arith.constant 849 : i32
      %add3A_1260 = vector.broadcast %add3A_1259 : i32 to vector<16xi32>
      %add3A_1261 = arith.addi %mul3A_13, %add3A_1260 : vector<16xi32>
      %gather3A_1262 = tpu.vector_load_idx %arg5[%add3A_1261] : memref<3328xi32, #tpu.memory_space<vmem>>[vector<16xi32>], vector<16xi32>,
      %add3A_1263 = arith.constant 1700000 : i32
      %add3A_1264 = vector.broadcast %add3A_1263 : i32 to vector<16xi32>
      %add3A_1265 = arith.addi %gather3A_1262, %add3A_1264 : vector<16xi32>
      %swap3A_1266 = arith.constant 2208 : index
      %swap3A_1267 = tpu.vector_load %arg6[%swap3A_1266] {strides = array<i32>} : memref<3328xi32, #tpu.memory_space<vmem>>, vector<16xi32>,
      tpu.vector_store %arg6[%swap3A_1266], %add3A_1265 {strides = array<i32>} : memref<3328xi32, #tpu.memory_space<vmem>>, vector<16xi32>,
      %add3A_1268 = arith.constant 1265 : i32
      %add3A_1269 = vector.broadcast %add3A_1268 : i32 to vector<16xi32>
      %add3A_1270 = arith.addi %mul3A_13, %add3A_1269 : vector<16xi32>
      %gather3A_1271 = tpu.vector_load_idx %arg5[%add3A_1270] : memref<3328xi32, #tpu.memory_space<vmem>>[vector<16xi32>], vector<16xi32>,
      %add3A_1272 = arith.constant 1700000 : i32
      %add3A_1273 = vector.broadcast %add3A_1272 : i32 to vector<16xi32>
      %add3A_1274 = arith.addi %gather3A_1271, %add3A_1273 : vector<16xi32>
      %swap3A_1275 = arith.constant 2224 : index
      %swap3A_1276 = tpu.vector_load %arg6[%swap3A_1275] {strides = array<i32>} : memref<3328xi32, #tpu.memory_space<vmem>>, vector<16xi32>,
      tpu.vector_store %arg6[%swap3A_1275], %add3A_1274 {strides = array<i32>} : memref<3328xi32, #tpu.memory_space<vmem>>, vector<16xi32>,
      %add3A_1277 = arith.constant 1681 : i32
      %add3A_1278 = vector.broadcast %add3A_1277 : i32 to vector<16xi32>
      %add3A_1279 = arith.addi %mul3A_13, %add3A_1278 : vector<16xi32>
      %gather3A_1280 = tpu.vector_load_idx %arg5[%add3A_1279] : memref<3328xi32, #tpu.memory_space<vmem>>[vector<16xi32>], vector<16xi32>,
      %add3A_1281 = arith.constant 1700000 : i32
      %add3A_1282 = vector.broadcast %add3A_1281 : i32 to vector<16xi32>
      %add3A_1283 = arith.addi %gather3A_1280, %add3A_1282 : vector<16xi32>
      %swap3A_1284 = arith.constant 2240 : index
      %swap3A_1285 = tpu.vector_load %arg6[%swap3A_1284] {strides = array<i32>} : memref<3328xi32, #tpu.memory_space<vmem>>, vector<16xi32>,
      tpu.vector_store %arg6[%swap3A_1284], %add3A_1283 {strides = array<i32>} : memref<3328xi32, #tpu.memory_space<vmem>>, vector<16xi32>,
      %add3A_1286 = arith.constant 2097 : i32
      %add3A_1287 = vector.broadcast %add3A_1286 : i32 to vector<16xi32>
      %add3A_1288 = arith.addi %mul3A_13, %add3A_1287 : vector<16xi32>
      %gather3A_1289 = tpu.vector_load_idx %arg5[%add3A_1288] : memref<3328xi32, #tpu.memory_space<vmem>>[vector<16xi32>], vector<16xi32>,
      %add3A_1290 = arith.constant 1700000 : i32
      %add3A_1291 = vector.broadcast %add3A_1290 : i32 to vector<16xi32>
      %add3A_1292 = arith.addi %gather3A_1289, %add3A_1291 : vector<16xi32>
      %swap3A_1293 = arith.constant 2256 : index
      %swap3A_1294 = tpu.vector_load %arg6[%swap3A_1293] {strides = array<i32>} : memref<3328xi32, #tpu.memory_space<vmem>>, vector<16xi32>,
      tpu.vector_store %arg6[%swap3A_1293], %add3A_1292 {strides = array<i32>} : memref<3328xi32, #tpu.memory_space<vmem>>, vector<16xi32>,
      %add3A_1295 = arith.constant 2513 : i32
      %add3A_1296 = vector.broadcast %add3A_1295 : i32 to vector<16xi32>
      %add3A_1297 = arith.addi %mul3A_13, %add3A_1296 : vector<16xi32>
      %gather3A_1298 = tpu.vector_load_idx %arg5[%add3A_1297] : memref<3328xi32, #tpu.memory_space<vmem>>[vector<16xi32>], vector<16xi32>,
      %add3A_1299 = arith.constant 1700000 : i32
      %add3A_1300 = vector.broadcast %add3A_1299 : i32 to vector<16xi32>
      %add3A_1301 = arith.addi %gather3A_1298, %add3A_1300 : vector<16xi32>
      %swap3A_1302 = arith.constant 2272 : index
      %swap3A_1303 = tpu.vector_load %arg6[%swap3A_1302] {strides = array<i32>} : memref<3328xi32, #tpu.memory_space<vmem>>, vector<16xi32>,
      tpu.vector_store %arg6[%swap3A_1302], %add3A_1301 {strides = array<i32>} : memref<3328xi32, #tpu.memory_space<vmem>>, vector<16xi32>,
      %add3A_1304 = arith.constant 2929 : i32
      %add3A_1305 = vector.broadcast %add3A_1304 : i32 to vector<16xi32>
      %add3A_1306 = arith.addi %mul3A_13, %add3A_1305 : vector<16xi32>
      %gather3A_1307 = tpu.vector_load_idx %arg5[%add3A_1306] : memref<3328xi32, #tpu.memory_space<vmem>>[vector<16xi32>], vector<16xi32>,
      %add3A_1308 = arith.constant 1700000 : i32
      %add3A_1309 = vector.broadcast %add3A_1308 : i32 to vector<16xi32>
      %add3A_1310 = arith.addi %gather3A_1307, %add3A_1309 : vector<16xi32>
      %swap3A_1311 = arith.constant 2288 : index
      %swap3A_1312 = tpu.vector_load %arg6[%swap3A_1311] {strides = array<i32>} : memref<3328xi32, #tpu.memory_space<vmem>>, vector<16xi32>,
      tpu.vector_store %arg6[%swap3A_1311], %add3A_1310 {strides = array<i32>} : memref<3328xi32, #tpu.memory_space<vmem>>, vector<16xi32>,
      %add3A_1313 = arith.constant 18 : i32
      %add3A_1314 = vector.broadcast %add3A_1313 : i32 to vector<16xi32>
      %add3A_1315 = arith.addi %mul3A_13, %add3A_1314 : vector<16xi32>
      %gather3A_1316 = tpu.vector_load_idx %arg5[%add3A_1315] : memref<3328xi32, #tpu.memory_space<vmem>>[vector<16xi32>], vector<16xi32>,
      %add3A_1317 = arith.constant 1800000 : i32
      %add3A_1318 = vector.broadcast %add3A_1317 : i32 to vector<16xi32>
      %add3A_1319 = arith.addi %gather3A_1316, %add3A_1318 : vector<16xi32>
      %swap3A_1320 = arith.constant 2304 : index
      %swap3A_1321 = tpu.vector_load %arg6[%swap3A_1320] {strides = array<i32>} : memref<3328xi32, #tpu.memory_space<vmem>>, vector<16xi32>,
      tpu.vector_store %arg6[%swap3A_1320], %add3A_1319 {strides = array<i32>} : memref<3328xi32, #tpu.memory_space<vmem>>, vector<16xi32>,
      %add3A_1322 = arith.constant 434 : i32
      %add3A_1323 = vector.broadcast %add3A_1322 : i32 to vector<16xi32>
      %add3A_1324 = arith.addi %mul3A_13, %add3A_1323 : vector<16xi32>
      %gather3A_1325 = tpu.vector_load_idx %arg5[%add3A_1324] : memref<3328xi32, #tpu.memory_space<vmem>>[vector<16xi32>], vector<16xi32>,
      %add3A_1326 = arith.constant 1800000 : i32
      %add3A_1327 = vector.broadcast %add3A_1326 : i32 to vector<16xi32>
      %add3A_1328 = arith.addi %gather3A_1325, %add3A_1327 : vector<16xi32>
      %swap3A_1329 = arith.constant 2320 : index
      %swap3A_1330 = tpu.vector_load %arg6[%swap3A_1329] {strides = array<i32>} : memref<3328xi32, #tpu.memory_space<vmem>>, vector<16xi32>,
      tpu.vector_store %arg6[%swap3A_1329], %add3A_1328 {strides = array<i32>} : memref<3328xi32, #tpu.memory_space<vmem>>, vector<16xi32>,
      %add3A_1331 = arith.constant 850 : i32
      %add3A_1332 = vector.broadcast %add3A_1331 : i32 to vector<16xi32>
      %add3A_1333 = arith.addi %mul3A_13, %add3A_1332 : vector<16xi32>
      %gather3A_1334 = tpu.vector_load_idx %arg5[%add3A_1333] : memref<3328xi32, #tpu.memory_space<vmem>>[vector<16xi32>], vector<16xi32>,
      %add3A_1335 = arith.constant 1800000 : i32
      %add3A_1336 = vector.broadcast %add3A_1335 : i32 to vector<16xi32>
      %add3A_1337 = arith.addi %gather3A_1334, %add3A_1336 : vector<16xi32>
      %swap3A_1338 = arith.constant 2336 : index
      %swap3A_1339 = tpu.vector_load %arg6[%swap3A_1338] {strides = array<i32>} : memref<3328xi32, #tpu.memory_space<vmem>>, vector<16xi32>,
      tpu.vector_store %arg6[%swap3A_1338], %add3A_1337 {strides = array<i32>} : memref<3328xi32, #tpu.memory_space<vmem>>, vector<16xi32>,
      %add3A_1340 = arith.constant 1266 : i32
      %add3A_1341 = vector.broadcast %add3A_1340 : i32 to vector<16xi32>
      %add3A_1342 = arith.addi %mul3A_13, %add3A_1341 : vector<16xi32>
      %gather3A_1343 = tpu.vector_load_idx %arg5[%add3A_1342] : memref<3328xi32, #tpu.memory_space<vmem>>[vector<16xi32>], vector<16xi32>,
      %add3A_1344 = arith.constant 1800000 : i32
      %add3A_1345 = vector.broadcast %add3A_1344 : i32 to vector<16xi32>
      %add3A_1346 = arith.addi %gather3A_1343, %add3A_1345 : vector<16xi32>
      %swap3A_1347 = arith.constant 2352 : index
      %swap3A_1348 = tpu.vector_load %arg6[%swap3A_1347] {strides = array<i32>} : memref<3328xi32, #tpu.memory_space<vmem>>, vector<16xi32>,
      tpu.vector_store %arg6[%swap3A_1347], %add3A_1346 {strides = array<i32>} : memref<3328xi32, #tpu.memory_space<vmem>>, vector<16xi32>,
      %add3A_1349 = arith.constant 1682 : i32
      %add3A_1350 = vector.broadcast %add3A_1349 : i32 to vector<16xi32>
      %add3A_1351 = arith.addi %mul3A_13, %add3A_1350 : vector<16xi32>
      %gather3A_1352 = tpu.vector_load_idx %arg5[%add3A_1351] : memref<3328xi32, #tpu.memory_space<vmem>>[vector<16xi32>], vector<16xi32>,
      %add3A_1353 = arith.constant 1800000 : i32
      %add3A_1354 = vector.broadcast %add3A_1353 : i32 to vector<16xi32>
      %add3A_1355 = arith.addi %gather3A_1352, %add3A_1354 : vector<16xi32>
      %swap3A_1356 = arith.constant 2368 : index
      %swap3A_1357 = tpu.vector_load %arg6[%swap3A_1356] {strides = array<i32>} : memref<3328xi32, #tpu.memory_space<vmem>>, vector<16xi32>,
      tpu.vector_store %arg6[%swap3A_1356], %add3A_1355 {strides = array<i32>} : memref<3328xi32, #tpu.memory_space<vmem>>, vector<16xi32>,
      %add3A_1358 = arith.constant 2098 : i32
      %add3A_1359 = vector.broadcast %add3A_1358 : i32 to vector<16xi32>
      %add3A_1360 = arith.addi %mul3A_13, %add3A_1359 : vector<16xi32>
      %gather3A_1361 = tpu.vector_load_idx %arg5[%add3A_1360] : memref<3328xi32, #tpu.memory_space<vmem>>[vector<16xi32>], vector<16xi32>,
      %add3A_1362 = arith.constant 1800000 : i32
      %add3A_1363 = vector.broadcast %add3A_1362 : i32 to vector<16xi32>
      %add3A_1364 = arith.addi %gather3A_1361, %add3A_1363 : vector<16xi32>
      %swap3A_1365 = arith.constant 2384 : index
      %swap3A_1366 = tpu.vector_load %arg6[%swap3A_1365] {strides = array<i32>} : memref<3328xi32, #tpu.memory_space<vmem>>, vector<16xi32>,
      tpu.vector_store %arg6[%swap3A_1365], %add3A_1364 {strides = array<i32>} : memref<3328xi32, #tpu.memory_space<vmem>>, vector<16xi32>,
      %add3A_1367 = arith.constant 2514 : i32
      %add3A_1368 = vector.broadcast %add3A_1367 : i32 to vector<16xi32>
      %add3A_1369 = arith.addi %mul3A_13, %add3A_1368 : vector<16xi32>
      %gather3A_1370 = tpu.vector_load_idx %arg5[%add3A_1369] : memref<3328xi32, #tpu.memory_space<vmem>>[vector<16xi32>], vector<16xi32>,
      %add3A_1371 = arith.constant 1800000 : i32
      %add3A_1372 = vector.broadcast %add3A_1371 : i32 to vector<16xi32>
      %add3A_1373 = arith.addi %gather3A_1370, %add3A_1372 : vector<16xi32>
      %swap3A_1374 = arith.constant 2400 : index
      %swap3A_1375 = tpu.vector_load %arg6[%swap3A_1374] {strides = array<i32>} : memref<3328xi32, #tpu.memory_space<vmem>>, vector<16xi32>,
      tpu.vector_store %arg6[%swap3A_1374], %add3A_1373 {strides = array<i32>} : memref<3328xi32, #tpu.memory_space<vmem>>, vector<16xi32>,
      %add3A_1376 = arith.constant 2930 : i32
      %add3A_1377 = vector.broadcast %add3A_1376 : i32 to vector<16xi32>
      %add3A_1378 = arith.addi %mul3A_13, %add3A_1377 : vector<16xi32>
      %gather3A_1379 = tpu.vector_load_idx %arg5[%add3A_1378] : memref<3328xi32, #tpu.memory_space<vmem>>[vector<16xi32>], vector<16xi32>,
      %add3A_1380 = arith.constant 1800000 : i32
      %add3A_1381 = vector.broadcast %add3A_1380 : i32 to vector<16xi32>
      %add3A_1382 = arith.addi %gather3A_1379, %add3A_1381 : vector<16xi32>
      %swap3A_1383 = arith.constant 2416 : index
      %swap3A_1384 = tpu.vector_load %arg6[%swap3A_1383] {strides = array<i32>} : memref<3328xi32, #tpu.memory_space<vmem>>, vector<16xi32>,
      tpu.vector_store %arg6[%swap3A_1383], %add3A_1382 {strides = array<i32>} : memref<3328xi32, #tpu.memory_space<vmem>>, vector<16xi32>,
      %add3A_1385 = arith.constant 19 : i32
      %add3A_1386 = vector.broadcast %add3A_1385 : i32 to vector<16xi32>
      %add3A_1387 = arith.addi %mul3A_13, %add3A_1386 : vector<16xi32>
      %gather3A_1388 = tpu.vector_load_idx %arg5[%add3A_1387] : memref<3328xi32, #tpu.memory_space<vmem>>[vector<16xi32>], vector<16xi32>,
      %add3A_1389 = arith.constant 1900000 : i32
      %add3A_1390 = vector.broadcast %add3A_1389 : i32 to vector<16xi32>
      %add3A_1391 = arith.addi %gather3A_1388, %add3A_1390 : vector<16xi32>
      %swap3A_1392 = arith.constant 2432 : index
      %swap3A_1393 = tpu.vector_load %arg6[%swap3A_1392] {strides = array<i32>} : memref<3328xi32, #tpu.memory_space<vmem>>, vector<16xi32>,
      tpu.vector_store %arg6[%swap3A_1392], %add3A_1391 {strides = array<i32>} : memref<3328xi32, #tpu.memory_space<vmem>>, vector<16xi32>,
      %add3A_1394 = arith.constant 435 : i32
      %add3A_1395 = vector.broadcast %add3A_1394 : i32 to vector<16xi32>
      %add3A_1396 = arith.addi %mul3A_13, %add3A_1395 : vector<16xi32>
      %gather3A_1397 = tpu.vector_load_idx %arg5[%add3A_1396] : memref<3328xi32, #tpu.memory_space<vmem>>[vector<16xi32>], vector<16xi32>,
      %add3A_1398 = arith.constant 1900000 : i32
      %add3A_1399 = vector.broadcast %add3A_1398 : i32 to vector<16xi32>
      %add3A_1400 = arith.addi %gather3A_1397, %add3A_1399 : vector<16xi32>
      %swap3A_1401 = arith.constant 2448 : index
      %swap3A_1402 = tpu.vector_load %arg6[%swap3A_1401] {strides = array<i32>} : memref<3328xi32, #tpu.memory_space<vmem>>, vector<16xi32>,
      tpu.vector_store %arg6[%swap3A_1401], %add3A_1400 {strides = array<i32>} : memref<3328xi32, #tpu.memory_space<vmem>>, vector<16xi32>,
      %add3A_1403 = arith.constant 851 : i32
      %add3A_1404 = vector.broadcast %add3A_1403 : i32 to vector<16xi32>
      %add3A_1405 = arith.addi %mul3A_13, %add3A_1404 : vector<16xi32>
      %gather3A_1406 = tpu.vector_load_idx %arg5[%add3A_1405] : memref<3328xi32, #tpu.memory_space<vmem>>[vector<16xi32>], vector<16xi32>,
      %add3A_1407 = arith.constant 1900000 : i32
      %add3A_1408 = vector.broadcast %add3A_1407 : i32 to vector<16xi32>
      %add3A_1409 = arith.addi %gather3A_1406, %add3A_1408 : vector<16xi32>
      %swap3A_1410 = arith.constant 2464 : index
      %swap3A_1411 = tpu.vector_load %arg6[%swap3A_1410] {strides = array<i32>} : memref<3328xi32, #tpu.memory_space<vmem>>, vector<16xi32>,
      tpu.vector_store %arg6[%swap3A_1410], %add3A_1409 {strides = array<i32>} : memref<3328xi32, #tpu.memory_space<vmem>>, vector<16xi32>,
      %add3A_1412 = arith.constant 1267 : i32
      %add3A_1413 = vector.broadcast %add3A_1412 : i32 to vector<16xi32>
      %add3A_1414 = arith.addi %mul3A_13, %add3A_1413 : vector<16xi32>
      %gather3A_1415 = tpu.vector_load_idx %arg5[%add3A_1414] : memref<3328xi32, #tpu.memory_space<vmem>>[vector<16xi32>], vector<16xi32>,
      %add3A_1416 = arith.constant 1900000 : i32
      %add3A_1417 = vector.broadcast %add3A_1416 : i32 to vector<16xi32>
      %add3A_1418 = arith.addi %gather3A_1415, %add3A_1417 : vector<16xi32>
      %swap3A_1419 = arith.constant 2480 : index
      %swap3A_1420 = tpu.vector_load %arg6[%swap3A_1419] {strides = array<i32>} : memref<3328xi32, #tpu.memory_space<vmem>>, vector<16xi32>,
      tpu.vector_store %arg6[%swap3A_1419], %add3A_1418 {strides = array<i32>} : memref<3328xi32, #tpu.memory_space<vmem>>, vector<16xi32>,
      %add3A_1421 = arith.constant 1683 : i32
      %add3A_1422 = vector.broadcast %add3A_1421 : i32 to vector<16xi32>
      %add3A_1423 = arith.addi %mul3A_13, %add3A_1422 : vector<16xi32>
      %gather3A_1424 = tpu.vector_load_idx %arg5[%add3A_1423] : memref<3328xi32, #tpu.memory_space<vmem>>[vector<16xi32>], vector<16xi32>,
      %add3A_1425 = arith.constant 1900000 : i32
      %add3A_1426 = vector.broadcast %add3A_1425 : i32 to vector<16xi32>
      %add3A_1427 = arith.addi %gather3A_1424, %add3A_1426 : vector<16xi32>
      %swap3A_1428 = arith.constant 2496 : index
      %swap3A_1429 = tpu.vector_load %arg6[%swap3A_1428] {strides = array<i32>} : memref<3328xi32, #tpu.memory_space<vmem>>, vector<16xi32>,
      tpu.vector_store %arg6[%swap3A_1428], %add3A_1427 {strides = array<i32>} : memref<3328xi32, #tpu.memory_space<vmem>>, vector<16xi32>,
      %add3A_1430 = arith.constant 2099 : i32
      %add3A_1431 = vector.broadcast %add3A_1430 : i32 to vector<16xi32>
      %add3A_1432 = arith.addi %mul3A_13, %add3A_1431 : vector<16xi32>
      %gather3A_1433 = tpu.vector_load_idx %arg5[%add3A_1432] : memref<3328xi32, #tpu.memory_space<vmem>>[vector<16xi32>], vector<16xi32>,
      %add3A_1434 = arith.constant 1900000 : i32
      %add3A_1435 = vector.broadcast %add3A_1434 : i32 to vector<16xi32>
      %add3A_1436 = arith.addi %gather3A_1433, %add3A_1435 : vector<16xi32>
      %swap3A_1437 = arith.constant 2512 : index
      %swap3A_1438 = tpu.vector_load %arg6[%swap3A_1437] {strides = array<i32>} : memref<3328xi32, #tpu.memory_space<vmem>>, vector<16xi32>,
      tpu.vector_store %arg6[%swap3A_1437], %add3A_1436 {strides = array<i32>} : memref<3328xi32, #tpu.memory_space<vmem>>, vector<16xi32>,
      %add3A_1439 = arith.constant 2515 : i32
      %add3A_1440 = vector.broadcast %add3A_1439 : i32 to vector<16xi32>
      %add3A_1441 = arith.addi %mul3A_13, %add3A_1440 : vector<16xi32>
      %gather3A_1442 = tpu.vector_load_idx %arg5[%add3A_1441] : memref<3328xi32, #tpu.memory_space<vmem>>[vector<16xi32>], vector<16xi32>,
      %add3A_1443 = arith.constant 1900000 : i32
      %add3A_1444 = vector.broadcast %add3A_1443 : i32 to vector<16xi32>
      %add3A_1445 = arith.addi %gather3A_1442, %add3A_1444 : vector<16xi32>
      %swap3A_1446 = arith.constant 2528 : index
      %swap3A_1447 = tpu.vector_load %arg6[%swap3A_1446] {strides = array<i32>} : memref<3328xi32, #tpu.memory_space<vmem>>, vector<16xi32>,
      tpu.vector_store %arg6[%swap3A_1446], %add3A_1445 {strides = array<i32>} : memref<3328xi32, #tpu.memory_space<vmem>>, vector<16xi32>,
      %add3A_1448 = arith.constant 2931 : i32
      %add3A_1449 = vector.broadcast %add3A_1448 : i32 to vector<16xi32>
      %add3A_1450 = arith.addi %mul3A_13, %add3A_1449 : vector<16xi32>
      %gather3A_1451 = tpu.vector_load_idx %arg5[%add3A_1450] : memref<3328xi32, #tpu.memory_space<vmem>>[vector<16xi32>], vector<16xi32>,
      %add3A_1452 = arith.constant 1900000 : i32
      %add3A_1453 = vector.broadcast %add3A_1452 : i32 to vector<16xi32>
      %add3A_1454 = arith.addi %gather3A_1451, %add3A_1453 : vector<16xi32>
      %swap3A_1455 = arith.constant 2544 : index
      %swap3A_1456 = tpu.vector_load %arg6[%swap3A_1455] {strides = array<i32>} : memref<3328xi32, #tpu.memory_space<vmem>>, vector<16xi32>,
      tpu.vector_store %arg6[%swap3A_1455], %add3A_1454 {strides = array<i32>} : memref<3328xi32, #tpu.memory_space<vmem>>, vector<16xi32>,
      %add3A_1457 = arith.constant 20 : i32
      %add3A_1458 = vector.broadcast %add3A_1457 : i32 to vector<16xi32>
      %add3A_1459 = arith.addi %mul3A_13, %add3A_1458 : vector<16xi32>
      %gather3A_1460 = tpu.vector_load_idx %arg5[%add3A_1459] : memref<3328xi32, #tpu.memory_space<vmem>>[vector<16xi32>], vector<16xi32>,
      %add3A_1461 = arith.constant 2000000 : i32
      %add3A_1462 = vector.broadcast %add3A_1461 : i32 to vector<16xi32>
      %add3A_1463 = arith.addi %gather3A_1460, %add3A_1462 : vector<16xi32>
      %swap3A_1464 = arith.constant 2560 : index
      %swap3A_1465 = tpu.vector_load %arg6[%swap3A_1464] {strides = array<i32>} : memref<3328xi32, #tpu.memory_space<vmem>>, vector<16xi32>,
      tpu.vector_store %arg6[%swap3A_1464], %add3A_1463 {strides = array<i32>} : memref<3328xi32, #tpu.memory_space<vmem>>, vector<16xi32>,
      %add3A_1466 = arith.constant 436 : i32
      %add3A_1467 = vector.broadcast %add3A_1466 : i32 to vector<16xi32>
      %add3A_1468 = arith.addi %mul3A_13, %add3A_1467 : vector<16xi32>
      %gather3A_1469 = tpu.vector_load_idx %arg5[%add3A_1468] : memref<3328xi32, #tpu.memory_space<vmem>>[vector<16xi32>], vector<16xi32>,
      %add3A_1470 = arith.constant 2000000 : i32
      %add3A_1471 = vector.broadcast %add3A_1470 : i32 to vector<16xi32>
      %add3A_1472 = arith.addi %gather3A_1469, %add3A_1471 : vector<16xi32>
      %swap3A_1473 = arith.constant 2576 : index
      %swap3A_1474 = tpu.vector_load %arg6[%swap3A_1473] {strides = array<i32>} : memref<3328xi32, #tpu.memory_space<vmem>>, vector<16xi32>,
      tpu.vector_store %arg6[%swap3A_1473], %add3A_1472 {strides = array<i32>} : memref<3328xi32, #tpu.memory_space<vmem>>, vector<16xi32>,
      %add3A_1475 = arith.constant 852 : i32
      %add3A_1476 = vector.broadcast %add3A_1475 : i32 to vector<16xi32>
      %add3A_1477 = arith.addi %mul3A_13, %add3A_1476 : vector<16xi32>
      %gather3A_1478 = tpu.vector_load_idx %arg5[%add3A_1477] : memref<3328xi32, #tpu.memory_space<vmem>>[vector<16xi32>], vector<16xi32>,
      %add3A_1479 = arith.constant 2000000 : i32
      %add3A_1480 = vector.broadcast %add3A_1479 : i32 to vector<16xi32>
      %add3A_1481 = arith.addi %gather3A_1478, %add3A_1480 : vector<16xi32>
      %swap3A_1482 = arith.constant 2592 : index
      %swap3A_1483 = tpu.vector_load %arg6[%swap3A_1482] {strides = array<i32>} : memref<3328xi32, #tpu.memory_space<vmem>>, vector<16xi32>,
      tpu.vector_store %arg6[%swap3A_1482], %add3A_1481 {strides = array<i32>} : memref<3328xi32, #tpu.memory_space<vmem>>, vector<16xi32>,
      %add3A_1484 = arith.constant 1268 : i32
      %add3A_1485 = vector.broadcast %add3A_1484 : i32 to vector<16xi32>
      %add3A_1486 = arith.addi %mul3A_13, %add3A_1485 : vector<16xi32>
      %gather3A_1487 = tpu.vector_load_idx %arg5[%add3A_1486] : memref<3328xi32, #tpu.memory_space<vmem>>[vector<16xi32>], vector<16xi32>,
      %add3A_1488 = arith.constant 2000000 : i32
      %add3A_1489 = vector.broadcast %add3A_1488 : i32 to vector<16xi32>
      %add3A_1490 = arith.addi %gather3A_1487, %add3A_1489 : vector<16xi32>
      %swap3A_1491 = arith.constant 2608 : index
      %swap3A_1492 = tpu.vector_load %arg6[%swap3A_1491] {strides = array<i32>} : memref<3328xi32, #tpu.memory_space<vmem>>, vector<16xi32>,
      tpu.vector_store %arg6[%swap3A_1491], %add3A_1490 {strides = array<i32>} : memref<3328xi32, #tpu.memory_space<vmem>>, vector<16xi32>,
      %add3A_1493 = arith.constant 1684 : i32
      %add3A_1494 = vector.broadcast %add3A_1493 : i32 to vector<16xi32>
      %add3A_1495 = arith.addi %mul3A_13, %add3A_1494 : vector<16xi32>
      %gather3A_1496 = tpu.vector_load_idx %arg5[%add3A_1495] : memref<3328xi32, #tpu.memory_space<vmem>>[vector<16xi32>], vector<16xi32>,
      %add3A_1497 = arith.constant 2000000 : i32
      %add3A_1498 = vector.broadcast %add3A_1497 : i32 to vector<16xi32>
      %add3A_1499 = arith.addi %gather3A_1496, %add3A_1498 : vector<16xi32>
      %swap3A_1500 = arith.constant 2624 : index
      %swap3A_1501 = tpu.vector_load %arg6[%swap3A_1500] {strides = array<i32>} : memref<3328xi32, #tpu.memory_space<vmem>>, vector<16xi32>,
      tpu.vector_store %arg6[%swap3A_1500], %add3A_1499 {strides = array<i32>} : memref<3328xi32, #tpu.memory_space<vmem>>, vector<16xi32>,
      %add3A_1502 = arith.constant 2100 : i32
      %add3A_1503 = vector.broadcast %add3A_1502 : i32 to vector<16xi32>
      %add3A_1504 = arith.addi %mul3A_13, %add3A_1503 : vector<16xi32>
      %gather3A_1505 = tpu.vector_load_idx %arg5[%add3A_1504] : memref<3328xi32, #tpu.memory_space<vmem>>[vector<16xi32>], vector<16xi32>,
      %add3A_1506 = arith.constant 2000000 : i32
      %add3A_1507 = vector.broadcast %add3A_1506 : i32 to vector<16xi32>
      %add3A_1508 = arith.addi %gather3A_1505, %add3A_1507 : vector<16xi32>
      %swap3A_1509 = arith.constant 2640 : index
      %swap3A_1510 = tpu.vector_load %arg6[%swap3A_1509] {strides = array<i32>} : memref<3328xi32, #tpu.memory_space<vmem>>, vector<16xi32>,
      tpu.vector_store %arg6[%swap3A_1509], %add3A_1508 {strides = array<i32>} : memref<3328xi32, #tpu.memory_space<vmem>>, vector<16xi32>,
      %add3A_1511 = arith.constant 2516 : i32
      %add3A_1512 = vector.broadcast %add3A_1511 : i32 to vector<16xi32>
      %add3A_1513 = arith.addi %mul3A_13, %add3A_1512 : vector<16xi32>
      %gather3A_1514 = tpu.vector_load_idx %arg5[%add3A_1513] : memref<3328xi32, #tpu.memory_space<vmem>>[vector<16xi32>], vector<16xi32>,
      %add3A_1515 = arith.constant 2000000 : i32
      %add3A_1516 = vector.broadcast %add3A_1515 : i32 to vector<16xi32>
      %add3A_1517 = arith.addi %gather3A_1514, %add3A_1516 : vector<16xi32>
      %swap3A_1518 = arith.constant 2656 : index
      %swap3A_1519 = tpu.vector_load %arg6[%swap3A_1518] {strides = array<i32>} : memref<3328xi32, #tpu.memory_space<vmem>>, vector<16xi32>,
      tpu.vector_store %arg6[%swap3A_1518], %add3A_1517 {strides = array<i32>} : memref<3328xi32, #tpu.memory_space<vmem>>, vector<16xi32>,
      %add3A_1520 = arith.constant 2932 : i32
      %add3A_1521 = vector.broadcast %add3A_1520 : i32 to vector<16xi32>
      %add3A_1522 = arith.addi %mul3A_13, %add3A_1521 : vector<16xi32>
      %gather3A_1523 = tpu.vector_load_idx %arg5[%add3A_1522] : memref<3328xi32, #tpu.memory_space<vmem>>[vector<16xi32>], vector<16xi32>,
      %add3A_1524 = arith.constant 2000000 : i32
      %add3A_1525 = vector.broadcast %add3A_1524 : i32 to vector<16xi32>
      %add3A_1526 = arith.addi %gather3A_1523, %add3A_1525 : vector<16xi32>
      %swap3A_1527 = arith.constant 2672 : index
      %swap3A_1528 = tpu.vector_load %arg6[%swap3A_1527] {strides = array<i32>} : memref<3328xi32, #tpu.memory_space<vmem>>, vector<16xi32>,
      tpu.vector_store %arg6[%swap3A_1527], %add3A_1526 {strides = array<i32>} : memref<3328xi32, #tpu.memory_space<vmem>>, vector<16xi32>,
      %add3A_1529 = arith.constant 21 : i32
      %add3A_1530 = vector.broadcast %add3A_1529 : i32 to vector<16xi32>
      %add3A_1531 = arith.addi %mul3A_13, %add3A_1530 : vector<16xi32>
      %gather3A_1532 = tpu.vector_load_idx %arg5[%add3A_1531] : memref<3328xi32, #tpu.memory_space<vmem>>[vector<16xi32>], vector<16xi32>,
      %add3A_1533 = arith.constant 2100000 : i32
      %add3A_1534 = vector.broadcast %add3A_1533 : i32 to vector<16xi32>
      %add3A_1535 = arith.addi %gather3A_1532, %add3A_1534 : vector<16xi32>
      %swap3A_1536 = arith.constant 2688 : index
      %swap3A_1537 = tpu.vector_load %arg6[%swap3A_1536] {strides = array<i32>} : memref<3328xi32, #tpu.memory_space<vmem>>, vector<16xi32>,
      tpu.vector_store %arg6[%swap3A_1536], %add3A_1535 {strides = array<i32>} : memref<3328xi32, #tpu.memory_space<vmem>>, vector<16xi32>,
      %add3A_1538 = arith.constant 437 : i32
      %add3A_1539 = vector.broadcast %add3A_1538 : i32 to vector<16xi32>
      %add3A_1540 = arith.addi %mul3A_13, %add3A_1539 : vector<16xi32>
      %gather3A_1541 = tpu.vector_load_idx %arg5[%add3A_1540] : memref<3328xi32, #tpu.memory_space<vmem>>[vector<16xi32>], vector<16xi32>,
      %add3A_1542 = arith.constant 2100000 : i32
      %add3A_1543 = vector.broadcast %add3A_1542 : i32 to vector<16xi32>
      %add3A_1544 = arith.addi %gather3A_1541, %add3A_1543 : vector<16xi32>
      %swap3A_1545 = arith.constant 2704 : index
      %swap3A_1546 = tpu.vector_load %arg6[%swap3A_1545] {strides = array<i32>} : memref<3328xi32, #tpu.memory_space<vmem>>, vector<16xi32>,
      tpu.vector_store %arg6[%swap3A_1545], %add3A_1544 {strides = array<i32>} : memref<3328xi32, #tpu.memory_space<vmem>>, vector<16xi32>,
      %add3A_1547 = arith.constant 853 : i32
      %add3A_1548 = vector.broadcast %add3A_1547 : i32 to vector<16xi32>
      %add3A_1549 = arith.addi %mul3A_13, %add3A_1548 : vector<16xi32>
      %gather3A_1550 = tpu.vector_load_idx %arg5[%add3A_1549] : memref<3328xi32, #tpu.memory_space<vmem>>[vector<16xi32>], vector<16xi32>,
      %add3A_1551 = arith.constant 2100000 : i32
      %add3A_1552 = vector.broadcast %add3A_1551 : i32 to vector<16xi32>
      %add3A_1553 = arith.addi %gather3A_1550, %add3A_1552 : vector<16xi32>
      %swap3A_1554 = arith.constant 2720 : index
      %swap3A_1555 = tpu.vector_load %arg6[%swap3A_1554] {strides = array<i32>} : memref<3328xi32, #tpu.memory_space<vmem>>, vector<16xi32>,
      tpu.vector_store %arg6[%swap3A_1554], %add3A_1553 {strides = array<i32>} : memref<3328xi32, #tpu.memory_space<vmem>>, vector<16xi32>,
      %add3A_1556 = arith.constant 1269 : i32
      %add3A_1557 = vector.broadcast %add3A_1556 : i32 to vector<16xi32>
      %add3A_1558 = arith.addi %mul3A_13, %add3A_1557 : vector<16xi32>
      %gather3A_1559 = tpu.vector_load_idx %arg5[%add3A_1558] : memref<3328xi32, #tpu.memory_space<vmem>>[vector<16xi32>], vector<16xi32>,
      %add3A_1560 = arith.constant 2100000 : i32
      %add3A_1561 = vector.broadcast %add3A_1560 : i32 to vector<16xi32>
      %add3A_1562 = arith.addi %gather3A_1559, %add3A_1561 : vector<16xi32>
      %swap3A_1563 = arith.constant 2736 : index
      %swap3A_1564 = tpu.vector_load %arg6[%swap3A_1563] {strides = array<i32>} : memref<3328xi32, #tpu.memory_space<vmem>>, vector<16xi32>,
      tpu.vector_store %arg6[%swap3A_1563], %add3A_1562 {strides = array<i32>} : memref<3328xi32, #tpu.memory_space<vmem>>, vector<16xi32>,
      %add3A_1565 = arith.constant 1685 : i32
      %add3A_1566 = vector.broadcast %add3A_1565 : i32 to vector<16xi32>
      %add3A_1567 = arith.addi %mul3A_13, %add3A_1566 : vector<16xi32>
      %gather3A_1568 = tpu.vector_load_idx %arg5[%add3A_1567] : memref<3328xi32, #tpu.memory_space<vmem>>[vector<16xi32>], vector<16xi32>,
      %add3A_1569 = arith.constant 2100000 : i32
      %add3A_1570 = vector.broadcast %add3A_1569 : i32 to vector<16xi32>
      %add3A_1571 = arith.addi %gather3A_1568, %add3A_1570 : vector<16xi32>
      %swap3A_1572 = arith.constant 2752 : index
      %swap3A_1573 = tpu.vector_load %arg6[%swap3A_1572] {strides = array<i32>} : memref<3328xi32, #tpu.memory_space<vmem>>, vector<16xi32>,
      tpu.vector_store %arg6[%swap3A_1572], %add3A_1571 {strides = array<i32>} : memref<3328xi32, #tpu.memory_space<vmem>>, vector<16xi32>,
      %add3A_1574 = arith.constant 2101 : i32
      %add3A_1575 = vector.broadcast %add3A_1574 : i32 to vector<16xi32>
      %add3A_1576 = arith.addi %mul3A_13, %add3A_1575 : vector<16xi32>
      %gather3A_1577 = tpu.vector_load_idx %arg5[%add3A_1576] : memref<3328xi32, #tpu.memory_space<vmem>>[vector<16xi32>], vector<16xi32>,
      %add3A_1578 = arith.constant 2100000 : i32
      %add3A_1579 = vector.broadcast %add3A_1578 : i32 to vector<16xi32>
      %add3A_1580 = arith.addi %gather3A_1577, %add3A_1579 : vector<16xi32>
      %swap3A_1581 = arith.constant 2768 : index
      %swap3A_1582 = tpu.vector_load %arg6[%swap3A_1581] {strides = array<i32>} : memref<3328xi32, #tpu.memory_space<vmem>>, vector<16xi32>,
      tpu.vector_store %arg6[%swap3A_1581], %add3A_1580 {strides = array<i32>} : memref<3328xi32, #tpu.memory_space<vmem>>, vector<16xi32>,
      %add3A_1583 = arith.constant 2517 : i32
      %add3A_1584 = vector.broadcast %add3A_1583 : i32 to vector<16xi32>
      %add3A_1585 = arith.addi %mul3A_13, %add3A_1584 : vector<16xi32>
      %gather3A_1586 = tpu.vector_load_idx %arg5[%add3A_1585] : memref<3328xi32, #tpu.memory_space<vmem>>[vector<16xi32>], vector<16xi32>,
      %add3A_1587 = arith.constant 2100000 : i32
      %add3A_1588 = vector.broadcast %add3A_1587 : i32 to vector<16xi32>
      %add3A_1589 = arith.addi %gather3A_1586, %add3A_1588 : vector<16xi32>
      %swap3A_1590 = arith.constant 2784 : index
      %swap3A_1591 = tpu.vector_load %arg6[%swap3A_1590] {strides = array<i32>} : memref<3328xi32, #tpu.memory_space<vmem>>, vector<16xi32>,
      tpu.vector_store %arg6[%swap3A_1590], %add3A_1589 {strides = array<i32>} : memref<3328xi32, #tpu.memory_space<vmem>>, vector<16xi32>,
      %add3A_1592 = arith.constant 2933 : i32
      %add3A_1593 = vector.broadcast %add3A_1592 : i32 to vector<16xi32>
      %add3A_1594 = arith.addi %mul3A_13, %add3A_1593 : vector<16xi32>
      %gather3A_1595 = tpu.vector_load_idx %arg5[%add3A_1594] : memref<3328xi32, #tpu.memory_space<vmem>>[vector<16xi32>], vector<16xi32>,
      %add3A_1596 = arith.constant 2100000 : i32
      %add3A_1597 = vector.broadcast %add3A_1596 : i32 to vector<16xi32>
      %add3A_1598 = arith.addi %gather3A_1595, %add3A_1597 : vector<16xi32>
      %swap3A_1599 = arith.constant 2800 : index
      %swap3A_1600 = tpu.vector_load %arg6[%swap3A_1599] {strides = array<i32>} : memref<3328xi32, #tpu.memory_space<vmem>>, vector<16xi32>,
      tpu.vector_store %arg6[%swap3A_1599], %add3A_1598 {strides = array<i32>} : memref<3328xi32, #tpu.memory_space<vmem>>, vector<16xi32>,
      %add3A_1601 = arith.constant 22 : i32
      %add3A_1602 = vector.broadcast %add3A_1601 : i32 to vector<16xi32>
      %add3A_1603 = arith.addi %mul3A_13, %add3A_1602 : vector<16xi32>
      %gather3A_1604 = tpu.vector_load_idx %arg5[%add3A_1603] : memref<3328xi32, #tpu.memory_space<vmem>>[vector<16xi32>], vector<16xi32>,
      %add3A_1605 = arith.constant 2200000 : i32
      %add3A_1606 = vector.broadcast %add3A_1605 : i32 to vector<16xi32>
      %add3A_1607 = arith.addi %gather3A_1604, %add3A_1606 : vector<16xi32>
      %swap3A_1608 = arith.constant 2816 : index
      %swap3A_1609 = tpu.vector_load %arg6[%swap3A_1608] {strides = array<i32>} : memref<3328xi32, #tpu.memory_space<vmem>>, vector<16xi32>,
      tpu.vector_store %arg6[%swap3A_1608], %add3A_1607 {strides = array<i32>} : memref<3328xi32, #tpu.memory_space<vmem>>, vector<16xi32>,
      %add3A_1610 = arith.constant 438 : i32
      %add3A_1611 = vector.broadcast %add3A_1610 : i32 to vector<16xi32>
      %add3A_1612 = arith.addi %mul3A_13, %add3A_1611 : vector<16xi32>
      %gather3A_1613 = tpu.vector_load_idx %arg5[%add3A_1612] : memref<3328xi32, #tpu.memory_space<vmem>>[vector<16xi32>], vector<16xi32>,
      %add3A_1614 = arith.constant 2200000 : i32
      %add3A_1615 = vector.broadcast %add3A_1614 : i32 to vector<16xi32>
      %add3A_1616 = arith.addi %gather3A_1613, %add3A_1615 : vector<16xi32>
      %swap3A_1617 = arith.constant 2832 : index
      %swap3A_1618 = tpu.vector_load %arg6[%swap3A_1617] {strides = array<i32>} : memref<3328xi32, #tpu.memory_space<vmem>>, vector<16xi32>,
      tpu.vector_store %arg6[%swap3A_1617], %add3A_1616 {strides = array<i32>} : memref<3328xi32, #tpu.memory_space<vmem>>, vector<16xi32>,
      %add3A_1619 = arith.constant 854 : i32
      %add3A_1620 = vector.broadcast %add3A_1619 : i32 to vector<16xi32>
      %add3A_1621 = arith.addi %mul3A_13, %add3A_1620 : vector<16xi32>
      %gather3A_1622 = tpu.vector_load_idx %arg5[%add3A_1621] : memref<3328xi32, #tpu.memory_space<vmem>>[vector<16xi32>], vector<16xi32>,
      %add3A_1623 = arith.constant 2200000 : i32
      %add3A_1624 = vector.broadcast %add3A_1623 : i32 to vector<16xi32>
      %add3A_1625 = arith.addi %gather3A_1622, %add3A_1624 : vector<16xi32>
      %swap3A_1626 = arith.constant 2848 : index
      %swap3A_1627 = tpu.vector_load %arg6[%swap3A_1626] {strides = array<i32>} : memref<3328xi32, #tpu.memory_space<vmem>>, vector<16xi32>,
      tpu.vector_store %arg6[%swap3A_1626], %add3A_1625 {strides = array<i32>} : memref<3328xi32, #tpu.memory_space<vmem>>, vector<16xi32>,
      %add3A_1628 = arith.constant 1270 : i32
      %add3A_1629 = vector.broadcast %add3A_1628 : i32 to vector<16xi32>
      %add3A_1630 = arith.addi %mul3A_13, %add3A_1629 : vector<16xi32>
      %gather3A_1631 = tpu.vector_load_idx %arg5[%add3A_1630] : memref<3328xi32, #tpu.memory_space<vmem>>[vector<16xi32>], vector<16xi32>,
      %add3A_1632 = arith.constant 2200000 : i32
      %add3A_1633 = vector.broadcast %add3A_1632 : i32 to vector<16xi32>
      %add3A_1634 = arith.addi %gather3A_1631, %add3A_1633 : vector<16xi32>
      %swap3A_1635 = arith.constant 2864 : index
      %swap3A_1636 = tpu.vector_load %arg6[%swap3A_1635] {strides = array<i32>} : memref<3328xi32, #tpu.memory_space<vmem>>, vector<16xi32>,
      tpu.vector_store %arg6[%swap3A_1635], %add3A_1634 {strides = array<i32>} : memref<3328xi32, #tpu.memory_space<vmem>>, vector<16xi32>,
      %add3A_1637 = arith.constant 1686 : i32
      %add3A_1638 = vector.broadcast %add3A_1637 : i32 to vector<16xi32>
      %add3A_1639 = arith.addi %mul3A_13, %add3A_1638 : vector<16xi32>
      %gather3A_1640 = tpu.vector_load_idx %arg5[%add3A_1639] : memref<3328xi32, #tpu.memory_space<vmem>>[vector<16xi32>], vector<16xi32>,
      %add3A_1641 = arith.constant 2200000 : i32
      %add3A_1642 = vector.broadcast %add3A_1641 : i32 to vector<16xi32>
      %add3A_1643 = arith.addi %gather3A_1640, %add3A_1642 : vector<16xi32>
      %swap3A_1644 = arith.constant 2880 : index
      %swap3A_1645 = tpu.vector_load %arg6[%swap3A_1644] {strides = array<i32>} : memref<3328xi32, #tpu.memory_space<vmem>>, vector<16xi32>,
      tpu.vector_store %arg6[%swap3A_1644], %add3A_1643 {strides = array<i32>} : memref<3328xi32, #tpu.memory_space<vmem>>, vector<16xi32>,
      %add3A_1646 = arith.constant 2102 : i32
      %add3A_1647 = vector.broadcast %add3A_1646 : i32 to vector<16xi32>
      %add3A_1648 = arith.addi %mul3A_13, %add3A_1647 : vector<16xi32>
      %gather3A_1649 = tpu.vector_load_idx %arg5[%add3A_1648] : memref<3328xi32, #tpu.memory_space<vmem>>[vector<16xi32>], vector<16xi32>,
      %add3A_1650 = arith.constant 2200000 : i32
      %add3A_1651 = vector.broadcast %add3A_1650 : i32 to vector<16xi32>
      %add3A_1652 = arith.addi %gather3A_1649, %add3A_1651 : vector<16xi32>
      %swap3A_1653 = arith.constant 2896 : index
      %swap3A_1654 = tpu.vector_load %arg6[%swap3A_1653] {strides = array<i32>} : memref<3328xi32, #tpu.memory_space<vmem>>, vector<16xi32>,
      tpu.vector_store %arg6[%swap3A_1653], %add3A_1652 {strides = array<i32>} : memref<3328xi32, #tpu.memory_space<vmem>>, vector<16xi32>,
      %add3A_1655 = arith.constant 2518 : i32
      %add3A_1656 = vector.broadcast %add3A_1655 : i32 to vector<16xi32>
      %add3A_1657 = arith.addi %mul3A_13, %add3A_1656 : vector<16xi32>
      %gather3A_1658 = tpu.vector_load_idx %arg5[%add3A_1657] : memref<3328xi32, #tpu.memory_space<vmem>>[vector<16xi32>], vector<16xi32>,
      %add3A_1659 = arith.constant 2200000 : i32
      %add3A_1660 = vector.broadcast %add3A_1659 : i32 to vector<16xi32>
      %add3A_1661 = arith.addi %gather3A_1658, %add3A_1660 : vector<16xi32>
      %swap3A_1662 = arith.constant 2912 : index
      %swap3A_1663 = tpu.vector_load %arg6[%swap3A_1662] {strides = array<i32>} : memref<3328xi32, #tpu.memory_space<vmem>>, vector<16xi32>,
      tpu.vector_store %arg6[%swap3A_1662], %add3A_1661 {strides = array<i32>} : memref<3328xi32, #tpu.memory_space<vmem>>, vector<16xi32>,
      %add3A_1664 = arith.constant 2934 : i32
      %add3A_1665 = vector.broadcast %add3A_1664 : i32 to vector<16xi32>
      %add3A_1666 = arith.addi %mul3A_13, %add3A_1665 : vector<16xi32>
      %gather3A_1667 = tpu.vector_load_idx %arg5[%add3A_1666] : memref<3328xi32, #tpu.memory_space<vmem>>[vector<16xi32>], vector<16xi32>,
      %add3A_1668 = arith.constant 2200000 : i32
      %add3A_1669 = vector.broadcast %add3A_1668 : i32 to vector<16xi32>
      %add3A_1670 = arith.addi %gather3A_1667, %add3A_1669 : vector<16xi32>
      %swap3A_1671 = arith.constant 2928 : index
      %swap3A_1672 = tpu.vector_load %arg6[%swap3A_1671] {strides = array<i32>} : memref<3328xi32, #tpu.memory_space<vmem>>, vector<16xi32>,
      tpu.vector_store %arg6[%swap3A_1671], %add3A_1670 {strides = array<i32>} : memref<3328xi32, #tpu.memory_space<vmem>>, vector<16xi32>,
      %add3A_1673 = arith.constant 23 : i32
      %add3A_1674 = vector.broadcast %add3A_1673 : i32 to vector<16xi32>
      %add3A_1675 = arith.addi %mul3A_13, %add3A_1674 : vector<16xi32>
      %gather3A_1676 = tpu.vector_load_idx %arg5[%add3A_1675] : memref<3328xi32, #tpu.memory_space<vmem>>[vector<16xi32>], vector<16xi32>,
      %add3A_1677 = arith.constant 2300000 : i32
      %add3A_1678 = vector.broadcast %add3A_1677 : i32 to vector<16xi32>
      %add3A_1679 = arith.addi %gather3A_1676, %add3A_1678 : vector<16xi32>
      %swap3A_1680 = arith.constant 2944 : index
      %swap3A_1681 = tpu.vector_load %arg6[%swap3A_1680] {strides = array<i32>} : memref<3328xi32, #tpu.memory_space<vmem>>, vector<16xi32>,
      tpu.vector_store %arg6[%swap3A_1680], %add3A_1679 {strides = array<i32>} : memref<3328xi32, #tpu.memory_space<vmem>>, vector<16xi32>,
      %add3A_1682 = arith.constant 439 : i32
      %add3A_1683 = vector.broadcast %add3A_1682 : i32 to vector<16xi32>
      %add3A_1684 = arith.addi %mul3A_13, %add3A_1683 : vector<16xi32>
      %gather3A_1685 = tpu.vector_load_idx %arg5[%add3A_1684] : memref<3328xi32, #tpu.memory_space<vmem>>[vector<16xi32>], vector<16xi32>,
      %add3A_1686 = arith.constant 2300000 : i32
      %add3A_1687 = vector.broadcast %add3A_1686 : i32 to vector<16xi32>
      %add3A_1688 = arith.addi %gather3A_1685, %add3A_1687 : vector<16xi32>
      %swap3A_1689 = arith.constant 2960 : index
      %swap3A_1690 = tpu.vector_load %arg6[%swap3A_1689] {strides = array<i32>} : memref<3328xi32, #tpu.memory_space<vmem>>, vector<16xi32>,
      tpu.vector_store %arg6[%swap3A_1689], %add3A_1688 {strides = array<i32>} : memref<3328xi32, #tpu.memory_space<vmem>>, vector<16xi32>,
      %add3A_1691 = arith.constant 855 : i32
      %add3A_1692 = vector.broadcast %add3A_1691 : i32 to vector<16xi32>
      %add3A_1693 = arith.addi %mul3A_13, %add3A_1692 : vector<16xi32>
      %gather3A_1694 = tpu.vector_load_idx %arg5[%add3A_1693] : memref<3328xi32, #tpu.memory_space<vmem>>[vector<16xi32>], vector<16xi32>,
      %add3A_1695 = arith.constant 2300000 : i32
      %add3A_1696 = vector.broadcast %add3A_1695 : i32 to vector<16xi32>
      %add3A_1697 = arith.addi %gather3A_1694, %add3A_1696 : vector<16xi32>
      %swap3A_1698 = arith.constant 2976 : index
      %swap3A_1699 = tpu.vector_load %arg6[%swap3A_1698] {strides = array<i32>} : memref<3328xi32, #tpu.memory_space<vmem>>, vector<16xi32>,
      tpu.vector_store %arg6[%swap3A_1698], %add3A_1697 {strides = array<i32>} : memref<3328xi32, #tpu.memory_space<vmem>>, vector<16xi32>,
      %add3A_1700 = arith.constant 1271 : i32
      %add3A_1701 = vector.broadcast %add3A_1700 : i32 to vector<16xi32>
      %add3A_1702 = arith.addi %mul3A_13, %add3A_1701 : vector<16xi32>
      %gather3A_1703 = tpu.vector_load_idx %arg5[%add3A_1702] : memref<3328xi32, #tpu.memory_space<vmem>>[vector<16xi32>], vector<16xi32>,
      %add3A_1704 = arith.constant 2300000 : i32
      %add3A_1705 = vector.broadcast %add3A_1704 : i32 to vector<16xi32>
      %add3A_1706 = arith.addi %gather3A_1703, %add3A_1705 : vector<16xi32>
      %swap3A_1707 = arith.constant 2992 : index
      %swap3A_1708 = tpu.vector_load %arg6[%swap3A_1707] {strides = array<i32>} : memref<3328xi32, #tpu.memory_space<vmem>>, vector<16xi32>,
      tpu.vector_store %arg6[%swap3A_1707], %add3A_1706 {strides = array<i32>} : memref<3328xi32, #tpu.memory_space<vmem>>, vector<16xi32>,
      %add3A_1709 = arith.constant 1687 : i32
      %add3A_1710 = vector.broadcast %add3A_1709 : i32 to vector<16xi32>
      %add3A_1711 = arith.addi %mul3A_13, %add3A_1710 : vector<16xi32>
      %gather3A_1712 = tpu.vector_load_idx %arg5[%add3A_1711] : memref<3328xi32, #tpu.memory_space<vmem>>[vector<16xi32>], vector<16xi32>,
      %add3A_1713 = arith.constant 2300000 : i32
      %add3A_1714 = vector.broadcast %add3A_1713 : i32 to vector<16xi32>
      %add3A_1715 = arith.addi %gather3A_1712, %add3A_1714 : vector<16xi32>
      %swap3A_1716 = arith.constant 3008 : index
      %swap3A_1717 = tpu.vector_load %arg6[%swap3A_1716] {strides = array<i32>} : memref<3328xi32, #tpu.memory_space<vmem>>, vector<16xi32>,
      tpu.vector_store %arg6[%swap3A_1716], %add3A_1715 {strides = array<i32>} : memref<3328xi32, #tpu.memory_space<vmem>>, vector<16xi32>,
      %add3A_1718 = arith.constant 2103 : i32
      %add3A_1719 = vector.broadcast %add3A_1718 : i32 to vector<16xi32>
      %add3A_1720 = arith.addi %mul3A_13, %add3A_1719 : vector<16xi32>
      %gather3A_1721 = tpu.vector_load_idx %arg5[%add3A_1720] : memref<3328xi32, #tpu.memory_space<vmem>>[vector<16xi32>], vector<16xi32>,
      %add3A_1722 = arith.constant 2300000 : i32
      %add3A_1723 = vector.broadcast %add3A_1722 : i32 to vector<16xi32>
      %add3A_1724 = arith.addi %gather3A_1721, %add3A_1723 : vector<16xi32>
      %swap3A_1725 = arith.constant 3024 : index
      %swap3A_1726 = tpu.vector_load %arg6[%swap3A_1725] {strides = array<i32>} : memref<3328xi32, #tpu.memory_space<vmem>>, vector<16xi32>,
      tpu.vector_store %arg6[%swap3A_1725], %add3A_1724 {strides = array<i32>} : memref<3328xi32, #tpu.memory_space<vmem>>, vector<16xi32>,
      %add3A_1727 = arith.constant 2519 : i32
      %add3A_1728 = vector.broadcast %add3A_1727 : i32 to vector<16xi32>
      %add3A_1729 = arith.addi %mul3A_13, %add3A_1728 : vector<16xi32>
      %gather3A_1730 = tpu.vector_load_idx %arg5[%add3A_1729] : memref<3328xi32, #tpu.memory_space<vmem>>[vector<16xi32>], vector<16xi32>,
      %add3A_1731 = arith.constant 2300000 : i32
      %add3A_1732 = vector.broadcast %add3A_1731 : i32 to vector<16xi32>
      %add3A_1733 = arith.addi %gather3A_1730, %add3A_1732 : vector<16xi32>
      %swap3A_1734 = arith.constant 3040 : index
      %swap3A_1735 = tpu.vector_load %arg6[%swap3A_1734] {strides = array<i32>} : memref<3328xi32, #tpu.memory_space<vmem>>, vector<16xi32>,
      tpu.vector_store %arg6[%swap3A_1734], %add3A_1733 {strides = array<i32>} : memref<3328xi32, #tpu.memory_space<vmem>>, vector<16xi32>,
      %add3A_1736 = arith.constant 2935 : i32
      %add3A_1737 = vector.broadcast %add3A_1736 : i32 to vector<16xi32>
      %add3A_1738 = arith.addi %mul3A_13, %add3A_1737 : vector<16xi32>
      %gather3A_1739 = tpu.vector_load_idx %arg5[%add3A_1738] : memref<3328xi32, #tpu.memory_space<vmem>>[vector<16xi32>], vector<16xi32>,
      %add3A_1740 = arith.constant 2300000 : i32
      %add3A_1741 = vector.broadcast %add3A_1740 : i32 to vector<16xi32>
      %add3A_1742 = arith.addi %gather3A_1739, %add3A_1741 : vector<16xi32>
      %swap3A_1743 = arith.constant 3056 : index
      %swap3A_1744 = tpu.vector_load %arg6[%swap3A_1743] {strides = array<i32>} : memref<3328xi32, #tpu.memory_space<vmem>>, vector<16xi32>,
      tpu.vector_store %arg6[%swap3A_1743], %add3A_1742 {strides = array<i32>} : memref<3328xi32, #tpu.memory_space<vmem>>, vector<16xi32>,
      %add3A_1745 = arith.constant 24 : i32
      %add3A_1746 = vector.broadcast %add3A_1745 : i32 to vector<16xi32>
      %add3A_1747 = arith.addi %mul3A_13, %add3A_1746 : vector<16xi32>
      %gather3A_1748 = tpu.vector_load_idx %arg5[%add3A_1747] : memref<3328xi32, #tpu.memory_space<vmem>>[vector<16xi32>], vector<16xi32>,
      %add3A_1749 = arith.constant 2400000 : i32
      %add3A_1750 = vector.broadcast %add3A_1749 : i32 to vector<16xi32>
      %add3A_1751 = arith.addi %gather3A_1748, %add3A_1750 : vector<16xi32>
      %swap3A_1752 = arith.constant 3072 : index
      %swap3A_1753 = tpu.vector_load %arg6[%swap3A_1752] {strides = array<i32>} : memref<3328xi32, #tpu.memory_space<vmem>>, vector<16xi32>,
      tpu.vector_store %arg6[%swap3A_1752], %add3A_1751 {strides = array<i32>} : memref<3328xi32, #tpu.memory_space<vmem>>, vector<16xi32>,
      %add3A_1754 = arith.constant 440 : i32
      %add3A_1755 = vector.broadcast %add3A_1754 : i32 to vector<16xi32>
      %add3A_1756 = arith.addi %mul3A_13, %add3A_1755 : vector<16xi32>
      %gather3A_1757 = tpu.vector_load_idx %arg5[%add3A_1756] : memref<3328xi32, #tpu.memory_space<vmem>>[vector<16xi32>], vector<16xi32>,
      %add3A_1758 = arith.constant 2400000 : i32
      %add3A_1759 = vector.broadcast %add3A_1758 : i32 to vector<16xi32>
      %add3A_1760 = arith.addi %gather3A_1757, %add3A_1759 : vector<16xi32>
      %swap3A_1761 = arith.constant 3088 : index
      %swap3A_1762 = tpu.vector_load %arg6[%swap3A_1761] {strides = array<i32>} : memref<3328xi32, #tpu.memory_space<vmem>>, vector<16xi32>,
      tpu.vector_store %arg6[%swap3A_1761], %add3A_1760 {strides = array<i32>} : memref<3328xi32, #tpu.memory_space<vmem>>, vector<16xi32>,
      %add3A_1763 = arith.constant 856 : i32
      %add3A_1764 = vector.broadcast %add3A_1763 : i32 to vector<16xi32>
      %add3A_1765 = arith.addi %mul3A_13, %add3A_1764 : vector<16xi32>
      %gather3A_1766 = tpu.vector_load_idx %arg5[%add3A_1765] : memref<3328xi32, #tpu.memory_space<vmem>>[vector<16xi32>], vector<16xi32>,
      %add3A_1767 = arith.constant 2400000 : i32
      %add3A_1768 = vector.broadcast %add3A_1767 : i32 to vector<16xi32>
      %add3A_1769 = arith.addi %gather3A_1766, %add3A_1768 : vector<16xi32>
      %swap3A_1770 = arith.constant 3104 : index
      %swap3A_1771 = tpu.vector_load %arg6[%swap3A_1770] {strides = array<i32>} : memref<3328xi32, #tpu.memory_space<vmem>>, vector<16xi32>,
      tpu.vector_store %arg6[%swap3A_1770], %add3A_1769 {strides = array<i32>} : memref<3328xi32, #tpu.memory_space<vmem>>, vector<16xi32>,
      %add3A_1772 = arith.constant 1272 : i32
      %add3A_1773 = vector.broadcast %add3A_1772 : i32 to vector<16xi32>
      %add3A_1774 = arith.addi %mul3A_13, %add3A_1773 : vector<16xi32>
      %gather3A_1775 = tpu.vector_load_idx %arg5[%add3A_1774] : memref<3328xi32, #tpu.memory_space<vmem>>[vector<16xi32>], vector<16xi32>,
      %add3A_1776 = arith.constant 2400000 : i32
      %add3A_1777 = vector.broadcast %add3A_1776 : i32 to vector<16xi32>
      %add3A_1778 = arith.addi %gather3A_1775, %add3A_1777 : vector<16xi32>
      %swap3A_1779 = arith.constant 3120 : index
      %swap3A_1780 = tpu.vector_load %arg6[%swap3A_1779] {strides = array<i32>} : memref<3328xi32, #tpu.memory_space<vmem>>, vector<16xi32>,
      tpu.vector_store %arg6[%swap3A_1779], %add3A_1778 {strides = array<i32>} : memref<3328xi32, #tpu.memory_space<vmem>>, vector<16xi32>,
      %add3A_1781 = arith.constant 1688 : i32
      %add3A_1782 = vector.broadcast %add3A_1781 : i32 to vector<16xi32>
      %add3A_1783 = arith.addi %mul3A_13, %add3A_1782 : vector<16xi32>
      %gather3A_1784 = tpu.vector_load_idx %arg5[%add3A_1783] : memref<3328xi32, #tpu.memory_space<vmem>>[vector<16xi32>], vector<16xi32>,
      %add3A_1785 = arith.constant 2400000 : i32
      %add3A_1786 = vector.broadcast %add3A_1785 : i32 to vector<16xi32>
      %add3A_1787 = arith.addi %gather3A_1784, %add3A_1786 : vector<16xi32>
      %swap3A_1788 = arith.constant 3136 : index
      %swap3A_1789 = tpu.vector_load %arg6[%swap3A_1788] {strides = array<i32>} : memref<3328xi32, #tpu.memory_space<vmem>>, vector<16xi32>,
      tpu.vector_store %arg6[%swap3A_1788], %add3A_1787 {strides = array<i32>} : memref<3328xi32, #tpu.memory_space<vmem>>, vector<16xi32>,
      %add3A_1790 = arith.constant 2104 : i32
      %add3A_1791 = vector.broadcast %add3A_1790 : i32 to vector<16xi32>
      %add3A_1792 = arith.addi %mul3A_13, %add3A_1791 : vector<16xi32>
      %gather3A_1793 = tpu.vector_load_idx %arg5[%add3A_1792] : memref<3328xi32, #tpu.memory_space<vmem>>[vector<16xi32>], vector<16xi32>,
      %add3A_1794 = arith.constant 2400000 : i32
      %add3A_1795 = vector.broadcast %add3A_1794 : i32 to vector<16xi32>
      %add3A_1796 = arith.addi %gather3A_1793, %add3A_1795 : vector<16xi32>
      %swap3A_1797 = arith.constant 3152 : index
      %swap3A_1798 = tpu.vector_load %arg6[%swap3A_1797] {strides = array<i32>} : memref<3328xi32, #tpu.memory_space<vmem>>, vector<16xi32>,
      tpu.vector_store %arg6[%swap3A_1797], %add3A_1796 {strides = array<i32>} : memref<3328xi32, #tpu.memory_space<vmem>>, vector<16xi32>,
      %add3A_1799 = arith.constant 2520 : i32
      %add3A_1800 = vector.broadcast %add3A_1799 : i32 to vector<16xi32>
      %add3A_1801 = arith.addi %mul3A_13, %add3A_1800 : vector<16xi32>
      %gather3A_1802 = tpu.vector_load_idx %arg5[%add3A_1801] : memref<3328xi32, #tpu.memory_space<vmem>>[vector<16xi32>], vector<16xi32>,
      %add3A_1803 = arith.constant 2400000 : i32
      %add3A_1804 = vector.broadcast %add3A_1803 : i32 to vector<16xi32>
      %add3A_1805 = arith.addi %gather3A_1802, %add3A_1804 : vector<16xi32>
      %swap3A_1806 = arith.constant 3168 : index
      %swap3A_1807 = tpu.vector_load %arg6[%swap3A_1806] {strides = array<i32>} : memref<3328xi32, #tpu.memory_space<vmem>>, vector<16xi32>,
      tpu.vector_store %arg6[%swap3A_1806], %add3A_1805 {strides = array<i32>} : memref<3328xi32, #tpu.memory_space<vmem>>, vector<16xi32>,
      %add3A_1808 = arith.constant 2936 : i32
      %add3A_1809 = vector.broadcast %add3A_1808 : i32 to vector<16xi32>
      %add3A_1810 = arith.addi %mul3A_13, %add3A_1809 : vector<16xi32>
      %gather3A_1811 = tpu.vector_load_idx %arg5[%add3A_1810] : memref<3328xi32, #tpu.memory_space<vmem>>[vector<16xi32>], vector<16xi32>,
      %add3A_1812 = arith.constant 2400000 : i32
      %add3A_1813 = vector.broadcast %add3A_1812 : i32 to vector<16xi32>
      %add3A_1814 = arith.addi %gather3A_1811, %add3A_1813 : vector<16xi32>
      %swap3A_1815 = arith.constant 3184 : index
      %swap3A_1816 = tpu.vector_load %arg6[%swap3A_1815] {strides = array<i32>} : memref<3328xi32, #tpu.memory_space<vmem>>, vector<16xi32>,
      tpu.vector_store %arg6[%swap3A_1815], %add3A_1814 {strides = array<i32>} : memref<3328xi32, #tpu.memory_space<vmem>>, vector<16xi32>,
      %add3A_1817 = arith.constant 25 : i32
      %add3A_1818 = vector.broadcast %add3A_1817 : i32 to vector<16xi32>
      %add3A_1819 = arith.addi %mul3A_13, %add3A_1818 : vector<16xi32>
      %gather3A_1820 = tpu.vector_load_idx %arg5[%add3A_1819] : memref<3328xi32, #tpu.memory_space<vmem>>[vector<16xi32>], vector<16xi32>,
      %add3A_1821 = arith.constant 2500000 : i32
      %add3A_1822 = vector.broadcast %add3A_1821 : i32 to vector<16xi32>
      %add3A_1823 = arith.addi %gather3A_1820, %add3A_1822 : vector<16xi32>
      %swap3A_1824 = arith.constant 3200 : index
      %swap3A_1825 = tpu.vector_load %arg6[%swap3A_1824] {strides = array<i32>} : memref<3328xi32, #tpu.memory_space<vmem>>, vector<16xi32>,
      tpu.vector_store %arg6[%swap3A_1824], %add3A_1823 {strides = array<i32>} : memref<3328xi32, #tpu.memory_space<vmem>>, vector<16xi32>,
      %add3A_1826 = arith.constant 441 : i32
      %add3A_1827 = vector.broadcast %add3A_1826 : i32 to vector<16xi32>
      %add3A_1828 = arith.addi %mul3A_13, %add3A_1827 : vector<16xi32>
      %gather3A_1829 = tpu.vector_load_idx %arg5[%add3A_1828] : memref<3328xi32, #tpu.memory_space<vmem>>[vector<16xi32>], vector<16xi32>,
      %add3A_1830 = arith.constant 2500000 : i32
      %add3A_1831 = vector.broadcast %add3A_1830 : i32 to vector<16xi32>
      %add3A_1832 = arith.addi %gather3A_1829, %add3A_1831 : vector<16xi32>
      %swap3A_1833 = arith.constant 3216 : index
      %swap3A_1834 = tpu.vector_load %arg6[%swap3A_1833] {strides = array<i32>} : memref<3328xi32, #tpu.memory_space<vmem>>, vector<16xi32>,
      tpu.vector_store %arg6[%swap3A_1833], %add3A_1832 {strides = array<i32>} : memref<3328xi32, #tpu.memory_space<vmem>>, vector<16xi32>,
      %add3A_1835 = arith.constant 857 : i32
      %add3A_1836 = vector.broadcast %add3A_1835 : i32 to vector<16xi32>
      %add3A_1837 = arith.addi %mul3A_13, %add3A_1836 : vector<16xi32>
      %gather3A_1838 = tpu.vector_load_idx %arg5[%add3A_1837] : memref<3328xi32, #tpu.memory_space<vmem>>[vector<16xi32>], vector<16xi32>,
      %add3A_1839 = arith.constant 2500000 : i32
      %add3A_1840 = vector.broadcast %add3A_1839 : i32 to vector<16xi32>
      %add3A_1841 = arith.addi %gather3A_1838, %add3A_1840 : vector<16xi32>
      %swap3A_1842 = arith.constant 3232 : index
      %swap3A_1843 = tpu.vector_load %arg6[%swap3A_1842] {strides = array<i32>} : memref<3328xi32, #tpu.memory_space<vmem>>, vector<16xi32>,
      tpu.vector_store %arg6[%swap3A_1842], %add3A_1841 {strides = array<i32>} : memref<3328xi32, #tpu.memory_space<vmem>>, vector<16xi32>,
      %add3A_1844 = arith.constant 1273 : i32
      %add3A_1845 = vector.broadcast %add3A_1844 : i32 to vector<16xi32>
      %add3A_1846 = arith.addi %mul3A_13, %add3A_1845 : vector<16xi32>
      %gather3A_1847 = tpu.vector_load_idx %arg5[%add3A_1846] : memref<3328xi32, #tpu.memory_space<vmem>>[vector<16xi32>], vector<16xi32>,
      %add3A_1848 = arith.constant 2500000 : i32
      %add3A_1849 = vector.broadcast %add3A_1848 : i32 to vector<16xi32>
      %add3A_1850 = arith.addi %gather3A_1847, %add3A_1849 : vector<16xi32>
      %swap3A_1851 = arith.constant 3248 : index
      %swap3A_1852 = tpu.vector_load %arg6[%swap3A_1851] {strides = array<i32>} : memref<3328xi32, #tpu.memory_space<vmem>>, vector<16xi32>,
      tpu.vector_store %arg6[%swap3A_1851], %add3A_1850 {strides = array<i32>} : memref<3328xi32, #tpu.memory_space<vmem>>, vector<16xi32>,
      %add3A_1853 = arith.constant 1689 : i32
      %add3A_1854 = vector.broadcast %add3A_1853 : i32 to vector<16xi32>
      %add3A_1855 = arith.addi %mul3A_13, %add3A_1854 : vector<16xi32>
      %gather3A_1856 = tpu.vector_load_idx %arg5[%add3A_1855] : memref<3328xi32, #tpu.memory_space<vmem>>[vector<16xi32>], vector<16xi32>,
      %add3A_1857 = arith.constant 2500000 : i32
      %add3A_1858 = vector.broadcast %add3A_1857 : i32 to vector<16xi32>
      %add3A_1859 = arith.addi %gather3A_1856, %add3A_1858 : vector<16xi32>
      %swap3A_1860 = arith.constant 3264 : index
      %swap3A_1861 = tpu.vector_load %arg6[%swap3A_1860] {strides = array<i32>} : memref<3328xi32, #tpu.memory_space<vmem>>, vector<16xi32>,
      tpu.vector_store %arg6[%swap3A_1860], %add3A_1859 {strides = array<i32>} : memref<3328xi32, #tpu.memory_space<vmem>>, vector<16xi32>,
      %add3A_1862 = arith.constant 2105 : i32
      %add3A_1863 = vector.broadcast %add3A_1862 : i32 to vector<16xi32>
      %add3A_1864 = arith.addi %mul3A_13, %add3A_1863 : vector<16xi32>
      %gather3A_1865 = tpu.vector_load_idx %arg5[%add3A_1864] : memref<3328xi32, #tpu.memory_space<vmem>>[vector<16xi32>], vector<16xi32>,
      %add3A_1866 = arith.constant 2500000 : i32
      %add3A_1867 = vector.broadcast %add3A_1866 : i32 to vector<16xi32>
      %add3A_1868 = arith.addi %gather3A_1865, %add3A_1867 : vector<16xi32>
      %swap3A_1869 = arith.constant 3280 : index
      %swap3A_1870 = tpu.vector_load %arg6[%swap3A_1869] {strides = array<i32>} : memref<3328xi32, #tpu.memory_space<vmem>>, vector<16xi32>,
      tpu.vector_store %arg6[%swap3A_1869], %add3A_1868 {strides = array<i32>} : memref<3328xi32, #tpu.memory_space<vmem>>, vector<16xi32>,
      %add3A_1871 = arith.constant 2521 : i32
      %add3A_1872 = vector.broadcast %add3A_1871 : i32 to vector<16xi32>
      %add3A_1873 = arith.addi %mul3A_13, %add3A_1872 : vector<16xi32>
      %gather3A_1874 = tpu.vector_load_idx %arg5[%add3A_1873] : memref<3328xi32, #tpu.memory_space<vmem>>[vector<16xi32>], vector<16xi32>,
      %add3A_1875 = arith.constant 2500000 : i32
      %add3A_1876 = vector.broadcast %add3A_1875 : i32 to vector<16xi32>
      %add3A_1877 = arith.addi %gather3A_1874, %add3A_1876 : vector<16xi32>
      %swap3A_1878 = arith.constant 3296 : index
      %swap3A_1879 = tpu.vector_load %arg6[%swap3A_1878] {strides = array<i32>} : memref<3328xi32, #tpu.memory_space<vmem>>, vector<16xi32>,
      tpu.vector_store %arg6[%swap3A_1878], %add3A_1877 {strides = array<i32>} : memref<3328xi32, #tpu.memory_space<vmem>>, vector<16xi32>,
      %add3A_1880 = arith.constant 2937 : i32
      %add3A_1881 = vector.broadcast %add3A_1880 : i32 to vector<16xi32>
      %add3A_1882 = arith.addi %mul3A_13, %add3A_1881 : vector<16xi32>
      %gather3A_1883 = tpu.vector_load_idx %arg5[%add3A_1882] : memref<3328xi32, #tpu.memory_space<vmem>>[vector<16xi32>], vector<16xi32>,
      %add3A_1884 = arith.constant 2500000 : i32
      %add3A_1885 = vector.broadcast %add3A_1884 : i32 to vector<16xi32>
      %add3A_1886 = arith.addi %gather3A_1883, %add3A_1885 : vector<16xi32>
      %swap3A_1887 = arith.constant 3312 : index
      %swap3A_1888 = tpu.vector_load %arg6[%swap3A_1887] {strides = array<i32>} : memref<3328xi32, #tpu.memory_space<vmem>>, vector<16xi32>,
      tpu.vector_store %arg6[%swap3A_1887], %add3A_1886 {strides = array<i32>} : memref<3328xi32, #tpu.memory_space<vmem>>, vector<16xi32>,
      %dma_start3A = arith.constant 0 : i32
      %dma_start3A_1889 = arith.constant 0 : i32
      %dma_start3A_1890 = tpu.memref_slice %arg7[%dma_start3A, %dma_start3A_1889] : memref<3328x16xf32, #tpu.memory_space<vmem>> -> memref<128x16xf32, #tpu.memory_space<vmem>>
      %dma_start3A_1891 = arith.constant 0 : i32
      %dma_start3A_1892 = tpu.memref_slice %arg6[%dma_start3A_1891] : memref<3328xi32, #tpu.memory_space<vmem>> -> memref<128xi32, #tpu.memory_space<vmem>>
      %dma_start3A_1893 = arith.constant 0 : i32
      %dma_start3A_1894 = arith.constant 0 : i32
      %dma_start3A_1895 = tpu.memref_slice %arg3[%dma_start3A_1893, %dma_start3A_1894] : memref<2600000x16xf32, #tpu.memory_space<hbm>> -> memref<2600000x16xf32, #tpu.memory_space<hbm>>
      tpu.enqueue_indirect_dma source(%dma_start3A_1895 : memref<2600000x16xf32, #tpu.memory_space<hbm>>) target(%dma_start3A_1890 : memref<128x16xf32, #tpu.memory_space<vmem>>) offsets(%dma_start3A_1892 : memref<128xi32, #tpu.memory_space<vmem>>) semaphore(%arg8 : memref<!tpu.dma_semaphore, #tpu.memory_space<semaphore_mem>>)
      %dma_start3A_1896 = arith.constant 128 : i32
      %dma_start3A_1897 = arith.constant 0 : i32
      %dma_start3A_1898 = tpu.memref_slice %arg7[%dma_start3A_1896, %dma_start3A_1897] : memref<3328x16xf32, #tpu.memory_space<vmem>> -> memref<128x16xf32, #tpu.memory_space<vmem>>
      %dma_start3A_1899 = arith.constant 128 : i32
      %dma_start3A_1900 = tpu.memref_slice %arg6[%dma_start3A_1899] : memref<3328xi32, #tpu.memory_space<vmem>> -> memref<128xi32, #tpu.memory_space<vmem>>
      %dma_start3A_1901 = arith.constant 0 : i32
      %dma_start3A_1902 = arith.constant 0 : i32
      %dma_start3A_1903 = tpu.memref_slice %arg3[%dma_start3A_1901, %dma_start3A_1902] : memref<2600000x16xf32, #tpu.memory_space<hbm>> -> memref<2600000x16xf32, #tpu.memory_space<hbm>>
      tpu.enqueue_indirect_dma source(%dma_start3A_1903 : memref<2600000x16xf32, #tpu.memory_space<hbm>>) target(%dma_start3A_1898 : memref<128x16xf32, #tpu.memory_space<vmem>>) offsets(%dma_start3A_1900 : memref<128xi32, #tpu.memory_space<vmem>>) semaphore(%arg8 : memref<!tpu.dma_semaphore, #tpu.memory_space<semaphore_mem>>)
      %dma_start3A_1904 = arith.constant 256 : i32
      %dma_start3A_1905 = arith.constant 0 : i32
      %dma_start3A_1906 = tpu.memref_slice %arg7[%dma_start3A_1904, %dma_start3A_1905] : memref<3328x16xf32, #tpu.memory_space<vmem>> -> memref<128x16xf32, #tpu.memory_space<vmem>>
      %dma_start3A_1907 = arith.constant 256 : i32
      %dma_start3A_1908 = tpu.memref_slice %arg6[%dma_start3A_1907] : memref<3328xi32, #tpu.memory_space<vmem>> -> memref<128xi32, #tpu.memory_space<vmem>>
      %dma_start3A_1909 = arith.constant 0 : i32
      %dma_start3A_1910 = arith.constant 0 : i32
      %dma_start3A_1911 = tpu.memref_slice %arg3[%dma_start3A_1909, %dma_start3A_1910] : memref<2600000x16xf32, #tpu.memory_space<hbm>> -> memref<2600000x16xf32, #tpu.memory_space<hbm>>
      tpu.enqueue_indirect_dma source(%dma_start3A_1911 : memref<2600000x16xf32, #tpu.memory_space<hbm>>) target(%dma_start3A_1906 : memref<128x16xf32, #tpu.memory_space<vmem>>) offsets(%dma_start3A_1908 : memref<128xi32, #tpu.memory_space<vmem>>) semaphore(%arg8 : memref<!tpu.dma_semaphore, #tpu.memory_space<semaphore_mem>>)
      %dma_start3A_1912 = arith.constant 384 : i32
      %dma_start3A_1913 = arith.constant 0 : i32
      %dma_start3A_1914 = tpu.memref_slice %arg7[%dma_start3A_1912, %dma_start3A_1913] : memref<3328x16xf32, #tpu.memory_space<vmem>> -> memref<128x16xf32, #tpu.memory_space<vmem>>
      %dma_start3A_1915 = arith.constant 384 : i32
      %dma_start3A_1916 = tpu.memref_slice %arg6[%dma_start3A_1915] : memref<3328xi32, #tpu.memory_space<vmem>> -> memref<128xi32, #tpu.memory_space<vmem>>
      %dma_start3A_1917 = arith.constant 0 : i32
      %dma_start3A_1918 = arith.constant 0 : i32
      %dma_start3A_1919 = tpu.memref_slice %arg3[%dma_start3A_1917, %dma_start3A_1918] : memref<2600000x16xf32, #tpu.memory_space<hbm>> -> memref<2600000x16xf32, #tpu.memory_space<hbm>>
      tpu.enqueue_indirect_dma source(%dma_start3A_1919 : memref<2600000x16xf32, #tpu.memory_space<hbm>>) target(%dma_start3A_1914 : memref<128x16xf32, #tpu.memory_space<vmem>>) offsets(%dma_start3A_1916 : memref<128xi32, #tpu.memory_space<vmem>>) semaphore(%arg8 : memref<!tpu.dma_semaphore, #tpu.memory_space<semaphore_mem>>)
      %dma_start3A_1920 = arith.constant 512 : i32
      %dma_start3A_1921 = arith.constant 0 : i32
      %dma_start3A_1922 = tpu.memref_slice %arg7[%dma_start3A_1920, %dma_start3A_1921] : memref<3328x16xf32, #tpu.memory_space<vmem>> -> memref<128x16xf32, #tpu.memory_space<vmem>>
      %dma_start3A_1923 = arith.constant 512 : i32
      %dma_start3A_1924 = tpu.memref_slice %arg6[%dma_start3A_1923] : memref<3328xi32, #tpu.memory_space<vmem>> -> memref<128xi32, #tpu.memory_space<vmem>>
      %dma_start3A_1925 = arith.constant 0 : i32
      %dma_start3A_1926 = arith.constant 0 : i32
      %dma_start3A_1927 = tpu.memref_slice %arg3[%dma_start3A_1925, %dma_start3A_1926] : memref<2600000x16xf32, #tpu.memory_space<hbm>> -> memref<2600000x16xf32, #tpu.memory_space<hbm>>
      tpu.enqueue_indirect_dma source(%dma_start3A_1927 : memref<2600000x16xf32, #tpu.memory_space<hbm>>) target(%dma_start3A_1922 : memref<128x16xf32, #tpu.memory_space<vmem>>) offsets(%dma_start3A_1924 : memref<128xi32, #tpu.memory_space<vmem>>) semaphore(%arg8 : memref<!tpu.dma_semaphore, #tpu.memory_space<semaphore_mem>>)
      %dma_start3A_1928 = arith.constant 640 : i32
      %dma_start3A_1929 = arith.constant 0 : i32
      %dma_start3A_1930 = tpu.memref_slice %arg7[%dma_start3A_1928, %dma_start3A_1929] : memref<3328x16xf32, #tpu.memory_space<vmem>> -> memref<128x16xf32, #tpu.memory_space<vmem>>
      %dma_start3A_1931 = arith.constant 640 : i32
      %dma_start3A_1932 = tpu.memref_slice %arg6[%dma_start3A_1931] : memref<3328xi32, #tpu.memory_space<vmem>> -> memref<128xi32, #tpu.memory_space<vmem>>
      %dma_start3A_1933 = arith.constant 0 : i32
      %dma_start3A_1934 = arith.constant 0 : i32
      %dma_start3A_1935 = tpu.memref_slice %arg3[%dma_start3A_1933, %dma_start3A_1934] : memref<2600000x16xf32, #tpu.memory_space<hbm>> -> memref<2600000x16xf32, #tpu.memory_space<hbm>>
      tpu.enqueue_indirect_dma source(%dma_start3A_1935 : memref<2600000x16xf32, #tpu.memory_space<hbm>>) target(%dma_start3A_1930 : memref<128x16xf32, #tpu.memory_space<vmem>>) offsets(%dma_start3A_1932 : memref<128xi32, #tpu.memory_space<vmem>>) semaphore(%arg8 : memref<!tpu.dma_semaphore, #tpu.memory_space<semaphore_mem>>)
      %dma_start3A_1936 = arith.constant 768 : i32
      %dma_start3A_1937 = arith.constant 0 : i32
      %dma_start3A_1938 = tpu.memref_slice %arg7[%dma_start3A_1936, %dma_start3A_1937] : memref<3328x16xf32, #tpu.memory_space<vmem>> -> memref<128x16xf32, #tpu.memory_space<vmem>>
      %dma_start3A_1939 = arith.constant 768 : i32
      %dma_start3A_1940 = tpu.memref_slice %arg6[%dma_start3A_1939] : memref<3328xi32, #tpu.memory_space<vmem>> -> memref<128xi32, #tpu.memory_space<vmem>>
      %dma_start3A_1941 = arith.constant 0 : i32
      %dma_start3A_1942 = arith.constant 0 : i32
      %dma_start3A_1943 = tpu.memref_slice %arg3[%dma_start3A_1941, %dma_start3A_1942] : memref<2600000x16xf32, #tpu.memory_space<hbm>> -> memref<2600000x16xf32, #tpu.memory_space<hbm>>
      tpu.enqueue_indirect_dma source(%dma_start3A_1943 : memref<2600000x16xf32, #tpu.memory_space<hbm>>) target(%dma_start3A_1938 : memref<128x16xf32, #tpu.memory_space<vmem>>) offsets(%dma_start3A_1940 : memref<128xi32, #tpu.memory_space<vmem>>) semaphore(%arg8 : memref<!tpu.dma_semaphore, #tpu.memory_space<semaphore_mem>>)
      %dma_start3A_1944 = arith.constant 896 : i32
      %dma_start3A_1945 = arith.constant 0 : i32
      %dma_start3A_1946 = tpu.memref_slice %arg7[%dma_start3A_1944, %dma_start3A_1945] : memref<3328x16xf32, #tpu.memory_space<vmem>> -> memref<128x16xf32, #tpu.memory_space<vmem>>
      %dma_start3A_1947 = arith.constant 896 : i32
      %dma_start3A_1948 = tpu.memref_slice %arg6[%dma_start3A_1947] : memref<3328xi32, #tpu.memory_space<vmem>> -> memref<128xi32, #tpu.memory_space<vmem>>
      %dma_start3A_1949 = arith.constant 0 : i32
      %dma_start3A_1950 = arith.constant 0 : i32
      %dma_start3A_1951 = tpu.memref_slice %arg3[%dma_start3A_1949, %dma_start3A_1950] : memref<2600000x16xf32, #tpu.memory_space<hbm>> -> memref<2600000x16xf32, #tpu.memory_space<hbm>>
      tpu.enqueue_indirect_dma source(%dma_start3A_1951 : memref<2600000x16xf32, #tpu.memory_space<hbm>>) target(%dma_start3A_1946 : memref<128x16xf32, #tpu.memory_space<vmem>>) offsets(%dma_start3A_1948 : memref<128xi32, #tpu.memory_space<vmem>>) semaphore(%arg8 : memref<!tpu.dma_semaphore, #tpu.memory_space<semaphore_mem>>)
      %dma_start3A_1952 = arith.constant 1024 : i32
      %dma_start3A_1953 = arith.constant 0 : i32
      %dma_start3A_1954 = tpu.memref_slice %arg7[%dma_start3A_1952, %dma_start3A_1953] : memref<3328x16xf32, #tpu.memory_space<vmem>> -> memref<128x16xf32, #tpu.memory_space<vmem>>
      %dma_start3A_1955 = arith.constant 1024 : i32
      %dma_start3A_1956 = tpu.memref_slice %arg6[%dma_start3A_1955] : memref<3328xi32, #tpu.memory_space<vmem>> -> memref<128xi32, #tpu.memory_space<vmem>>
      %dma_start3A_1957 = arith.constant 0 : i32
      %dma_start3A_1958 = arith.constant 0 : i32
      %dma_start3A_1959 = tpu.memref_slice %arg3[%dma_start3A_1957, %dma_start3A_1958] : memref<2600000x16xf32, #tpu.memory_space<hbm>> -> memref<2600000x16xf32, #tpu.memory_space<hbm>>
      tpu.enqueue_indirect_dma source(%dma_start3A_1959 : memref<2600000x16xf32, #tpu.memory_space<hbm>>) target(%dma_start3A_1954 : memref<128x16xf32, #tpu.memory_space<vmem>>) offsets(%dma_start3A_1956 : memref<128xi32, #tpu.memory_space<vmem>>) semaphore(%arg8 : memref<!tpu.dma_semaphore, #tpu.memory_space<semaphore_mem>>)
      %dma_start3A_1960 = arith.constant 1152 : i32
      %dma_start3A_1961 = arith.constant 0 : i32
      %dma_start3A_1962 = tpu.memref_slice %arg7[%dma_start3A_1960, %dma_start3A_1961] : memref<3328x16xf32, #tpu.memory_space<vmem>> -> memref<128x16xf32, #tpu.memory_space<vmem>>
      %dma_start3A_1963 = arith.constant 1152 : i32
      %dma_start3A_1964 = tpu.memref_slice %arg6[%dma_start3A_1963] : memref<3328xi32, #tpu.memory_space<vmem>> -> memref<128xi32, #tpu.memory_space<vmem>>
      %dma_start3A_1965 = arith.constant 0 : i32
      %dma_start3A_1966 = arith.constant 0 : i32
      %dma_start3A_1967 = tpu.memref_slice %arg3[%dma_start3A_1965, %dma_start3A_1966] : memref<2600000x16xf32, #tpu.memory_space<hbm>> -> memref<2600000x16xf32, #tpu.memory_space<hbm>>
      tpu.enqueue_indirect_dma source(%dma_start3A_1967 : memref<2600000x16xf32, #tpu.memory_space<hbm>>) target(%dma_start3A_1962 : memref<128x16xf32, #tpu.memory_space<vmem>>) offsets(%dma_start3A_1964 : memref<128xi32, #tpu.memory_space<vmem>>) semaphore(%arg8 : memref<!tpu.dma_semaphore, #tpu.memory_space<semaphore_mem>>)
      %dma_start3A_1968 = arith.constant 1280 : i32
      %dma_start3A_1969 = arith.constant 0 : i32
      %dma_start3A_1970 = tpu.memref_slice %arg7[%dma_start3A_1968, %dma_start3A_1969] : memref<3328x16xf32, #tpu.memory_space<vmem>> -> memref<128x16xf32, #tpu.memory_space<vmem>>
      %dma_start3A_1971 = arith.constant 1280 : i32
      %dma_start3A_1972 = tpu.memref_slice %arg6[%dma_start3A_1971] : memref<3328xi32, #tpu.memory_space<vmem>> -> memref<128xi32, #tpu.memory_space<vmem>>
      %dma_start3A_1973 = arith.constant 0 : i32
      %dma_start3A_1974 = arith.constant 0 : i32
      %dma_start3A_1975 = tpu.memref_slice %arg3[%dma_start3A_1973, %dma_start3A_1974] : memref<2600000x16xf32, #tpu.memory_space<hbm>> -> memref<2600000x16xf32, #tpu.memory_space<hbm>>
      tpu.enqueue_indirect_dma source(%dma_start3A_1975 : memref<2600000x16xf32, #tpu.memory_space<hbm>>) target(%dma_start3A_1970 : memref<128x16xf32, #tpu.memory_space<vmem>>) offsets(%dma_start3A_1972 : memref<128xi32, #tpu.memory_space<vmem>>) semaphore(%arg8 : memref<!tpu.dma_semaphore, #tpu.memory_space<semaphore_mem>>)
      %dma_start3A_1976 = arith.constant 1408 : i32
      %dma_start3A_1977 = arith.constant 0 : i32
      %dma_start3A_1978 = tpu.memref_slice %arg7[%dma_start3A_1976, %dma_start3A_1977] : memref<3328x16xf32, #tpu.memory_space<vmem>> -> memref<128x16xf32, #tpu.memory_space<vmem>>
      %dma_start3A_1979 = arith.constant 1408 : i32
      %dma_start3A_1980 = tpu.memref_slice %arg6[%dma_start3A_1979] : memref<3328xi32, #tpu.memory_space<vmem>> -> memref<128xi32, #tpu.memory_space<vmem>>
      %dma_start3A_1981 = arith.constant 0 : i32
      %dma_start3A_1982 = arith.constant 0 : i32
      %dma_start3A_1983 = tpu.memref_slice %arg3[%dma_start3A_1981, %dma_start3A_1982] : memref<2600000x16xf32, #tpu.memory_space<hbm>> -> memref<2600000x16xf32, #tpu.memory_space<hbm>>
      tpu.enqueue_indirect_dma source(%dma_start3A_1983 : memref<2600000x16xf32, #tpu.memory_space<hbm>>) target(%dma_start3A_1978 : memref<128x16xf32, #tpu.memory_space<vmem>>) offsets(%dma_start3A_1980 : memref<128xi32, #tpu.memory_space<vmem>>) semaphore(%arg8 : memref<!tpu.dma_semaphore, #tpu.memory_space<semaphore_mem>>)
      %dma_start3A_1984 = arith.constant 1536 : i32
      %dma_start3A_1985 = arith.constant 0 : i32
      %dma_start3A_1986 = tpu.memref_slice %arg7[%dma_start3A_1984, %dma_start3A_1985] : memref<3328x16xf32, #tpu.memory_space<vmem>> -> memref<128x16xf32, #tpu.memory_space<vmem>>
      %dma_start3A_1987 = arith.constant 1536 : i32
      %dma_start3A_1988 = tpu.memref_slice %arg6[%dma_start3A_1987] : memref<3328xi32, #tpu.memory_space<vmem>> -> memref<128xi32, #tpu.memory_space<vmem>>
      %dma_start3A_1989 = arith.constant 0 : i32
      %dma_start3A_1990 = arith.constant 0 : i32
      %dma_start3A_1991 = tpu.memref_slice %arg3[%dma_start3A_1989, %dma_start3A_1990] : memref<2600000x16xf32, #tpu.memory_space<hbm>> -> memref<2600000x16xf32, #tpu.memory_space<hbm>>
      tpu.enqueue_indirect_dma source(%dma_start3A_1991 : memref<2600000x16xf32, #tpu.memory_space<hbm>>) target(%dma_start3A_1986 : memref<128x16xf32, #tpu.memory_space<vmem>>) offsets(%dma_start3A_1988 : memref<128xi32, #tpu.memory_space<vmem>>) semaphore(%arg8 : memref<!tpu.dma_semaphore, #tpu.memory_space<semaphore_mem>>)
      %dma_start3A_1992 = arith.constant 1664 : i32
      %dma_start3A_1993 = arith.constant 0 : i32
      %dma_start3A_1994 = tpu.memref_slice %arg7[%dma_start3A_1992, %dma_start3A_1993] : memref<3328x16xf32, #tpu.memory_space<vmem>> -> memref<128x16xf32, #tpu.memory_space<vmem>>
      %dma_start3A_1995 = arith.constant 1664 : i32
      %dma_start3A_1996 = tpu.memref_slice %arg6[%dma_start3A_1995] : memref<3328xi32, #tpu.memory_space<vmem>> -> memref<128xi32, #tpu.memory_space<vmem>>
      %dma_start3A_1997 = arith.constant 0 : i32
      %dma_start3A_1998 = arith.constant 0 : i32
      %dma_start3A_1999 = tpu.memref_slice %arg3[%dma_start3A_1997, %dma_start3A_1998] : memref<2600000x16xf32, #tpu.memory_space<hbm>> -> memref<2600000x16xf32, #tpu.memory_space<hbm>>
      tpu.enqueue_indirect_dma source(%dma_start3A_1999 : memref<2600000x16xf32, #tpu.memory_space<hbm>>) target(%dma_start3A_1994 : memref<128x16xf32, #tpu.memory_space<vmem>>) offsets(%dma_start3A_1996 : memref<128xi32, #tpu.memory_space<vmem>>) semaphore(%arg8 : memref<!tpu.dma_semaphore, #tpu.memory_space<semaphore_mem>>)
      %dma_start3A_2000 = arith.constant 1792 : i32
      %dma_start3A_2001 = arith.constant 0 : i32
      %dma_start3A_2002 = tpu.memref_slice %arg7[%dma_start3A_2000, %dma_start3A_2001] : memref<3328x16xf32, #tpu.memory_space<vmem>> -> memref<128x16xf32, #tpu.memory_space<vmem>>
      %dma_start3A_2003 = arith.constant 1792 : i32
      %dma_start3A_2004 = tpu.memref_slice %arg6[%dma_start3A_2003] : memref<3328xi32, #tpu.memory_space<vmem>> -> memref<128xi32, #tpu.memory_space<vmem>>
      %dma_start3A_2005 = arith.constant 0 : i32
      %dma_start3A_2006 = arith.constant 0 : i32
      %dma_start3A_2007 = tpu.memref_slice %arg3[%dma_start3A_2005, %dma_start3A_2006] : memref<2600000x16xf32, #tpu.memory_space<hbm>> -> memref<2600000x16xf32, #tpu.memory_space<hbm>>
      tpu.enqueue_indirect_dma source(%dma_start3A_2007 : memref<2600000x16xf32, #tpu.memory_space<hbm>>) target(%dma_start3A_2002 : memref<128x16xf32, #tpu.memory_space<vmem>>) offsets(%dma_start3A_2004 : memref<128xi32, #tpu.memory_space<vmem>>) semaphore(%arg8 : memref<!tpu.dma_semaphore, #tpu.memory_space<semaphore_mem>>)
      %dma_start3A_2008 = arith.constant 1920 : i32
      %dma_start3A_2009 = arith.constant 0 : i32
      %dma_start3A_2010 = tpu.memref_slice %arg7[%dma_start3A_2008, %dma_start3A_2009] : memref<3328x16xf32, #tpu.memory_space<vmem>> -> memref<128x16xf32, #tpu.memory_space<vmem>>
      %dma_start3A_2011 = arith.constant 1920 : i32
      %dma_start3A_2012 = tpu.memref_slice %arg6[%dma_start3A_2011] : memref<3328xi32, #tpu.memory_space<vmem>> -> memref<128xi32, #tpu.memory_space<vmem>>
      %dma_start3A_2013 = arith.constant 0 : i32
      %dma_start3A_2014 = arith.constant 0 : i32
      %dma_start3A_2015 = tpu.memref_slice %arg3[%dma_start3A_2013, %dma_start3A_2014] : memref<2600000x16xf32, #tpu.memory_space<hbm>> -> memref<2600000x16xf32, #tpu.memory_space<hbm>>
      tpu.enqueue_indirect_dma source(%dma_start3A_2015 : memref<2600000x16xf32, #tpu.memory_space<hbm>>) target(%dma_start3A_2010 : memref<128x16xf32, #tpu.memory_space<vmem>>) offsets(%dma_start3A_2012 : memref<128xi32, #tpu.memory_space<vmem>>) semaphore(%arg8 : memref<!tpu.dma_semaphore, #tpu.memory_space<semaphore_mem>>)
      %dma_start3A_2016 = arith.constant 2048 : i32
      %dma_start3A_2017 = arith.constant 0 : i32
      %dma_start3A_2018 = tpu.memref_slice %arg7[%dma_start3A_2016, %dma_start3A_2017] : memref<3328x16xf32, #tpu.memory_space<vmem>> -> memref<128x16xf32, #tpu.memory_space<vmem>>
      %dma_start3A_2019 = arith.constant 2048 : i32
      %dma_start3A_2020 = tpu.memref_slice %arg6[%dma_start3A_2019] : memref<3328xi32, #tpu.memory_space<vmem>> -> memref<128xi32, #tpu.memory_space<vmem>>
      %dma_start3A_2021 = arith.constant 0 : i32
      %dma_start3A_2022 = arith.constant 0 : i32
      %dma_start3A_2023 = tpu.memref_slice %arg3[%dma_start3A_2021, %dma_start3A_2022] : memref<2600000x16xf32, #tpu.memory_space<hbm>> -> memref<2600000x16xf32, #tpu.memory_space<hbm>>
      tpu.enqueue_indirect_dma source(%dma_start3A_2023 : memref<2600000x16xf32, #tpu.memory_space<hbm>>) target(%dma_start3A_2018 : memref<128x16xf32, #tpu.memory_space<vmem>>) offsets(%dma_start3A_2020 : memref<128xi32, #tpu.memory_space<vmem>>) semaphore(%arg8 : memref<!tpu.dma_semaphore, #tpu.memory_space<semaphore_mem>>)
      %dma_start3A_2024 = arith.constant 2176 : i32
      %dma_start3A_2025 = arith.constant 0 : i32
      %dma_start3A_2026 = tpu.memref_slice %arg7[%dma_start3A_2024, %dma_start3A_2025] : memref<3328x16xf32, #tpu.memory_space<vmem>> -> memref<128x16xf32, #tpu.memory_space<vmem>>
      %dma_start3A_2027 = arith.constant 2176 : i32
      %dma_start3A_2028 = tpu.memref_slice %arg6[%dma_start3A_2027] : memref<3328xi32, #tpu.memory_space<vmem>> -> memref<128xi32, #tpu.memory_space<vmem>>
      %dma_start3A_2029 = arith.constant 0 : i32
      %dma_start3A_2030 = arith.constant 0 : i32
      %dma_start3A_2031 = tpu.memref_slice %arg3[%dma_start3A_2029, %dma_start3A_2030] : memref<2600000x16xf32, #tpu.memory_space<hbm>> -> memref<2600000x16xf32, #tpu.memory_space<hbm>>
      tpu.enqueue_indirect_dma source(%dma_start3A_2031 : memref<2600000x16xf32, #tpu.memory_space<hbm>>) target(%dma_start3A_2026 : memref<128x16xf32, #tpu.memory_space<vmem>>) offsets(%dma_start3A_2028 : memref<128xi32, #tpu.memory_space<vmem>>) semaphore(%arg8 : memref<!tpu.dma_semaphore, #tpu.memory_space<semaphore_mem>>)
      %dma_start3A_2032 = arith.constant 2304 : i32
      %dma_start3A_2033 = arith.constant 0 : i32
      %dma_start3A_2034 = tpu.memref_slice %arg7[%dma_start3A_2032, %dma_start3A_2033] : memref<3328x16xf32, #tpu.memory_space<vmem>> -> memref<128x16xf32, #tpu.memory_space<vmem>>
      %dma_start3A_2035 = arith.constant 2304 : i32
      %dma_start3A_2036 = tpu.memref_slice %arg6[%dma_start3A_2035] : memref<3328xi32, #tpu.memory_space<vmem>> -> memref<128xi32, #tpu.memory_space<vmem>>
      %dma_start3A_2037 = arith.constant 0 : i32
      %dma_start3A_2038 = arith.constant 0 : i32
      %dma_start3A_2039 = tpu.memref_slice %arg3[%dma_start3A_2037, %dma_start3A_2038] : memref<2600000x16xf32, #tpu.memory_space<hbm>> -> memref<2600000x16xf32, #tpu.memory_space<hbm>>
      tpu.enqueue_indirect_dma source(%dma_start3A_2039 : memref<2600000x16xf32, #tpu.memory_space<hbm>>) target(%dma_start3A_2034 : memref<128x16xf32, #tpu.memory_space<vmem>>) offsets(%dma_start3A_2036 : memref<128xi32, #tpu.memory_space<vmem>>) semaphore(%arg8 : memref<!tpu.dma_semaphore, #tpu.memory_space<semaphore_mem>>)
      %dma_start3A_2040 = arith.constant 2432 : i32
      %dma_start3A_2041 = arith.constant 0 : i32
      %dma_start3A_2042 = tpu.memref_slice %arg7[%dma_start3A_2040, %dma_start3A_2041] : memref<3328x16xf32, #tpu.memory_space<vmem>> -> memref<128x16xf32, #tpu.memory_space<vmem>>
      %dma_start3A_2043 = arith.constant 2432 : i32
      %dma_start3A_2044 = tpu.memref_slice %arg6[%dma_start3A_2043] : memref<3328xi32, #tpu.memory_space<vmem>> -> memref<128xi32, #tpu.memory_space<vmem>>
      %dma_start3A_2045 = arith.constant 0 : i32
      %dma_start3A_2046 = arith.constant 0 : i32
      %dma_start3A_2047 = tpu.memref_slice %arg3[%dma_start3A_2045, %dma_start3A_2046] : memref<2600000x16xf32, #tpu.memory_space<hbm>> -> memref<2600000x16xf32, #tpu.memory_space<hbm>>
      tpu.enqueue_indirect_dma source(%dma_start3A_2047 : memref<2600000x16xf32, #tpu.memory_space<hbm>>) target(%dma_start3A_2042 : memref<128x16xf32, #tpu.memory_space<vmem>>) offsets(%dma_start3A_2044 : memref<128xi32, #tpu.memory_space<vmem>>) semaphore(%arg8 : memref<!tpu.dma_semaphore, #tpu.memory_space<semaphore_mem>>)
      %dma_start3A_2048 = arith.constant 2560 : i32
      %dma_start3A_2049 = arith.constant 0 : i32
      %dma_start3A_2050 = tpu.memref_slice %arg7[%dma_start3A_2048, %dma_start3A_2049] : memref<3328x16xf32, #tpu.memory_space<vmem>> -> memref<128x16xf32, #tpu.memory_space<vmem>>
      %dma_start3A_2051 = arith.constant 2560 : i32
      %dma_start3A_2052 = tpu.memref_slice %arg6[%dma_start3A_2051] : memref<3328xi32, #tpu.memory_space<vmem>> -> memref<128xi32, #tpu.memory_space<vmem>>
      %dma_start3A_2053 = arith.constant 0 : i32
      %dma_start3A_2054 = arith.constant 0 : i32
      %dma_start3A_2055 = tpu.memref_slice %arg3[%dma_start3A_2053, %dma_start3A_2054] : memref<2600000x16xf32, #tpu.memory_space<hbm>> -> memref<2600000x16xf32, #tpu.memory_space<hbm>>
      tpu.enqueue_indirect_dma source(%dma_start3A_2055 : memref<2600000x16xf32, #tpu.memory_space<hbm>>) target(%dma_start3A_2050 : memref<128x16xf32, #tpu.memory_space<vmem>>) offsets(%dma_start3A_2052 : memref<128xi32, #tpu.memory_space<vmem>>) semaphore(%arg8 : memref<!tpu.dma_semaphore, #tpu.memory_space<semaphore_mem>>)
      %dma_start3A_2056 = arith.constant 2688 : i32
      %dma_start3A_2057 = arith.constant 0 : i32
      %dma_start3A_2058 = tpu.memref_slice %arg7[%dma_start3A_2056, %dma_start3A_2057] : memref<3328x16xf32, #tpu.memory_space<vmem>> -> memref<128x16xf32, #tpu.memory_space<vmem>>
      %dma_start3A_2059 = arith.constant 2688 : i32
      %dma_start3A_2060 = tpu.memref_slice %arg6[%dma_start3A_2059] : memref<3328xi32, #tpu.memory_space<vmem>> -> memref<128xi32, #tpu.memory_space<vmem>>
      %dma_start3A_2061 = arith.constant 0 : i32
      %dma_start3A_2062 = arith.constant 0 : i32
      %dma_start3A_2063 = tpu.memref_slice %arg3[%dma_start3A_2061, %dma_start3A_2062] : memref<2600000x16xf32, #tpu.memory_space<hbm>> -> memref<2600000x16xf32, #tpu.memory_space<hbm>>
      tpu.enqueue_indirect_dma source(%dma_start3A_2063 : memref<2600000x16xf32, #tpu.memory_space<hbm>>) target(%dma_start3A_2058 : memref<128x16xf32, #tpu.memory_space<vmem>>) offsets(%dma_start3A_2060 : memref<128xi32, #tpu.memory_space<vmem>>) semaphore(%arg8 : memref<!tpu.dma_semaphore, #tpu.memory_space<semaphore_mem>>)
      %dma_start3A_2064 = arith.constant 2816 : i32
      %dma_start3A_2065 = arith.constant 0 : i32
      %dma_start3A_2066 = tpu.memref_slice %arg7[%dma_start3A_2064, %dma_start3A_2065] : memref<3328x16xf32, #tpu.memory_space<vmem>> -> memref<128x16xf32, #tpu.memory_space<vmem>>
      %dma_start3A_2067 = arith.constant 2816 : i32
      %dma_start3A_2068 = tpu.memref_slice %arg6[%dma_start3A_2067] : memref<3328xi32, #tpu.memory_space<vmem>> -> memref<128xi32, #tpu.memory_space<vmem>>
      %dma_start3A_2069 = arith.constant 0 : i32
      %dma_start3A_2070 = arith.constant 0 : i32
      %dma_start3A_2071 = tpu.memref_slice %arg3[%dma_start3A_2069, %dma_start3A_2070] : memref<2600000x16xf32, #tpu.memory_space<hbm>> -> memref<2600000x16xf32, #tpu.memory_space<hbm>>
      tpu.enqueue_indirect_dma source(%dma_start3A_2071 : memref<2600000x16xf32, #tpu.memory_space<hbm>>) target(%dma_start3A_2066 : memref<128x16xf32, #tpu.memory_space<vmem>>) offsets(%dma_start3A_2068 : memref<128xi32, #tpu.memory_space<vmem>>) semaphore(%arg8 : memref<!tpu.dma_semaphore, #tpu.memory_space<semaphore_mem>>)
      %dma_start3A_2072 = arith.constant 2944 : i32
      %dma_start3A_2073 = arith.constant 0 : i32
      %dma_start3A_2074 = tpu.memref_slice %arg7[%dma_start3A_2072, %dma_start3A_2073] : memref<3328x16xf32, #tpu.memory_space<vmem>> -> memref<128x16xf32, #tpu.memory_space<vmem>>
      %dma_start3A_2075 = arith.constant 2944 : i32
      %dma_start3A_2076 = tpu.memref_slice %arg6[%dma_start3A_2075] : memref<3328xi32, #tpu.memory_space<vmem>> -> memref<128xi32, #tpu.memory_space<vmem>>
      %dma_start3A_2077 = arith.constant 0 : i32
      %dma_start3A_2078 = arith.constant 0 : i32
      %dma_start3A_2079 = tpu.memref_slice %arg3[%dma_start3A_2077, %dma_start3A_2078] : memref<2600000x16xf32, #tpu.memory_space<hbm>> -> memref<2600000x16xf32, #tpu.memory_space<hbm>>
      tpu.enqueue_indirect_dma source(%dma_start3A_2079 : memref<2600000x16xf32, #tpu.memory_space<hbm>>) target(%dma_start3A_2074 : memref<128x16xf32, #tpu.memory_space<vmem>>) offsets(%dma_start3A_2076 : memref<128xi32, #tpu.memory_space<vmem>>) semaphore(%arg8 : memref<!tpu.dma_semaphore, #tpu.memory_space<semaphore_mem>>)
      %dma_start3A_2080 = arith.constant 3072 : i32
      %dma_start3A_2081 = arith.constant 0 : i32
      %dma_start3A_2082 = tpu.memref_slice %arg7[%dma_start3A_2080, %dma_start3A_2081] : memref<3328x16xf32, #tpu.memory_space<vmem>> -> memref<128x16xf32, #tpu.memory_space<vmem>>
      %dma_start3A_2083 = arith.constant 3072 : i32
      %dma_start3A_2084 = tpu.memref_slice %arg6[%dma_start3A_2083] : memref<3328xi32, #tpu.memory_space<vmem>> -> memref<128xi32, #tpu.memory_space<vmem>>
      %dma_start3A_2085 = arith.constant 0 : i32
      %dma_start3A_2086 = arith.constant 0 : i32
      %dma_start3A_2087 = tpu.memref_slice %arg3[%dma_start3A_2085, %dma_start3A_2086] : memref<2600000x16xf32, #tpu.memory_space<hbm>> -> memref<2600000x16xf32, #tpu.memory_space<hbm>>
      tpu.enqueue_indirect_dma source(%dma_start3A_2087 : memref<2600000x16xf32, #tpu.memory_space<hbm>>) target(%dma_start3A_2082 : memref<128x16xf32, #tpu.memory_space<vmem>>) offsets(%dma_start3A_2084 : memref<128xi32, #tpu.memory_space<vmem>>) semaphore(%arg8 : memref<!tpu.dma_semaphore, #tpu.memory_space<semaphore_mem>>)
      %dma_start3A_2088 = arith.constant 3200 : i32
      %dma_start3A_2089 = arith.constant 0 : i32
      %dma_start3A_2090 = tpu.memref_slice %arg7[%dma_start3A_2088, %dma_start3A_2089] : memref<3328x16xf32, #tpu.memory_space<vmem>> -> memref<128x16xf32, #tpu.memory_space<vmem>>
      %dma_start3A_2091 = arith.constant 3200 : i32
      %dma_start3A_2092 = tpu.memref_slice %arg6[%dma_start3A_2091] : memref<3328xi32, #tpu.memory_space<vmem>> -> memref<128xi32, #tpu.memory_space<vmem>>
      %dma_start3A_2093 = arith.constant 0 : i32
      %dma_start3A_2094 = arith.constant 0 : i32
      %dma_start3A_2095 = tpu.memref_slice %arg3[%dma_start3A_2093, %dma_start3A_2094] : memref<2600000x16xf32, #tpu.memory_space<hbm>> -> memref<2600000x16xf32, #tpu.memory_space<hbm>>
      tpu.enqueue_indirect_dma source(%dma_start3A_2095 : memref<2600000x16xf32, #tpu.memory_space<hbm>>) target(%dma_start3A_2090 : memref<128x16xf32, #tpu.memory_space<vmem>>) offsets(%dma_start3A_2092 : memref<128xi32, #tpu.memory_space<vmem>>) semaphore(%arg8 : memref<!tpu.dma_semaphore, #tpu.memory_space<semaphore_mem>>)
      %dma_wait3A = arith.constant 0 : i32
      %dma_wait3A_2096 = arith.constant 0 : i32
      %dma_wait3A_2097 = tpu.memref_slice %arg7[%dma_wait3A, %dma_wait3A_2096] : memref<3328x16xf32, #tpu.memory_space<vmem>> -> memref<128x16xf32, #tpu.memory_space<vmem>>
      %dma_wait3A_2098 = arith.constant 0 : i32
      %dma_wait3A_2099 = tpu.memref_slice %arg6[%dma_wait3A_2098] : memref<3328xi32, #tpu.memory_space<vmem>> -> memref<128xi32, #tpu.memory_space<vmem>>
      %dma_wait3A_2100 = arith.constant 0 : i32
      %dma_wait3A_2101 = arith.constant 0 : i32
      %dma_wait3A_2102 = tpu.memref_slice %arg3[%dma_wait3A_2100, %dma_wait3A_2101] : memref<2600000x16xf32, #tpu.memory_space<hbm>> -> memref<2600000x16xf32, #tpu.memory_space<hbm>>
      tpu.wait_indirect_dma semaphore(%arg8 : memref<!tpu.dma_semaphore, #tpu.memory_space<semaphore_mem>>) src(%dma_wait3A_2102 : memref<2600000x16xf32, #tpu.memory_space<hbm>>) dst(%dma_wait3A_2097 : memref<128x16xf32, #tpu.memory_space<vmem>>)
      %dma_wait3A_2103 = arith.constant 128 : i32
      %dma_wait3A_2104 = arith.constant 0 : i32
      %dma_wait3A_2105 = tpu.memref_slice %arg7[%dma_wait3A_2103, %dma_wait3A_2104] : memref<3328x16xf32, #tpu.memory_space<vmem>> -> memref<128x16xf32, #tpu.memory_space<vmem>>
      %dma_wait3A_2106 = arith.constant 128 : i32
      %dma_wait3A_2107 = tpu.memref_slice %arg6[%dma_wait3A_2106] : memref<3328xi32, #tpu.memory_space<vmem>> -> memref<128xi32, #tpu.memory_space<vmem>>
      %dma_wait3A_2108 = arith.constant 0 : i32
      %dma_wait3A_2109 = arith.constant 0 : i32
      %dma_wait3A_2110 = tpu.memref_slice %arg3[%dma_wait3A_2108, %dma_wait3A_2109] : memref<2600000x16xf32, #tpu.memory_space<hbm>> -> memref<2600000x16xf32, #tpu.memory_space<hbm>>
      tpu.wait_indirect_dma semaphore(%arg8 : memref<!tpu.dma_semaphore, #tpu.memory_space<semaphore_mem>>) src(%dma_wait3A_2110 : memref<2600000x16xf32, #tpu.memory_space<hbm>>) dst(%dma_wait3A_2105 : memref<128x16xf32, #tpu.memory_space<vmem>>)
      %dma_wait3A_2111 = arith.constant 256 : i32
      %dma_wait3A_2112 = arith.constant 0 : i32
      %dma_wait3A_2113 = tpu.memref_slice %arg7[%dma_wait3A_2111, %dma_wait3A_2112] : memref<3328x16xf32, #tpu.memory_space<vmem>> -> memref<128x16xf32, #tpu.memory_space<vmem>>
      %dma_wait3A_2114 = arith.constant 256 : i32
      %dma_wait3A_2115 = tpu.memref_slice %arg6[%dma_wait3A_2114] : memref<3328xi32, #tpu.memory_space<vmem>> -> memref<128xi32, #tpu.memory_space<vmem>>
      %dma_wait3A_2116 = arith.constant 0 : i32
      %dma_wait3A_2117 = arith.constant 0 : i32
      %dma_wait3A_2118 = tpu.memref_slice %arg3[%dma_wait3A_2116, %dma_wait3A_2117] : memref<2600000x16xf32, #tpu.memory_space<hbm>> -> memref<2600000x16xf32, #tpu.memory_space<hbm>>
      tpu.wait_indirect_dma semaphore(%arg8 : memref<!tpu.dma_semaphore, #tpu.memory_space<semaphore_mem>>) src(%dma_wait3A_2118 : memref<2600000x16xf32, #tpu.memory_space<hbm>>) dst(%dma_wait3A_2113 : memref<128x16xf32, #tpu.memory_space<vmem>>)
      %dma_wait3A_2119 = arith.constant 384 : i32
      %dma_wait3A_2120 = arith.constant 0 : i32
      %dma_wait3A_2121 = tpu.memref_slice %arg7[%dma_wait3A_2119, %dma_wait3A_2120] : memref<3328x16xf32, #tpu.memory_space<vmem>> -> memref<128x16xf32, #tpu.memory_space<vmem>>
      %dma_wait3A_2122 = arith.constant 384 : i32
      %dma_wait3A_2123 = tpu.memref_slice %arg6[%dma_wait3A_2122] : memref<3328xi32, #tpu.memory_space<vmem>> -> memref<128xi32, #tpu.memory_space<vmem>>
      %dma_wait3A_2124 = arith.constant 0 : i32
      %dma_wait3A_2125 = arith.constant 0 : i32
      %dma_wait3A_2126 = tpu.memref_slice %arg3[%dma_wait3A_2124, %dma_wait3A_2125] : memref<2600000x16xf32, #tpu.memory_space<hbm>> -> memref<2600000x16xf32, #tpu.memory_space<hbm>>
      tpu.wait_indirect_dma semaphore(%arg8 : memref<!tpu.dma_semaphore, #tpu.memory_space<semaphore_mem>>) src(%dma_wait3A_2126 : memref<2600000x16xf32, #tpu.memory_space<hbm>>) dst(%dma_wait3A_2121 : memref<128x16xf32, #tpu.memory_space<vmem>>)
      %dma_wait3A_2127 = arith.constant 512 : i32
      %dma_wait3A_2128 = arith.constant 0 : i32
      %dma_wait3A_2129 = tpu.memref_slice %arg7[%dma_wait3A_2127, %dma_wait3A_2128] : memref<3328x16xf32, #tpu.memory_space<vmem>> -> memref<128x16xf32, #tpu.memory_space<vmem>>
      %dma_wait3A_2130 = arith.constant 512 : i32
      %dma_wait3A_2131 = tpu.memref_slice %arg6[%dma_wait3A_2130] : memref<3328xi32, #tpu.memory_space<vmem>> -> memref<128xi32, #tpu.memory_space<vmem>>
      %dma_wait3A_2132 = arith.constant 0 : i32
      %dma_wait3A_2133 = arith.constant 0 : i32
      %dma_wait3A_2134 = tpu.memref_slice %arg3[%dma_wait3A_2132, %dma_wait3A_2133] : memref<2600000x16xf32, #tpu.memory_space<hbm>> -> memref<2600000x16xf32, #tpu.memory_space<hbm>>
      tpu.wait_indirect_dma semaphore(%arg8 : memref<!tpu.dma_semaphore, #tpu.memory_space<semaphore_mem>>) src(%dma_wait3A_2134 : memref<2600000x16xf32, #tpu.memory_space<hbm>>) dst(%dma_wait3A_2129 : memref<128x16xf32, #tpu.memory_space<vmem>>)
      %dma_wait3A_2135 = arith.constant 640 : i32
      %dma_wait3A_2136 = arith.constant 0 : i32
      %dma_wait3A_2137 = tpu.memref_slice %arg7[%dma_wait3A_2135, %dma_wait3A_2136] : memref<3328x16xf32, #tpu.memory_space<vmem>> -> memref<128x16xf32, #tpu.memory_space<vmem>>
      %dma_wait3A_2138 = arith.constant 640 : i32
      %dma_wait3A_2139 = tpu.memref_slice %arg6[%dma_wait3A_2138] : memref<3328xi32, #tpu.memory_space<vmem>> -> memref<128xi32, #tpu.memory_space<vmem>>
      %dma_wait3A_2140 = arith.constant 0 : i32
      %dma_wait3A_2141 = arith.constant 0 : i32
      %dma_wait3A_2142 = tpu.memref_slice %arg3[%dma_wait3A_2140, %dma_wait3A_2141] : memref<2600000x16xf32, #tpu.memory_space<hbm>> -> memref<2600000x16xf32, #tpu.memory_space<hbm>>
      tpu.wait_indirect_dma semaphore(%arg8 : memref<!tpu.dma_semaphore, #tpu.memory_space<semaphore_mem>>) src(%dma_wait3A_2142 : memref<2600000x16xf32, #tpu.memory_space<hbm>>) dst(%dma_wait3A_2137 : memref<128x16xf32, #tpu.memory_space<vmem>>)
      %dma_wait3A_2143 = arith.constant 768 : i32
      %dma_wait3A_2144 = arith.constant 0 : i32
      %dma_wait3A_2145 = tpu.memref_slice %arg7[%dma_wait3A_2143, %dma_wait3A_2144] : memref<3328x16xf32, #tpu.memory_space<vmem>> -> memref<128x16xf32, #tpu.memory_space<vmem>>
      %dma_wait3A_2146 = arith.constant 768 : i32
      %dma_wait3A_2147 = tpu.memref_slice %arg6[%dma_wait3A_2146] : memref<3328xi32, #tpu.memory_space<vmem>> -> memref<128xi32, #tpu.memory_space<vmem>>
      %dma_wait3A_2148 = arith.constant 0 : i32
      %dma_wait3A_2149 = arith.constant 0 : i32
      %dma_wait3A_2150 = tpu.memref_slice %arg3[%dma_wait3A_2148, %dma_wait3A_2149] : memref<2600000x16xf32, #tpu.memory_space<hbm>> -> memref<2600000x16xf32, #tpu.memory_space<hbm>>
      tpu.wait_indirect_dma semaphore(%arg8 : memref<!tpu.dma_semaphore, #tpu.memory_space<semaphore_mem>>) src(%dma_wait3A_2150 : memref<2600000x16xf32, #tpu.memory_space<hbm>>) dst(%dma_wait3A_2145 : memref<128x16xf32, #tpu.memory_space<vmem>>)
      %dma_wait3A_2151 = arith.constant 896 : i32
      %dma_wait3A_2152 = arith.constant 0 : i32
      %dma_wait3A_2153 = tpu.memref_slice %arg7[%dma_wait3A_2151, %dma_wait3A_2152] : memref<3328x16xf32, #tpu.memory_space<vmem>> -> memref<128x16xf32, #tpu.memory_space<vmem>>
      %dma_wait3A_2154 = arith.constant 896 : i32
      %dma_wait3A_2155 = tpu.memref_slice %arg6[%dma_wait3A_2154] : memref<3328xi32, #tpu.memory_space<vmem>> -> memref<128xi32, #tpu.memory_space<vmem>>
      %dma_wait3A_2156 = arith.constant 0 : i32
      %dma_wait3A_2157 = arith.constant 0 : i32
      %dma_wait3A_2158 = tpu.memref_slice %arg3[%dma_wait3A_2156, %dma_wait3A_2157] : memref<2600000x16xf32, #tpu.memory_space<hbm>> -> memref<2600000x16xf32, #tpu.memory_space<hbm>>
      tpu.wait_indirect_dma semaphore(%arg8 : memref<!tpu.dma_semaphore, #tpu.memory_space<semaphore_mem>>) src(%dma_wait3A_2158 : memref<2600000x16xf32, #tpu.memory_space<hbm>>) dst(%dma_wait3A_2153 : memref<128x16xf32, #tpu.memory_space<vmem>>)
      %dma_wait3A_2159 = arith.constant 1024 : i32
      %dma_wait3A_2160 = arith.constant 0 : i32
      %dma_wait3A_2161 = tpu.memref_slice %arg7[%dma_wait3A_2159, %dma_wait3A_2160] : memref<3328x16xf32, #tpu.memory_space<vmem>> -> memref<128x16xf32, #tpu.memory_space<vmem>>
      %dma_wait3A_2162 = arith.constant 1024 : i32
      %dma_wait3A_2163 = tpu.memref_slice %arg6[%dma_wait3A_2162] : memref<3328xi32, #tpu.memory_space<vmem>> -> memref<128xi32, #tpu.memory_space<vmem>>
      %dma_wait3A_2164 = arith.constant 0 : i32
      %dma_wait3A_2165 = arith.constant 0 : i32
      %dma_wait3A_2166 = tpu.memref_slice %arg3[%dma_wait3A_2164, %dma_wait3A_2165] : memref<2600000x16xf32, #tpu.memory_space<hbm>> -> memref<2600000x16xf32, #tpu.memory_space<hbm>>
      tpu.wait_indirect_dma semaphore(%arg8 : memref<!tpu.dma_semaphore, #tpu.memory_space<semaphore_mem>>) src(%dma_wait3A_2166 : memref<2600000x16xf32, #tpu.memory_space<hbm>>) dst(%dma_wait3A_2161 : memref<128x16xf32, #tpu.memory_space<vmem>>)
      %dma_wait3A_2167 = arith.constant 1152 : i32
      %dma_wait3A_2168 = arith.constant 0 : i32
      %dma_wait3A_2169 = tpu.memref_slice %arg7[%dma_wait3A_2167, %dma_wait3A_2168] : memref<3328x16xf32, #tpu.memory_space<vmem>> -> memref<128x16xf32, #tpu.memory_space<vmem>>
      %dma_wait3A_2170 = arith.constant 1152 : i32
      %dma_wait3A_2171 = tpu.memref_slice %arg6[%dma_wait3A_2170] : memref<3328xi32, #tpu.memory_space<vmem>> -> memref<128xi32, #tpu.memory_space<vmem>>
      %dma_wait3A_2172 = arith.constant 0 : i32
      %dma_wait3A_2173 = arith.constant 0 : i32
      %dma_wait3A_2174 = tpu.memref_slice %arg3[%dma_wait3A_2172, %dma_wait3A_2173] : memref<2600000x16xf32, #tpu.memory_space<hbm>> -> memref<2600000x16xf32, #tpu.memory_space<hbm>>
      tpu.wait_indirect_dma semaphore(%arg8 : memref<!tpu.dma_semaphore, #tpu.memory_space<semaphore_mem>>) src(%dma_wait3A_2174 : memref<2600000x16xf32, #tpu.memory_space<hbm>>) dst(%dma_wait3A_2169 : memref<128x16xf32, #tpu.memory_space<vmem>>)
      %dma_wait3A_2175 = arith.constant 1280 : i32
      %dma_wait3A_2176 = arith.constant 0 : i32
      %dma_wait3A_2177 = tpu.memref_slice %arg7[%dma_wait3A_2175, %dma_wait3A_2176] : memref<3328x16xf32, #tpu.memory_space<vmem>> -> memref<128x16xf32, #tpu.memory_space<vmem>>
      %dma_wait3A_2178 = arith.constant 1280 : i32
      %dma_wait3A_2179 = tpu.memref_slice %arg6[%dma_wait3A_2178] : memref<3328xi32, #tpu.memory_space<vmem>> -> memref<128xi32, #tpu.memory_space<vmem>>
      %dma_wait3A_2180 = arith.constant 0 : i32
      %dma_wait3A_2181 = arith.constant 0 : i32
      %dma_wait3A_2182 = tpu.memref_slice %arg3[%dma_wait3A_2180, %dma_wait3A_2181] : memref<2600000x16xf32, #tpu.memory_space<hbm>> -> memref<2600000x16xf32, #tpu.memory_space<hbm>>
      tpu.wait_indirect_dma semaphore(%arg8 : memref<!tpu.dma_semaphore, #tpu.memory_space<semaphore_mem>>) src(%dma_wait3A_2182 : memref<2600000x16xf32, #tpu.memory_space<hbm>>) dst(%dma_wait3A_2177 : memref<128x16xf32, #tpu.memory_space<vmem>>)
      %dma_wait3A_2183 = arith.constant 1408 : i32
      %dma_wait3A_2184 = arith.constant 0 : i32
      %dma_wait3A_2185 = tpu.memref_slice %arg7[%dma_wait3A_2183, %dma_wait3A_2184] : memref<3328x16xf32, #tpu.memory_space<vmem>> -> memref<128x16xf32, #tpu.memory_space<vmem>>
      %dma_wait3A_2186 = arith.constant 1408 : i32
      %dma_wait3A_2187 = tpu.memref_slice %arg6[%dma_wait3A_2186] : memref<3328xi32, #tpu.memory_space<vmem>> -> memref<128xi32, #tpu.memory_space<vmem>>
      %dma_wait3A_2188 = arith.constant 0 : i32
      %dma_wait3A_2189 = arith.constant 0 : i32
      %dma_wait3A_2190 = tpu.memref_slice %arg3[%dma_wait3A_2188, %dma_wait3A_2189] : memref<2600000x16xf32, #tpu.memory_space<hbm>> -> memref<2600000x16xf32, #tpu.memory_space<hbm>>
      tpu.wait_indirect_dma semaphore(%arg8 : memref<!tpu.dma_semaphore, #tpu.memory_space<semaphore_mem>>) src(%dma_wait3A_2190 : memref<2600000x16xf32, #tpu.memory_space<hbm>>) dst(%dma_wait3A_2185 : memref<128x16xf32, #tpu.memory_space<vmem>>)
      %dma_wait3A_2191 = arith.constant 1536 : i32
      %dma_wait3A_2192 = arith.constant 0 : i32
      %dma_wait3A_2193 = tpu.memref_slice %arg7[%dma_wait3A_2191, %dma_wait3A_2192] : memref<3328x16xf32, #tpu.memory_space<vmem>> -> memref<128x16xf32, #tpu.memory_space<vmem>>
      %dma_wait3A_2194 = arith.constant 1536 : i32
      %dma_wait3A_2195 = tpu.memref_slice %arg6[%dma_wait3A_2194] : memref<3328xi32, #tpu.memory_space<vmem>> -> memref<128xi32, #tpu.memory_space<vmem>>
      %dma_wait3A_2196 = arith.constant 0 : i32
      %dma_wait3A_2197 = arith.constant 0 : i32
      %dma_wait3A_2198 = tpu.memref_slice %arg3[%dma_wait3A_2196, %dma_wait3A_2197] : memref<2600000x16xf32, #tpu.memory_space<hbm>> -> memref<2600000x16xf32, #tpu.memory_space<hbm>>
      tpu.wait_indirect_dma semaphore(%arg8 : memref<!tpu.dma_semaphore, #tpu.memory_space<semaphore_mem>>) src(%dma_wait3A_2198 : memref<2600000x16xf32, #tpu.memory_space<hbm>>) dst(%dma_wait3A_2193 : memref<128x16xf32, #tpu.memory_space<vmem>>)
      %dma_wait3A_2199 = arith.constant 1664 : i32
      %dma_wait3A_2200 = arith.constant 0 : i32
      %dma_wait3A_2201 = tpu.memref_slice %arg7[%dma_wait3A_2199, %dma_wait3A_2200] : memref<3328x16xf32, #tpu.memory_space<vmem>> -> memref<128x16xf32, #tpu.memory_space<vmem>>
      %dma_wait3A_2202 = arith.constant 1664 : i32
      %dma_wait3A_2203 = tpu.memref_slice %arg6[%dma_wait3A_2202] : memref<3328xi32, #tpu.memory_space<vmem>> -> memref<128xi32, #tpu.memory_space<vmem>>
      %dma_wait3A_2204 = arith.constant 0 : i32
      %dma_wait3A_2205 = arith.constant 0 : i32
      %dma_wait3A_2206 = tpu.memref_slice %arg3[%dma_wait3A_2204, %dma_wait3A_2205] : memref<2600000x16xf32, #tpu.memory_space<hbm>> -> memref<2600000x16xf32, #tpu.memory_space<hbm>>
      tpu.wait_indirect_dma semaphore(%arg8 : memref<!tpu.dma_semaphore, #tpu.memory_space<semaphore_mem>>) src(%dma_wait3A_2206 : memref<2600000x16xf32, #tpu.memory_space<hbm>>) dst(%dma_wait3A_2201 : memref<128x16xf32, #tpu.memory_space<vmem>>)
      %dma_wait3A_2207 = arith.constant 1792 : i32
      %dma_wait3A_2208 = arith.constant 0 : i32
      %dma_wait3A_2209 = tpu.memref_slice %arg7[%dma_wait3A_2207, %dma_wait3A_2208] : memref<3328x16xf32, #tpu.memory_space<vmem>> -> memref<128x16xf32, #tpu.memory_space<vmem>>
      %dma_wait3A_2210 = arith.constant 1792 : i32
      %dma_wait3A_2211 = tpu.memref_slice %arg6[%dma_wait3A_2210] : memref<3328xi32, #tpu.memory_space<vmem>> -> memref<128xi32, #tpu.memory_space<vmem>>
      %dma_wait3A_2212 = arith.constant 0 : i32
      %dma_wait3A_2213 = arith.constant 0 : i32
      %dma_wait3A_2214 = tpu.memref_slice %arg3[%dma_wait3A_2212, %dma_wait3A_2213] : memref<2600000x16xf32, #tpu.memory_space<hbm>> -> memref<2600000x16xf32, #tpu.memory_space<hbm>>
      tpu.wait_indirect_dma semaphore(%arg8 : memref<!tpu.dma_semaphore, #tpu.memory_space<semaphore_mem>>) src(%dma_wait3A_2214 : memref<2600000x16xf32, #tpu.memory_space<hbm>>) dst(%dma_wait3A_2209 : memref<128x16xf32, #tpu.memory_space<vmem>>)
      %dma_wait3A_2215 = arith.constant 1920 : i32
      %dma_wait3A_2216 = arith.constant 0 : i32
      %dma_wait3A_2217 = tpu.memref_slice %arg7[%dma_wait3A_2215, %dma_wait3A_2216] : memref<3328x16xf32, #tpu.memory_space<vmem>> -> memref<128x16xf32, #tpu.memory_space<vmem>>
      %dma_wait3A_2218 = arith.constant 1920 : i32
      %dma_wait3A_2219 = tpu.memref_slice %arg6[%dma_wait3A_2218] : memref<3328xi32, #tpu.memory_space<vmem>> -> memref<128xi32, #tpu.memory_space<vmem>>
      %dma_wait3A_2220 = arith.constant 0 : i32
      %dma_wait3A_2221 = arith.constant 0 : i32
      %dma_wait3A_2222 = tpu.memref_slice %arg3[%dma_wait3A_2220, %dma_wait3A_2221] : memref<2600000x16xf32, #tpu.memory_space<hbm>> -> memref<2600000x16xf32, #tpu.memory_space<hbm>>
      tpu.wait_indirect_dma semaphore(%arg8 : memref<!tpu.dma_semaphore, #tpu.memory_space<semaphore_mem>>) src(%dma_wait3A_2222 : memref<2600000x16xf32, #tpu.memory_space<hbm>>) dst(%dma_wait3A_2217 : memref<128x16xf32, #tpu.memory_space<vmem>>)
      %dma_wait3A_2223 = arith.constant 2048 : i32
      %dma_wait3A_2224 = arith.constant 0 : i32
      %dma_wait3A_2225 = tpu.memref_slice %arg7[%dma_wait3A_2223, %dma_wait3A_2224] : memref<3328x16xf32, #tpu.memory_space<vmem>> -> memref<128x16xf32, #tpu.memory_space<vmem>>
      %dma_wait3A_2226 = arith.constant 2048 : i32
      %dma_wait3A_2227 = tpu.memref_slice %arg6[%dma_wait3A_2226] : memref<3328xi32, #tpu.memory_space<vmem>> -> memref<128xi32, #tpu.memory_space<vmem>>
      %dma_wait3A_2228 = arith.constant 0 : i32
      %dma_wait3A_2229 = arith.constant 0 : i32
      %dma_wait3A_2230 = tpu.memref_slice %arg3[%dma_wait3A_2228, %dma_wait3A_2229] : memref<2600000x16xf32, #tpu.memory_space<hbm>> -> memref<2600000x16xf32, #tpu.memory_space<hbm>>
      tpu.wait_indirect_dma semaphore(%arg8 : memref<!tpu.dma_semaphore, #tpu.memory_space<semaphore_mem>>) src(%dma_wait3A_2230 : memref<2600000x16xf32, #tpu.memory_space<hbm>>) dst(%dma_wait3A_2225 : memref<128x16xf32, #tpu.memory_space<vmem>>)
      %dma_wait3A_2231 = arith.constant 2176 : i32
      %dma_wait3A_2232 = arith.constant 0 : i32
      %dma_wait3A_2233 = tpu.memref_slice %arg7[%dma_wait3A_2231, %dma_wait3A_2232] : memref<3328x16xf32, #tpu.memory_space<vmem>> -> memref<128x16xf32, #tpu.memory_space<vmem>>
      %dma_wait3A_2234 = arith.constant 2176 : i32
      %dma_wait3A_2235 = tpu.memref_slice %arg6[%dma_wait3A_2234] : memref<3328xi32, #tpu.memory_space<vmem>> -> memref<128xi32, #tpu.memory_space<vmem>>
      %dma_wait3A_2236 = arith.constant 0 : i32
      %dma_wait3A_2237 = arith.constant 0 : i32
      %dma_wait3A_2238 = tpu.memref_slice %arg3[%dma_wait3A_2236, %dma_wait3A_2237] : memref<2600000x16xf32, #tpu.memory_space<hbm>> -> memref<2600000x16xf32, #tpu.memory_space<hbm>>
      tpu.wait_indirect_dma semaphore(%arg8 : memref<!tpu.dma_semaphore, #tpu.memory_space<semaphore_mem>>) src(%dma_wait3A_2238 : memref<2600000x16xf32, #tpu.memory_space<hbm>>) dst(%dma_wait3A_2233 : memref<128x16xf32, #tpu.memory_space<vmem>>)
      %dma_wait3A_2239 = arith.constant 2304 : i32
      %dma_wait3A_2240 = arith.constant 0 : i32
      %dma_wait3A_2241 = tpu.memref_slice %arg7[%dma_wait3A_2239, %dma_wait3A_2240] : memref<3328x16xf32, #tpu.memory_space<vmem>> -> memref<128x16xf32, #tpu.memory_space<vmem>>
      %dma_wait3A_2242 = arith.constant 2304 : i32
      %dma_wait3A_2243 = tpu.memref_slice %arg6[%dma_wait3A_2242] : memref<3328xi32, #tpu.memory_space<vmem>> -> memref<128xi32, #tpu.memory_space<vmem>>
      %dma_wait3A_2244 = arith.constant 0 : i32
      %dma_wait3A_2245 = arith.constant 0 : i32
      %dma_wait3A_2246 = tpu.memref_slice %arg3[%dma_wait3A_2244, %dma_wait3A_2245] : memref<2600000x16xf32, #tpu.memory_space<hbm>> -> memref<2600000x16xf32, #tpu.memory_space<hbm>>
      tpu.wait_indirect_dma semaphore(%arg8 : memref<!tpu.dma_semaphore, #tpu.memory_space<semaphore_mem>>) src(%dma_wait3A_2246 : memref<2600000x16xf32, #tpu.memory_space<hbm>>) dst(%dma_wait3A_2241 : memref<128x16xf32, #tpu.memory_space<vmem>>)
      %dma_wait3A_2247 = arith.constant 2432 : i32
      %dma_wait3A_2248 = arith.constant 0 : i32
      %dma_wait3A_2249 = tpu.memref_slice %arg7[%dma_wait3A_2247, %dma_wait3A_2248] : memref<3328x16xf32, #tpu.memory_space<vmem>> -> memref<128x16xf32, #tpu.memory_space<vmem>>
      %dma_wait3A_2250 = arith.constant 2432 : i32
      %dma_wait3A_2251 = tpu.memref_slice %arg6[%dma_wait3A_2250] : memref<3328xi32, #tpu.memory_space<vmem>> -> memref<128xi32, #tpu.memory_space<vmem>>
      %dma_wait3A_2252 = arith.constant 0 : i32
      %dma_wait3A_2253 = arith.constant 0 : i32
      %dma_wait3A_2254 = tpu.memref_slice %arg3[%dma_wait3A_2252, %dma_wait3A_2253] : memref<2600000x16xf32, #tpu.memory_space<hbm>> -> memref<2600000x16xf32, #tpu.memory_space<hbm>>
      tpu.wait_indirect_dma semaphore(%arg8 : memref<!tpu.dma_semaphore, #tpu.memory_space<semaphore_mem>>) src(%dma_wait3A_2254 : memref<2600000x16xf32, #tpu.memory_space<hbm>>) dst(%dma_wait3A_2249 : memref<128x16xf32, #tpu.memory_space<vmem>>)
      %dma_wait3A_2255 = arith.constant 2560 : i32
      %dma_wait3A_2256 = arith.constant 0 : i32
      %dma_wait3A_2257 = tpu.memref_slice %arg7[%dma_wait3A_2255, %dma_wait3A_2256] : memref<3328x16xf32, #tpu.memory_space<vmem>> -> memref<128x16xf32, #tpu.memory_space<vmem>>
      %dma_wait3A_2258 = arith.constant 2560 : i32
      %dma_wait3A_2259 = tpu.memref_slice %arg6[%dma_wait3A_2258] : memref<3328xi32, #tpu.memory_space<vmem>> -> memref<128xi32, #tpu.memory_space<vmem>>
      %dma_wait3A_2260 = arith.constant 0 : i32
      %dma_wait3A_2261 = arith.constant 0 : i32
      %dma_wait3A_2262 = tpu.memref_slice %arg3[%dma_wait3A_2260, %dma_wait3A_2261] : memref<2600000x16xf32, #tpu.memory_space<hbm>> -> memref<2600000x16xf32, #tpu.memory_space<hbm>>
      tpu.wait_indirect_dma semaphore(%arg8 : memref<!tpu.dma_semaphore, #tpu.memory_space<semaphore_mem>>) src(%dma_wait3A_2262 : memref<2600000x16xf32, #tpu.memory_space<hbm>>) dst(%dma_wait3A_2257 : memref<128x16xf32, #tpu.memory_space<vmem>>)
      %dma_wait3A_2263 = arith.constant 2688 : i32
      %dma_wait3A_2264 = arith.constant 0 : i32
      %dma_wait3A_2265 = tpu.memref_slice %arg7[%dma_wait3A_2263, %dma_wait3A_2264] : memref<3328x16xf32, #tpu.memory_space<vmem>> -> memref<128x16xf32, #tpu.memory_space<vmem>>
      %dma_wait3A_2266 = arith.constant 2688 : i32
      %dma_wait3A_2267 = tpu.memref_slice %arg6[%dma_wait3A_2266] : memref<3328xi32, #tpu.memory_space<vmem>> -> memref<128xi32, #tpu.memory_space<vmem>>
      %dma_wait3A_2268 = arith.constant 0 : i32
      %dma_wait3A_2269 = arith.constant 0 : i32
      %dma_wait3A_2270 = tpu.memref_slice %arg3[%dma_wait3A_2268, %dma_wait3A_2269] : memref<2600000x16xf32, #tpu.memory_space<hbm>> -> memref<2600000x16xf32, #tpu.memory_space<hbm>>
      tpu.wait_indirect_dma semaphore(%arg8 : memref<!tpu.dma_semaphore, #tpu.memory_space<semaphore_mem>>) src(%dma_wait3A_2270 : memref<2600000x16xf32, #tpu.memory_space<hbm>>) dst(%dma_wait3A_2265 : memref<128x16xf32, #tpu.memory_space<vmem>>)
      %dma_wait3A_2271 = arith.constant 2816 : i32
      %dma_wait3A_2272 = arith.constant 0 : i32
      %dma_wait3A_2273 = tpu.memref_slice %arg7[%dma_wait3A_2271, %dma_wait3A_2272] : memref<3328x16xf32, #tpu.memory_space<vmem>> -> memref<128x16xf32, #tpu.memory_space<vmem>>
      %dma_wait3A_2274 = arith.constant 2816 : i32
      %dma_wait3A_2275 = tpu.memref_slice %arg6[%dma_wait3A_2274] : memref<3328xi32, #tpu.memory_space<vmem>> -> memref<128xi32, #tpu.memory_space<vmem>>
      %dma_wait3A_2276 = arith.constant 0 : i32
      %dma_wait3A_2277 = arith.constant 0 : i32
      %dma_wait3A_2278 = tpu.memref_slice %arg3[%dma_wait3A_2276, %dma_wait3A_2277] : memref<2600000x16xf32, #tpu.memory_space<hbm>> -> memref<2600000x16xf32, #tpu.memory_space<hbm>>
      tpu.wait_indirect_dma semaphore(%arg8 : memref<!tpu.dma_semaphore, #tpu.memory_space<semaphore_mem>>) src(%dma_wait3A_2278 : memref<2600000x16xf32, #tpu.memory_space<hbm>>) dst(%dma_wait3A_2273 : memref<128x16xf32, #tpu.memory_space<vmem>>)
      %dma_wait3A_2279 = arith.constant 2944 : i32
      %dma_wait3A_2280 = arith.constant 0 : i32
      %dma_wait3A_2281 = tpu.memref_slice %arg7[%dma_wait3A_2279, %dma_wait3A_2280] : memref<3328x16xf32, #tpu.memory_space<vmem>> -> memref<128x16xf32, #tpu.memory_space<vmem>>
      %dma_wait3A_2282 = arith.constant 2944 : i32
      %dma_wait3A_2283 = tpu.memref_slice %arg6[%dma_wait3A_2282] : memref<3328xi32, #tpu.memory_space<vmem>> -> memref<128xi32, #tpu.memory_space<vmem>>
      %dma_wait3A_2284 = arith.constant 0 : i32
      %dma_wait3A_2285 = arith.constant 0 : i32
      %dma_wait3A_2286 = tpu.memref_slice %arg3[%dma_wait3A_2284, %dma_wait3A_2285] : memref<2600000x16xf32, #tpu.memory_space<hbm>> -> memref<2600000x16xf32, #tpu.memory_space<hbm>>
      tpu.wait_indirect_dma semaphore(%arg8 : memref<!tpu.dma_semaphore, #tpu.memory_space<semaphore_mem>>) src(%dma_wait3A_2286 : memref<2600000x16xf32, #tpu.memory_space<hbm>>) dst(%dma_wait3A_2281 : memref<128x16xf32, #tpu.memory_space<vmem>>)
      %dma_wait3A_2287 = arith.constant 3072 : i32
      %dma_wait3A_2288 = arith.constant 0 : i32
      %dma_wait3A_2289 = tpu.memref_slice %arg7[%dma_wait3A_2287, %dma_wait3A_2288] : memref<3328x16xf32, #tpu.memory_space<vmem>> -> memref<128x16xf32, #tpu.memory_space<vmem>>
      %dma_wait3A_2290 = arith.constant 3072 : i32
      %dma_wait3A_2291 = tpu.memref_slice %arg6[%dma_wait3A_2290] : memref<3328xi32, #tpu.memory_space<vmem>> -> memref<128xi32, #tpu.memory_space<vmem>>
      %dma_wait3A_2292 = arith.constant 0 : i32
      %dma_wait3A_2293 = arith.constant 0 : i32
      %dma_wait3A_2294 = tpu.memref_slice %arg3[%dma_wait3A_2292, %dma_wait3A_2293] : memref<2600000x16xf32, #tpu.memory_space<hbm>> -> memref<2600000x16xf32, #tpu.memory_space<hbm>>
      tpu.wait_indirect_dma semaphore(%arg8 : memref<!tpu.dma_semaphore, #tpu.memory_space<semaphore_mem>>) src(%dma_wait3A_2294 : memref<2600000x16xf32, #tpu.memory_space<hbm>>) dst(%dma_wait3A_2289 : memref<128x16xf32, #tpu.memory_space<vmem>>)
      %dma_wait3A_2295 = arith.constant 3200 : i32
      %dma_wait3A_2296 = arith.constant 0 : i32
      %dma_wait3A_2297 = tpu.memref_slice %arg7[%dma_wait3A_2295, %dma_wait3A_2296] : memref<3328x16xf32, #tpu.memory_space<vmem>> -> memref<128x16xf32, #tpu.memory_space<vmem>>
      %dma_wait3A_2298 = arith.constant 3200 : i32
      %dma_wait3A_2299 = tpu.memref_slice %arg6[%dma_wait3A_2298] : memref<3328xi32, #tpu.memory_space<vmem>> -> memref<128xi32, #tpu.memory_space<vmem>>
      %dma_wait3A_2300 = arith.constant 0 : i32
      %dma_wait3A_2301 = arith.constant 0 : i32
      %dma_wait3A_2302 = tpu.memref_slice %arg3[%dma_wait3A_2300, %dma_wait3A_2301] : memref<2600000x16xf32, #tpu.memory_space<hbm>> -> memref<2600000x16xf32, #tpu.memory_space<hbm>>
      tpu.wait_indirect_dma semaphore(%arg8 : memref<!tpu.dma_semaphore, #tpu.memory_space<semaphore_mem>>) src(%dma_wait3A_2302 : memref<2600000x16xf32, #tpu.memory_space<hbm>>) dst(%dma_wait3A_2297 : memref<128x16xf32, #tpu.memory_space<vmem>>)
      "tpu.region"() ({
        %run_scoped3A = tpu.sem_alloc : memref<!tpu.dma_semaphore, #tpu.memory_space<semaphore_mem>>
        %dma_start3A_2304 = arith.constant 0 : i32
        %dma_start3A_2305 = arith.constant 0 : i32
        %dma_start3A_2306 = tpu.memref_slice %arg7[%dma_start3A_2304, %dma_start3A_2305] : memref<3328x16xf32, #tpu.memory_space<vmem>> -> memref<128x16xf32, #tpu.memory_space<vmem>>
        %dma_start3A_2307 = arith.constant 0 : i32
        %dma_start3A_2308 = tpu.memref_slice %arg4[%add3A_16, %dma_start3A_2307] : memref<16384x416xf32, #tpu.memory_space<hbm>> -> memref<128x16xf32, #tpu.memory_space<hbm>>
        %dma_start3A_2309 = arith.constant 0 : i32
        %dma_start3A_2310 = tpu.memref_slice %arg4[%add3A_16, %dma_start3A_2309] : memref<16384x416xf32, #tpu.memory_space<hbm>> -> memref<128x16xf32, #tpu.memory_space<hbm>>
        %dma_start3A_2311 = arith.constant 0 : i32
        %dma_start3A_2312 = arith.constant 0 : i32
        %dma_start3A_2313 = tpu.memref_slice %arg7[%dma_start3A_2311, %dma_start3A_2312] : memref<3328x16xf32, #tpu.memory_space<vmem>> -> memref<128x16xf32, #tpu.memory_space<vmem>>
        tpu.enqueue_dma source(%dma_start3A_2313 : memref<128x16xf32, #tpu.memory_space<vmem>>) target(%dma_start3A_2310 : memref<128x16xf32, #tpu.memory_space<hbm>>) target_semaphore(%run_scoped3A : memref<!tpu.dma_semaphore, #tpu.memory_space<semaphore_mem>>)
        %dma_wait3A_2314 = arith.constant 0 : i32
        %dma_wait3A_2315 = arith.constant 0 : i32
        %dma_wait3A_2316 = tpu.memref_slice %arg7[%dma_wait3A_2314, %dma_wait3A_2315] : memref<3328x16xf32, #tpu.memory_space<vmem>> -> memref<128x16xf32, #tpu.memory_space<vmem>>
        %dma_wait3A_2317 = arith.constant 0 : i32
        %dma_wait3A_2318 = tpu.memref_slice %arg4[%add3A_16, %dma_wait3A_2317] : memref<16384x416xf32, #tpu.memory_space<hbm>> -> memref<128x16xf32, #tpu.memory_space<hbm>>
        %dma_wait3A_2319 = arith.constant 0 : i32
        %dma_wait3A_2320 = tpu.memref_slice %arg4[%add3A_16, %dma_wait3A_2319] : memref<16384x416xf32, #tpu.memory_space<hbm>> -> memref<128x16xf32, #tpu.memory_space<hbm>>
        %dma_wait3A_2321 = arith.constant 0 : i32
        %dma_wait3A_2322 = arith.constant 0 : i32
        %dma_wait3A_2323 = tpu.memref_slice %arg7[%dma_wait3A_2321, %dma_wait3A_2322] : memref<3328x16xf32, #tpu.memory_space<vmem>> -> memref<128x16xf32, #tpu.memory_space<vmem>>
        tpu.wait_dma2 semaphore(%run_scoped3A : memref<!tpu.dma_semaphore, #tpu.memory_space<semaphore_mem>>) src(%dma_wait3A_2323 : memref<128x16xf32, #tpu.memory_space<vmem>>) dst(%dma_wait3A_2320 : memref<128x16xf32, #tpu.memory_space<hbm>>)
        tpu.yield
      }) : () -> ()
      "tpu.region"() ({
        %run_scoped3A = tpu.sem_alloc : memref<!tpu.dma_semaphore, #tpu.memory_space<semaphore_mem>>
        %dma_start3A_2304 = arith.constant 128 : i32
        %dma_start3A_2305 = arith.constant 0 : i32
        %dma_start3A_2306 = tpu.memref_slice %arg7[%dma_start3A_2304, %dma_start3A_2305] : memref<3328x16xf32, #tpu.memory_space<vmem>> -> memref<128x16xf32, #tpu.memory_space<vmem>>
        %dma_start3A_2307 = arith.constant 16 : i32
        %dma_start3A_2308 = tpu.memref_slice %arg4[%add3A_16, %dma_start3A_2307] : memref<16384x416xf32, #tpu.memory_space<hbm>> -> memref<128x16xf32, #tpu.memory_space<hbm>>
        %dma_start3A_2309 = arith.constant 16 : i32
        %dma_start3A_2310 = tpu.memref_slice %arg4[%add3A_16, %dma_start3A_2309] : memref<16384x416xf32, #tpu.memory_space<hbm>> -> memref<128x16xf32, #tpu.memory_space<hbm>>
        %dma_start3A_2311 = arith.constant 128 : i32
        %dma_start3A_2312 = arith.constant 0 : i32
        %dma_start3A_2313 = tpu.memref_slice %arg7[%dma_start3A_2311, %dma_start3A_2312] : memref<3328x16xf32, #tpu.memory_space<vmem>> -> memref<128x16xf32, #tpu.memory_space<vmem>>
        tpu.enqueue_dma source(%dma_start3A_2313 : memref<128x16xf32, #tpu.memory_space<vmem>>) target(%dma_start3A_2310 : memref<128x16xf32, #tpu.memory_space<hbm>>) target_semaphore(%run_scoped3A : memref<!tpu.dma_semaphore, #tpu.memory_space<semaphore_mem>>)
        %dma_wait3A_2314 = arith.constant 128 : i32
        %dma_wait3A_2315 = arith.constant 0 : i32
        %dma_wait3A_2316 = tpu.memref_slice %arg7[%dma_wait3A_2314, %dma_wait3A_2315] : memref<3328x16xf32, #tpu.memory_space<vmem>> -> memref<128x16xf32, #tpu.memory_space<vmem>>
        %dma_wait3A_2317 = arith.constant 16 : i32
        %dma_wait3A_2318 = tpu.memref_slice %arg4[%add3A_16, %dma_wait3A_2317] : memref<16384x416xf32, #tpu.memory_space<hbm>> -> memref<128x16xf32, #tpu.memory_space<hbm>>
        %dma_wait3A_2319 = arith.constant 16 : i32
        %dma_wait3A_2320 = tpu.memref_slice %arg4[%add3A_16, %dma_wait3A_2319] : memref<16384x416xf32, #tpu.memory_space<hbm>> -> memref<128x16xf32, #tpu.memory_space<hbm>>
        %dma_wait3A_2321 = arith.constant 128 : i32
        %dma_wait3A_2322 = arith.constant 0 : i32
        %dma_wait3A_2323 = tpu.memref_slice %arg7[%dma_wait3A_2321, %dma_wait3A_2322] : memref<3328x16xf32, #tpu.memory_space<vmem>> -> memref<128x16xf32, #tpu.memory_space<vmem>>
        tpu.wait_dma2 semaphore(%run_scoped3A : memref<!tpu.dma_semaphore, #tpu.memory_space<semaphore_mem>>) src(%dma_wait3A_2323 : memref<128x16xf32, #tpu.memory_space<vmem>>) dst(%dma_wait3A_2320 : memref<128x16xf32, #tpu.memory_space<hbm>>)
        tpu.yield
      }) : () -> ()
      "tpu.region"() ({
        %run_scoped3A = tpu.sem_alloc : memref<!tpu.dma_semaphore, #tpu.memory_space<semaphore_mem>>
        %dma_start3A_2304 = arith.constant 256 : i32
        %dma_start3A_2305 = arith.constant 0 : i32
        %dma_start3A_2306 = tpu.memref_slice %arg7[%dma_start3A_2304, %dma_start3A_2305] : memref<3328x16xf32, #tpu.memory_space<vmem>> -> memref<128x16xf32, #tpu.memory_space<vmem>>
        %dma_start3A_2307 = arith.constant 32 : i32
        %dma_start3A_2308 = tpu.memref_slice %arg4[%add3A_16, %dma_start3A_2307] : memref<16384x416xf32, #tpu.memory_space<hbm>> -> memref<128x16xf32, #tpu.memory_space<hbm>>
        %dma_start3A_2309 = arith.constant 32 : i32
        %dma_start3A_2310 = tpu.memref_slice %arg4[%add3A_16, %dma_start3A_2309] : memref<16384x416xf32, #tpu.memory_space<hbm>> -> memref<128x16xf32, #tpu.memory_space<hbm>>
        %dma_start3A_2311 = arith.constant 256 : i32
        %dma_start3A_2312 = arith.constant 0 : i32
        %dma_start3A_2313 = tpu.memref_slice %arg7[%dma_start3A_2311, %dma_start3A_2312] : memref<3328x16xf32, #tpu.memory_space<vmem>> -> memref<128x16xf32, #tpu.memory_space<vmem>>
        tpu.enqueue_dma source(%dma_start3A_2313 : memref<128x16xf32, #tpu.memory_space<vmem>>) target(%dma_start3A_2310 : memref<128x16xf32, #tpu.memory_space<hbm>>) target_semaphore(%run_scoped3A : memref<!tpu.dma_semaphore, #tpu.memory_space<semaphore_mem>>)
        %dma_wait3A_2314 = arith.constant 256 : i32
        %dma_wait3A_2315 = arith.constant 0 : i32
        %dma_wait3A_2316 = tpu.memref_slice %arg7[%dma_wait3A_2314, %dma_wait3A_2315] : memref<3328x16xf32, #tpu.memory_space<vmem>> -> memref<128x16xf32, #tpu.memory_space<vmem>>
        %dma_wait3A_2317 = arith.constant 32 : i32
        %dma_wait3A_2318 = tpu.memref_slice %arg4[%add3A_16, %dma_wait3A_2317] : memref<16384x416xf32, #tpu.memory_space<hbm>> -> memref<128x16xf32, #tpu.memory_space<hbm>>
        %dma_wait3A_2319 = arith.constant 32 : i32
        %dma_wait3A_2320 = tpu.memref_slice %arg4[%add3A_16, %dma_wait3A_2319] : memref<16384x416xf32, #tpu.memory_space<hbm>> -> memref<128x16xf32, #tpu.memory_space<hbm>>
        %dma_wait3A_2321 = arith.constant 256 : i32
        %dma_wait3A_2322 = arith.constant 0 : i32
        %dma_wait3A_2323 = tpu.memref_slice %arg7[%dma_wait3A_2321, %dma_wait3A_2322] : memref<3328x16xf32, #tpu.memory_space<vmem>> -> memref<128x16xf32, #tpu.memory_space<vmem>>
        tpu.wait_dma2 semaphore(%run_scoped3A : memref<!tpu.dma_semaphore, #tpu.memory_space<semaphore_mem>>) src(%dma_wait3A_2323 : memref<128x16xf32, #tpu.memory_space<vmem>>) dst(%dma_wait3A_2320 : memref<128x16xf32, #tpu.memory_space<hbm>>)
        tpu.yield
      }) : () -> ()
      "tpu.region"() ({
        %run_scoped3A = tpu.sem_alloc : memref<!tpu.dma_semaphore, #tpu.memory_space<semaphore_mem>>
        %dma_start3A_2304 = arith.constant 384 : i32
        %dma_start3A_2305 = arith.constant 0 : i32
        %dma_start3A_2306 = tpu.memref_slice %arg7[%dma_start3A_2304, %dma_start3A_2305] : memref<3328x16xf32, #tpu.memory_space<vmem>> -> memref<128x16xf32, #tpu.memory_space<vmem>>
        %dma_start3A_2307 = arith.constant 48 : i32
        %dma_start3A_2308 = tpu.memref_slice %arg4[%add3A_16, %dma_start3A_2307] : memref<16384x416xf32, #tpu.memory_space<hbm>> -> memref<128x16xf32, #tpu.memory_space<hbm>>
        %dma_start3A_2309 = arith.constant 48 : i32
        %dma_start3A_2310 = tpu.memref_slice %arg4[%add3A_16, %dma_start3A_2309] : memref<16384x416xf32, #tpu.memory_space<hbm>> -> memref<128x16xf32, #tpu.memory_space<hbm>>
        %dma_start3A_2311 = arith.constant 384 : i32
        %dma_start3A_2312 = arith.constant 0 : i32
        %dma_start3A_2313 = tpu.memref_slice %arg7[%dma_start3A_2311, %dma_start3A_2312] : memref<3328x16xf32, #tpu.memory_space<vmem>> -> memref<128x16xf32, #tpu.memory_space<vmem>>
        tpu.enqueue_dma source(%dma_start3A_2313 : memref<128x16xf32, #tpu.memory_space<vmem>>) target(%dma_start3A_2310 : memref<128x16xf32, #tpu.memory_space<hbm>>) target_semaphore(%run_scoped3A : memref<!tpu.dma_semaphore, #tpu.memory_space<semaphore_mem>>)
        %dma_wait3A_2314 = arith.constant 384 : i32
        %dma_wait3A_2315 = arith.constant 0 : i32
        %dma_wait3A_2316 = tpu.memref_slice %arg7[%dma_wait3A_2314, %dma_wait3A_2315] : memref<3328x16xf32, #tpu.memory_space<vmem>> -> memref<128x16xf32, #tpu.memory_space<vmem>>
        %dma_wait3A_2317 = arith.constant 48 : i32
        %dma_wait3A_2318 = tpu.memref_slice %arg4[%add3A_16, %dma_wait3A_2317] : memref<16384x416xf32, #tpu.memory_space<hbm>> -> memref<128x16xf32, #tpu.memory_space<hbm>>
        %dma_wait3A_2319 = arith.constant 48 : i32
        %dma_wait3A_2320 = tpu.memref_slice %arg4[%add3A_16, %dma_wait3A_2319] : memref<16384x416xf32, #tpu.memory_space<hbm>> -> memref<128x16xf32, #tpu.memory_space<hbm>>
        %dma_wait3A_2321 = arith.constant 384 : i32
        %dma_wait3A_2322 = arith.constant 0 : i32
        %dma_wait3A_2323 = tpu.memref_slice %arg7[%dma_wait3A_2321, %dma_wait3A_2322] : memref<3328x16xf32, #tpu.memory_space<vmem>> -> memref<128x16xf32, #tpu.memory_space<vmem>>
        tpu.wait_dma2 semaphore(%run_scoped3A : memref<!tpu.dma_semaphore, #tpu.memory_space<semaphore_mem>>) src(%dma_wait3A_2323 : memref<128x16xf32, #tpu.memory_space<vmem>>) dst(%dma_wait3A_2320 : memref<128x16xf32, #tpu.memory_space<hbm>>)
        tpu.yield
      }) : () -> ()
      "tpu.region"() ({
        %run_scoped3A = tpu.sem_alloc : memref<!tpu.dma_semaphore, #tpu.memory_space<semaphore_mem>>
        %dma_start3A_2304 = arith.constant 512 : i32
        %dma_start3A_2305 = arith.constant 0 : i32
        %dma_start3A_2306 = tpu.memref_slice %arg7[%dma_start3A_2304, %dma_start3A_2305] : memref<3328x16xf32, #tpu.memory_space<vmem>> -> memref<128x16xf32, #tpu.memory_space<vmem>>
        %dma_start3A_2307 = arith.constant 64 : i32
        %dma_start3A_2308 = tpu.memref_slice %arg4[%add3A_16, %dma_start3A_2307] : memref<16384x416xf32, #tpu.memory_space<hbm>> -> memref<128x16xf32, #tpu.memory_space<hbm>>
        %dma_start3A_2309 = arith.constant 64 : i32
        %dma_start3A_2310 = tpu.memref_slice %arg4[%add3A_16, %dma_start3A_2309] : memref<16384x416xf32, #tpu.memory_space<hbm>> -> memref<128x16xf32, #tpu.memory_space<hbm>>
        %dma_start3A_2311 = arith.constant 512 : i32
        %dma_start3A_2312 = arith.constant 0 : i32
        %dma_start3A_2313 = tpu.memref_slice %arg7[%dma_start3A_2311, %dma_start3A_2312] : memref<3328x16xf32, #tpu.memory_space<vmem>> -> memref<128x16xf32, #tpu.memory_space<vmem>>
        tpu.enqueue_dma source(%dma_start3A_2313 : memref<128x16xf32, #tpu.memory_space<vmem>>) target(%dma_start3A_2310 : memref<128x16xf32, #tpu.memory_space<hbm>>) target_semaphore(%run_scoped3A : memref<!tpu.dma_semaphore, #tpu.memory_space<semaphore_mem>>)
        %dma_wait3A_2314 = arith.constant 512 : i32
        %dma_wait3A_2315 = arith.constant 0 : i32
        %dma_wait3A_2316 = tpu.memref_slice %arg7[%dma_wait3A_2314, %dma_wait3A_2315] : memref<3328x16xf32, #tpu.memory_space<vmem>> -> memref<128x16xf32, #tpu.memory_space<vmem>>
        %dma_wait3A_2317 = arith.constant 64 : i32
        %dma_wait3A_2318 = tpu.memref_slice %arg4[%add3A_16, %dma_wait3A_2317] : memref<16384x416xf32, #tpu.memory_space<hbm>> -> memref<128x16xf32, #tpu.memory_space<hbm>>
        %dma_wait3A_2319 = arith.constant 64 : i32
        %dma_wait3A_2320 = tpu.memref_slice %arg4[%add3A_16, %dma_wait3A_2319] : memref<16384x416xf32, #tpu.memory_space<hbm>> -> memref<128x16xf32, #tpu.memory_space<hbm>>
        %dma_wait3A_2321 = arith.constant 512 : i32
        %dma_wait3A_2322 = arith.constant 0 : i32
        %dma_wait3A_2323 = tpu.memref_slice %arg7[%dma_wait3A_2321, %dma_wait3A_2322] : memref<3328x16xf32, #tpu.memory_space<vmem>> -> memref<128x16xf32, #tpu.memory_space<vmem>>
        tpu.wait_dma2 semaphore(%run_scoped3A : memref<!tpu.dma_semaphore, #tpu.memory_space<semaphore_mem>>) src(%dma_wait3A_2323 : memref<128x16xf32, #tpu.memory_space<vmem>>) dst(%dma_wait3A_2320 : memref<128x16xf32, #tpu.memory_space<hbm>>)
        tpu.yield
      }) : () -> ()
      "tpu.region"() ({
        %run_scoped3A = tpu.sem_alloc : memref<!tpu.dma_semaphore, #tpu.memory_space<semaphore_mem>>
        %dma_start3A_2304 = arith.constant 640 : i32
        %dma_start3A_2305 = arith.constant 0 : i32
        %dma_start3A_2306 = tpu.memref_slice %arg7[%dma_start3A_2304, %dma_start3A_2305] : memref<3328x16xf32, #tpu.memory_space<vmem>> -> memref<128x16xf32, #tpu.memory_space<vmem>>
        %dma_start3A_2307 = arith.constant 80 : i32
        %dma_start3A_2308 = tpu.memref_slice %arg4[%add3A_16, %dma_start3A_2307] : memref<16384x416xf32, #tpu.memory_space<hbm>> -> memref<128x16xf32, #tpu.memory_space<hbm>>
        %dma_start3A_2309 = arith.constant 80 : i32
        %dma_start3A_2310 = tpu.memref_slice %arg4[%add3A_16, %dma_start3A_2309] : memref<16384x416xf32, #tpu.memory_space<hbm>> -> memref<128x16xf32, #tpu.memory_space<hbm>>
        %dma_start3A_2311 = arith.constant 640 : i32
        %dma_start3A_2312 = arith.constant 0 : i32
        %dma_start3A_2313 = tpu.memref_slice %arg7[%dma_start3A_2311, %dma_start3A_2312] : memref<3328x16xf32, #tpu.memory_space<vmem>> -> memref<128x16xf32, #tpu.memory_space<vmem>>
        tpu.enqueue_dma source(%dma_start3A_2313 : memref<128x16xf32, #tpu.memory_space<vmem>>) target(%dma_start3A_2310 : memref<128x16xf32, #tpu.memory_space<hbm>>) target_semaphore(%run_scoped3A : memref<!tpu.dma_semaphore, #tpu.memory_space<semaphore_mem>>)
        %dma_wait3A_2314 = arith.constant 640 : i32
        %dma_wait3A_2315 = arith.constant 0 : i32
        %dma_wait3A_2316 = tpu.memref_slice %arg7[%dma_wait3A_2314, %dma_wait3A_2315] : memref<3328x16xf32, #tpu.memory_space<vmem>> -> memref<128x16xf32, #tpu.memory_space<vmem>>
        %dma_wait3A_2317 = arith.constant 80 : i32
        %dma_wait3A_2318 = tpu.memref_slice %arg4[%add3A_16, %dma_wait3A_2317] : memref<16384x416xf32, #tpu.memory_space<hbm>> -> memref<128x16xf32, #tpu.memory_space<hbm>>
        %dma_wait3A_2319 = arith.constant 80 : i32
        %dma_wait3A_2320 = tpu.memref_slice %arg4[%add3A_16, %dma_wait3A_2319] : memref<16384x416xf32, #tpu.memory_space<hbm>> -> memref<128x16xf32, #tpu.memory_space<hbm>>
        %dma_wait3A_2321 = arith.constant 640 : i32
        %dma_wait3A_2322 = arith.constant 0 : i32
        %dma_wait3A_2323 = tpu.memref_slice %arg7[%dma_wait3A_2321, %dma_wait3A_2322] : memref<3328x16xf32, #tpu.memory_space<vmem>> -> memref<128x16xf32, #tpu.memory_space<vmem>>
        tpu.wait_dma2 semaphore(%run_scoped3A : memref<!tpu.dma_semaphore, #tpu.memory_space<semaphore_mem>>) src(%dma_wait3A_2323 : memref<128x16xf32, #tpu.memory_space<vmem>>) dst(%dma_wait3A_2320 : memref<128x16xf32, #tpu.memory_space<hbm>>)
        tpu.yield
      }) : () -> ()
      "tpu.region"() ({
        %run_scoped3A = tpu.sem_alloc : memref<!tpu.dma_semaphore, #tpu.memory_space<semaphore_mem>>
        %dma_start3A_2304 = arith.constant 768 : i32
        %dma_start3A_2305 = arith.constant 0 : i32
        %dma_start3A_2306 = tpu.memref_slice %arg7[%dma_start3A_2304, %dma_start3A_2305] : memref<3328x16xf32, #tpu.memory_space<vmem>> -> memref<128x16xf32, #tpu.memory_space<vmem>>
        %dma_start3A_2307 = arith.constant 96 : i32
        %dma_start3A_2308 = tpu.memref_slice %arg4[%add3A_16, %dma_start3A_2307] : memref<16384x416xf32, #tpu.memory_space<hbm>> -> memref<128x16xf32, #tpu.memory_space<hbm>>
        %dma_start3A_2309 = arith.constant 96 : i32
        %dma_start3A_2310 = tpu.memref_slice %arg4[%add3A_16, %dma_start3A_2309] : memref<16384x416xf32, #tpu.memory_space<hbm>> -> memref<128x16xf32, #tpu.memory_space<hbm>>
        %dma_start3A_2311 = arith.constant 768 : i32
        %dma_start3A_2312 = arith.constant 0 : i32
        %dma_start3A_2313 = tpu.memref_slice %arg7[%dma_start3A_2311, %dma_start3A_2312] : memref<3328x16xf32, #tpu.memory_space<vmem>> -> memref<128x16xf32, #tpu.memory_space<vmem>>
        tpu.enqueue_dma source(%dma_start3A_2313 : memref<128x16xf32, #tpu.memory_space<vmem>>) target(%dma_start3A_2310 : memref<128x16xf32, #tpu.memory_space<hbm>>) target_semaphore(%run_scoped3A : memref<!tpu.dma_semaphore, #tpu.memory_space<semaphore_mem>>)
        %dma_wait3A_2314 = arith.constant 768 : i32
        %dma_wait3A_2315 = arith.constant 0 : i32
        %dma_wait3A_2316 = tpu.memref_slice %arg7[%dma_wait3A_2314, %dma_wait3A_2315] : memref<3328x16xf32, #tpu.memory_space<vmem>> -> memref<128x16xf32, #tpu.memory_space<vmem>>
        %dma_wait3A_2317 = arith.constant 96 : i32
        %dma_wait3A_2318 = tpu.memref_slice %arg4[%add3A_16, %dma_wait3A_2317] : memref<16384x416xf32, #tpu.memory_space<hbm>> -> memref<128x16xf32, #tpu.memory_space<hbm>>
        %dma_wait3A_2319 = arith.constant 96 : i32
        %dma_wait3A_2320 = tpu.memref_slice %arg4[%add3A_16, %dma_wait3A_2319] : memref<16384x416xf32, #tpu.memory_space<hbm>> -> memref<128x16xf32, #tpu.memory_space<hbm>>
        %dma_wait3A_2321 = arith.constant 768 : i32
        %dma_wait3A_2322 = arith.constant 0 : i32
        %dma_wait3A_2323 = tpu.memref_slice %arg7[%dma_wait3A_2321, %dma_wait3A_2322] : memref<3328x16xf32, #tpu.memory_space<vmem>> -> memref<128x16xf32, #tpu.memory_space<vmem>>
        tpu.wait_dma2 semaphore(%run_scoped3A : memref<!tpu.dma_semaphore, #tpu.memory_space<semaphore_mem>>) src(%dma_wait3A_2323 : memref<128x16xf32, #tpu.memory_space<vmem>>) dst(%dma_wait3A_2320 : memref<128x16xf32, #tpu.memory_space<hbm>>)
        tpu.yield
      }) : () -> ()
      "tpu.region"() ({
        %run_scoped3A = tpu.sem_alloc : memref<!tpu.dma_semaphore, #tpu.memory_space<semaphore_mem>>
        %dma_start3A_2304 = arith.constant 896 : i32
        %dma_start3A_2305 = arith.constant 0 : i32
        %dma_start3A_2306 = tpu.memref_slice %arg7[%dma_start3A_2304, %dma_start3A_2305] : memref<3328x16xf32, #tpu.memory_space<vmem>> -> memref<128x16xf32, #tpu.memory_space<vmem>>
        %dma_start3A_2307 = arith.constant 112 : i32
        %dma_start3A_2308 = tpu.memref_slice %arg4[%add3A_16, %dma_start3A_2307] : memref<16384x416xf32, #tpu.memory_space<hbm>> -> memref<128x16xf32, #tpu.memory_space<hbm>>
        %dma_start3A_2309 = arith.constant 112 : i32
        %dma_start3A_2310 = tpu.memref_slice %arg4[%add3A_16, %dma_start3A_2309] : memref<16384x416xf32, #tpu.memory_space<hbm>> -> memref<128x16xf32, #tpu.memory_space<hbm>>
        %dma_start3A_2311 = arith.constant 896 : i32
        %dma_start3A_2312 = arith.constant 0 : i32
        %dma_start3A_2313 = tpu.memref_slice %arg7[%dma_start3A_2311, %dma_start3A_2312] : memref<3328x16xf32, #tpu.memory_space<vmem>> -> memref<128x16xf32, #tpu.memory_space<vmem>>
        tpu.enqueue_dma source(%dma_start3A_2313 : memref<128x16xf32, #tpu.memory_space<vmem>>) target(%dma_start3A_2310 : memref<128x16xf32, #tpu.memory_space<hbm>>) target_semaphore(%run_scoped3A : memref<!tpu.dma_semaphore, #tpu.memory_space<semaphore_mem>>)
        %dma_wait3A_2314 = arith.constant 896 : i32
        %dma_wait3A_2315 = arith.constant 0 : i32
        %dma_wait3A_2316 = tpu.memref_slice %arg7[%dma_wait3A_2314, %dma_wait3A_2315] : memref<3328x16xf32, #tpu.memory_space<vmem>> -> memref<128x16xf32, #tpu.memory_space<vmem>>
        %dma_wait3A_2317 = arith.constant 112 : i32
        %dma_wait3A_2318 = tpu.memref_slice %arg4[%add3A_16, %dma_wait3A_2317] : memref<16384x416xf32, #tpu.memory_space<hbm>> -> memref<128x16xf32, #tpu.memory_space<hbm>>
        %dma_wait3A_2319 = arith.constant 112 : i32
        %dma_wait3A_2320 = tpu.memref_slice %arg4[%add3A_16, %dma_wait3A_2319] : memref<16384x416xf32, #tpu.memory_space<hbm>> -> memref<128x16xf32, #tpu.memory_space<hbm>>
        %dma_wait3A_2321 = arith.constant 896 : i32
        %dma_wait3A_2322 = arith.constant 0 : i32
        %dma_wait3A_2323 = tpu.memref_slice %arg7[%dma_wait3A_2321, %dma_wait3A_2322] : memref<3328x16xf32, #tpu.memory_space<vmem>> -> memref<128x16xf32, #tpu.memory_space<vmem>>
        tpu.wait_dma2 semaphore(%run_scoped3A : memref<!tpu.dma_semaphore, #tpu.memory_space<semaphore_mem>>) src(%dma_wait3A_2323 : memref<128x16xf32, #tpu.memory_space<vmem>>) dst(%dma_wait3A_2320 : memref<128x16xf32, #tpu.memory_space<hbm>>)
        tpu.yield
      }) : () -> ()
      "tpu.region"() ({
        %run_scoped3A = tpu.sem_alloc : memref<!tpu.dma_semaphore, #tpu.memory_space<semaphore_mem>>
        %dma_start3A_2304 = arith.constant 1024 : i32
        %dma_start3A_2305 = arith.constant 0 : i32
        %dma_start3A_2306 = tpu.memref_slice %arg7[%dma_start3A_2304, %dma_start3A_2305] : memref<3328x16xf32, #tpu.memory_space<vmem>> -> memref<128x16xf32, #tpu.memory_space<vmem>>
        %dma_start3A_2307 = arith.constant 128 : i32
        %dma_start3A_2308 = tpu.memref_slice %arg4[%add3A_16, %dma_start3A_2307] : memref<16384x416xf32, #tpu.memory_space<hbm>> -> memref<128x16xf32, #tpu.memory_space<hbm>>
        %dma_start3A_2309 = arith.constant 128 : i32
        %dma_start3A_2310 = tpu.memref_slice %arg4[%add3A_16, %dma_start3A_2309] : memref<16384x416xf32, #tpu.memory_space<hbm>> -> memref<128x16xf32, #tpu.memory_space<hbm>>
        %dma_start3A_2311 = arith.constant 1024 : i32
        %dma_start3A_2312 = arith.constant 0 : i32
        %dma_start3A_2313 = tpu.memref_slice %arg7[%dma_start3A_2311, %dma_start3A_2312] : memref<3328x16xf32, #tpu.memory_space<vmem>> -> memref<128x16xf32, #tpu.memory_space<vmem>>
        tpu.enqueue_dma source(%dma_start3A_2313 : memref<128x16xf32, #tpu.memory_space<vmem>>) target(%dma_start3A_2310 : memref<128x16xf32, #tpu.memory_space<hbm>>) target_semaphore(%run_scoped3A : memref<!tpu.dma_semaphore, #tpu.memory_space<semaphore_mem>>)
        %dma_wait3A_2314 = arith.constant 1024 : i32
        %dma_wait3A_2315 = arith.constant 0 : i32
        %dma_wait3A_2316 = tpu.memref_slice %arg7[%dma_wait3A_2314, %dma_wait3A_2315] : memref<3328x16xf32, #tpu.memory_space<vmem>> -> memref<128x16xf32, #tpu.memory_space<vmem>>
        %dma_wait3A_2317 = arith.constant 128 : i32
        %dma_wait3A_2318 = tpu.memref_slice %arg4[%add3A_16, %dma_wait3A_2317] : memref<16384x416xf32, #tpu.memory_space<hbm>> -> memref<128x16xf32, #tpu.memory_space<hbm>>
        %dma_wait3A_2319 = arith.constant 128 : i32
        %dma_wait3A_2320 = tpu.memref_slice %arg4[%add3A_16, %dma_wait3A_2319] : memref<16384x416xf32, #tpu.memory_space<hbm>> -> memref<128x16xf32, #tpu.memory_space<hbm>>
        %dma_wait3A_2321 = arith.constant 1024 : i32
        %dma_wait3A_2322 = arith.constant 0 : i32
        %dma_wait3A_2323 = tpu.memref_slice %arg7[%dma_wait3A_2321, %dma_wait3A_2322] : memref<3328x16xf32, #tpu.memory_space<vmem>> -> memref<128x16xf32, #tpu.memory_space<vmem>>
        tpu.wait_dma2 semaphore(%run_scoped3A : memref<!tpu.dma_semaphore, #tpu.memory_space<semaphore_mem>>) src(%dma_wait3A_2323 : memref<128x16xf32, #tpu.memory_space<vmem>>) dst(%dma_wait3A_2320 : memref<128x16xf32, #tpu.memory_space<hbm>>)
        tpu.yield
      }) : () -> ()
      "tpu.region"() ({
        %run_scoped3A = tpu.sem_alloc : memref<!tpu.dma_semaphore, #tpu.memory_space<semaphore_mem>>
        %dma_start3A_2304 = arith.constant 1152 : i32
        %dma_start3A_2305 = arith.constant 0 : i32
        %dma_start3A_2306 = tpu.memref_slice %arg7[%dma_start3A_2304, %dma_start3A_2305] : memref<3328x16xf32, #tpu.memory_space<vmem>> -> memref<128x16xf32, #tpu.memory_space<vmem>>
        %dma_start3A_2307 = arith.constant 144 : i32
        %dma_start3A_2308 = tpu.memref_slice %arg4[%add3A_16, %dma_start3A_2307] : memref<16384x416xf32, #tpu.memory_space<hbm>> -> memref<128x16xf32, #tpu.memory_space<hbm>>
        %dma_start3A_2309 = arith.constant 144 : i32
        %dma_start3A_2310 = tpu.memref_slice %arg4[%add3A_16, %dma_start3A_2309] : memref<16384x416xf32, #tpu.memory_space<hbm>> -> memref<128x16xf32, #tpu.memory_space<hbm>>
        %dma_start3A_2311 = arith.constant 1152 : i32
        %dma_start3A_2312 = arith.constant 0 : i32
        %dma_start3A_2313 = tpu.memref_slice %arg7[%dma_start3A_2311, %dma_start3A_2312] : memref<3328x16xf32, #tpu.memory_space<vmem>> -> memref<128x16xf32, #tpu.memory_space<vmem>>
        tpu.enqueue_dma source(%dma_start3A_2313 : memref<128x16xf32, #tpu.memory_space<vmem>>) target(%dma_start3A_2310 : memref<128x16xf32, #tpu.memory_space<hbm>>) target_semaphore(%run_scoped3A : memref<!tpu.dma_semaphore, #tpu.memory_space<semaphore_mem>>)
        %dma_wait3A_2314 = arith.constant 1152 : i32
        %dma_wait3A_2315 = arith.constant 0 : i32
        %dma_wait3A_2316 = tpu.memref_slice %arg7[%dma_wait3A_2314, %dma_wait3A_2315] : memref<3328x16xf32, #tpu.memory_space<vmem>> -> memref<128x16xf32, #tpu.memory_space<vmem>>
        %dma_wait3A_2317 = arith.constant 144 : i32
        %dma_wait3A_2318 = tpu.memref_slice %arg4[%add3A_16, %dma_wait3A_2317] : memref<16384x416xf32, #tpu.memory_space<hbm>> -> memref<128x16xf32, #tpu.memory_space<hbm>>
        %dma_wait3A_2319 = arith.constant 144 : i32
        %dma_wait3A_2320 = tpu.memref_slice %arg4[%add3A_16, %dma_wait3A_2319] : memref<16384x416xf32, #tpu.memory_space<hbm>> -> memref<128x16xf32, #tpu.memory_space<hbm>>
        %dma_wait3A_2321 = arith.constant 1152 : i32
        %dma_wait3A_2322 = arith.constant 0 : i32
        %dma_wait3A_2323 = tpu.memref_slice %arg7[%dma_wait3A_2321, %dma_wait3A_2322] : memref<3328x16xf32, #tpu.memory_space<vmem>> -> memref<128x16xf32, #tpu.memory_space<vmem>>
        tpu.wait_dma2 semaphore(%run_scoped3A : memref<!tpu.dma_semaphore, #tpu.memory_space<semaphore_mem>>) src(%dma_wait3A_2323 : memref<128x16xf32, #tpu.memory_space<vmem>>) dst(%dma_wait3A_2320 : memref<128x16xf32, #tpu.memory_space<hbm>>)
        tpu.yield
      }) : () -> ()
      "tpu.region"() ({
        %run_scoped3A = tpu.sem_alloc : memref<!tpu.dma_semaphore, #tpu.memory_space<semaphore_mem>>
        %dma_start3A_2304 = arith.constant 1280 : i32
        %dma_start3A_2305 = arith.constant 0 : i32
        %dma_start3A_2306 = tpu.memref_slice %arg7[%dma_start3A_2304, %dma_start3A_2305] : memref<3328x16xf32, #tpu.memory_space<vmem>> -> memref<128x16xf32, #tpu.memory_space<vmem>>
        %dma_start3A_2307 = arith.constant 160 : i32
        %dma_start3A_2308 = tpu.memref_slice %arg4[%add3A_16, %dma_start3A_2307] : memref<16384x416xf32, #tpu.memory_space<hbm>> -> memref<128x16xf32, #tpu.memory_space<hbm>>
        %dma_start3A_2309 = arith.constant 160 : i32
        %dma_start3A_2310 = tpu.memref_slice %arg4[%add3A_16, %dma_start3A_2309] : memref<16384x416xf32, #tpu.memory_space<hbm>> -> memref<128x16xf32, #tpu.memory_space<hbm>>
        %dma_start3A_2311 = arith.constant 1280 : i32
        %dma_start3A_2312 = arith.constant 0 : i32
        %dma_start3A_2313 = tpu.memref_slice %arg7[%dma_start3A_2311, %dma_start3A_2312] : memref<3328x16xf32, #tpu.memory_space<vmem>> -> memref<128x16xf32, #tpu.memory_space<vmem>>
        tpu.enqueue_dma source(%dma_start3A_2313 : memref<128x16xf32, #tpu.memory_space<vmem>>) target(%dma_start3A_2310 : memref<128x16xf32, #tpu.memory_space<hbm>>) target_semaphore(%run_scoped3A : memref<!tpu.dma_semaphore, #tpu.memory_space<semaphore_mem>>)
        %dma_wait3A_2314 = arith.constant 1280 : i32
        %dma_wait3A_2315 = arith.constant 0 : i32
        %dma_wait3A_2316 = tpu.memref_slice %arg7[%dma_wait3A_2314, %dma_wait3A_2315] : memref<3328x16xf32, #tpu.memory_space<vmem>> -> memref<128x16xf32, #tpu.memory_space<vmem>>
        %dma_wait3A_2317 = arith.constant 160 : i32
        %dma_wait3A_2318 = tpu.memref_slice %arg4[%add3A_16, %dma_wait3A_2317] : memref<16384x416xf32, #tpu.memory_space<hbm>> -> memref<128x16xf32, #tpu.memory_space<hbm>>
        %dma_wait3A_2319 = arith.constant 160 : i32
        %dma_wait3A_2320 = tpu.memref_slice %arg4[%add3A_16, %dma_wait3A_2319] : memref<16384x416xf32, #tpu.memory_space<hbm>> -> memref<128x16xf32, #tpu.memory_space<hbm>>
        %dma_wait3A_2321 = arith.constant 1280 : i32
        %dma_wait3A_2322 = arith.constant 0 : i32
        %dma_wait3A_2323 = tpu.memref_slice %arg7[%dma_wait3A_2321, %dma_wait3A_2322] : memref<3328x16xf32, #tpu.memory_space<vmem>> -> memref<128x16xf32, #tpu.memory_space<vmem>>
        tpu.wait_dma2 semaphore(%run_scoped3A : memref<!tpu.dma_semaphore, #tpu.memory_space<semaphore_mem>>) src(%dma_wait3A_2323 : memref<128x16xf32, #tpu.memory_space<vmem>>) dst(%dma_wait3A_2320 : memref<128x16xf32, #tpu.memory_space<hbm>>)
        tpu.yield
      }) : () -> ()
      "tpu.region"() ({
        %run_scoped3A = tpu.sem_alloc : memref<!tpu.dma_semaphore, #tpu.memory_space<semaphore_mem>>
        %dma_start3A_2304 = arith.constant 1408 : i32
        %dma_start3A_2305 = arith.constant 0 : i32
        %dma_start3A_2306 = tpu.memref_slice %arg7[%dma_start3A_2304, %dma_start3A_2305] : memref<3328x16xf32, #tpu.memory_space<vmem>> -> memref<128x16xf32, #tpu.memory_space<vmem>>
        %dma_start3A_2307 = arith.constant 176 : i32
        %dma_start3A_2308 = tpu.memref_slice %arg4[%add3A_16, %dma_start3A_2307] : memref<16384x416xf32, #tpu.memory_space<hbm>> -> memref<128x16xf32, #tpu.memory_space<hbm>>
        %dma_start3A_2309 = arith.constant 176 : i32
        %dma_start3A_2310 = tpu.memref_slice %arg4[%add3A_16, %dma_start3A_2309] : memref<16384x416xf32, #tpu.memory_space<hbm>> -> memref<128x16xf32, #tpu.memory_space<hbm>>
        %dma_start3A_2311 = arith.constant 1408 : i32
        %dma_start3A_2312 = arith.constant 0 : i32
        %dma_start3A_2313 = tpu.memref_slice %arg7[%dma_start3A_2311, %dma_start3A_2312] : memref<3328x16xf32, #tpu.memory_space<vmem>> -> memref<128x16xf32, #tpu.memory_space<vmem>>
        tpu.enqueue_dma source(%dma_start3A_2313 : memref<128x16xf32, #tpu.memory_space<vmem>>) target(%dma_start3A_2310 : memref<128x16xf32, #tpu.memory_space<hbm>>) target_semaphore(%run_scoped3A : memref<!tpu.dma_semaphore, #tpu.memory_space<semaphore_mem>>)
        %dma_wait3A_2314 = arith.constant 1408 : i32
        %dma_wait3A_2315 = arith.constant 0 : i32
        %dma_wait3A_2316 = tpu.memref_slice %arg7[%dma_wait3A_2314, %dma_wait3A_2315] : memref<3328x16xf32, #tpu.memory_space<vmem>> -> memref<128x16xf32, #tpu.memory_space<vmem>>
        %dma_wait3A_2317 = arith.constant 176 : i32
        %dma_wait3A_2318 = tpu.memref_slice %arg4[%add3A_16, %dma_wait3A_2317] : memref<16384x416xf32, #tpu.memory_space<hbm>> -> memref<128x16xf32, #tpu.memory_space<hbm>>
        %dma_wait3A_2319 = arith.constant 176 : i32
        %dma_wait3A_2320 = tpu.memref_slice %arg4[%add3A_16, %dma_wait3A_2319] : memref<16384x416xf32, #tpu.memory_space<hbm>> -> memref<128x16xf32, #tpu.memory_space<hbm>>
        %dma_wait3A_2321 = arith.constant 1408 : i32
        %dma_wait3A_2322 = arith.constant 0 : i32
        %dma_wait3A_2323 = tpu.memref_slice %arg7[%dma_wait3A_2321, %dma_wait3A_2322] : memref<3328x16xf32, #tpu.memory_space<vmem>> -> memref<128x16xf32, #tpu.memory_space<vmem>>
        tpu.wait_dma2 semaphore(%run_scoped3A : memref<!tpu.dma_semaphore, #tpu.memory_space<semaphore_mem>>) src(%dma_wait3A_2323 : memref<128x16xf32, #tpu.memory_space<vmem>>) dst(%dma_wait3A_2320 : memref<128x16xf32, #tpu.memory_space<hbm>>)
        tpu.yield
      }) : () -> ()
      "tpu.region"() ({
        %run_scoped3A = tpu.sem_alloc : memref<!tpu.dma_semaphore, #tpu.memory_space<semaphore_mem>>
        %dma_start3A_2304 = arith.constant 1536 : i32
        %dma_start3A_2305 = arith.constant 0 : i32
        %dma_start3A_2306 = tpu.memref_slice %arg7[%dma_start3A_2304, %dma_start3A_2305] : memref<3328x16xf32, #tpu.memory_space<vmem>> -> memref<128x16xf32, #tpu.memory_space<vmem>>
        %dma_start3A_2307 = arith.constant 192 : i32
        %dma_start3A_2308 = tpu.memref_slice %arg4[%add3A_16, %dma_start3A_2307] : memref<16384x416xf32, #tpu.memory_space<hbm>> -> memref<128x16xf32, #tpu.memory_space<hbm>>
        %dma_start3A_2309 = arith.constant 192 : i32
        %dma_start3A_2310 = tpu.memref_slice %arg4[%add3A_16, %dma_start3A_2309] : memref<16384x416xf32, #tpu.memory_space<hbm>> -> memref<128x16xf32, #tpu.memory_space<hbm>>
        %dma_start3A_2311 = arith.constant 1536 : i32
        %dma_start3A_2312 = arith.constant 0 : i32
        %dma_start3A_2313 = tpu.memref_slice %arg7[%dma_start3A_2311, %dma_start3A_2312] : memref<3328x16xf32, #tpu.memory_space<vmem>> -> memref<128x16xf32, #tpu.memory_space<vmem>>
        tpu.enqueue_dma source(%dma_start3A_2313 : memref<128x16xf32, #tpu.memory_space<vmem>>) target(%dma_start3A_2310 : memref<128x16xf32, #tpu.memory_space<hbm>>) target_semaphore(%run_scoped3A : memref<!tpu.dma_semaphore, #tpu.memory_space<semaphore_mem>>)
        %dma_wait3A_2314 = arith.constant 1536 : i32
        %dma_wait3A_2315 = arith.constant 0 : i32
        %dma_wait3A_2316 = tpu.memref_slice %arg7[%dma_wait3A_2314, %dma_wait3A_2315] : memref<3328x16xf32, #tpu.memory_space<vmem>> -> memref<128x16xf32, #tpu.memory_space<vmem>>
        %dma_wait3A_2317 = arith.constant 192 : i32
        %dma_wait3A_2318 = tpu.memref_slice %arg4[%add3A_16, %dma_wait3A_2317] : memref<16384x416xf32, #tpu.memory_space<hbm>> -> memref<128x16xf32, #tpu.memory_space<hbm>>
        %dma_wait3A_2319 = arith.constant 192 : i32
        %dma_wait3A_2320 = tpu.memref_slice %arg4[%add3A_16, %dma_wait3A_2319] : memref<16384x416xf32, #tpu.memory_space<hbm>> -> memref<128x16xf32, #tpu.memory_space<hbm>>
        %dma_wait3A_2321 = arith.constant 1536 : i32
        %dma_wait3A_2322 = arith.constant 0 : i32
        %dma_wait3A_2323 = tpu.memref_slice %arg7[%dma_wait3A_2321, %dma_wait3A_2322] : memref<3328x16xf32, #tpu.memory_space<vmem>> -> memref<128x16xf32, #tpu.memory_space<vmem>>
        tpu.wait_dma2 semaphore(%run_scoped3A : memref<!tpu.dma_semaphore, #tpu.memory_space<semaphore_mem>>) src(%dma_wait3A_2323 : memref<128x16xf32, #tpu.memory_space<vmem>>) dst(%dma_wait3A_2320 : memref<128x16xf32, #tpu.memory_space<hbm>>)
        tpu.yield
      }) : () -> ()
      "tpu.region"() ({
        %run_scoped3A = tpu.sem_alloc : memref<!tpu.dma_semaphore, #tpu.memory_space<semaphore_mem>>
        %dma_start3A_2304 = arith.constant 1664 : i32
        %dma_start3A_2305 = arith.constant 0 : i32
        %dma_start3A_2306 = tpu.memref_slice %arg7[%dma_start3A_2304, %dma_start3A_2305] : memref<3328x16xf32, #tpu.memory_space<vmem>> -> memref<128x16xf32, #tpu.memory_space<vmem>>
        %dma_start3A_2307 = arith.constant 208 : i32
        %dma_start3A_2308 = tpu.memref_slice %arg4[%add3A_16, %dma_start3A_2307] : memref<16384x416xf32, #tpu.memory_space<hbm>> -> memref<128x16xf32, #tpu.memory_space<hbm>>
        %dma_start3A_2309 = arith.constant 208 : i32
        %dma_start3A_2310 = tpu.memref_slice %arg4[%add3A_16, %dma_start3A_2309] : memref<16384x416xf32, #tpu.memory_space<hbm>> -> memref<128x16xf32, #tpu.memory_space<hbm>>
        %dma_start3A_2311 = arith.constant 1664 : i32
        %dma_start3A_2312 = arith.constant 0 : i32
        %dma_start3A_2313 = tpu.memref_slice %arg7[%dma_start3A_2311, %dma_start3A_2312] : memref<3328x16xf32, #tpu.memory_space<vmem>> -> memref<128x16xf32, #tpu.memory_space<vmem>>
        tpu.enqueue_dma source(%dma_start3A_2313 : memref<128x16xf32, #tpu.memory_space<vmem>>) target(%dma_start3A_2310 : memref<128x16xf32, #tpu.memory_space<hbm>>) target_semaphore(%run_scoped3A : memref<!tpu.dma_semaphore, #tpu.memory_space<semaphore_mem>>)
        %dma_wait3A_2314 = arith.constant 1664 : i32
        %dma_wait3A_2315 = arith.constant 0 : i32
        %dma_wait3A_2316 = tpu.memref_slice %arg7[%dma_wait3A_2314, %dma_wait3A_2315] : memref<3328x16xf32, #tpu.memory_space<vmem>> -> memref<128x16xf32, #tpu.memory_space<vmem>>
        %dma_wait3A_2317 = arith.constant 208 : i32
        %dma_wait3A_2318 = tpu.memref_slice %arg4[%add3A_16, %dma_wait3A_2317] : memref<16384x416xf32, #tpu.memory_space<hbm>> -> memref<128x16xf32, #tpu.memory_space<hbm>>
        %dma_wait3A_2319 = arith.constant 208 : i32
        %dma_wait3A_2320 = tpu.memref_slice %arg4[%add3A_16, %dma_wait3A_2319] : memref<16384x416xf32, #tpu.memory_space<hbm>> -> memref<128x16xf32, #tpu.memory_space<hbm>>
        %dma_wait3A_2321 = arith.constant 1664 : i32
        %dma_wait3A_2322 = arith.constant 0 : i32
        %dma_wait3A_2323 = tpu.memref_slice %arg7[%dma_wait3A_2321, %dma_wait3A_2322] : memref<3328x16xf32, #tpu.memory_space<vmem>> -> memref<128x16xf32, #tpu.memory_space<vmem>>
        tpu.wait_dma2 semaphore(%run_scoped3A : memref<!tpu.dma_semaphore, #tpu.memory_space<semaphore_mem>>) src(%dma_wait3A_2323 : memref<128x16xf32, #tpu.memory_space<vmem>>) dst(%dma_wait3A_2320 : memref<128x16xf32, #tpu.memory_space<hbm>>)
        tpu.yield
      }) : () -> ()
      "tpu.region"() ({
        %run_scoped3A = tpu.sem_alloc : memref<!tpu.dma_semaphore, #tpu.memory_space<semaphore_mem>>
        %dma_start3A_2304 = arith.constant 1792 : i32
        %dma_start3A_2305 = arith.constant 0 : i32
        %dma_start3A_2306 = tpu.memref_slice %arg7[%dma_start3A_2304, %dma_start3A_2305] : memref<3328x16xf32, #tpu.memory_space<vmem>> -> memref<128x16xf32, #tpu.memory_space<vmem>>
        %dma_start3A_2307 = arith.constant 224 : i32
        %dma_start3A_2308 = tpu.memref_slice %arg4[%add3A_16, %dma_start3A_2307] : memref<16384x416xf32, #tpu.memory_space<hbm>> -> memref<128x16xf32, #tpu.memory_space<hbm>>
        %dma_start3A_2309 = arith.constant 224 : i32
        %dma_start3A_2310 = tpu.memref_slice %arg4[%add3A_16, %dma_start3A_2309] : memref<16384x416xf32, #tpu.memory_space<hbm>> -> memref<128x16xf32, #tpu.memory_space<hbm>>
        %dma_start3A_2311 = arith.constant 1792 : i32
        %dma_start3A_2312 = arith.constant 0 : i32
        %dma_start3A_2313 = tpu.memref_slice %arg7[%dma_start3A_2311, %dma_start3A_2312] : memref<3328x16xf32, #tpu.memory_space<vmem>> -> memref<128x16xf32, #tpu.memory_space<vmem>>
        tpu.enqueue_dma source(%dma_start3A_2313 : memref<128x16xf32, #tpu.memory_space<vmem>>) target(%dma_start3A_2310 : memref<128x16xf32, #tpu.memory_space<hbm>>) target_semaphore(%run_scoped3A : memref<!tpu.dma_semaphore, #tpu.memory_space<semaphore_mem>>)
        %dma_wait3A_2314 = arith.constant 1792 : i32
        %dma_wait3A_2315 = arith.constant 0 : i32
        %dma_wait3A_2316 = tpu.memref_slice %arg7[%dma_wait3A_2314, %dma_wait3A_2315] : memref<3328x16xf32, #tpu.memory_space<vmem>> -> memref<128x16xf32, #tpu.memory_space<vmem>>
        %dma_wait3A_2317 = arith.constant 224 : i32
        %dma_wait3A_2318 = tpu.memref_slice %arg4[%add3A_16, %dma_wait3A_2317] : memref<16384x416xf32, #tpu.memory_space<hbm>> -> memref<128x16xf32, #tpu.memory_space<hbm>>
        %dma_wait3A_2319 = arith.constant 224 : i32
        %dma_wait3A_2320 = tpu.memref_slice %arg4[%add3A_16, %dma_wait3A_2319] : memref<16384x416xf32, #tpu.memory_space<hbm>> -> memref<128x16xf32, #tpu.memory_space<hbm>>
        %dma_wait3A_2321 = arith.constant 1792 : i32
        %dma_wait3A_2322 = arith.constant 0 : i32
        %dma_wait3A_2323 = tpu.memref_slice %arg7[%dma_wait3A_2321, %dma_wait3A_2322] : memref<3328x16xf32, #tpu.memory_space<vmem>> -> memref<128x16xf32, #tpu.memory_space<vmem>>
        tpu.wait_dma2 semaphore(%run_scoped3A : memref<!tpu.dma_semaphore, #tpu.memory_space<semaphore_mem>>) src(%dma_wait3A_2323 : memref<128x16xf32, #tpu.memory_space<vmem>>) dst(%dma_wait3A_2320 : memref<128x16xf32, #tpu.memory_space<hbm>>)
        tpu.yield
      }) : () -> ()
      "tpu.region"() ({
        %run_scoped3A = tpu.sem_alloc : memref<!tpu.dma_semaphore, #tpu.memory_space<semaphore_mem>>
        %dma_start3A_2304 = arith.constant 1920 : i32
        %dma_start3A_2305 = arith.constant 0 : i32
        %dma_start3A_2306 = tpu.memref_slice %arg7[%dma_start3A_2304, %dma_start3A_2305] : memref<3328x16xf32, #tpu.memory_space<vmem>> -> memref<128x16xf32, #tpu.memory_space<vmem>>
        %dma_start3A_2307 = arith.constant 240 : i32
        %dma_start3A_2308 = tpu.memref_slice %arg4[%add3A_16, %dma_start3A_2307] : memref<16384x416xf32, #tpu.memory_space<hbm>> -> memref<128x16xf32, #tpu.memory_space<hbm>>
        %dma_start3A_2309 = arith.constant 240 : i32
        %dma_start3A_2310 = tpu.memref_slice %arg4[%add3A_16, %dma_start3A_2309] : memref<16384x416xf32, #tpu.memory_space<hbm>> -> memref<128x16xf32, #tpu.memory_space<hbm>>
        %dma_start3A_2311 = arith.constant 1920 : i32
        %dma_start3A_2312 = arith.constant 0 : i32
        %dma_start3A_2313 = tpu.memref_slice %arg7[%dma_start3A_2311, %dma_start3A_2312] : memref<3328x16xf32, #tpu.memory_space<vmem>> -> memref<128x16xf32, #tpu.memory_space<vmem>>
        tpu.enqueue_dma source(%dma_start3A_2313 : memref<128x16xf32, #tpu.memory_space<vmem>>) target(%dma_start3A_2310 : memref<128x16xf32, #tpu.memory_space<hbm>>) target_semaphore(%run_scoped3A : memref<!tpu.dma_semaphore, #tpu.memory_space<semaphore_mem>>)
        %dma_wait3A_2314 = arith.constant 1920 : i32
        %dma_wait3A_2315 = arith.constant 0 : i32
        %dma_wait3A_2316 = tpu.memref_slice %arg7[%dma_wait3A_2314, %dma_wait3A_2315] : memref<3328x16xf32, #tpu.memory_space<vmem>> -> memref<128x16xf32, #tpu.memory_space<vmem>>
        %dma_wait3A_2317 = arith.constant 240 : i32
        %dma_wait3A_2318 = tpu.memref_slice %arg4[%add3A_16, %dma_wait3A_2317] : memref<16384x416xf32, #tpu.memory_space<hbm>> -> memref<128x16xf32, #tpu.memory_space<hbm>>
        %dma_wait3A_2319 = arith.constant 240 : i32
        %dma_wait3A_2320 = tpu.memref_slice %arg4[%add3A_16, %dma_wait3A_2319] : memref<16384x416xf32, #tpu.memory_space<hbm>> -> memref<128x16xf32, #tpu.memory_space<hbm>>
        %dma_wait3A_2321 = arith.constant 1920 : i32
        %dma_wait3A_2322 = arith.constant 0 : i32
        %dma_wait3A_2323 = tpu.memref_slice %arg7[%dma_wait3A_2321, %dma_wait3A_2322] : memref<3328x16xf32, #tpu.memory_space<vmem>> -> memref<128x16xf32, #tpu.memory_space<vmem>>
        tpu.wait_dma2 semaphore(%run_scoped3A : memref<!tpu.dma_semaphore, #tpu.memory_space<semaphore_mem>>) src(%dma_wait3A_2323 : memref<128x16xf32, #tpu.memory_space<vmem>>) dst(%dma_wait3A_2320 : memref<128x16xf32, #tpu.memory_space<hbm>>)
        tpu.yield
      }) : () -> ()
      "tpu.region"() ({
        %run_scoped3A = tpu.sem_alloc : memref<!tpu.dma_semaphore, #tpu.memory_space<semaphore_mem>>
        %dma_start3A_2304 = arith.constant 2048 : i32
        %dma_start3A_2305 = arith.constant 0 : i32
        %dma_start3A_2306 = tpu.memref_slice %arg7[%dma_start3A_2304, %dma_start3A_2305] : memref<3328x16xf32, #tpu.memory_space<vmem>> -> memref<128x16xf32, #tpu.memory_space<vmem>>
        %dma_start3A_2307 = arith.constant 256 : i32
        %dma_start3A_2308 = tpu.memref_slice %arg4[%add3A_16, %dma_start3A_2307] : memref<16384x416xf32, #tpu.memory_space<hbm>> -> memref<128x16xf32, #tpu.memory_space<hbm>>
        %dma_start3A_2309 = arith.constant 256 : i32
        %dma_start3A_2310 = tpu.memref_slice %arg4[%add3A_16, %dma_start3A_2309] : memref<16384x416xf32, #tpu.memory_space<hbm>> -> memref<128x16xf32, #tpu.memory_space<hbm>>
        %dma_start3A_2311 = arith.constant 2048 : i32
        %dma_start3A_2312 = arith.constant 0 : i32
        %dma_start3A_2313 = tpu.memref_slice %arg7[%dma_start3A_2311, %dma_start3A_2312] : memref<3328x16xf32, #tpu.memory_space<vmem>> -> memref<128x16xf32, #tpu.memory_space<vmem>>
        tpu.enqueue_dma source(%dma_start3A_2313 : memref<128x16xf32, #tpu.memory_space<vmem>>) target(%dma_start3A_2310 : memref<128x16xf32, #tpu.memory_space<hbm>>) target_semaphore(%run_scoped3A : memref<!tpu.dma_semaphore, #tpu.memory_space<semaphore_mem>>)
        %dma_wait3A_2314 = arith.constant 2048 : i32
        %dma_wait3A_2315 = arith.constant 0 : i32
        %dma_wait3A_2316 = tpu.memref_slice %arg7[%dma_wait3A_2314, %dma_wait3A_2315] : memref<3328x16xf32, #tpu.memory_space<vmem>> -> memref<128x16xf32, #tpu.memory_space<vmem>>
        %dma_wait3A_2317 = arith.constant 256 : i32
        %dma_wait3A_2318 = tpu.memref_slice %arg4[%add3A_16, %dma_wait3A_2317] : memref<16384x416xf32, #tpu.memory_space<hbm>> -> memref<128x16xf32, #tpu.memory_space<hbm>>
        %dma_wait3A_2319 = arith.constant 256 : i32
        %dma_wait3A_2320 = tpu.memref_slice %arg4[%add3A_16, %dma_wait3A_2319] : memref<16384x416xf32, #tpu.memory_space<hbm>> -> memref<128x16xf32, #tpu.memory_space<hbm>>
        %dma_wait3A_2321 = arith.constant 2048 : i32
        %dma_wait3A_2322 = arith.constant 0 : i32
        %dma_wait3A_2323 = tpu.memref_slice %arg7[%dma_wait3A_2321, %dma_wait3A_2322] : memref<3328x16xf32, #tpu.memory_space<vmem>> -> memref<128x16xf32, #tpu.memory_space<vmem>>
        tpu.wait_dma2 semaphore(%run_scoped3A : memref<!tpu.dma_semaphore, #tpu.memory_space<semaphore_mem>>) src(%dma_wait3A_2323 : memref<128x16xf32, #tpu.memory_space<vmem>>) dst(%dma_wait3A_2320 : memref<128x16xf32, #tpu.memory_space<hbm>>)
        tpu.yield
      }) : () -> ()
      "tpu.region"() ({
        %run_scoped3A = tpu.sem_alloc : memref<!tpu.dma_semaphore, #tpu.memory_space<semaphore_mem>>
        %dma_start3A_2304 = arith.constant 2176 : i32
        %dma_start3A_2305 = arith.constant 0 : i32
        %dma_start3A_2306 = tpu.memref_slice %arg7[%dma_start3A_2304, %dma_start3A_2305] : memref<3328x16xf32, #tpu.memory_space<vmem>> -> memref<128x16xf32, #tpu.memory_space<vmem>>
        %dma_start3A_2307 = arith.constant 272 : i32
        %dma_start3A_2308 = tpu.memref_slice %arg4[%add3A_16, %dma_start3A_2307] : memref<16384x416xf32, #tpu.memory_space<hbm>> -> memref<128x16xf32, #tpu.memory_space<hbm>>
        %dma_start3A_2309 = arith.constant 272 : i32
        %dma_start3A_2310 = tpu.memref_slice %arg4[%add3A_16, %dma_start3A_2309] : memref<16384x416xf32, #tpu.memory_space<hbm>> -> memref<128x16xf32, #tpu.memory_space<hbm>>
        %dma_start3A_2311 = arith.constant 2176 : i32
        %dma_start3A_2312 = arith.constant 0 : i32
        %dma_start3A_2313 = tpu.memref_slice %arg7[%dma_start3A_2311, %dma_start3A_2312] : memref<3328x16xf32, #tpu.memory_space<vmem>> -> memref<128x16xf32, #tpu.memory_space<vmem>>
        tpu.enqueue_dma source(%dma_start3A_2313 : memref<128x16xf32, #tpu.memory_space<vmem>>) target(%dma_start3A_2310 : memref<128x16xf32, #tpu.memory_space<hbm>>) target_semaphore(%run_scoped3A : memref<!tpu.dma_semaphore, #tpu.memory_space<semaphore_mem>>)
        %dma_wait3A_2314 = arith.constant 2176 : i32
        %dma_wait3A_2315 = arith.constant 0 : i32
        %dma_wait3A_2316 = tpu.memref_slice %arg7[%dma_wait3A_2314, %dma_wait3A_2315] : memref<3328x16xf32, #tpu.memory_space<vmem>> -> memref<128x16xf32, #tpu.memory_space<vmem>>
        %dma_wait3A_2317 = arith.constant 272 : i32
        %dma_wait3A_2318 = tpu.memref_slice %arg4[%add3A_16, %dma_wait3A_2317] : memref<16384x416xf32, #tpu.memory_space<hbm>> -> memref<128x16xf32, #tpu.memory_space<hbm>>
        %dma_wait3A_2319 = arith.constant 272 : i32
        %dma_wait3A_2320 = tpu.memref_slice %arg4[%add3A_16, %dma_wait3A_2319] : memref<16384x416xf32, #tpu.memory_space<hbm>> -> memref<128x16xf32, #tpu.memory_space<hbm>>
        %dma_wait3A_2321 = arith.constant 2176 : i32
        %dma_wait3A_2322 = arith.constant 0 : i32
        %dma_wait3A_2323 = tpu.memref_slice %arg7[%dma_wait3A_2321, %dma_wait3A_2322] : memref<3328x16xf32, #tpu.memory_space<vmem>> -> memref<128x16xf32, #tpu.memory_space<vmem>>
        tpu.wait_dma2 semaphore(%run_scoped3A : memref<!tpu.dma_semaphore, #tpu.memory_space<semaphore_mem>>) src(%dma_wait3A_2323 : memref<128x16xf32, #tpu.memory_space<vmem>>) dst(%dma_wait3A_2320 : memref<128x16xf32, #tpu.memory_space<hbm>>)
        tpu.yield
      }) : () -> ()
      "tpu.region"() ({
        %run_scoped3A = tpu.sem_alloc : memref<!tpu.dma_semaphore, #tpu.memory_space<semaphore_mem>>
        %dma_start3A_2304 = arith.constant 2304 : i32
        %dma_start3A_2305 = arith.constant 0 : i32
        %dma_start3A_2306 = tpu.memref_slice %arg7[%dma_start3A_2304, %dma_start3A_2305] : memref<3328x16xf32, #tpu.memory_space<vmem>> -> memref<128x16xf32, #tpu.memory_space<vmem>>
        %dma_start3A_2307 = arith.constant 288 : i32
        %dma_start3A_2308 = tpu.memref_slice %arg4[%add3A_16, %dma_start3A_2307] : memref<16384x416xf32, #tpu.memory_space<hbm>> -> memref<128x16xf32, #tpu.memory_space<hbm>>
        %dma_start3A_2309 = arith.constant 288 : i32
        %dma_start3A_2310 = tpu.memref_slice %arg4[%add3A_16, %dma_start3A_2309] : memref<16384x416xf32, #tpu.memory_space<hbm>> -> memref<128x16xf32, #tpu.memory_space<hbm>>
        %dma_start3A_2311 = arith.constant 2304 : i32
        %dma_start3A_2312 = arith.constant 0 : i32
        %dma_start3A_2313 = tpu.memref_slice %arg7[%dma_start3A_2311, %dma_start3A_2312] : memref<3328x16xf32, #tpu.memory_space<vmem>> -> memref<128x16xf32, #tpu.memory_space<vmem>>
        tpu.enqueue_dma source(%dma_start3A_2313 : memref<128x16xf32, #tpu.memory_space<vmem>>) target(%dma_start3A_2310 : memref<128x16xf32, #tpu.memory_space<hbm>>) target_semaphore(%run_scoped3A : memref<!tpu.dma_semaphore, #tpu.memory_space<semaphore_mem>>)
        %dma_wait3A_2314 = arith.constant 2304 : i32
        %dma_wait3A_2315 = arith.constant 0 : i32
        %dma_wait3A_2316 = tpu.memref_slice %arg7[%dma_wait3A_2314, %dma_wait3A_2315] : memref<3328x16xf32, #tpu.memory_space<vmem>> -> memref<128x16xf32, #tpu.memory_space<vmem>>
        %dma_wait3A_2317 = arith.constant 288 : i32
        %dma_wait3A_2318 = tpu.memref_slice %arg4[%add3A_16, %dma_wait3A_2317] : memref<16384x416xf32, #tpu.memory_space<hbm>> -> memref<128x16xf32, #tpu.memory_space<hbm>>
        %dma_wait3A_2319 = arith.constant 288 : i32
        %dma_wait3A_2320 = tpu.memref_slice %arg4[%add3A_16, %dma_wait3A_2319] : memref<16384x416xf32, #tpu.memory_space<hbm>> -> memref<128x16xf32, #tpu.memory_space<hbm>>
        %dma_wait3A_2321 = arith.constant 2304 : i32
        %dma_wait3A_2322 = arith.constant 0 : i32
        %dma_wait3A_2323 = tpu.memref_slice %arg7[%dma_wait3A_2321, %dma_wait3A_2322] : memref<3328x16xf32, #tpu.memory_space<vmem>> -> memref<128x16xf32, #tpu.memory_space<vmem>>
        tpu.wait_dma2 semaphore(%run_scoped3A : memref<!tpu.dma_semaphore, #tpu.memory_space<semaphore_mem>>) src(%dma_wait3A_2323 : memref<128x16xf32, #tpu.memory_space<vmem>>) dst(%dma_wait3A_2320 : memref<128x16xf32, #tpu.memory_space<hbm>>)
        tpu.yield
      }) : () -> ()
      "tpu.region"() ({
        %run_scoped3A = tpu.sem_alloc : memref<!tpu.dma_semaphore, #tpu.memory_space<semaphore_mem>>
        %dma_start3A_2304 = arith.constant 2432 : i32
        %dma_start3A_2305 = arith.constant 0 : i32
        %dma_start3A_2306 = tpu.memref_slice %arg7[%dma_start3A_2304, %dma_start3A_2305] : memref<3328x16xf32, #tpu.memory_space<vmem>> -> memref<128x16xf32, #tpu.memory_space<vmem>>
        %dma_start3A_2307 = arith.constant 304 : i32
        %dma_start3A_2308 = tpu.memref_slice %arg4[%add3A_16, %dma_start3A_2307] : memref<16384x416xf32, #tpu.memory_space<hbm>> -> memref<128x16xf32, #tpu.memory_space<hbm>>
        %dma_start3A_2309 = arith.constant 304 : i32
        %dma_start3A_2310 = tpu.memref_slice %arg4[%add3A_16, %dma_start3A_2309] : memref<16384x416xf32, #tpu.memory_space<hbm>> -> memref<128x16xf32, #tpu.memory_space<hbm>>
        %dma_start3A_2311 = arith.constant 2432 : i32
        %dma_start3A_2312 = arith.constant 0 : i32
        %dma_start3A_2313 = tpu.memref_slice %arg7[%dma_start3A_2311, %dma_start3A_2312] : memref<3328x16xf32, #tpu.memory_space<vmem>> -> memref<128x16xf32, #tpu.memory_space<vmem>>
        tpu.enqueue_dma source(%dma_start3A_2313 : memref<128x16xf32, #tpu.memory_space<vmem>>) target(%dma_start3A_2310 : memref<128x16xf32, #tpu.memory_space<hbm>>) target_semaphore(%run_scoped3A : memref<!tpu.dma_semaphore, #tpu.memory_space<semaphore_mem>>)
        %dma_wait3A_2314 = arith.constant 2432 : i32
        %dma_wait3A_2315 = arith.constant 0 : i32
        %dma_wait3A_2316 = tpu.memref_slice %arg7[%dma_wait3A_2314, %dma_wait3A_2315] : memref<3328x16xf32, #tpu.memory_space<vmem>> -> memref<128x16xf32, #tpu.memory_space<vmem>>
        %dma_wait3A_2317 = arith.constant 304 : i32
        %dma_wait3A_2318 = tpu.memref_slice %arg4[%add3A_16, %dma_wait3A_2317] : memref<16384x416xf32, #tpu.memory_space<hbm>> -> memref<128x16xf32, #tpu.memory_space<hbm>>
        %dma_wait3A_2319 = arith.constant 304 : i32
        %dma_wait3A_2320 = tpu.memref_slice %arg4[%add3A_16, %dma_wait3A_2319] : memref<16384x416xf32, #tpu.memory_space<hbm>> -> memref<128x16xf32, #tpu.memory_space<hbm>>
        %dma_wait3A_2321 = arith.constant 2432 : i32
        %dma_wait3A_2322 = arith.constant 0 : i32
        %dma_wait3A_2323 = tpu.memref_slice %arg7[%dma_wait3A_2321, %dma_wait3A_2322] : memref<3328x16xf32, #tpu.memory_space<vmem>> -> memref<128x16xf32, #tpu.memory_space<vmem>>
        tpu.wait_dma2 semaphore(%run_scoped3A : memref<!tpu.dma_semaphore, #tpu.memory_space<semaphore_mem>>) src(%dma_wait3A_2323 : memref<128x16xf32, #tpu.memory_space<vmem>>) dst(%dma_wait3A_2320 : memref<128x16xf32, #tpu.memory_space<hbm>>)
        tpu.yield
      }) : () -> ()
      "tpu.region"() ({
        %run_scoped3A = tpu.sem_alloc : memref<!tpu.dma_semaphore, #tpu.memory_space<semaphore_mem>>
        %dma_start3A_2304 = arith.constant 2560 : i32
        %dma_start3A_2305 = arith.constant 0 : i32
        %dma_start3A_2306 = tpu.memref_slice %arg7[%dma_start3A_2304, %dma_start3A_2305] : memref<3328x16xf32, #tpu.memory_space<vmem>> -> memref<128x16xf32, #tpu.memory_space<vmem>>
        %dma_start3A_2307 = arith.constant 320 : i32
        %dma_start3A_2308 = tpu.memref_slice %arg4[%add3A_16, %dma_start3A_2307] : memref<16384x416xf32, #tpu.memory_space<hbm>> -> memref<128x16xf32, #tpu.memory_space<hbm>>
        %dma_start3A_2309 = arith.constant 320 : i32
        %dma_start3A_2310 = tpu.memref_slice %arg4[%add3A_16, %dma_start3A_2309] : memref<16384x416xf32, #tpu.memory_space<hbm>> -> memref<128x16xf32, #tpu.memory_space<hbm>>
        %dma_start3A_2311 = arith.constant 2560 : i32
        %dma_start3A_2312 = arith.constant 0 : i32
        %dma_start3A_2313 = tpu.memref_slice %arg7[%dma_start3A_2311, %dma_start3A_2312] : memref<3328x16xf32, #tpu.memory_space<vmem>> -> memref<128x16xf32, #tpu.memory_space<vmem>>
        tpu.enqueue_dma source(%dma_start3A_2313 : memref<128x16xf32, #tpu.memory_space<vmem>>) target(%dma_start3A_2310 : memref<128x16xf32, #tpu.memory_space<hbm>>) target_semaphore(%run_scoped3A : memref<!tpu.dma_semaphore, #tpu.memory_space<semaphore_mem>>)
        %dma_wait3A_2314 = arith.constant 2560 : i32
        %dma_wait3A_2315 = arith.constant 0 : i32
        %dma_wait3A_2316 = tpu.memref_slice %arg7[%dma_wait3A_2314, %dma_wait3A_2315] : memref<3328x16xf32, #tpu.memory_space<vmem>> -> memref<128x16xf32, #tpu.memory_space<vmem>>
        %dma_wait3A_2317 = arith.constant 320 : i32
        %dma_wait3A_2318 = tpu.memref_slice %arg4[%add3A_16, %dma_wait3A_2317] : memref<16384x416xf32, #tpu.memory_space<hbm>> -> memref<128x16xf32, #tpu.memory_space<hbm>>
        %dma_wait3A_2319 = arith.constant 320 : i32
        %dma_wait3A_2320 = tpu.memref_slice %arg4[%add3A_16, %dma_wait3A_2319] : memref<16384x416xf32, #tpu.memory_space<hbm>> -> memref<128x16xf32, #tpu.memory_space<hbm>>
        %dma_wait3A_2321 = arith.constant 2560 : i32
        %dma_wait3A_2322 = arith.constant 0 : i32
        %dma_wait3A_2323 = tpu.memref_slice %arg7[%dma_wait3A_2321, %dma_wait3A_2322] : memref<3328x16xf32, #tpu.memory_space<vmem>> -> memref<128x16xf32, #tpu.memory_space<vmem>>
        tpu.wait_dma2 semaphore(%run_scoped3A : memref<!tpu.dma_semaphore, #tpu.memory_space<semaphore_mem>>) src(%dma_wait3A_2323 : memref<128x16xf32, #tpu.memory_space<vmem>>) dst(%dma_wait3A_2320 : memref<128x16xf32, #tpu.memory_space<hbm>>)
        tpu.yield
      }) : () -> ()
      "tpu.region"() ({
        %run_scoped3A = tpu.sem_alloc : memref<!tpu.dma_semaphore, #tpu.memory_space<semaphore_mem>>
        %dma_start3A_2304 = arith.constant 2688 : i32
        %dma_start3A_2305 = arith.constant 0 : i32
        %dma_start3A_2306 = tpu.memref_slice %arg7[%dma_start3A_2304, %dma_start3A_2305] : memref<3328x16xf32, #tpu.memory_space<vmem>> -> memref<128x16xf32, #tpu.memory_space<vmem>>
        %dma_start3A_2307 = arith.constant 336 : i32
        %dma_start3A_2308 = tpu.memref_slice %arg4[%add3A_16, %dma_start3A_2307] : memref<16384x416xf32, #tpu.memory_space<hbm>> -> memref<128x16xf32, #tpu.memory_space<hbm>>
        %dma_start3A_2309 = arith.constant 336 : i32
        %dma_start3A_2310 = tpu.memref_slice %arg4[%add3A_16, %dma_start3A_2309] : memref<16384x416xf32, #tpu.memory_space<hbm>> -> memref<128x16xf32, #tpu.memory_space<hbm>>
        %dma_start3A_2311 = arith.constant 2688 : i32
        %dma_start3A_2312 = arith.constant 0 : i32
        %dma_start3A_2313 = tpu.memref_slice %arg7[%dma_start3A_2311, %dma_start3A_2312] : memref<3328x16xf32, #tpu.memory_space<vmem>> -> memref<128x16xf32, #tpu.memory_space<vmem>>
        tpu.enqueue_dma source(%dma_start3A_2313 : memref<128x16xf32, #tpu.memory_space<vmem>>) target(%dma_start3A_2310 : memref<128x16xf32, #tpu.memory_space<hbm>>) target_semaphore(%run_scoped3A : memref<!tpu.dma_semaphore, #tpu.memory_space<semaphore_mem>>)
        %dma_wait3A_2314 = arith.constant 2688 : i32
        %dma_wait3A_2315 = arith.constant 0 : i32
        %dma_wait3A_2316 = tpu.memref_slice %arg7[%dma_wait3A_2314, %dma_wait3A_2315] : memref<3328x16xf32, #tpu.memory_space<vmem>> -> memref<128x16xf32, #tpu.memory_space<vmem>>
        %dma_wait3A_2317 = arith.constant 336 : i32
        %dma_wait3A_2318 = tpu.memref_slice %arg4[%add3A_16, %dma_wait3A_2317] : memref<16384x416xf32, #tpu.memory_space<hbm>> -> memref<128x16xf32, #tpu.memory_space<hbm>>
        %dma_wait3A_2319 = arith.constant 336 : i32
        %dma_wait3A_2320 = tpu.memref_slice %arg4[%add3A_16, %dma_wait3A_2319] : memref<16384x416xf32, #tpu.memory_space<hbm>> -> memref<128x16xf32, #tpu.memory_space<hbm>>
        %dma_wait3A_2321 = arith.constant 2688 : i32
        %dma_wait3A_2322 = arith.constant 0 : i32
        %dma_wait3A_2323 = tpu.memref_slice %arg7[%dma_wait3A_2321, %dma_wait3A_2322] : memref<3328x16xf32, #tpu.memory_space<vmem>> -> memref<128x16xf32, #tpu.memory_space<vmem>>
        tpu.wait_dma2 semaphore(%run_scoped3A : memref<!tpu.dma_semaphore, #tpu.memory_space<semaphore_mem>>) src(%dma_wait3A_2323 : memref<128x16xf32, #tpu.memory_space<vmem>>) dst(%dma_wait3A_2320 : memref<128x16xf32, #tpu.memory_space<hbm>>)
        tpu.yield
      }) : () -> ()
      "tpu.region"() ({
        %run_scoped3A = tpu.sem_alloc : memref<!tpu.dma_semaphore, #tpu.memory_space<semaphore_mem>>
        %dma_start3A_2304 = arith.constant 2816 : i32
        %dma_start3A_2305 = arith.constant 0 : i32
        %dma_start3A_2306 = tpu.memref_slice %arg7[%dma_start3A_2304, %dma_start3A_2305] : memref<3328x16xf32, #tpu.memory_space<vmem>> -> memref<128x16xf32, #tpu.memory_space<vmem>>
        %dma_start3A_2307 = arith.constant 352 : i32
        %dma_start3A_2308 = tpu.memref_slice %arg4[%add3A_16, %dma_start3A_2307] : memref<16384x416xf32, #tpu.memory_space<hbm>> -> memref<128x16xf32, #tpu.memory_space<hbm>>
        %dma_start3A_2309 = arith.constant 352 : i32
        %dma_start3A_2310 = tpu.memref_slice %arg4[%add3A_16, %dma_start3A_2309] : memref<16384x416xf32, #tpu.memory_space<hbm>> -> memref<128x16xf32, #tpu.memory_space<hbm>>
        %dma_start3A_2311 = arith.constant 2816 : i32
        %dma_start3A_2312 = arith.constant 0 : i32
        %dma_start3A_2313 = tpu.memref_slice %arg7[%dma_start3A_2311, %dma_start3A_2312] : memref<3328x16xf32, #tpu.memory_space<vmem>> -> memref<128x16xf32, #tpu.memory_space<vmem>>
        tpu.enqueue_dma source(%dma_start3A_2313 : memref<128x16xf32, #tpu.memory_space<vmem>>) target(%dma_start3A_2310 : memref<128x16xf32, #tpu.memory_space<hbm>>) target_semaphore(%run_scoped3A : memref<!tpu.dma_semaphore, #tpu.memory_space<semaphore_mem>>)
        %dma_wait3A_2314 = arith.constant 2816 : i32
        %dma_wait3A_2315 = arith.constant 0 : i32
        %dma_wait3A_2316 = tpu.memref_slice %arg7[%dma_wait3A_2314, %dma_wait3A_2315] : memref<3328x16xf32, #tpu.memory_space<vmem>> -> memref<128x16xf32, #tpu.memory_space<vmem>>
        %dma_wait3A_2317 = arith.constant 352 : i32
        %dma_wait3A_2318 = tpu.memref_slice %arg4[%add3A_16, %dma_wait3A_2317] : memref<16384x416xf32, #tpu.memory_space<hbm>> -> memref<128x16xf32, #tpu.memory_space<hbm>>
        %dma_wait3A_2319 = arith.constant 352 : i32
        %dma_wait3A_2320 = tpu.memref_slice %arg4[%add3A_16, %dma_wait3A_2319] : memref<16384x416xf32, #tpu.memory_space<hbm>> -> memref<128x16xf32, #tpu.memory_space<hbm>>
        %dma_wait3A_2321 = arith.constant 2816 : i32
        %dma_wait3A_2322 = arith.constant 0 : i32
        %dma_wait3A_2323 = tpu.memref_slice %arg7[%dma_wait3A_2321, %dma_wait3A_2322] : memref<3328x16xf32, #tpu.memory_space<vmem>> -> memref<128x16xf32, #tpu.memory_space<vmem>>
        tpu.wait_dma2 semaphore(%run_scoped3A : memref<!tpu.dma_semaphore, #tpu.memory_space<semaphore_mem>>) src(%dma_wait3A_2323 : memref<128x16xf32, #tpu.memory_space<vmem>>) dst(%dma_wait3A_2320 : memref<128x16xf32, #tpu.memory_space<hbm>>)
        tpu.yield
      }) : () -> ()
      "tpu.region"() ({
        %run_scoped3A = tpu.sem_alloc : memref<!tpu.dma_semaphore, #tpu.memory_space<semaphore_mem>>
        %dma_start3A_2304 = arith.constant 2944 : i32
        %dma_start3A_2305 = arith.constant 0 : i32
        %dma_start3A_2306 = tpu.memref_slice %arg7[%dma_start3A_2304, %dma_start3A_2305] : memref<3328x16xf32, #tpu.memory_space<vmem>> -> memref<128x16xf32, #tpu.memory_space<vmem>>
        %dma_start3A_2307 = arith.constant 368 : i32
        %dma_start3A_2308 = tpu.memref_slice %arg4[%add3A_16, %dma_start3A_2307] : memref<16384x416xf32, #tpu.memory_space<hbm>> -> memref<128x16xf32, #tpu.memory_space<hbm>>
        %dma_start3A_2309 = arith.constant 368 : i32
        %dma_start3A_2310 = tpu.memref_slice %arg4[%add3A_16, %dma_start3A_2309] : memref<16384x416xf32, #tpu.memory_space<hbm>> -> memref<128x16xf32, #tpu.memory_space<hbm>>
        %dma_start3A_2311 = arith.constant 2944 : i32
        %dma_start3A_2312 = arith.constant 0 : i32
        %dma_start3A_2313 = tpu.memref_slice %arg7[%dma_start3A_2311, %dma_start3A_2312] : memref<3328x16xf32, #tpu.memory_space<vmem>> -> memref<128x16xf32, #tpu.memory_space<vmem>>
        tpu.enqueue_dma source(%dma_start3A_2313 : memref<128x16xf32, #tpu.memory_space<vmem>>) target(%dma_start3A_2310 : memref<128x16xf32, #tpu.memory_space<hbm>>) target_semaphore(%run_scoped3A : memref<!tpu.dma_semaphore, #tpu.memory_space<semaphore_mem>>)
        %dma_wait3A_2314 = arith.constant 2944 : i32
        %dma_wait3A_2315 = arith.constant 0 : i32
        %dma_wait3A_2316 = tpu.memref_slice %arg7[%dma_wait3A_2314, %dma_wait3A_2315] : memref<3328x16xf32, #tpu.memory_space<vmem>> -> memref<128x16xf32, #tpu.memory_space<vmem>>
        %dma_wait3A_2317 = arith.constant 368 : i32
        %dma_wait3A_2318 = tpu.memref_slice %arg4[%add3A_16, %dma_wait3A_2317] : memref<16384x416xf32, #tpu.memory_space<hbm>> -> memref<128x16xf32, #tpu.memory_space<hbm>>
        %dma_wait3A_2319 = arith.constant 368 : i32
        %dma_wait3A_2320 = tpu.memref_slice %arg4[%add3A_16, %dma_wait3A_2319] : memref<16384x416xf32, #tpu.memory_space<hbm>> -> memref<128x16xf32, #tpu.memory_space<hbm>>
        %dma_wait3A_2321 = arith.constant 2944 : i32
        %dma_wait3A_2322 = arith.constant 0 : i32
        %dma_wait3A_2323 = tpu.memref_slice %arg7[%dma_wait3A_2321, %dma_wait3A_2322] : memref<3328x16xf32, #tpu.memory_space<vmem>> -> memref<128x16xf32, #tpu.memory_space<vmem>>
        tpu.wait_dma2 semaphore(%run_scoped3A : memref<!tpu.dma_semaphore, #tpu.memory_space<semaphore_mem>>) src(%dma_wait3A_2323 : memref<128x16xf32, #tpu.memory_space<vmem>>) dst(%dma_wait3A_2320 : memref<128x16xf32, #tpu.memory_space<hbm>>)
        tpu.yield
      }) : () -> ()
      "tpu.region"() ({
        %run_scoped3A = tpu.sem_alloc : memref<!tpu.dma_semaphore, #tpu.memory_space<semaphore_mem>>
        %dma_start3A_2304 = arith.constant 3072 : i32
        %dma_start3A_2305 = arith.constant 0 : i32
        %dma_start3A_2306 = tpu.memref_slice %arg7[%dma_start3A_2304, %dma_start3A_2305] : memref<3328x16xf32, #tpu.memory_space<vmem>> -> memref<128x16xf32, #tpu.memory_space<vmem>>
        %dma_start3A_2307 = arith.constant 384 : i32
        %dma_start3A_2308 = tpu.memref_slice %arg4[%add3A_16, %dma_start3A_2307] : memref<16384x416xf32, #tpu.memory_space<hbm>> -> memref<128x16xf32, #tpu.memory_space<hbm>>
        %dma_start3A_2309 = arith.constant 384 : i32
        %dma_start3A_2310 = tpu.memref_slice %arg4[%add3A_16, %dma_start3A_2309] : memref<16384x416xf32, #tpu.memory_space<hbm>> -> memref<128x16xf32, #tpu.memory_space<hbm>>
        %dma_start3A_2311 = arith.constant 3072 : i32
        %dma_start3A_2312 = arith.constant 0 : i32
        %dma_start3A_2313 = tpu.memref_slice %arg7[%dma_start3A_2311, %dma_start3A_2312] : memref<3328x16xf32, #tpu.memory_space<vmem>> -> memref<128x16xf32, #tpu.memory_space<vmem>>
        tpu.enqueue_dma source(%dma_start3A_2313 : memref<128x16xf32, #tpu.memory_space<vmem>>) target(%dma_start3A_2310 : memref<128x16xf32, #tpu.memory_space<hbm>>) target_semaphore(%run_scoped3A : memref<!tpu.dma_semaphore, #tpu.memory_space<semaphore_mem>>)
        %dma_wait3A_2314 = arith.constant 3072 : i32
        %dma_wait3A_2315 = arith.constant 0 : i32
        %dma_wait3A_2316 = tpu.memref_slice %arg7[%dma_wait3A_2314, %dma_wait3A_2315] : memref<3328x16xf32, #tpu.memory_space<vmem>> -> memref<128x16xf32, #tpu.memory_space<vmem>>
        %dma_wait3A_2317 = arith.constant 384 : i32
        %dma_wait3A_2318 = tpu.memref_slice %arg4[%add3A_16, %dma_wait3A_2317] : memref<16384x416xf32, #tpu.memory_space<hbm>> -> memref<128x16xf32, #tpu.memory_space<hbm>>
        %dma_wait3A_2319 = arith.constant 384 : i32
        %dma_wait3A_2320 = tpu.memref_slice %arg4[%add3A_16, %dma_wait3A_2319] : memref<16384x416xf32, #tpu.memory_space<hbm>> -> memref<128x16xf32, #tpu.memory_space<hbm>>
        %dma_wait3A_2321 = arith.constant 3072 : i32
        %dma_wait3A_2322 = arith.constant 0 : i32
        %dma_wait3A_2323 = tpu.memref_slice %arg7[%dma_wait3A_2321, %dma_wait3A_2322] : memref<3328x16xf32, #tpu.memory_space<vmem>> -> memref<128x16xf32, #tpu.memory_space<vmem>>
        tpu.wait_dma2 semaphore(%run_scoped3A : memref<!tpu.dma_semaphore, #tpu.memory_space<semaphore_mem>>) src(%dma_wait3A_2323 : memref<128x16xf32, #tpu.memory_space<vmem>>) dst(%dma_wait3A_2320 : memref<128x16xf32, #tpu.memory_space<hbm>>)
        tpu.yield
      }) : () -> ()
      "tpu.region"() ({
        %run_scoped3A = tpu.sem_alloc : memref<!tpu.dma_semaphore, #tpu.memory_space<semaphore_mem>>
        %dma_start3A_2304 = arith.constant 3200 : i32
        %dma_start3A_2305 = arith.constant 0 : i32
        %dma_start3A_2306 = tpu.memref_slice %arg7[%dma_start3A_2304, %dma_start3A_2305] : memref<3328x16xf32, #tpu.memory_space<vmem>> -> memref<128x16xf32, #tpu.memory_space<vmem>>
        %dma_start3A_2307 = arith.constant 400 : i32
        %dma_start3A_2308 = tpu.memref_slice %arg4[%add3A_16, %dma_start3A_2307] : memref<16384x416xf32, #tpu.memory_space<hbm>> -> memref<128x16xf32, #tpu.memory_space<hbm>>
        %dma_start3A_2309 = arith.constant 400 : i32
        %dma_start3A_2310 = tpu.memref_slice %arg4[%add3A_16, %dma_start3A_2309] : memref<16384x416xf32, #tpu.memory_space<hbm>> -> memref<128x16xf32, #tpu.memory_space<hbm>>
        %dma_start3A_2311 = arith.constant 3200 : i32
        %dma_start3A_2312 = arith.constant 0 : i32
        %dma_start3A_2313 = tpu.memref_slice %arg7[%dma_start3A_2311, %dma_start3A_2312] : memref<3328x16xf32, #tpu.memory_space<vmem>> -> memref<128x16xf32, #tpu.memory_space<vmem>>
        tpu.enqueue_dma source(%dma_start3A_2313 : memref<128x16xf32, #tpu.memory_space<vmem>>) target(%dma_start3A_2310 : memref<128x16xf32, #tpu.memory_space<hbm>>) target_semaphore(%run_scoped3A : memref<!tpu.dma_semaphore, #tpu.memory_space<semaphore_mem>>)
        %dma_wait3A_2314 = arith.constant 3200 : i32
        %dma_wait3A_2315 = arith.constant 0 : i32
        %dma_wait3A_2316 = tpu.memref_slice %arg7[%dma_wait3A_2314, %dma_wait3A_2315] : memref<3328x16xf32, #tpu.memory_space<vmem>> -> memref<128x16xf32, #tpu.memory_space<vmem>>
        %dma_wait3A_2317 = arith.constant 400 : i32
        %dma_wait3A_2318 = tpu.memref_slice %arg4[%add3A_16, %dma_wait3A_2317] : memref<16384x416xf32, #tpu.memory_space<hbm>> -> memref<128x16xf32, #tpu.memory_space<hbm>>
        %dma_wait3A_2319 = arith.constant 400 : i32
        %dma_wait3A_2320 = tpu.memref_slice %arg4[%add3A_16, %dma_wait3A_2319] : memref<16384x416xf32, #tpu.memory_space<hbm>> -> memref<128x16xf32, #tpu.memory_space<hbm>>
        %dma_wait3A_2321 = arith.constant 3200 : i32
        %dma_wait3A_2322 = arith.constant 0 : i32
        %dma_wait3A_2323 = tpu.memref_slice %arg7[%dma_wait3A_2321, %dma_wait3A_2322] : memref<3328x16xf32, #tpu.memory_space<vmem>> -> memref<128x16xf32, #tpu.memory_space<vmem>>
        tpu.wait_dma2 semaphore(%run_scoped3A : memref<!tpu.dma_semaphore, #tpu.memory_space<semaphore_mem>>) src(%dma_wait3A_2323 : memref<128x16xf32, #tpu.memory_space<vmem>>) dst(%dma_wait3A_2320 : memref<128x16xf32, #tpu.memory_space<hbm>>)
        tpu.yield
      }) : () -> ()
      %scan3A_2303 = arith.constant 0 : i32
      scf.yield %scan3A_2303 : i32
    }
    %scan3A_8 = arith.constant 4 : i32
    return
  }
}

module attributes {stable_mosaic.version = 14 : i64} {
  func.func @_repack_body(%arg0: i32, %arg1: memref<16x16384xf32, #tpu.memory_space<vmem>>, %arg2: memref<2048x128xf32, #tpu.memory_space<vmem>>) attributes {dimension_semantics = [#tpu.dimension_semantics<arbitrary>], iteration_bounds = array<i64: 159>, scalar_prefetch = 0 : i64, scratch_operands = 0 : i64, tpu.core_type = #tpu.core_type<tc>, window_params = [{transform_indices = @transform_0, window_bounds = array<i64: 16, 16384>}, {transform_indices = @transform_1, window_bounds = array<i64: 2048, 128>}]} {
    %get3A = arith.constant 0 : index
    %get3A_0 = arith.constant 0 : index
    %get3A_1 = vector.load %arg1[%get3A, %get3A_0] : memref<16x16384xf32, #tpu.memory_space<vmem>>, vector<16x16384xf32>
    %iota3A = tpu.iota {dimensions = array<i32: 0>} : vector<16x128xi32>
    %iota3A_2 = tpu.iota {dimensions = array<i32: 1>} : vector<16x128xi32>
    %jit3A = arith.constant 16 : i32
    %eq3A = arith.constant 0 : i32
    %eq3A_3 = arith.cmpi eq, %jit3A, %eq3A : i32
    %jit3A_4 = arith.constant 1 : i32
    %select_n3A = arith.select %eq3A_3, %jit3A_4, %jit3A : i32
    %rem3A = vector.broadcast %select_n3A : i32 to vector<16x128xi32>
    %rem3A_5 = arith.remsi %iota3A_2, %rem3A : vector<16x128xi32>
    %ne3A = arith.constant 0 : i32
    %ne3A_6 = vector.broadcast %ne3A : i32 to vector<16x128xi32>
    %ne3A_7 = arith.cmpi ne, %rem3A_5, %ne3A_6 : vector<16x128xi32>
    %lt3A = arith.constant 0 : i32
    %lt3A_8 = vector.broadcast %lt3A : i32 to vector<16x128xi32>
    %lt3A_9 = arith.cmpi slt, %rem3A_5, %lt3A_8 : vector<16x128xi32>
    %lt3A_10 = arith.constant 0 : i32
    %lt3A_11 = arith.cmpi slt, %select_n3A, %lt3A_10 : i32
    %ne3A_12 = vector.broadcast %lt3A_11 : i1 to vector<16x128xi1>
    %ne3A_13 = vector.broadcast %ne3A_12 : vector<16x128xi1> to vector<16x128xi1>
    %ne3A_14 = arith.xori %lt3A_9, %ne3A_13 : vector<16x128xi1>
    %and3A = arith.andi %ne3A_14, %ne3A_7 : vector<16x128xi1>
    %add3A = vector.broadcast %select_n3A : i32 to vector<16x128xi32>
    %add3A_15 = arith.addi %rem3A_5, %add3A : vector<16x128xi32>
    %select_n3A_16 = arith.select %and3A, %add3A_15, %rem3A_5 : vector<16x128xi1>, vector<16x128xi32>
    %eq3A_17 = arith.cmpi eq, %iota3A, %select_n3A_16 : vector<16x128xi32>
    %convert_element_type3A = arith.extui %eq3A_17 : vector<16x128xi1> to vector<16x128xi32>
    %convert_element_type3A_18 = arith.sitofp %convert_element_type3A : vector<16x128xi32> to vector<16x128xf32>
    %dot_general3A = arith.constant dense<0.000000e+00> : vector<16384x128xf32>
    %dot_general3A_19 = tpu.matmul %get3A_1, %convert_element_type3A_18, %dot_general3A {dimension_numbers = #tpu.dot_dimension_numbers<[0], [0], [1], [1], [0, 1, 1, 1], [], []>, transpose_lhs_hint = false} : vector<16x16384xf32>, vector<16x128xf32>, vector<16384x128xf32> -> vector<16384x128xf32>
    %reshape3A = vector.shape_cast %dot_general3A_19 : vector<16384x128xf32> to vector<2048x8x128xf32>
    %iota3A_20 = tpu.iota {dimensions = array<i32: 0>} : vector<8x128xi32>
    %iota3A_21 = tpu.iota {dimensions = array<i32: 1>} : vector<8x128xi32>
    %jit3A_22 = arith.constant 16 : i32
    %div3A = vector.broadcast %jit3A_22 : i32 to vector<8x128xi32>
    %div3A_23 = arith.divsi %iota3A_21, %div3A : vector<8x128xi32>
    %sign3A = arith.constant 0 : i32
    %sign3A_24 = vector.broadcast %sign3A : i32 to vector<8x128xi32>
    %sign3A_25 = arith.cmpi sgt, %iota3A_21, %sign3A_24 : vector<8x128xi32>
    %sign3A_26 = arith.extui %sign3A_25 : vector<8x128xi1> to vector<8x128xi32>
    %sign3A_27 = arith.constant 0 : i32
    %sign3A_28 = vector.broadcast %sign3A_27 : i32 to vector<8x128xi32>
    %sign3A_29 = arith.cmpi slt, %iota3A_21, %sign3A_28 : vector<8x128xi32>
    %sign3A_30 = arith.extui %sign3A_29 : vector<8x128xi1> to vector<8x128xi32>
    %sign3A_31 = arith.subi %sign3A_26, %sign3A_30 : vector<8x128xi32>
    %sign3A_32 = arith.constant 0 : i32
    %sign3A_33 = arith.cmpi sgt, %jit3A_22, %sign3A_32 : i32
    %sign3A_34 = arith.extui %sign3A_33 : i1 to i32
    %sign3A_35 = arith.constant 0 : i32
    %sign3A_36 = arith.cmpi slt, %jit3A_22, %sign3A_35 : i32
    %sign3A_37 = arith.extui %sign3A_36 : i1 to i32
    %sign3A_38 = arith.subi %sign3A_34, %sign3A_37 : i32
    %ne3A_39 = vector.broadcast %sign3A_38 : i32 to vector<8x128xi32>
    %ne3A_40 = arith.cmpi ne, %sign3A_31, %ne3A_39 : vector<8x128xi32>
    %rem3A_41 = vector.broadcast %jit3A_22 : i32 to vector<8x128xi32>
    %rem3A_42 = arith.remsi %iota3A_21, %rem3A_41 : vector<8x128xi32>
    %ne3A_43 = arith.constant 0 : i32
    %ne3A_44 = vector.broadcast %ne3A_43 : i32 to vector<8x128xi32>
    %ne3A_45 = arith.cmpi ne, %rem3A_42, %ne3A_44 : vector<8x128xi32>
    %and3A_46 = arith.andi %ne3A_40, %ne3A_45 : vector<8x128xi1>
    %sub3A = arith.constant 1 : i32
    %sub3A_47 = vector.broadcast %sub3A : i32 to vector<8x128xi32>
    %sub3A_48 = arith.subi %div3A_23, %sub3A_47 : vector<8x128xi32>
    %select_n3A_49 = arith.select %and3A_46, %sub3A_48, %div3A_23 : vector<8x128xi1>, vector<8x128xi32>
    %eq3A_50 = arith.cmpi eq, %iota3A_20, %select_n3A_49 : vector<8x128xi32>
    %convert_element_type3A_51 = arith.extui %eq3A_50 : vector<8x128xi1> to vector<8x128xi32>
    %convert_element_type3A_52 = arith.sitofp %convert_element_type3A_51 : vector<8x128xi32> to vector<8x128xf32>
    %broadcast_in_dim3A = vector.shape_cast %convert_element_type3A_52 : vector<8x128xf32> to vector<1x8x128xf32>
    %mul3A = vector.broadcast %broadcast_in_dim3A : vector<1x8x128xf32> to vector<2048x8x128xf32>
    %mul3A_53 = arith.mulf %reshape3A, %mul3A : vector<2048x8x128xf32>
    %reduce_sum3A = arith.constant dense<0.000000e+00> : vector<2048x128xf32>
    %reduce_sum3A_54 = vector.multi_reduction <add>, %mul3A_53, %reduce_sum3A [1] : vector<2048x8x128xf32> to vector<2048x128xf32>
    %swap3A = arith.constant 0 : index
    %swap3A_55 = arith.constant 0 : index
    %swap3A_56 = vector.load %arg2[%swap3A, %swap3A_55] : memref<2048x128xf32, #tpu.memory_space<vmem>>, vector<2048x128xf32>
    tpu.vector_store %arg2[%swap3A, %swap3A_55], %reduce_sum3A_54 {strides = array<i32>} : memref<2048x128xf32, #tpu.memory_space<vmem>>, vector<2048x128xf32>,
    return
  }
  func.func @transform_0(%arg0: i32) -> (i32, i32) {
    %c0_i32 = arith.constant 0 : i32
    %c0_i32_0 = arith.constant 0 : i32
    return %c0_i32, %arg0 : i32, i32
  }
  func.func @transform_1(%arg0: i32) -> (i32, i32) {
    %c0_i32 = arith.constant 0 : i32
    %c0_i32_0 = arith.constant 0 : i32
    return %arg0, %c0_i32 : i32, i32
  }
}

module attributes {stable_mosaic.version = 14 : i64} {
  func.func @_mlp_body(%arg0: i32, %arg1: memref<1024x416xf32, #tpu.memory_space<vmem>>, %arg2: memref<1024x13xf32, #tpu.memory_space<vmem>>, %arg3: memref<1x13xf32, #tpu.memory_space<vmem>>, %arg4: memref<416x1024xf32, #tpu.memory_space<vmem>>, %arg5: memref<1x1024xf32, #tpu.memory_space<vmem>>, %arg6: memref<1024x512xf32, #tpu.memory_space<vmem>>, %arg7: memref<1x512xf32, #tpu.memory_space<vmem>>, %arg8: memref<512x256xf32, #tpu.memory_space<vmem>>, %arg9: memref<1x256xf32, #tpu.memory_space<vmem>>, %arg10: memref<1x256xf32, #tpu.memory_space<vmem>>, %arg11: memref<1x1xf32, #tpu.memory_space<vmem>>, %arg12: memref<1024x1xf32, #tpu.memory_space<vmem>>) attributes {dimension_semantics = [#tpu.dimension_semantics<arbitrary>], iteration_bounds = array<i64: 16>, scalar_prefetch = 0 : i64, scratch_operands = 0 : i64, tpu.core_type = #tpu.core_type<tc>, window_params = [{transform_indices = @transform_0, window_bounds = array<i64: 1024, 416>}, {transform_indices = @transform_1, window_bounds = array<i64: 1024, 13>}, {pipeline_mode = #tpu.pipeline_mode<synchronous>, transform_indices = @transform_2, window_bounds = array<i64: 1, 13>}, {pipeline_mode = #tpu.pipeline_mode<synchronous>, transform_indices = @transform_3, window_bounds = array<i64: 416, 1024>}, {pipeline_mode = #tpu.pipeline_mode<synchronous>, transform_indices = @transform_4, window_bounds = array<i64: 1, 1024>}, {pipeline_mode = #tpu.pipeline_mode<synchronous>, transform_indices = @transform_5, window_bounds = array<i64: 1024, 512>}, {pipeline_mode = #tpu.pipeline_mode<synchronous>, transform_indices = @transform_6, window_bounds = array<i64: 1, 512>}, {pipeline_mode = #tpu.pipeline_mode<synchronous>, transform_indices = @transform_7, window_bounds = array<i64: 512, 256>}, {pipeline_mode = #tpu.pipeline_mode<synchronous>, transform_indices = @transform_8, window_bounds = array<i64: 1, 256>}, {pipeline_mode = #tpu.pipeline_mode<synchronous>, transform_indices = @transform_9, window_bounds = array<i64: 1, 256>}, {pipeline_mode = #tpu.pipeline_mode<synchronous>, transform_indices = @transform_10, window_bounds = array<i64: 1, 1>}, {transform_indices = @transform_11, window_bounds = array<i64: 1024, 1>}]} {
    %get3A = arith.constant 0 : index
    %get3A_0 = arith.constant 0 : index
    %get3A_1 = vector.load %arg1[%get3A, %get3A_0] : memref<1024x416xf32, #tpu.memory_space<vmem>>, vector<1024x416xf32>
    %get3A_2 = arith.constant 0 : index
    %get3A_3 = arith.constant 0 : index
    %get3A_4 = vector.load %arg4[%get3A_2, %get3A_3] : memref<416x1024xf32, #tpu.memory_space<vmem>>, vector<416x1024xf32>
    %dot_general3A = arith.constant dense<0.000000e+00> : vector<1024x1024xf32>
    %dot_general3A_5 = tpu.matmul %get3A_1, %get3A_4, %dot_general3A {dimension_numbers = #tpu.dot_dimension_numbers<[1], [0], [0], [1], [0, 0, 1, 1], [], []>, transpose_lhs_hint = false} : vector<1024x416xf32>, vector<416x1024xf32>, vector<1024x1024xf32> -> vector<1024x1024xf32>
    %get3A_6 = arith.constant 0 : index
    %get3A_7 = arith.constant 0 : index
    %get3A_8 = vector.load %arg5[%get3A_6, %get3A_7] : memref<1x1024xf32, #tpu.memory_space<vmem>>, vector<1x1024xf32>
    %add3A = vector.broadcast %get3A_8 : vector<1x1024xf32> to vector<1024x1024xf32>
    %add3A_9 = arith.addf %dot_general3A_5, %add3A : vector<1024x1024xf32>
    %max3A = arith.constant 0.000000e+00 : f32
    %max3A_10 = vector.broadcast %max3A : f32 to vector<1024x1024xf32>
    %max3A_11 = arith.maximumf %add3A_9, %max3A_10 : vector<1024x1024xf32>
    %get3A_12 = arith.constant 0 : index
    %get3A_13 = arith.constant 0 : index
    %get3A_14 = vector.load %arg6[%get3A_12, %get3A_13] : memref<1024x512xf32, #tpu.memory_space<vmem>>, vector<1024x512xf32>
    %dot_general3A_15 = arith.constant dense<0.000000e+00> : vector<1024x512xf32>
    %dot_general3A_16 = tpu.matmul %max3A_11, %get3A_14, %dot_general3A_15 {dimension_numbers = #tpu.dot_dimension_numbers<[1], [0], [0], [1], [0, 0, 1, 1], [], []>, transpose_lhs_hint = false} : vector<1024x1024xf32>, vector<1024x512xf32>, vector<1024x512xf32> -> vector<1024x512xf32>
    %get3A_17 = arith.constant 0 : index
    %get3A_18 = arith.constant 0 : index
    %get3A_19 = vector.load %arg7[%get3A_17, %get3A_18] : memref<1x512xf32, #tpu.memory_space<vmem>>, vector<1x512xf32>
    %add3A_20 = vector.broadcast %get3A_19 : vector<1x512xf32> to vector<1024x512xf32>
    %add3A_21 = arith.addf %dot_general3A_16, %add3A_20 : vector<1024x512xf32>
    %max3A_22 = arith.constant 0.000000e+00 : f32
    %max3A_23 = vector.broadcast %max3A_22 : f32 to vector<1024x512xf32>
    %max3A_24 = arith.maximumf %add3A_21, %max3A_23 : vector<1024x512xf32>
    %get3A_25 = arith.constant 0 : index
    %get3A_26 = arith.constant 0 : index
    %get3A_27 = vector.load %arg8[%get3A_25, %get3A_26] : memref<512x256xf32, #tpu.memory_space<vmem>>, vector<512x256xf32>
    %dot_general3A_28 = arith.constant dense<0.000000e+00> : vector<1024x256xf32>
    %dot_general3A_29 = tpu.matmul %max3A_24, %get3A_27, %dot_general3A_28 {dimension_numbers = #tpu.dot_dimension_numbers<[1], [0], [0], [1], [0, 0, 1, 1], [], []>, transpose_lhs_hint = false} : vector<1024x512xf32>, vector<512x256xf32>, vector<1024x256xf32> -> vector<1024x256xf32>
    %get3A_30 = arith.constant 0 : index
    %get3A_31 = arith.constant 0 : index
    %get3A_32 = vector.load %arg9[%get3A_30, %get3A_31] : memref<1x256xf32, #tpu.memory_space<vmem>>, vector<1x256xf32>
    %add3A_33 = vector.broadcast %get3A_32 : vector<1x256xf32> to vector<1024x256xf32>
    %add3A_34 = arith.addf %dot_general3A_29, %add3A_33 : vector<1024x256xf32>
    %max3A_35 = arith.constant 0.000000e+00 : f32
    %max3A_36 = vector.broadcast %max3A_35 : f32 to vector<1024x256xf32>
    %max3A_37 = arith.maximumf %add3A_34, %max3A_36 : vector<1024x256xf32>
    %get3A_38 = arith.constant 0 : index
    %get3A_39 = arith.constant 0 : index
    %get3A_40 = vector.load %arg10[%get3A_38, %get3A_39] : memref<1x256xf32, #tpu.memory_space<vmem>>, vector<1x256xf32>
    %mul3A = vector.broadcast %get3A_40 : vector<1x256xf32> to vector<1024x256xf32>
    %mul3A_41 = arith.mulf %max3A_37, %mul3A : vector<1024x256xf32>
    %reduce_sum3A = arith.constant dense<0.000000e+00> : vector<1024xf32>
    %reduce_sum3A_42 = vector.multi_reduction <add>, %mul3A_41, %reduce_sum3A [1] : vector<1024x256xf32> to vector<1024xf32>
    %broadcast_in_dim3A = vector.shape_cast %reduce_sum3A_42 : vector<1024xf32> to vector<1024x1xf32>
    %get3A_43 = arith.constant 0 : index
    %get3A_44 = arith.constant 0 : index
    %get3A_45 = vector.load %arg2[%get3A_43, %get3A_44] : memref<1024x13xf32, #tpu.memory_space<vmem>>, vector<1024x13xf32>
    %get3A_46 = arith.constant 0 : index
    %get3A_47 = arith.constant 0 : index
    %get3A_48 = vector.load %arg3[%get3A_46, %get3A_47] : memref<1x13xf32, #tpu.memory_space<vmem>>, vector<1x13xf32>
    %mul3A_49 = vector.broadcast %get3A_48 : vector<1x13xf32> to vector<1024x13xf32>
    %mul3A_50 = arith.mulf %get3A_45, %mul3A_49 : vector<1024x13xf32>
    %reduce_sum3A_51 = arith.constant dense<0.000000e+00> : vector<1024xf32>
    %reduce_sum3A_52 = vector.multi_reduction <add>, %mul3A_50, %reduce_sum3A_51 [1] : vector<1024x13xf32> to vector<1024xf32>
    %broadcast_in_dim3A_53 = vector.shape_cast %reduce_sum3A_52 : vector<1024xf32> to vector<1024x1xf32>
    %add3A_54 = arith.addf %broadcast_in_dim3A, %broadcast_in_dim3A_53 : vector<1024x1xf32>
    %get3A_55 = arith.constant 0 : index
    %get3A_56 = arith.constant 0 : index
    %get3A_57 = vector.load %arg11[%get3A_55, %get3A_56] : memref<1x1xf32, #tpu.memory_space<vmem>>, vector<1x1xf32>
    %get3A_58 = vector.extract %get3A_57[0, 0] : f32 from vector<1x1xf32>
    %add3A_59 = vector.broadcast %get3A_58 : f32 to vector<1024x1xf32>
    %add3A_60 = arith.addf %add3A_54, %add3A_59 : vector<1024x1xf32>
    %logistic3A = arith.negf %add3A_60 : vector<1024x1xf32>
    %logistic3A_61 = math.exp %logistic3A : vector<1024x1xf32>
    %logistic3A_62 = arith.constant 1.000000e+00 : f32
    %logistic3A_63 = vector.broadcast %logistic3A_62 : f32 to vector<1024x1xf32>
    %logistic3A_64 = arith.addf %logistic3A_63, %logistic3A_61 : vector<1024x1xf32>
    %logistic3A_65 = arith.divf %logistic3A_63, %logistic3A_64 : vector<1024x1xf32>
    %swap3A = arith.constant 0 : index
    %swap3A_66 = arith.constant 0 : index
    %swap3A_67 = vector.load %arg12[%swap3A, %swap3A_66] : memref<1024x1xf32, #tpu.memory_space<vmem>>, vector<1024x1xf32>
    tpu.vector_store %arg12[%swap3A, %swap3A_66], %logistic3A_65 {strides = array<i32>} : memref<1024x1xf32, #tpu.memory_space<vmem>>, vector<1024x1xf32>,
    return
  }
  func.func @transform_0(%arg0: i32) -> (i32, i32) {
    %c0_i32 = arith.constant 0 : i32
    %c0_i32_0 = arith.constant 0 : i32
    return %arg0, %c0_i32 : i32, i32
  }
  func.func @transform_1(%arg0: i32) -> (i32, i32) {
    %c0_i32 = arith.constant 0 : i32
    %c0_i32_0 = arith.constant 0 : i32
    return %arg0, %c0_i32 : i32, i32
  }
  func.func @transform_2(%arg0: i32) -> (i32, i32) {
    %c0_i32 = arith.constant 0 : i32
    %c0_i32_0 = arith.constant 0 : i32
    %c0_i32_1 = arith.constant 0 : i32
    return %c0_i32, %c0_i32_0 : i32, i32
  }
  func.func @transform_3(%arg0: i32) -> (i32, i32) {
    %c0_i32 = arith.constant 0 : i32
    %c0_i32_0 = arith.constant 0 : i32
    %c0_i32_1 = arith.constant 0 : i32
    return %c0_i32, %c0_i32_0 : i32, i32
  }
  func.func @transform_4(%arg0: i32) -> (i32, i32) {
    %c0_i32 = arith.constant 0 : i32
    %c0_i32_0 = arith.constant 0 : i32
    %c0_i32_1 = arith.constant 0 : i32
    return %c0_i32, %c0_i32_0 : i32, i32
  }
  func.func @transform_5(%arg0: i32) -> (i32, i32) {
    %c0_i32 = arith.constant 0 : i32
    %c0_i32_0 = arith.constant 0 : i32
    %c0_i32_1 = arith.constant 0 : i32
    return %c0_i32, %c0_i32_0 : i32, i32
  }
  func.func @transform_6(%arg0: i32) -> (i32, i32) {
    %c0_i32 = arith.constant 0 : i32
    %c0_i32_0 = arith.constant 0 : i32
    %c0_i32_1 = arith.constant 0 : i32
    return %c0_i32, %c0_i32_0 : i32, i32
  }
  func.func @transform_7(%arg0: i32) -> (i32, i32) {
    %c0_i32 = arith.constant 0 : i32
    %c0_i32_0 = arith.constant 0 : i32
    %c0_i32_1 = arith.constant 0 : i32
    return %c0_i32, %c0_i32_0 : i32, i32
  }
  func.func @transform_8(%arg0: i32) -> (i32, i32) {
    %c0_i32 = arith.constant 0 : i32
    %c0_i32_0 = arith.constant 0 : i32
    %c0_i32_1 = arith.constant 0 : i32
    return %c0_i32, %c0_i32_0 : i32, i32
  }
  func.func @transform_9(%arg0: i32) -> (i32, i32) {
    %c0_i32 = arith.constant 0 : i32
    %c0_i32_0 = arith.constant 0 : i32
    %c0_i32_1 = arith.constant 0 : i32
    return %c0_i32, %c0_i32_0 : i32, i32
  }
  func.func @transform_10(%arg0: i32) -> (i32, i32) {
    %c0_i32 = arith.constant 0 : i32
    %c0_i32_0 = arith.constant 0 : i32
    %c0_i32_1 = arith.constant 0 : i32
    return %c0_i32, %c0_i32_0 : i32, i32
  }
  func.func @transform_11(%arg0: i32) -> (i32, i32) {
    %c0_i32 = arith.constant 0 : i32
    %c0_i32_0 = arith.constant 0 : i32
    return %arg0, %c0_i32 : i32, i32
  }
}

</mosaic_0001>

<sc_bundles>
// kernel: kernel.5.cloned.1.call-start
scs
__scs_entry_jumppad:
0x0: {  	(pc) =	sbr.rel $0x88, $3  }
0x1: {  	(tag) =	ssettag $0x0;
	lr =	simm.s32 $0x1  }
0x2: {  	[smem:$0x3F94] =	sst lr;
	_ =	strace $0xD0000000  }
0x3: {  	_ = 	snop  }
0x4: {  	_ = 	snop  }
0x5: {  	_ = 	snop  }
0x6: {  	_ = 	snop  }
0x7: {  	_ = 	snop  }
__scs_overlays_trampoline_lowered:
0x8: {  	[smem:$0x3FA3] =	sst s0  }
0x9: {  	[smem:$0x3FA4] =	sst s1  }
0xa: {  	[smem:$0x3FA5] =	sst s2  }
0xb: {  	[smem:$0x3FA6] =	sst s3  }
0xc: {  	[smem:$0x3FA7] =	sst s4  }
0xd: {  	[smem:$0x3FA8] =	sst s5  }
0xe: {  	[smem:$0x3FA9] =	sst s6  }
0xf: {  	[smem:$0x3FAA] =	sst s7  }
0x10: {  	[smem:$0x3FAB] =	sst s8  }
0x11: {  	[smem:$0x3FAC] =	sst s9;
	s0 =	simm.s32 @!p0 $0x0  }
0x12: {  	s1 =	sld [smem:$0x3F92];
	s0 =	simm.s32 @p0 $0x1  }
0x13: {  	[smem:$0x3FAD] =	sst s0;
	s0 =	simm.s32 @!p1 $0x0  }
0x14: {  	s2 =	sld [smem:$0x3F91];
	s0 =	simm.s32 @p1 $0x1  }
0x15: {  	[smem:$0x3FAE] =	sst s0;
	s0 =	simm.s32 @!p2 $0x0  }
0x16: {  	s3 =	sld [smem:$0x3FDB];
	s0 =	simm.s32 @p2 $0x1  }
0x17: {  	s4 =	simm.s32 $0x1BF5;
	[smem:$0x3FB0] =	sst s0  }
0x18: {  	s0 =	sld [smem:$0x3F93];
	_ =	swait.ge [sflag:s4], $0x0  }
0x19: {  	s7 =	sld [smem:$0x3F94]  }
0x1a: {  	s8 =	sadd.s32 $0xFFFFE003, lr  }
0x1b: {  	s9 =	sadd.s32 $0xFFFFFEF7, lr;
	s5 =	simm.s32 $0xFFFFFFFF;
	p2 =	slt.u32 s8, $0xFFFFF086  }
0x1c: {  	p1 =	slt.u32 s9, $0xF7A;
	s5 =	simm.s32 @!p2 $0x0  }
0x1d: {  	s5 =	simm.s32 @p1 $0x1;
	p0 =	seq.s32 s7, s2  }
0x1e: {  	s7 =	smul.u32 @!p0 $0xF7A, s2;
	p2 =	seq.s32 @!p0 s5, $0x0  }
0x1f: {  	s9 =	smul.u32 $0xF7A, s1;
	s8 =	simm.s32 @!p0 $0x1BF5;
	p2 =	por !p2, p0  }
0x20: {  	[sflag:s8] =	ssyncset.s32 @!p0 $0xFFFFF086;
	s6 =	sadd.s32 @!p0 s3, s7;
	s7 =	simm.s32 @!p0 $0x108  }
0x21: {  	s3 =	sadd.s32 s3, s9;
	s6 =	sadd.s32 @!p0 $0x88, s6;
	s7 =	simm.s32 @p2 $0x1082  }
0x22: {  	[simem:s7], [sflag:s8] =	dma.local @!p0 [hbm:s6], $0xF7A  }
0x23: {  	s9 =	sor.u32 $0xD0000000, s2;
	s6 =	simm.s32 $0x108;
	_ =	swait.ge @!p0 [sflag:s8], $0x0  }
0x24: {  	s3 =	sadd.s32 $0x88, s3;
	s6 =	simm.s32 @!p1 $0x1082;
	[sflag:s4] =	ssyncset.s32 $0xFFFFF086  }
0x25: {  	[simem:s6], [sflag:s4] =	dma.local [hbm:s3], $0xF7A  }
0x26: {  	[smem:$0x3F94] =	sst s1;
	(tag) =	ssettag s2;
	_ =	strace s9  }
0x27: {  	s1 =	sld [smem:$0x3FA4]  }
0x28: {  	s2 =	sld [smem:$0x3FA5]  }
0x29: {  	s4 =	sld [smem:$0x3FA7]  }
0x2a: {  	p0 =	seq.s32 s5, $0x0;
	s5 =	sld [smem:$0x3FA8]  }
0x2b: {  	s6 =	sld [smem:$0x3FA9]  }
0x2c: {  	s7 =	sld [smem:$0x3FAA]  }
0x2d: {  	s3 =	simm.s32 $0x108;
	s8 =	sld [smem:$0x3FAB]  }
0x2e: {  	s3 =	simm.s32 @!p0 $0x1082;
	s9 =	sld [smem:$0x3FAC]  }
0x2f: {  	lr =	sadd.s32 s0, s3;
	s0 =	sld [smem:$0x3FA3]  }
0x30: {  	s3 =	sld [smem:$0x3FA6]  }
0x31: {  	[smem:$0x3FAF] =	sst s10  }
0x32: {  	s10 =	sld [smem:$0x3FAD];
	_ =	sdelay $0x3  }
0x33: {  	p0 =	seq.s32 s10, $0x1;
	s10 =	sld [smem:$0x3FAF];
	_ =	sdelay $0x3  }
0x34: {  	[smem:$0x3FAF] =	sst s10  }
0x35: {  	s10 =	sld [smem:$0x3FAE];
	_ =	sdelay $0x3  }
0x36: {  	p1 =	seq.s32 s10, $0x1;
	s10 =	sld [smem:$0x3FAF];
	_ =	sdelay $0x3  }
0x37: {  	[smem:$0x3FAF] =	sst s10  }
0x38: {  	s10 =	sld [smem:$0x3FB0]  }
0x39: {  	_ = 	snop;
	(pc) =	sbr.ind lr, $3  }
0x3a: {  	_ = 	snop  }
0x3b: {  	_ = 	snop  }
0x3c: {  	p2 =	seq.s32 s10, $0x1;
	s10 =	sld [smem:$0x3FAF]  }
0x3d: {  	_ =	shalt  }
0x3e: {  	_ =	shalt  }
0x3f: {  	_ =	shalt  }
0x40: {  	_ =	shalt  }
0x41: {  	_ =	shalt  }
0x42: {  	_ =	shalt  }
0x43: {  	_ =	shalt  }
0x44: {  	_ =	shalt  }
0x45: {  	_ =	shalt  }
0x46: {  	_ =	shalt  }
0x47: {  	_ =	shalt  }
0x48: {  	_ =	shalt  }
0x49: {  	_ =	shalt  }
0x4a: {  	_ =	shalt  }
0x4b: {  	_ =	shalt  }
0x4c: {  	_ =	shalt  }
0x4d: {  	_ =	shalt  }
0x4e: {  	_ =	shalt  }
0x4f: {  	_ =	shalt  }
0x50: {  	_ =	shalt  }
0x51: {  	_ =	shalt  }
0x52: {  	_ =	shalt  }
0x53: {  	_ =	shalt  }
0x54: {  	_ =	shalt  }
0x55: {  	_ =	shalt  }
0x56: {  	_ =	shalt  }
0x57: {  	_ =	shalt  }
0x58: {  	_ =	shalt  }
0x59: {  	_ =	shalt  }
0x5a: {  	_ =	shalt  }
0x5b: {  	_ =	shalt  }
0x5c: {  	_ =	shalt  }
0x5d: {  	_ =	shalt  }
0x5e: {  	_ =	shalt  }
0x5f: {  	_ =	shalt  }
0x60: {  	_ =	shalt  }
0x61: {  	_ =	shalt  }
0x62: {  	_ =	shalt  }
0x63: {  	_ =	shalt  }
0x64: {  	_ =	shalt  }
0x65: {  	_ =	shalt  }
0x66: {  	_ =	shalt  }
0x67: {  	_ =	shalt  }
0x68: {  	_ =	shalt  }
0x69: {  	_ =	shalt  }
0x6a: {  	_ =	shalt  }
0x6b: {  	_ =	shalt  }
0x6c: {  	_ =	shalt  }
0x6d: {  	_ =	shalt  }
0x6e: {  	_ =	shalt  }
0x6f: {  	_ =	shalt  }
0x70: {  	_ =	shalt  }
0x71: {  	_ =	shalt  }
0x72: {  	_ =	shalt  }
0x73: {  	_ =	shalt  }
0x74: {  	_ =	shalt  }
0x75: {  	_ =	shalt  }
0x76: {  	_ =	shalt  }
0x77: {  	_ =	shalt  }
0x78: {  	_ =	shalt  }
0x79: {  	_ =	shalt  }
0x7a: {  	_ =	shalt  }
0x7b: {  	_ =	shalt  }
0x7c: {  	_ =	shalt  }
0x7d: {  	_ =	shalt  }
0x7e: {  	_ =	shalt  }
0x7f: {  	_ =	shalt  }
0x80: {  	_ =	shalt  }
0x81: {  	_ =	shalt  }
0x82: {  	_ =	shalt  }
0x83: {  	_ =	shalt  }
0x84: {  	_ =	shalt  }
0x85: {  	_ =	shalt  }
0x86: {  	_ =	shalt  }
0x87: {  	_ =	shalt  }
.Lfunc_end0:
.L_simem_size_0:
called_computation_lowered:
.L_overlay_start_0:
0x88: {  	s2 =	sld [smem:$0x3FD9]  }
0x89: {  	s3 =	sld [smem:$0x3FFE];
	_ =	sdelay $0x1  }
0x8a: {  	s1 =	srdreg.scid  }
0x8b: {  	s0 =	sand.u32 $0x1, s1  }
0x8c: {  	s16 =	sshll.u32 s0, $0xA;
	s2 =	sadd.s32 s3, s2  }
0x8d: {  	s2 =	sadd.s32 s2, s16  }
0x8e: {  	[smem:$0x3FBB] =	sst s2  }
0x8f: {  	_ = 	snop  }
0x90: {  	(tm) =	ssettm $0x1  }
0x91: {  	s17 =	sld [smem:$0x3FFB];
	_ =	sdelay $0x3  }
0x92: {  	_ =	strace s17  }
0x93: {  	s2 =	sld [smem:$0x3FFC];
	_ =	sdelay $0x3  }
0x94: {  	_ =	strace s2  }
0x95: {  	s2 =	sld [smem:$0x3FFD];
	_ =	sdelay $0x3  }
0x96: {  	_ =	strace s2  }
0x97: {  	_ =	strace $0x8FFFFFFF  }
0x98: {  	s18 =	sld [smem:$0x3FDB];
	_ =	sdelay $0x1  }
0x99: {  	s19 =	simm.s32 $_scs_section_size  }
0x9a: {  	s4 =	simm.s32 $_size__tile_overlayer_lowered;
	s5 =	simm.s32 $_tile_overlayer_lowered  }
0x9b: {  	s22 =	simm.s32 $0x1BFF;
	s21 =	sshll.u32 s5, $0x1;
	s2 =	sadd.s32 s19, s18  }
0x9c: {  	s6 =	simm.s32 $0x0;
	s20 =	sshll.u32 s4, $0x1;
	s4 =	sadd.s32 s21, s2  }
0x9d: {  	[timem:s6], [sflag:s22] =	dma.local [hbm:s4], s20  }
0x9e: {  	_ =	swait.ge [sflag:s22], s20  }
0x9f: {  	s3 =	ssub.s32 $0x0, s20;
	[sflag:s22] =	ssyncset.done $0x0  }
0xa0: {  	[sflag:s22] =	ssyncadd.s32 s3;
	_ =	sdelay $0x1  }
0xa1: {  	s23 =	simm.s32 $0x1B8B  }
0xa2: {  	_ =	swait.ge [sflag:s23], $0x1  }
0xa3: {  	[sflag:s23] =	ssyncset.done $0x0  }
0xa4: {  	s25 =	simm.s32 $0x1B8E;
	s24 =	sld [smem:$0x3FFE];
	[sflag:s23] =	ssyncadd.s32 $0xFFFFFFFF  }
0xa5: {  	s26 =	simm.s32 $execute0_lowered;
	[smem:$0x3FD2] =	sst s25  }
0xa6: {  	s4 =	sshll.u32 s26, $0x1;
	_ =	strace $0x80000046;
	[dreg:$0x1] =	wrdreg $0xFFFFFFFF  }
0xa7: {  	s28 =	simm.s32 $_size_execute0_lowered;
	s2 =	sadd.s32 s2, s4;
	[dreg:$0x0] =	wrdreg $0x0  }
0xa8: {  	s4 =	sshll.u32 s28, $0x1;
	[dreg:$0x2] =	wrdreg s2  }
0xa9: {  	[dreg:$0x3] =	wrdreg s4  }
0xaa: {  	[dreg:$0x4] =	wrdreg $0xC0  }
0xab: {  	_ =	task [dreg:s6], $0x5FFFF  }
0xac: {  	[dreg:$0x1] =	wrdreg $0xFFFFFFFF  }
0xad: {  	[dreg:$0x0] =	wrdreg $0x60  }
0xae: {  	[dreg:$0x2] =	wrdreg s24  }
0xaf: {  	[dreg:$0x3] =	wrdreg $0x9  }
0xb0: {  	_ =	task.clear_ibuf [dreg:s6], $0x4FFFF;
	_ =	strace $0x90000046  }
0xb1: {  	s29 =	simm.s32 $0x9;
	_ =	strace $0x80000048  }
0xb2: {  	_ =	swait.ge [sflag:s29], $0x1  }
0xb3: {  	[sflag:s29] =	ssyncadd.s32 $0xFFFFFFFF  }
0xb4: {  	_ =	strace $0x90000048  }
0xb5: {  	_ =	sfence  }
0xb6: {  	s30 =	sld [smem:$0x0];
	_ =	sdelay $0x2  }
0xb7: {  	s31 =	sshll.u32 s1, $0xD;
	s1 =	sshrl.u32 s1, $0x2  }
0xb8: {  	s3 =	sand.u32 $0x4000, s31;
	s1 =	sadd.s32 s1, s30  }
0xb9: {  	s0 =	sor.u32 s3, s0;
	s1 =	sshll.u32 s1, $0x11  }
0xba: {  	s0 =	sor.u32 s1, s0  }
0xbb: {  	s0 =	sadd.s32 $0x8F2B, s0  }
0xbc: {  	[sflag:s0] =	ssyncadd.remote.s32 $0x1  }
0xbd: {  	_ =	sfence.sel $0xFFFF  }
0xbe: {  	[dreg:$0x0] =	wrdreg $0xFFFFFFFF;
	(pc) =	sbr.abs _section_cstart, $3  }
0xbf: {  	[dreg:$0x1] =	wrdreg $0xFFFFFFFF  }
0xc0: {  	_ =	task.clear_ibuf [dreg:s6], $0x2FFFF;
	_ =	strace $0x9FFFFFFF  }
0xc1: {  	(tm) =	ssettm $0x7FFFFFFF  }
tec
execute0_lowered:
.L_overlay_start_1:
0x0: {  	(tag) =	ssettag $0x1  }
0x1: {  	s2 =	stileid.u32  }
0x2: {  	s1 =	smul.u32 $0x6800, s2  }
0x3: {  	s3 =	rddreg [dreg:$0x0];
	s4 =	smul.u32 $0xD000, s2;
	s2 =	simm.s32 $0x0  }
0x4: {  	s21 =	simm.s32 $0xD00;
	[smem:$0x7FF] =	sst s2  }
0x5: {  	s22 =	simm.s32 $0xD80;
	_ =	strace $0x80000047;
	[dreg:$0x3] =	wrdreg s21  }
0x6: {  	s23 =	simm.s32 $0xE00;
	[dreg:$0x4] =	wrdreg s22  }
0x7: {  	s24 =	simm.s32 $0xE80;
	[dreg:$0x5] =	wrdreg s23  }
0x8: {  	s26 =	simm.s32 $0xF00;
	[dreg:$0x6] =	wrdreg s24  }
0x9: {  	s7 =	simm.s32 $0x1000;
	[dreg:$0x7] =	wrdreg s26  }
0xa: {  	s8 =	simm.s32 $0x1080;
	[dreg:$0x9] =	wrdreg s7  }
0xb: {  	s0 =	srdreg.scid;
	s9 =	simm.s32 $0x1100;
	[dreg:$0xa] =	wrdreg s8  }
0xc: {  	s10 =	simm.s32 $0x1180;
	s11 =	simm.s32 $0x1200;
	[dreg:$0xb] =	wrdreg s9  }
0xd: {  	s12 =	simm.s32 $0x1280;
	s13 =	simm.s32 $0x1300;
	[dreg:$0xc] =	wrdreg s10  }
0xe: {  	v0 =	vlaneseq.u32;
	s14 =	simm.s32 $0x1380;
	s15 =	simm.s32 $0x1400;
	[dreg:$0xd] =	wrdreg s11  }
0xf: {  	s16 =	simm.s32 $0x1480;
	s17 =	simm.s32 $0x1500;
	v0 =	vmul.u32 $0x1A, v0;
	[dreg:$0xe] =	wrdreg s12  }
0x10: {  	s18 =	simm.s32 $0x1580;
	s19 =	simm.s32 $0x1600;
	[dreg:$0xf] =	wrdreg s13  }
0x11: {  	s20 =	simm.s32 $0x1680;
	s28 =	simm.s32 $0x5200;
	v2 =	vadd.s32 $0x1A0, v0;
	v3 =	vadd.s32 $0x340, v0;
	v4 =	vadd.s32 $0x4E0, v0;
	[dreg:$0x10] =	wrdreg s14  }
0x12: {  	s29 =	simm.s32 $0x5A00;
	s0 =	sand.u32 $0x1, s0;
	v5 =	vadd.s32 $0x680, v0;
	v6 =	vadd.s32 $0x820, v0;
	v7 =	vadd.s32 $0x9C0, v0;
	[dreg:$0x11] =	wrdreg s15  }
0x13: {  	s30 =	simm.s32 $0x6200;
	s5 =	smul.u32 $0x6800, s0;
	v8 =	vadd.s32 $0xB60, v0;
	v10 =	vor.u32 $0x1, v0;
	v11 =	vadd.s32 $0x1A1, v0;
	[dreg:$0x12] =	wrdreg s16  }
0x14: {  	s31 =	simm.s32 $0x6A00;
	s6 =	smul.u32 $0x3400, s0;
	v12 =	vadd.s32 $0x341, v0;
	v13 =	vadd.s32 $0x4E1, v0;
	v14 =	vadd.s32 $0x681, v0;
	[dreg:$0x13] =	wrdreg s17  }
0x15: {  	s0 =	ssub.s32 $0x2, s0;
	s4 =	sadd.s32 s4, s3;
	v15 =	vadd.s32 $0x821, v0;
	v16 =	vadd.s32 $0x9C1, v0;
	v17 =	vadd.s32 $0xB61, v0;
	[dreg:$0x14] =	wrdreg s18  }
0x16: {  	s25 =	sshrl.u32 s0, $0x1;
	s7 =	simm.s32 $0x80;
	v18 =	vadd.s32 $0x2, v0;
	v19 =	vadd.s32 $0x1A2, v0;
	v20 =	vadd.s32 $0x342, v0;
	[dreg:$0x15] =	wrdreg s19  }
0x17: {  	v21 =	vadd.s32 $0x4E2, v0;
	v22 =	vadd.s32 $0x682, v0;
	v23 =	vadd.s32 $0x822, v0;
	[dreg:$0x16] =	wrdreg s20;
	s21 =	simm.s32 $0x1700;
	s22 =	simm.s32 $0x1780  }
0x18: {  	v24 =	vadd.s32 $0x9C2, v0;
	v25 =	vadd.s32 $0xB62, v0;
	v26 =	vadd.s32 $0x3, v0;
	s23 =	simm.s32 $0x1800;
	s24 =	simm.s32 $0x1880;
	s26 =	simm.s32 $0x1980  }
0x19: {  	v27 =	vadd.s32 $0x1A3, v0;
	v28 =	vadd.s32 $0x343, v0;
	v29 =	vadd.s32 $0x4E3, v0;
	s8 =	simm.s32 $0x10;
	s9 =	simm.s32 $0x1A0;
	s20 =	simm.s32 $0x1A00  }
0x1a: {  	v30 =	vadd.s32 $0x683, v0;
	v31 =	vadd.s32 $0x823, v0;
	v32 =	vadd.s32 $0x9C3, v0;
	s14 =	simm.s32 $0x8A00;
	s15 =	simm.s32 $0x9200;
	[dreg:$0x17] =	wrdreg s21  }
0x1b: {  	v33 =	vadd.s32 $0xB63, v0;
	v34 =	vadd.s32 $0x4, v0;
	v35 =	vadd.s32 $0x1A4, v0;
	s16 =	simm.s32 $0x9A00;
	s17 =	simm.s32 $0xA200;
	[dreg:$0x18] =	wrdreg s22  }
0x1c: {  	v36 =	vadd.s32 $0x344, v0;
	v37 =	vadd.s32 $0x4E4, v0;
	v38 =	vadd.s32 $0x684, v0;
	s4 =	sadd.s32 s5, s4;
	s1 =	sadd.s32 s6, s1;
	[dreg:$0x19] =	wrdreg s23  }
0x1d: {  	v39 =	vadd.s32 $0x824, v0;
	v40 =	vadd.s32 $0x9C4, v0;
	v41 =	vadd.s32 $0xB64, v0;
	s0 =	ssub.s32 s0, s25;
	s6 =	simm.s32 $0xF80;
	[dreg:$0x1a] =	wrdreg s24  }
0x1e: {  	v42 =	vadd.s32 $0x5, v0;
	v43 =	vadd.s32 $0x1A5, v0;
	v44 =	vadd.s32 $0x345, v0;
	s25 =	simm.s32 $0x1900;
	[dreg:$0x1c] =	wrdreg s26;
	s5 =	simm.s32 $0x1  }
0x1f: {  	v45 =	vadd.s32 $0x4E5, v0;
	v46 =	vadd.s32 $0x685, v0;
	v47 =	vadd.s32 $0x825, v0;
	s21 =	simm.s32 $0x2200;
	s22 =	simm.s32 $0x2A00;
	s23 =	simm.s32 $0x3200  }
0x20: {  	v48 =	vadd.s32 $0x9C5, v0;
	v49 =	vadd.s32 $0xB65, v0;
	v50 =	vadd.s32 $0x6, v0;
	s24 =	simm.s32 $0x3A00;
	s26 =	simm.s32 $0x4A00;
	s4 =	sadd.s32 $0x503E00, s4  }
0x21: {  	v51 =	vadd.s32 $0x1A6, v0;
	v52 =	vadd.s32 $0x346, v0;
	v53 =	vadd.s32 $0x4E6, v0;
	s1 =	sshrl.u32 s1, $0x3;
	s0 =	smax.u32 s0, $0x1;
	[dreg:$0x8] =	wrdreg s6  }
0x22: {  	v54 =	vadd.s32 $0x686, v0;
	v55 =	vadd.s32 $0x826, v0;
	v56 =	vadd.s32 $0x9C6, v0;
	s6 =	simm.s32 $0x2;
	[dreg:$0x1b] =	wrdreg s25;
	s25 =	simm.s32 $0x4200  }
0x23: {  	v57 =	vadd.s32 $0xB66, v0;
	v58 =	vadd.s32 $0x7, v0;
	v1 =	vadd.s32 $0xB67, v0;
	[dreg:$0x2] =	wrdreg s4;
	s1 =	sadd.s32 s1, s3;
	s3 =	sadd.s32 $0x1400, s3  }
0x24: {  	v59 =	vadd.s32 $0x1A7, v0;
	v60 =	vadd.s32 $0x347, v0;
	v61 =	vadd.s32 $0x4E7, v0;
	[tilespmem:$0x1FFE0] =	vst v1;
	[dreg:$0x1d] =	wrdreg s0;
	s0 =	simm.s32 $0x0;
	s1 =	sadd.s32 $0x4F6E00, s1  }
0x25: {  	v62 =	vadd.s32 $0x687, v0;
	v63 =	vadd.s32 $0x827, v0;
	v9 =	vadd.s32 $0x9C7, v0;
	[tilespmem:$0x1FFF0] =	vst v8;
	s4 =	simm.s32 $0x8200;
	[dreg:$0x1e] =	wrdreg s1;
	s1 =	simm.s32 $0x7200  }
.LBB2_1:
0x26: {  	[dreg:$0x1f] =	wrdreg s0  }
0x27: {  	s11 =	rddreg [dreg:$0x1e];
	s18 =	simm.s32 $0x0  }
.LBB2_2:
0x28: {  	[tilespmem:s2], [sflag:$0x2] =	stream.linear.gather [hbm4b:s11+s2], $0xD00, $0x38;
	[tilespmem:$0xEA00] =	vst v63  }
0x29: {  	_ =	swait.ge [sflag:s6], $0xD00  }
0x2a: {  	[sflag:s6] =	ssyncset.done $0x0  }
0x2b: {  	[sflag:s6] =	ssyncadd.s32 $0xFFFFF300  }
0x2c: {  	v1 =	vld.idx.msk [tilespmem:v0+s2+$0x0], $0xffff;
	_ =	sdelay $0x4  }
0x2d: {  	[tilespmem:$0xD00] =	vst v1  }
0x2e: {  	v1 =	vld.idx.msk [tilespmem:v2+s2+$0x0], $0xffff;
	_ =	sdelay $0x4  }
0x2f: {  	[tilespmem:$0xD10] =	vst v1  }
0x30: {  	v1 =	vld.idx.msk [tilespmem:v3+s2+$0x0], $0xffff;
	_ =	sdelay $0x4  }
0x31: {  	[tilespmem:$0xD20] =	vst v1  }
0x32: {  	v1 =	vld.idx.msk [tilespmem:v4+s2+$0x0], $0xffff;
	_ =	sdelay $0x4  }
0x33: {  	[tilespmem:$0xD30] =	vst v1  }
0x34: {  	v1 =	vld.idx.msk [tilespmem:v5+s2+$0x0], $0xffff;
	_ =	sdelay $0x4  }
0x35: {  	[tilespmem:$0xD40] =	vst v1  }
0x36: {  	v1 =	vld.idx.msk [tilespmem:v6+s2+$0x0], $0xffff;
	_ =	sdelay $0x4  }
0x37: {  	[tilespmem:$0xD50] =	vst v1  }
0x38: {  	v1 =	vld.idx.msk [tilespmem:v7+s2+$0x0], $0xffff;
	_ =	sdelay $0x4  }
0x39: {  	[tilespmem:$0xD60] =	vst v1  }
0x3a: {  	v1 =	vld.idx.msk [tilespmem:v8+s2+$0x0], $0xffff;
	_ =	sdelay $0x4  }
0x3b: {  	[tilespmem:$0xD70] =	vst v1  }
0x3c: {  	v1 =	vld.idx.msk [tilespmem:v10+s2+$0x0], $0xffff;
	_ =	sdelay $0x4  }
0x3d: {  	v1 =	vadd.s32 $0x186A0, v1  }
0x3e: {  	[tilespmem:$0xD80] =	vst v1  }
0x3f: {  	v1 =	vld.idx.msk [tilespmem:v11+s2+$0x0], $0xffff;
	_ =	sdelay $0x4  }
0x40: {  	v1 =	vadd.s32 $0x186A0, v1  }
0x41: {  	[tilespmem:$0xD90] =	vst v1  }
0x42: {  	v1 =	vld.idx.msk [tilespmem:v12+s2+$0x0], $0xffff;
	_ =	sdelay $0x4  }
0x43: {  	v1 =	vadd.s32 $0x186A0, v1  }
0x44: {  	[tilespmem:$0xDA0] =	vst v1  }
0x45: {  	v1 =	vld.idx.msk [tilespmem:v13+s2+$0x0], $0xffff;
	_ =	sdelay $0x4  }
0x46: {  	v1 =	vadd.s32 $0x186A0, v1  }
0x47: {  	[tilespmem:$0xDB0] =	vst v1  }
0x48: {  	v1 =	vld.idx.msk [tilespmem:v14+s2+$0x0], $0xffff;
	_ =	sdelay $0x4  }
0x49: {  	v1 =	vadd.s32 $0x186A0, v1  }
0x4a: {  	[tilespmem:$0xDC0] =	vst v1  }
0x4b: {  	v1 =	vld.idx.msk [tilespmem:v15+s2+$0x0], $0xffff;
	_ =	sdelay $0x4  }
0x4c: {  	v1 =	vadd.s32 $0x186A0, v1  }
0x4d: {  	[tilespmem:$0xDD0] =	vst v1  }
0x4e: {  	v1 =	vld.idx.msk [tilespmem:v16+s2+$0x0], $0xffff;
	_ =	sdelay $0x4  }
0x4f: {  	v1 =	vadd.s32 $0x186A0, v1  }
0x50: {  	[tilespmem:$0xDE0] =	vst v1  }
0x51: {  	v1 =	vld.idx.msk [tilespmem:v17+s2+$0x0], $0xffff;
	_ =	sdelay $0x4  }
0x52: {  	v1 =	vadd.s32 $0x186A0, v1  }
0x53: {  	[tilespmem:$0xDF0] =	vst v1  }
0x54: {  	v1 =	vld.idx.msk [tilespmem:v18+s2+$0x0], $0xffff;
	_ =	sdelay $0x4  }
0x55: {  	v1 =	vadd.s32 $0x30D40, v1  }
0x56: {  	[tilespmem:$0xE00] =	vst v1  }
0x57: {  	v1 =	vld.idx.msk [tilespmem:v19+s2+$0x0], $0xffff;
	_ =	sdelay $0x4  }
0x58: {  	v1 =	vadd.s32 $0x30D40, v1  }
0x59: {  	[tilespmem:$0xE10] =	vst v1  }
0x5a: {  	v1 =	vld.idx.msk [tilespmem:v20+s2+$0x0], $0xffff;
	_ =	sdelay $0x4  }
0x5b: {  	v1 =	vadd.s32 $0x30D40, v1  }
0x5c: {  	[tilespmem:$0xE20] =	vst v1  }
0x5d: {  	v1 =	vld.idx.msk [tilespmem:v21+s2+$0x0], $0xffff;
	_ =	sdelay $0x4  }
0x5e: {  	v1 =	vadd.s32 $0x30D40, v1  }
0x5f: {  	[tilespmem:$0xE30] =	vst v1  }
0x60: {  	v1 =	vld.idx.msk [tilespmem:v22+s2+$0x0], $0xffff;
	_ =	sdelay $0x4  }
0x61: {  	v1 =	vadd.s32 $0x30D40, v1  }
0x62: {  	[tilespmem:$0xE40] =	vst v1  }
0x63: {  	v1 =	vld.idx.msk [tilespmem:v23+s2+$0x0], $0xffff;
	_ =	sdelay $0x4  }
0x64: {  	v1 =	vadd.s32 $0x30D40, v1  }
0x65: {  	[tilespmem:$0xE50] =	vst v1  }
0x66: {  	v1 =	vld.idx.msk [tilespmem:v24+s2+$0x0], $0xffff;
	_ =	sdelay $0x4  }
0x67: {  	v1 =	vadd.s32 $0x30D40, v1  }
0x68: {  	[tilespmem:$0xE60] =	vst v1  }
0x69: {  	v1 =	vld.idx.msk [tilespmem:v25+s2+$0x0], $0xffff;
	_ =	sdelay $0x4  }
0x6a: {  	v1 =	vadd.s32 $0x30D40, v1  }
0x6b: {  	[tilespmem:$0xE70] =	vst v1  }
0x6c: {  	v1 =	vld.idx.msk [tilespmem:v26+s2+$0x0], $0xffff;
	_ =	sdelay $0x4  }
0x6d: {  	v1 =	vadd.s32 $0x493E0, v1  }
0x6e: {  	[tilespmem:$0xE80] =	vst v1  }
0x6f: {  	v1 =	vld.idx.msk [tilespmem:v27+s2+$0x0], $0xffff;
	_ =	sdelay $0x4  }
0x70: {  	v1 =	vadd.s32 $0x493E0, v1  }
0x71: {  	[tilespmem:$0xE90] =	vst v1  }
0x72: {  	v1 =	vld.idx.msk [tilespmem:v28+s2+$0x0], $0xffff;
	_ =	sdelay $0x4  }
0x73: {  	v1 =	vadd.s32 $0x493E0, v1  }
0x74: {  	[tilespmem:$0xEA0] =	vst v1  }
0x75: {  	v1 =	vld.idx.msk [tilespmem:v29+s2+$0x0], $0xffff;
	_ =	sdelay $0x4  }
0x76: {  	v1 =	vadd.s32 $0x493E0, v1  }
0x77: {  	[tilespmem:$0xEB0] =	vst v1  }
0x78: {  	v1 =	vld.idx.msk [tilespmem:v30+s2+$0x0], $0xffff;
	_ =	sdelay $0x4  }
0x79: {  	v1 =	vadd.s32 $0x493E0, v1  }
0x7a: {  	[tilespmem:$0xEC0] =	vst v1  }
0x7b: {  	v1 =	vld.idx.msk [tilespmem:v31+s2+$0x0], $0xffff;
	_ =	sdelay $0x4  }
0x7c: {  	v1 =	vadd.s32 $0x493E0, v1  }
0x7d: {  	[tilespmem:$0xED0] =	vst v1  }
0x7e: {  	v1 =	vld.idx.msk [tilespmem:v32+s2+$0x0], $0xffff;
	_ =	sdelay $0x4  }
0x7f: {  	v1 =	vadd.s32 $0x493E0, v1  }
0x80: {  	[tilespmem:$0xEE0] =	vst v1  }
0x81: {  	v1 =	vld.idx.msk [tilespmem:v33+s2+$0x0], $0xffff;
	_ =	sdelay $0x4  }
0x82: {  	v1 =	vadd.s32 $0x493E0, v1  }
0x83: {  	[tilespmem:$0xEF0] =	vst v1  }
0x84: {  	v1 =	vld.idx.msk [tilespmem:v34+s2+$0x0], $0xffff;
	_ =	sdelay $0x4  }
0x85: {  	v1 =	vadd.s32 $0x61A80, v1  }
0x86: {  	[tilespmem:$0xF00] =	vst v1  }
0x87: {  	v1 =	vld.idx.msk [tilespmem:v35+s2+$0x0], $0xffff;
	_ =	sdelay $0x4  }
0x88: {  	v1 =	vadd.s32 $0x61A80, v1  }
0x89: {  	[tilespmem:$0xF10] =	vst v1  }
0x8a: {  	v1 =	vld.idx.msk [tilespmem:v36+s2+$0x0], $0xffff;
	_ =	sdelay $0x4  }
0x8b: {  	v1 =	vadd.s32 $0x61A80, v1  }
0x8c: {  	[tilespmem:$0xF20] =	vst v1  }
0x8d: {  	v1 =	vld.idx.msk [tilespmem:v37+s2+$0x0], $0xffff;
	_ =	sdelay $0x4  }
0x8e: {  	v1 =	vadd.s32 $0x61A80, v1  }
0x8f: {  	[tilespmem:$0xF30] =	vst v1  }
0x90: {  	v1 =	vld.idx.msk [tilespmem:v38+s2+$0x0], $0xffff;
	_ =	sdelay $0x4  }
0x91: {  	v1 =	vadd.s32 $0x61A80, v1  }
0x92: {  	[tilespmem:$0xF40] =	vst v1  }
0x93: {  	v1 =	vld.idx.msk [tilespmem:v39+s2+$0x0], $0xffff;
	_ =	sdelay $0x4  }
0x94: {  	v1 =	vadd.s32 $0x61A80, v1  }
0x95: {  	[tilespmem:$0xF50] =	vst v1  }
0x96: {  	v1 =	vld.idx.msk [tilespmem:v40+s2+$0x0], $0xffff;
	_ =	sdelay $0x4  }
0x97: {  	v1 =	vadd.s32 $0x61A80, v1  }
0x98: {  	[tilespmem:$0xF60] =	vst v1  }
0x99: {  	v1 =	vld.idx.msk [tilespmem:v41+s2+$0x0], $0xffff;
	_ =	sdelay $0x4  }
0x9a: {  	v1 =	vadd.s32 $0x61A80, v1  }
0x9b: {  	[tilespmem:$0xF70] =	vst v1  }
0x9c: {  	v1 =	vld.idx.msk [tilespmem:v42+s2+$0x0], $0xffff;
	_ =	sdelay $0x4  }
0x9d: {  	v1 =	vadd.s32 $0x7A120, v1  }
0x9e: {  	[tilespmem:$0xF80] =	vst v1  }
0x9f: {  	v1 =	vld.idx.msk [tilespmem:v43+s2+$0x0], $0xffff;
	_ =	sdelay $0x4  }
0xa0: {  	v1 =	vadd.s32 $0x7A120, v1  }
0xa1: {  	[tilespmem:$0xF90] =	vst v1  }
0xa2: {  	v1 =	vld.idx.msk [tilespmem:v44+s2+$0x0], $0xffff;
	_ =	sdelay $0x4  }
0xa3: {  	v1 =	vadd.s32 $0x7A120, v1  }
0xa4: {  	[tilespmem:$0xFA0] =	vst v1  }
0xa5: {  	v1 =	vld.idx.msk [tilespmem:v45+s2+$0x0], $0xffff;
	_ =	sdelay $0x4  }
0xa6: {  	v1 =	vadd.s32 $0x7A120, v1  }
0xa7: {  	[tilespmem:$0xFB0] =	vst v1  }
0xa8: {  	v1 =	vld.idx.msk [tilespmem:v46+s2+$0x0], $0xffff;
	_ =	sdelay $0x4  }
0xa9: {  	v1 =	vadd.s32 $0x7A120, v1  }
0xaa: {  	[tilespmem:$0xFC0] =	vst v1  }
0xab: {  	v1 =	vld.idx.msk [tilespmem:v47+s2+$0x0], $0xffff;
	_ =	sdelay $0x4  }
0xac: {  	v1 =	vadd.s32 $0x7A120, v1  }
0xad: {  	[tilespmem:$0xFD0] =	vst v1  }
0xae: {  	v1 =	vld.idx.msk [tilespmem:v48+s2+$0x0], $0xffff;
	_ =	sdelay $0x4  }
0xaf: {  	v1 =	vadd.s32 $0x7A120, v1  }
0xb0: {  	[tilespmem:$0xFE0] =	vst v1  }
0xb1: {  	v1 =	vld.idx.msk [tilespmem:v49+s2+$0x0], $0xffff;
	_ =	sdelay $0x4  }
0xb2: {  	v1 =	vadd.s32 $0x7A120, v1  }
0xb3: {  	[tilespmem:$0xFF0] =	vst v1  }
0xb4: {  	v1 =	vld.idx.msk [tilespmem:v50+s2+$0x0], $0xffff;
	_ =	sdelay $0x4  }
0xb5: {  	v1 =	vadd.s32 $0x927C0, v1  }
0xb6: {  	[tilespmem:$0x1000] =	vst v1  }
0xb7: {  	v1 =	vld.idx.msk [tilespmem:v51+s2+$0x0], $0xffff;
	_ =	sdelay $0x4  }
0xb8: {  	v1 =	vadd.s32 $0x927C0, v1  }
0xb9: {  	[tilespmem:$0x1010] =	vst v1  }
0xba: {  	v1 =	vld.idx.msk [tilespmem:v52+s2+$0x0], $0xffff;
	_ =	sdelay $0x4  }
0xbb: {  	v1 =	vadd.s32 $0x927C0, v1  }
0xbc: {  	[tilespmem:$0x1020] =	vst v1  }
0xbd: {  	v1 =	vld.idx.msk [tilespmem:v53+s2+$0x0], $0xffff;
	_ =	sdelay $0x4  }
0xbe: {  	v1 =	vadd.s32 $0x927C0, v1  }
0xbf: {  	[tilespmem:$0x1030] =	vst v1  }
0xc0: {  	v1 =	vld.idx.msk [tilespmem:v54+s2+$0x0], $0xffff;
	_ =	sdelay $0x4  }
0xc1: {  	v1 =	vadd.s32 $0x927C0, v1  }
0xc2: {  	[tilespmem:$0x1040] =	vst v1  }
0xc3: {  	v1 =	vld.idx.msk [tilespmem:v55+s2+$0x0], $0xffff;
	_ =	sdelay $0x4  }
0xc4: {  	v1 =	vadd.s32 $0x927C0, v1  }
0xc5: {  	[tilespmem:$0x1050] =	vst v1  }
0xc6: {  	v1 =	vld.idx.msk [tilespmem:v56+s2+$0x0], $0xffff;
	_ =	sdelay $0x4  }
0xc7: {  	v1 =	vadd.s32 $0x927C0, v1  }
0xc8: {  	[tilespmem:$0x1060] =	vst v1  }
0xc9: {  	v1 =	vld.idx.msk [tilespmem:v57+s2+$0x0], $0xffff;
	_ =	sdelay $0x4  }
0xca: {  	v1 =	vadd.s32 $0x927C0, v1  }
0xcb: {  	[tilespmem:$0x1070] =	vst v1  }
0xcc: {  	v1 =	vld.idx.msk [tilespmem:v58+s2+$0x0], $0xffff;
	_ =	sdelay $0x4  }
0xcd: {  	v1 =	vadd.s32 $0xAAE60, v1  }
0xce: {  	[tilespmem:$0x1080] =	vst v1  }
0xcf: {  	v1 =	vld.idx.msk [tilespmem:v59+s2+$0x0], $0xffff;
	_ =	sdelay $0x4  }
0xd0: {  	v1 =	vadd.s32 $0xAAE60, v1  }
0xd1: {  	[tilespmem:$0x1090] =	vst v1  }
0xd2: {  	v1 =	vld.idx.msk [tilespmem:v60+s2+$0x0], $0xffff;
	_ =	sdelay $0x4  }
0xd3: {  	v1 =	vadd.s32 $0xAAE60, v1  }
0xd4: {  	[tilespmem:$0x10A0] =	vst v1  }
0xd5: {  	v1 =	vld.idx.msk [tilespmem:v61+s2+$0x0], $0xffff;
	_ =	sdelay $0x4  }
0xd6: {  	v1 =	vadd.s32 $0xAAE60, v1  }
0xd7: {  	[tilespmem:$0x10B0] =	vst v1  }
0xd8: {  	v1 =	vld.idx.msk [tilespmem:v62+s2+$0x0], $0xffff;
	_ =	sdelay $0x4  }
0xd9: {  	v1 =	vadd.s32 $0xAAE60, v1  }
0xda: {  	[tilespmem:$0x10C0] =	vst v1  }
0xdb: {  	v1 =	vld.idx.msk [tilespmem:v63+s2+$0x0], $0xffff;
	_ =	sdelay $0x4  }
0xdc: {  	v1 =	vadd.s32 $0xAAE60, v1  }
0xdd: {  	[tilespmem:$0x10D0] =	vst v1  }
0xde: {  	v1 =	vld.idx.msk [tilespmem:v9+s2+$0x0], $0xffff;
	_ =	sdelay $0x4  }
0xdf: {  	v1 =	vadd.s32 $0xAAE60, v1  }
0xe0: {  	[tilespmem:$0x10E0] =	vst v1;
	v1 =	vld [tilespmem:$0x1FFE0];
	_ =	sdelay $0x7  }
0xe1: {  	v1 =	vld.idx.msk [tilespmem:v1+s2+$0x0], $0xffff  }
0xe2: {  	v8 =	vmov v9;
	v9 =	vmov v7;
	v7 =	vmov v6  }
0xe3: {  	v6 =	vmovc v5;
	v5 =	vmovc v4;
	v4 =	vmov v3;
	v3 =	vmov v2;
	v2 =	vadd.s32 $0x8, v0;
	_ =	sdelay $0x2  }
0xe4: {  	v1 =	vadd.s32 $0xAAE60, v1  }
0xe5: {  	[tilespmem:$0x10F0] =	vst v1  }
0xe6: {  	v1 =	vld.idx.msk [tilespmem:v2+s2+$0x0], $0xffff;
	_ =	sdelay $0x1  }
0xe7: {  	v2 =	vadd.s32 $0x1A8, v0;
	_ =	sdelay $0x2  }
0xe8: {  	v1 =	vadd.s32 $0xC3500, v1  }
0xe9: {  	[tilespmem:$0x1100] =	vst v1  }
0xea: {  	v1 =	vld.idx.msk [tilespmem:v2+s2+$0x0], $0xffff;
	_ =	sdelay $0x1  }
0xeb: {  	v2 =	vadd.s32 $0x348, v0;
	_ =	sdelay $0x2  }
0xec: {  	v1 =	vadd.s32 $0xC3500, v1  }
0xed: {  	[tilespmem:$0x1110] =	vst v1  }
0xee: {  	v1 =	vld.idx.msk [tilespmem:v2+s2+$0x0], $0xffff;
	_ =	sdelay $0x1  }
0xef: {  	v2 =	vadd.s32 $0x4E8, v0;
	_ =	sdelay $0x2  }
0xf0: {  	v1 =	vadd.s32 $0xC3500, v1  }
0xf1: {  	[tilespmem:$0x1120] =	vst v1  }
0xf2: {  	v1 =	vld.idx.msk [tilespmem:v2+s2+$0x0], $0xffff;
	_ =	sdelay $0x1  }
0xf3: {  	v2 =	vadd.s32 $0x688, v0;
	_ =	sdelay $0x2  }
0xf4: {  	v1 =	vadd.s32 $0xC3500, v1  }
0xf5: {  	[tilespmem:$0x1130] =	vst v1  }
0xf6: {  	v1 =	vld.idx.msk [tilespmem:v2+s2+$0x0], $0xffff;
	_ =	sdelay $0x1  }
0xf7: {  	v2 =	vadd.s32 $0x828, v0;
	_ =	sdelay $0x2  }
0xf8: {  	v1 =	vadd.s32 $0xC3500, v1  }
0xf9: {  	[tilespmem:$0x1140] =	vst v1  }
0xfa: {  	v1 =	vld.idx.msk [tilespmem:v2+s2+$0x0], $0xffff;
	_ =	sdelay $0x1  }
0xfb: {  	v2 =	vadd.s32 $0x9C8, v0;
	_ =	sdelay $0x2  }
0xfc: {  	v1 =	vadd.s32 $0xC3500, v1  }
0xfd: {  	[tilespmem:$0x1150] =	vst v1  }
0xfe: {  	v1 =	vld.idx.msk [tilespmem:v2+s2+$0x0], $0xffff;
	_ =	sdelay $0x1  }
0xff: {  	v2 =	vadd.s32 $0xB68, v0;
	_ =	sdelay $0x2  }
0x100: {  	v1 =	vadd.s32 $0xC3500, v1  }
0x101: {  	[tilespmem:$0x1160] =	vst v1  }
0x102: {  	v1 =	vld.idx.msk [tilespmem:v2+s2+$0x0], $0xffff;
	_ =	sdelay $0x1  }
0x103: {  	v2 =	vadd.s32 $0x9, v0;
	_ =	sdelay $0x2  }
0x104: {  	v1 =	vadd.s32 $0xC3500, v1  }
0x105: {  	[tilespmem:$0x1170] =	vst v1  }
0x106: {  	v1 =	vld.idx.msk [tilespmem:v2+s2+$0x0], $0xffff;
	_ =	sdelay $0x1  }
0x107: {  	v2 =	vadd.s32 $0x1A9, v0;
	_ =	sdelay $0x2  }
0x108: {  	v1 =	vadd.s32 $0xDBBA0, v1  }
0x109: {  	[tilespmem:$0x1180] =	vst v1  }
0x10a: {  	v1 =	vld.idx.msk [tilespmem:v2+s2+$0x0], $0xffff;
	_ =	sdelay $0x1  }
0x10b: {  	v2 =	vadd.s32 $0x349, v0;
	_ =	sdelay $0x2  }
0x10c: {  	v1 =	vadd.s32 $0xDBBA0, v1  }
0x10d: {  	[tilespmem:$0x1190] =	vst v1  }
0x10e: {  	v1 =	vld.idx.msk [tilespmem:v2+s2+$0x0], $0xffff;
	_ =	sdelay $0x1  }
0x10f: {  	v2 =	vadd.s32 $0x4E9, v0;
	_ =	sdelay $0x2  }
0x110: {  	v1 =	vadd.s32 $0xDBBA0, v1  }
0x111: {  	[tilespmem:$0x11A0] =	vst v1  }
0x112: {  	v1 =	vld.idx.msk [tilespmem:v2+s2+$0x0], $0xffff;
	_ =	sdelay $0x1  }
0x113: {  	v2 =	vadd.s32 $0x689, v0;
	_ =	sdelay $0x2  }
0x114: {  	v1 =	vadd.s32 $0xDBBA0, v1  }
0x115: {  	[tilespmem:$0x11B0] =	vst v1  }
0x116: {  	v1 =	vld.idx.msk [tilespmem:v2+s2+$0x0], $0xffff;
	_ =	sdelay $0x1  }
0x117: {  	v2 =	vadd.s32 $0x829, v0;
	_ =	sdelay $0x2  }
0x118: {  	v1 =	vadd.s32 $0xDBBA0, v1  }
0x119: {  	[tilespmem:$0x11C0] =	vst v1  }
0x11a: {  	v1 =	vld.idx.msk [tilespmem:v2+s2+$0x0], $0xffff;
	_ =	sdelay $0x1  }
0x11b: {  	v2 =	vadd.s32 $0x9C9, v0;
	_ =	sdelay $0x2  }
0x11c: {  	v1 =	vadd.s32 $0xDBBA0, v1  }
0x11d: {  	[tilespmem:$0x11D0] =	vst v1  }
0x11e: {  	v1 =	vld.idx.msk [tilespmem:v2+s2+$0x0], $0xffff;
	_ =	sdelay $0x1  }
0x11f: {  	v2 =	vadd.s32 $0xB69, v0;
	_ =	sdelay $0x2  }
0x120: {  	v1 =	vadd.s32 $0xDBBA0, v1  }
0x121: {  	[tilespmem:$0x11E0] =	vst v1  }
0x122: {  	v1 =	vld.idx.msk [tilespmem:v2+s2+$0x0], $0xffff;
	_ =	sdelay $0x1  }
0x123: {  	v2 =	vadd.s32 $0xA, v0;
	_ =	sdelay $0x2  }
0x124: {  	v1 =	vadd.s32 $0xDBBA0, v1  }
0x125: {  	[tilespmem:$0x11F0] =	vst v1  }
0x126: {  	v1 =	vld.idx.msk [tilespmem:v2+s2+$0x0], $0xffff;
	_ =	sdelay $0x1  }
0x127: {  	v2 =	vadd.s32 $0x1AA, v0;
	_ =	sdelay $0x2  }
0x128: {  	v1 =	vadd.s32 $0xF4240, v1  }
0x129: {  	[tilespmem:$0x1200] =	vst v1  }
0x12a: {  	v1 =	vld.idx.msk [tilespmem:v2+s2+$0x0], $0xffff;
	_ =	sdelay $0x1  }
0x12b: {  	v2 =	vadd.s32 $0x34A, v0;
	_ =	sdelay $0x2  }
0x12c: {  	v1 =	vadd.s32 $0xF4240, v1  }
0x12d: {  	[tilespmem:$0x1210] =	vst v1  }
0x12e: {  	v1 =	vld.idx.msk [tilespmem:v2+s2+$0x0], $0xffff;
	_ =	sdelay $0x1  }
0x12f: {  	v2 =	vadd.s32 $0x4EA, v0;
	_ =	sdelay $0x2  }
0x130: {  	v1 =	vadd.s32 $0xF4240, v1  }
0x131: {  	[tilespmem:$0x1220] =	vst v1  }
0x132: {  	v1 =	vld.idx.msk [tilespmem:v2+s2+$0x0], $0xffff;
	_ =	sdelay $0x1  }
0x133: {  	v2 =	vadd.s32 $0x68A, v0;
	_ =	sdelay $0x2  }
0x134: {  	v1 =	vadd.s32 $0xF4240, v1  }
0x135: {  	[tilespmem:$0x1230] =	vst v1  }
0x136: {  	v1 =	vld.idx.msk [tilespmem:v2+s2+$0x0], $0xffff;
	_ =	sdelay $0x1  }
0x137: {  	v2 =	vadd.s32 $0x82A, v0;
	_ =	sdelay $0x2  }
0x138: {  	v1 =	vadd.s32 $0xF4240, v1  }
0x139: {  	[tilespmem:$0x1240] =	vst v1  }
0x13a: {  	v1 =	vld.idx.msk [tilespmem:v2+s2+$0x0], $0xffff;
	_ =	sdelay $0x1  }
0x13b: {  	v2 =	vadd.s32 $0x9CA, v0;
	_ =	sdelay $0x2  }
0x13c: {  	v1 =	vadd.s32 $0xF4240, v1  }
0x13d: {  	[tilespmem:$0x1250] =	vst v1  }
0x13e: {  	v1 =	vld.idx.msk [tilespmem:v2+s2+$0x0], $0xffff;
	_ =	sdelay $0x1  }
0x13f: {  	v2 =	vadd.s32 $0xB6A, v0;
	_ =	sdelay $0x2  }
0x140: {  	v1 =	vadd.s32 $0xF4240, v1  }
0x141: {  	[tilespmem:$0x1260] =	vst v1  }
0x142: {  	v1 =	vld.idx.msk [tilespmem:v2+s2+$0x0], $0xffff;
	_ =	sdelay $0x1  }
0x143: {  	v2 =	vadd.s32 $0xB, v0;
	_ =	sdelay $0x2  }
0x144: {  	v1 =	vadd.s32 $0xF4240, v1  }
0x145: {  	[tilespmem:$0x1270] =	vst v1  }
0x146: {  	v1 =	vld.idx.msk [tilespmem:v2+s2+$0x0], $0xffff;
	_ =	sdelay $0x1  }
0x147: {  	v2 =	vadd.s32 $0x1AB, v0;
	_ =	sdelay $0x2  }
0x148: {  	v1 =	vadd.s32 $0x10C8E0, v1  }
0x149: {  	[tilespmem:$0x1280] =	vst v1  }
0x14a: {  	v1 =	vld.idx.msk [tilespmem:v2+s2+$0x0], $0xffff;
	_ =	sdelay $0x1  }
0x14b: {  	v2 =	vadd.s32 $0x34B, v0;
	_ =	sdelay $0x2  }
0x14c: {  	v1 =	vadd.s32 $0x10C8E0, v1  }
0x14d: {  	[tilespmem:$0x1290] =	vst v1  }
0x14e: {  	v1 =	vld.idx.msk [tilespmem:v2+s2+$0x0], $0xffff;
	_ =	sdelay $0x1  }
0x14f: {  	v2 =	vadd.s32 $0x4EB, v0;
	_ =	sdelay $0x2  }
0x150: {  	v1 =	vadd.s32 $0x10C8E0, v1  }
0x151: {  	[tilespmem:$0x12A0] =	vst v1  }
0x152: {  	v1 =	vld.idx.msk [tilespmem:v2+s2+$0x0], $0xffff;
	_ =	sdelay $0x1  }
0x153: {  	v2 =	vadd.s32 $0x68B, v0;
	_ =	sdelay $0x2  }
0x154: {  	v1 =	vadd.s32 $0x10C8E0, v1  }
0x155: {  	[tilespmem:$0x12B0] =	vst v1  }
0x156: {  	v1 =	vld.idx.msk [tilespmem:v2+s2+$0x0], $0xffff;
	_ =	sdelay $0x1  }
0x157: {  	v2 =	vadd.s32 $0x82B, v0;
	_ =	sdelay $0x2  }
0x158: {  	v1 =	vadd.s32 $0x10C8E0, v1  }
0x159: {  	[tilespmem:$0x12C0] =	vst v1  }
0x15a: {  	v1 =	vld.idx.msk [tilespmem:v2+s2+$0x0], $0xffff;
	_ =	sdelay $0x1  }
0x15b: {  	v2 =	vadd.s32 $0x9CB, v0;
	_ =	sdelay $0x2  }
0x15c: {  	v1 =	vadd.s32 $0x10C8E0, v1  }
0x15d: {  	[tilespmem:$0x12D0] =	vst v1  }
0x15e: {  	v1 =	vld.idx.msk [tilespmem:v2+s2+$0x0], $0xffff;
	_ =	sdelay $0x1  }
0x15f: {  	v2 =	vadd.s32 $0xB6B, v0;
	_ =	sdelay $0x2  }
0x160: {  	v1 =	vadd.s32 $0x10C8E0, v1  }
0x161: {  	[tilespmem:$0x12E0] =	vst v1  }
0x162: {  	v1 =	vld.idx.msk [tilespmem:v2+s2+$0x0], $0xffff;
	_ =	sdelay $0x1  }
0x163: {  	v2 =	vadd.s32 $0xC, v0;
	_ =	sdelay $0x2  }
0x164: {  	v1 =	vadd.s32 $0x10C8E0, v1  }
0x165: {  	[tilespmem:$0x12F0] =	vst v1  }
0x166: {  	v1 =	vld.idx.msk [tilespmem:v2+s2+$0x0], $0xffff;
	_ =	sdelay $0x1  }
0x167: {  	v2 =	vadd.s32 $0x1AC, v0;
	_ =	sdelay $0x2  }
0x168: {  	v1 =	vadd.s32 $0x124F80, v1  }
0x169: {  	[tilespmem:$0x1300] =	vst v1  }
0x16a: {  	v1 =	vld.idx.msk [tilespmem:v2+s2+$0x0], $0xffff;
	_ =	sdelay $0x1  }
0x16b: {  	v2 =	vadd.s32 $0x34C, v0;
	_ =	sdelay $0x2  }
0x16c: {  	v1 =	vadd.s32 $0x124F80, v1  }
0x16d: {  	[tilespmem:$0x1310] =	vst v1  }
0x16e: {  	v1 =	vld.idx.msk [tilespmem:v2+s2+$0x0], $0xffff;
	_ =	sdelay $0x1  }
0x16f: {  	v2 =	vadd.s32 $0x4EC, v0;
	_ =	sdelay $0x2  }
0x170: {  	v1 =	vadd.s32 $0x124F80, v1  }
0x171: {  	[tilespmem:$0x1320] =	vst v1  }
0x172: {  	v1 =	vld.idx.msk [tilespmem:v2+s2+$0x0], $0xffff;
	_ =	sdelay $0x1  }
0x173: {  	v2 =	vadd.s32 $0x68C, v0;
	_ =	sdelay $0x2  }
0x174: {  	v1 =	vadd.s32 $0x124F80, v1  }
0x175: {  	[tilespmem:$0x1330] =	vst v1  }
0x176: {  	v1 =	vld.idx.msk [tilespmem:v2+s2+$0x0], $0xffff;
	_ =	sdelay $0x1  }
0x177: {  	v2 =	vadd.s32 $0x82C, v0;
	_ =	sdelay $0x2  }
0x178: {  	v1 =	vadd.s32 $0x124F80, v1  }
0x179: {  	[tilespmem:$0x1340] =	vst v1  }
0x17a: {  	v1 =	vld.idx.msk [tilespmem:v2+s2+$0x0], $0xffff;
	_ =	sdelay $0x1  }
0x17b: {  	v2 =	vadd.s32 $0x9CC, v0;
	_ =	sdelay $0x2  }
0x17c: {  	v1 =	vadd.s32 $0x124F80, v1  }
0x17d: {  	[tilespmem:$0x1350] =	vst v1  }
0x17e: {  	v1 =	vld.idx.msk [tilespmem:v2+s2+$0x0], $0xffff;
	_ =	sdelay $0x1  }
0x17f: {  	v2 =	vadd.s32 $0xB6C, v0;
	_ =	sdelay $0x2  }
0x180: {  	v1 =	vadd.s32 $0x124F80, v1  }
0x181: {  	[tilespmem:$0x1360] =	vst v1  }
0x182: {  	v1 =	vld.idx.msk [tilespmem:v2+s2+$0x0], $0xffff;
	_ =	sdelay $0x1  }
0x183: {  	v2 =	vadd.s32 $0xD, v0;
	_ =	sdelay $0x2  }
0x184: {  	v1 =	vadd.s32 $0x124F80, v1  }
0x185: {  	[tilespmem:$0x1370] =	vst v1  }
0x186: {  	v1 =	vld.idx.msk [tilespmem:v2+s2+$0x0], $0xffff;
	_ =	sdelay $0x1  }
0x187: {  	v2 =	vadd.s32 $0x1AD, v0;
	_ =	sdelay $0x2  }
0x188: {  	v1 =	vadd.s32 $0x13D620, v1  }
0x189: {  	[tilespmem:$0x1380] =	vst v1  }
0x18a: {  	v1 =	vld.idx.msk [tilespmem:v2+s2+$0x0], $0xffff;
	_ =	sdelay $0x1  }
0x18b: {  	v2 =	vadd.s32 $0x34D, v0;
	_ =	sdelay $0x2  }
0x18c: {  	v1 =	vadd.s32 $0x13D620, v1  }
0x18d: {  	[tilespmem:$0x1390] =	vst v1  }
0x18e: {  	v1 =	vld.idx.msk [tilespmem:v2+s2+$0x0], $0xffff;
	_ =	sdelay $0x1  }
0x18f: {  	v2 =	vadd.s32 $0x4ED, v0;
	_ =	sdelay $0x2  }
0x190: {  	v1 =	vadd.s32 $0x13D620, v1  }
0x191: {  	[tilespmem:$0x13A0] =	vst v1  }
0x192: {  	v1 =	vld.idx.msk [tilespmem:v2+s2+$0x0], $0xffff;
	_ =	sdelay $0x1  }
0x193: {  	v2 =	vadd.s32 $0x68D, v0;
	_ =	sdelay $0x2  }
0x194: {  	v1 =	vadd.s32 $0x13D620, v1  }
0x195: {  	[tilespmem:$0x13B0] =	vst v1  }
0x196: {  	v1 =	vld.idx.msk [tilespmem:v2+s2+$0x0], $0xffff;
	_ =	sdelay $0x1  }
0x197: {  	v2 =	vadd.s32 $0x82D, v0;
	_ =	sdelay $0x2  }
0x198: {  	v1 =	vadd.s32 $0x13D620, v1  }
0x199: {  	[tilespmem:$0x13C0] =	vst v1  }
0x19a: {  	v1 =	vld.idx.msk [tilespmem:v2+s2+$0x0], $0xffff;
	_ =	sdelay $0x1  }
0x19b: {  	v2 =	vadd.s32 $0x9CD, v0;
	_ =	sdelay $0x2  }
0x19c: {  	v1 =	vadd.s32 $0x13D620, v1  }
0x19d: {  	[tilespmem:$0x13D0] =	vst v1  }
0x19e: {  	v1 =	vld.idx.msk [tilespmem:v2+s2+$0x0], $0xffff;
	_ =	sdelay $0x1  }
0x19f: {  	v2 =	vadd.s32 $0xB6D, v0;
	_ =	sdelay $0x2  }
0x1a0: {  	v1 =	vadd.s32 $0x13D620, v1  }
0x1a1: {  	[tilespmem:$0x13E0] =	vst v1  }
0x1a2: {  	v1 =	vld.idx.msk [tilespmem:v2+s2+$0x0], $0xffff;
	_ =	sdelay $0x1  }
0x1a3: {  	v2 =	vadd.s32 $0xE, v0;
	_ =	sdelay $0x2  }
0x1a4: {  	v1 =	vadd.s32 $0x13D620, v1  }
0x1a5: {  	[tilespmem:$0x13F0] =	vst v1  }
0x1a6: {  	v1 =	vld.idx.msk [tilespmem:v2+s2+$0x0], $0xffff;
	_ =	sdelay $0x1  }
0x1a7: {  	v2 =	vadd.s32 $0x1AE, v0;
	_ =	sdelay $0x2  }
0x1a8: {  	v1 =	vadd.s32 $0x155CC0, v1  }
0x1a9: {  	[tilespmem:$0x1400] =	vst v1  }
0x1aa: {  	v1 =	vld.idx.msk [tilespmem:v2+s2+$0x0], $0xffff;
	_ =	sdelay $0x1  }
0x1ab: {  	v2 =	vadd.s32 $0x34E, v0;
	_ =	sdelay $0x2  }
0x1ac: {  	v1 =	vadd.s32 $0x155CC0, v1  }
0x1ad: {  	[tilespmem:$0x1410] =	vst v1  }
0x1ae: {  	v1 =	vld.idx.msk [tilespmem:v2+s2+$0x0], $0xffff;
	_ =	sdelay $0x1  }
0x1af: {  	v2 =	vadd.s32 $0x4EE, v0;
	_ =	sdelay $0x2  }
0x1b0: {  	v1 =	vadd.s32 $0x155CC0, v1  }
0x1b1: {  	[tilespmem:$0x1420] =	vst v1  }
0x1b2: {  	v1 =	vld.idx.msk [tilespmem:v2+s2+$0x0], $0xffff;
	_ =	sdelay $0x1  }
0x1b3: {  	v2 =	vadd.s32 $0x68E, v0;
	_ =	sdelay $0x2  }
0x1b4: {  	v1 =	vadd.s32 $0x155CC0, v1  }
0x1b5: {  	[tilespmem:$0x1430] =	vst v1  }
0x1b6: {  	v1 =	vld.idx.msk [tilespmem:v2+s2+$0x0], $0xffff;
	_ =	sdelay $0x1  }
0x1b7: {  	v2 =	vadd.s32 $0x82E, v0;
	_ =	sdelay $0x2  }
0x1b8: {  	v1 =	vadd.s32 $0x155CC0, v1  }
0x1b9: {  	[tilespmem:$0x1440] =	vst v1  }
0x1ba: {  	v1 =	vld.idx.msk [tilespmem:v2+s2+$0x0], $0xffff;
	_ =	sdelay $0x1  }
0x1bb: {  	v2 =	vadd.s32 $0x9CE, v0;
	_ =	sdelay $0x2  }
0x1bc: {  	v1 =	vadd.s32 $0x155CC0, v1  }
0x1bd: {  	[tilespmem:$0x1450] =	vst v1  }
0x1be: {  	v1 =	vld.idx.msk [tilespmem:v2+s2+$0x0], $0xffff;
	_ =	sdelay $0x1  }
0x1bf: {  	v2 =	vadd.s32 $0xB6E, v0;
	_ =	sdelay $0x2  }
0x1c0: {  	v1 =	vadd.s32 $0x155CC0, v1  }
0x1c1: {  	[tilespmem:$0x1460] =	vst v1  }
0x1c2: {  	v1 =	vld.idx.msk [tilespmem:v2+s2+$0x0], $0xffff;
	_ =	sdelay $0x1  }
0x1c3: {  	v2 =	vadd.s32 $0xF, v0;
	_ =	sdelay $0x2  }
0x1c4: {  	v1 =	vadd.s32 $0x155CC0, v1  }
0x1c5: {  	[tilespmem:$0x1470] =	vst v1  }
0x1c6: {  	v1 =	vld.idx.msk [tilespmem:v2+s2+$0x0], $0xffff;
	_ =	sdelay $0x1  }
0x1c7: {  	v2 =	vadd.s32 $0x1AF, v0;
	_ =	sdelay $0x2  }
0x1c8: {  	v1 =	vadd.s32 $0x16E360, v1  }
0x1c9: {  	[tilespmem:$0x1480] =	vst v1  }
0x1ca: {  	v1 =	vld.idx.msk [tilespmem:v2+s2+$0x0], $0xffff;
	_ =	sdelay $0x1  }
0x1cb: {  	v2 =	vadd.s32 $0x34F, v0;
	_ =	sdelay $0x2  }
0x1cc: {  	v1 =	vadd.s32 $0x16E360, v1  }
0x1cd: {  	[tilespmem:$0x1490] =	vst v1  }
0x1ce: {  	v1 =	vld.idx.msk [tilespmem:v2+s2+$0x0], $0xffff;
	_ =	sdelay $0x1  }
0x1cf: {  	v2 =	vadd.s32 $0x4EF, v0;
	_ =	sdelay $0x2  }
0x1d0: {  	v1 =	vadd.s32 $0x16E360, v1  }
0x1d1: {  	[tilespmem:$0x14A0] =	vst v1  }
0x1d2: {  	v1 =	vld.idx.msk [tilespmem:v2+s2+$0x0], $0xffff;
	_ =	sdelay $0x1  }
0x1d3: {  	v2 =	vadd.s32 $0x68F, v0;
	_ =	sdelay $0x2  }
0x1d4: {  	v1 =	vadd.s32 $0x16E360, v1  }
0x1d5: {  	[tilespmem:$0x14B0] =	vst v1  }
0x1d6: {  	v1 =	vld.idx.msk [tilespmem:v2+s2+$0x0], $0xffff;
	_ =	sdelay $0x1  }
0x1d7: {  	v2 =	vadd.s32 $0x82F, v0;
	_ =	sdelay $0x2  }
0x1d8: {  	v1 =	vadd.s32 $0x16E360, v1  }
0x1d9: {  	[tilespmem:$0x14C0] =	vst v1  }
0x1da: {  	v1 =	vld.idx.msk [tilespmem:v2+s2+$0x0], $0xffff;
	_ =	sdelay $0x1  }
0x1db: {  	v2 =	vadd.s32 $0x9CF, v0;
	_ =	sdelay $0x2  }
0x1dc: {  	v1 =	vadd.s32 $0x16E360, v1  }
0x1dd: {  	[tilespmem:$0x14D0] =	vst v1  }
0x1de: {  	v1 =	vld.idx.msk [tilespmem:v2+s2+$0x0], $0xffff;
	_ =	sdelay $0x1  }
0x1df: {  	v2 =	vadd.s32 $0xB6F, v0;
	_ =	sdelay $0x2  }
0x1e0: {  	v1 =	vadd.s32 $0x16E360, v1  }
0x1e1: {  	[tilespmem:$0x14E0] =	vst v1  }
0x1e2: {  	v1 =	vld.idx.msk [tilespmem:v2+s2+$0x0], $0xffff;
	_ =	sdelay $0x1  }
0x1e3: {  	v2 =	vadd.s32 $0x10, v0;
	_ =	sdelay $0x2  }
0x1e4: {  	v1 =	vadd.s32 $0x16E360, v1  }
0x1e5: {  	[tilespmem:$0x14F0] =	vst v1  }
0x1e6: {  	v1 =	vld.idx.msk [tilespmem:v2+s2+$0x0], $0xffff;
	_ =	sdelay $0x1  }
0x1e7: {  	v2 =	vadd.s32 $0x1B0, v0;
	_ =	sdelay $0x2  }
0x1e8: {  	v1 =	vadd.s32 $0x186A00, v1  }
0x1e9: {  	[tilespmem:$0x1500] =	vst v1  }
0x1ea: {  	v1 =	vld.idx.msk [tilespmem:v2+s2+$0x0], $0xffff;
	_ =	sdelay $0x1  }
0x1eb: {  	v2 =	vadd.s32 $0x350, v0;
	_ =	sdelay $0x2  }
0x1ec: {  	v1 =	vadd.s32 $0x186A00, v1  }
0x1ed: {  	[tilespmem:$0x1510] =	vst v1  }
0x1ee: {  	v1 =	vld.idx.msk [tilespmem:v2+s2+$0x0], $0xffff;
	_ =	sdelay $0x1  }
0x1ef: {  	v2 =	vadd.s32 $0x4F0, v0;
	_ =	sdelay $0x2  }
0x1f0: {  	v1 =	vadd.s32 $0x186A00, v1  }
0x1f1: {  	[tilespmem:$0x1520] =	vst v1  }
0x1f2: {  	v1 =	vld.idx.msk [tilespmem:v2+s2+$0x0], $0xffff;
	_ =	sdelay $0x1  }
0x1f3: {  	v2 =	vadd.s32 $0x690, v0;
	_ =	sdelay $0x2  }
0x1f4: {  	v1 =	vadd.s32 $0x186A00, v1  }
0x1f5: {  	[tilespmem:$0x1530] =	vst v1  }
0x1f6: {  	v1 =	vld.idx.msk [tilespmem:v2+s2+$0x0], $0xffff;
	_ =	sdelay $0x1  }
0x1f7: {  	v2 =	vadd.s32 $0x830, v0;
	_ =	sdelay $0x2  }
0x1f8: {  	v1 =	vadd.s32 $0x186A00, v1  }
0x1f9: {  	[tilespmem:$0x1540] =	vst v1  }
0x1fa: {  	v1 =	vld.idx.msk [tilespmem:v2+s2+$0x0], $0xffff;
	_ =	sdelay $0x1  }
0x1fb: {  	v2 =	vadd.s32 $0x9D0, v0;
	_ =	sdelay $0x2  }
0x1fc: {  	v1 =	vadd.s32 $0x186A00, v1  }
0x1fd: {  	[tilespmem:$0x1550] =	vst v1  }
0x1fe: {  	v1 =	vld.idx.msk [tilespmem:v2+s2+$0x0], $0xffff;
	_ =	sdelay $0x1  }
0x1ff: {  	v2 =	vadd.s32 $0xB70, v0;
	_ =	sdelay $0x2  }
0x200: {  	v1 =	vadd.s32 $0x186A00, v1  }
0x201: {  	[tilespmem:$0x1560] =	vst v1  }
0x202: {  	v1 =	vld.idx.msk [tilespmem:v2+s2+$0x0], $0xffff;
	_ =	sdelay $0x1  }
0x203: {  	v2 =	vadd.s32 $0x11, v0;
	_ =	sdelay $0x2  }
0x204: {  	v1 =	vadd.s32 $0x186A00, v1  }
0x205: {  	[tilespmem:$0x1570] =	vst v1  }
0x206: {  	v1 =	vld.idx.msk [tilespmem:v2+s2+$0x0], $0xffff;
	_ =	sdelay $0x1  }
0x207: {  	v2 =	vadd.s32 $0x1B1, v0;
	_ =	sdelay $0x2  }
0x208: {  	v1 =	vadd.s32 $0x19F0A0, v1  }
0x209: {  	[tilespmem:$0x1580] =	vst v1  }
0x20a: {  	v1 =	vld.idx.msk [tilespmem:v2+s2+$0x0], $0xffff;
	_ =	sdelay $0x1  }
0x20b: {  	v2 =	vadd.s32 $0x351, v0;
	_ =	sdelay $0x2  }
0x20c: {  	v1 =	vadd.s32 $0x19F0A0, v1  }
0x20d: {  	[tilespmem:$0x1590] =	vst v1  }
0x20e: {  	v1 =	vld.idx.msk [tilespmem:v2+s2+$0x0], $0xffff;
	_ =	sdelay $0x1  }
0x20f: {  	v2 =	vadd.s32 $0x4F1, v0;
	_ =	sdelay $0x2  }
0x210: {  	v1 =	vadd.s32 $0x19F0A0, v1  }
0x211: {  	[tilespmem:$0x15A0] =	vst v1  }
0x212: {  	v1 =	vld.idx.msk [tilespmem:v2+s2+$0x0], $0xffff;
	_ =	sdelay $0x1  }
0x213: {  	v2 =	vadd.s32 $0x691, v0;
	_ =	sdelay $0x2  }
0x214: {  	v1 =	vadd.s32 $0x19F0A0, v1  }
0x215: {  	[tilespmem:$0x15B0] =	vst v1  }
0x216: {  	v1 =	vld.idx.msk [tilespmem:v2+s2+$0x0], $0xffff;
	_ =	sdelay $0x1  }
0x217: {  	v2 =	vadd.s32 $0x831, v0;
	_ =	sdelay $0x2  }
0x218: {  	v1 =	vadd.s32 $0x19F0A0, v1  }
0x219: {  	[tilespmem:$0x15C0] =	vst v1  }
0x21a: {  	v1 =	vld.idx.msk [tilespmem:v2+s2+$0x0], $0xffff;
	_ =	sdelay $0x1  }
0x21b: {  	v2 =	vadd.s32 $0x9D1, v0;
	_ =	sdelay $0x2  }
0x21c: {  	v1 =	vadd.s32 $0x19F0A0, v1  }
0x21d: {  	[tilespmem:$0x15D0] =	vst v1  }
0x21e: {  	v1 =	vld.idx.msk [tilespmem:v2+s2+$0x0], $0xffff;
	_ =	sdelay $0x1  }
0x21f: {  	v2 =	vadd.s32 $0xB71, v0;
	_ =	sdelay $0x2  }
0x220: {  	v1 =	vadd.s32 $0x19F0A0, v1  }
0x221: {  	[tilespmem:$0x15E0] =	vst v1  }
0x222: {  	v1 =	vld.idx.msk [tilespmem:v2+s2+$0x0], $0xffff;
	_ =	sdelay $0x1  }
0x223: {  	v2 =	vadd.s32 $0x12, v0;
	_ =	sdelay $0x2  }
0x224: {  	v1 =	vadd.s32 $0x19F0A0, v1  }
0x225: {  	[tilespmem:$0x15F0] =	vst v1  }
0x226: {  	v1 =	vld.idx.msk [tilespmem:v2+s2+$0x0], $0xffff;
	_ =	sdelay $0x1  }
0x227: {  	v2 =	vadd.s32 $0x1B2, v0;
	_ =	sdelay $0x2  }
0x228: {  	v1 =	vadd.s32 $0x1B7740, v1  }
0x229: {  	[tilespmem:$0x1600] =	vst v1  }
0x22a: {  	v1 =	vld.idx.msk [tilespmem:v2+s2+$0x0], $0xffff;
	_ =	sdelay $0x1  }
0x22b: {  	v2 =	vadd.s32 $0x352, v0;
	_ =	sdelay $0x2  }
0x22c: {  	v1 =	vadd.s32 $0x1B7740, v1  }
0x22d: {  	[tilespmem:$0x1610] =	vst v1  }
0x22e: {  	v1 =	vld.idx.msk [tilespmem:v2+s2+$0x0], $0xffff;
	_ =	sdelay $0x1  }
0x22f: {  	v2 =	vadd.s32 $0x4F2, v0;
	_ =	sdelay $0x2  }
0x230: {  	v1 =	vadd.s32 $0x1B7740, v1  }
0x231: {  	[tilespmem:$0x1620] =	vst v1  }
0x232: {  	v1 =	vld.idx.msk [tilespmem:v2+s2+$0x0], $0xffff;
	_ =	sdelay $0x1  }
0x233: {  	v2 =	vadd.s32 $0x692, v0;
	_ =	sdelay $0x2  }
0x234: {  	v1 =	vadd.s32 $0x1B7740, v1  }
0x235: {  	[tilespmem:$0x1630] =	vst v1  }
0x236: {  	v1 =	vld.idx.msk [tilespmem:v2+s2+$0x0], $0xffff;
	_ =	sdelay $0x1  }
0x237: {  	v2 =	vadd.s32 $0x832, v0;
	_ =	sdelay $0x2  }
0x238: {  	v1 =	vadd.s32 $0x1B7740, v1  }
0x239: {  	[tilespmem:$0x1640] =	vst v1  }
0x23a: {  	v1 =	vld.idx.msk [tilespmem:v2+s2+$0x0], $0xffff;
	_ =	sdelay $0x1  }
0x23b: {  	v2 =	vadd.s32 $0x9D2, v0;
	_ =	sdelay $0x2  }
0x23c: {  	v1 =	vadd.s32 $0x1B7740, v1  }
0x23d: {  	[tilespmem:$0x1650] =	vst v1  }
0x23e: {  	v1 =	vld.idx.msk [tilespmem:v2+s2+$0x0], $0xffff;
	_ =	sdelay $0x1  }
0x23f: {  	v2 =	vadd.s32 $0xB72, v0;
	_ =	sdelay $0x2  }
0x240: {  	v1 =	vadd.s32 $0x1B7740, v1  }
0x241: {  	[tilespmem:$0x1660] =	vst v1  }
0x242: {  	v1 =	vld.idx.msk [tilespmem:v2+s2+$0x0], $0xffff;
	_ =	sdelay $0x1  }
0x243: {  	v2 =	vadd.s32 $0x13, v0;
	_ =	sdelay $0x2  }
0x244: {  	v1 =	vadd.s32 $0x1B7740, v1  }
0x245: {  	[tilespmem:$0x1670] =	vst v1  }
0x246: {  	v1 =	vld.idx.msk [tilespmem:v2+s2+$0x0], $0xffff;
	_ =	sdelay $0x1  }
0x247: {  	v2 =	vadd.s32 $0x1B3, v0;
	_ =	sdelay $0x2  }
0x248: {  	v1 =	vadd.s32 $0x1CFDE0, v1  }
0x249: {  	[tilespmem:$0x1680] =	vst v1  }
0x24a: {  	v1 =	vld.idx.msk [tilespmem:v2+s2+$0x0], $0xffff;
	_ =	sdelay $0x1  }
0x24b: {  	v2 =	vadd.s32 $0x353, v0;
	_ =	sdelay $0x2  }
0x24c: {  	v1 =	vadd.s32 $0x1CFDE0, v1  }
0x24d: {  	[tilespmem:$0x1690] =	vst v1  }
0x24e: {  	v1 =	vld.idx.msk [tilespmem:v2+s2+$0x0], $0xffff;
	_ =	sdelay $0x1  }
0x24f: {  	v2 =	vadd.s32 $0x4F3, v0;
	_ =	sdelay $0x2  }
0x250: {  	v1 =	vadd.s32 $0x1CFDE0, v1  }
0x251: {  	[tilespmem:$0x16A0] =	vst v1  }
0x252: {  	v1 =	vld.idx.msk [tilespmem:v2+s2+$0x0], $0xffff;
	_ =	sdelay $0x1  }
0x253: {  	v2 =	vadd.s32 $0x693, v0;
	_ =	sdelay $0x2  }
0x254: {  	v1 =	vadd.s32 $0x1CFDE0, v1  }
0x255: {  	[tilespmem:$0x16B0] =	vst v1  }
0x256: {  	v1 =	vld.idx.msk [tilespmem:v2+s2+$0x0], $0xffff;
	_ =	sdelay $0x1  }
0x257: {  	v2 =	vadd.s32 $0x833, v0;
	_ =	sdelay $0x2  }
0x258: {  	v1 =	vadd.s32 $0x1CFDE0, v1  }
0x259: {  	[tilespmem:$0x16C0] =	vst v1  }
0x25a: {  	v1 =	vld.idx.msk [tilespmem:v2+s2+$0x0], $0xffff;
	_ =	sdelay $0x1  }
0x25b: {  	v2 =	vadd.s32 $0x9D3, v0;
	_ =	sdelay $0x2  }
0x25c: {  	v1 =	vadd.s32 $0x1CFDE0, v1  }
0x25d: {  	[tilespmem:$0x16D0] =	vst v1  }
0x25e: {  	v1 =	vld.idx.msk [tilespmem:v2+s2+$0x0], $0xffff;
	_ =	sdelay $0x1  }
0x25f: {  	v2 =	vadd.s32 $0xB73, v0;
	_ =	sdelay $0x2  }
0x260: {  	v1 =	vadd.s32 $0x1CFDE0, v1  }
0x261: {  	[tilespmem:$0x16E0] =	vst v1  }
0x262: {  	v1 =	vld.idx.msk [tilespmem:v2+s2+$0x0], $0xffff;
	_ =	sdelay $0x1  }
0x263: {  	v2 =	vadd.s32 $0x14, v0;
	_ =	sdelay $0x2  }
0x264: {  	v1 =	vadd.s32 $0x1CFDE0, v1  }
0x265: {  	[tilespmem:$0x16F0] =	vst v1  }
0x266: {  	v1 =	vld.idx.msk [tilespmem:v2+s2+$0x0], $0xffff;
	_ =	sdelay $0x1  }
0x267: {  	v2 =	vadd.s32 $0x1B4, v0;
	_ =	sdelay $0x2  }
0x268: {  	v1 =	vadd.s32 $0x1E8480, v1  }
0x269: {  	[tilespmem:$0x1700] =	vst v1  }
0x26a: {  	v1 =	vld.idx.msk [tilespmem:v2+s2+$0x0], $0xffff;
	_ =	sdelay $0x1  }
0x26b: {  	v2 =	vadd.s32 $0x354, v0;
	_ =	sdelay $0x2  }
0x26c: {  	v1 =	vadd.s32 $0x1E8480, v1  }
0x26d: {  	[tilespmem:$0x1710] =	vst v1  }
0x26e: {  	v1 =	vld.idx.msk [tilespmem:v2+s2+$0x0], $0xffff;
	_ =	sdelay $0x1  }
0x26f: {  	v2 =	vadd.s32 $0x4F4, v0;
	_ =	sdelay $0x2  }
0x270: {  	v1 =	vadd.s32 $0x1E8480, v1  }
0x271: {  	[tilespmem:$0x1720] =	vst v1  }
0x272: {  	v1 =	vld.idx.msk [tilespmem:v2+s2+$0x0], $0xffff;
	_ =	sdelay $0x1  }
0x273: {  	v2 =	vadd.s32 $0x694, v0;
	_ =	sdelay $0x2  }
0x274: {  	v1 =	vadd.s32 $0x1E8480, v1  }
0x275: {  	[tilespmem:$0x1730] =	vst v1  }
0x276: {  	v1 =	vld.idx.msk [tilespmem:v2+s2+$0x0], $0xffff;
	_ =	sdelay $0x1  }
0x277: {  	v2 =	vadd.s32 $0x834, v0;
	_ =	sdelay $0x2  }
0x278: {  	v1 =	vadd.s32 $0x1E8480, v1  }
0x279: {  	[tilespmem:$0x1740] =	vst v1  }
0x27a: {  	v1 =	vld.idx.msk [tilespmem:v2+s2+$0x0], $0xffff;
	_ =	sdelay $0x1  }
0x27b: {  	v2 =	vadd.s32 $0x9D4, v0;
	_ =	sdelay $0x2  }
0x27c: {  	v1 =	vadd.s32 $0x1E8480, v1  }
0x27d: {  	[tilespmem:$0x1750] =	vst v1  }
0x27e: {  	v1 =	vld.idx.msk [tilespmem:v2+s2+$0x0], $0xffff;
	_ =	sdelay $0x1  }
0x27f: {  	v2 =	vadd.s32 $0xB74, v0;
	_ =	sdelay $0x2  }
0x280: {  	v1 =	vadd.s32 $0x1E8480, v1  }
0x281: {  	[tilespmem:$0x1760] =	vst v1  }
0x282: {  	v1 =	vld.idx.msk [tilespmem:v2+s2+$0x0], $0xffff;
	_ =	sdelay $0x1  }
0x283: {  	v2 =	vadd.s32 $0x15, v0;
	_ =	sdelay $0x2  }
0x284: {  	v1 =	vadd.s32 $0x1E8480, v1  }
0x285: {  	[tilespmem:$0x1770] =	vst v1  }
0x286: {  	v1 =	vld.idx.msk [tilespmem:v2+s2+$0x0], $0xffff;
	_ =	sdelay $0x1  }
0x287: {  	v2 =	vadd.s32 $0x1B5, v0;
	_ =	sdelay $0x2  }
0x288: {  	v1 =	vadd.s32 $0x200B20, v1  }
0x289: {  	[tilespmem:$0x1780] =	vst v1  }
0x28a: {  	v1 =	vld.idx.msk [tilespmem:v2+s2+$0x0], $0xffff;
	_ =	sdelay $0x1  }
0x28b: {  	v2 =	vadd.s32 $0x355, v0;
	_ =	sdelay $0x2  }
0x28c: {  	v1 =	vadd.s32 $0x200B20, v1  }
0x28d: {  	[tilespmem:$0x1790] =	vst v1  }
0x28e: {  	v1 =	vld.idx.msk [tilespmem:v2+s2+$0x0], $0xffff;
	_ =	sdelay $0x1  }
0x28f: {  	v2 =	vadd.s32 $0x4F5, v0;
	_ =	sdelay $0x2  }
0x290: {  	v1 =	vadd.s32 $0x200B20, v1  }
0x291: {  	[tilespmem:$0x17A0] =	vst v1  }
0x292: {  	v1 =	vld.idx.msk [tilespmem:v2+s2+$0x0], $0xffff;
	_ =	sdelay $0x1  }
0x293: {  	v2 =	vadd.s32 $0x695, v0;
	_ =	sdelay $0x2  }
0x294: {  	v1 =	vadd.s32 $0x200B20, v1  }
0x295: {  	[tilespmem:$0x17B0] =	vst v1  }
0x296: {  	v1 =	vld.idx.msk [tilespmem:v2+s2+$0x0], $0xffff;
	_ =	sdelay $0x1  }
0x297: {  	v2 =	vadd.s32 $0x835, v0;
	_ =	sdelay $0x2  }
0x298: {  	v1 =	vadd.s32 $0x200B20, v1  }
0x299: {  	[tilespmem:$0x17C0] =	vst v1  }
0x29a: {  	v1 =	vld.idx.msk [tilespmem:v2+s2+$0x0], $0xffff;
	_ =	sdelay $0x1  }
0x29b: {  	v2 =	vadd.s32 $0x9D5, v0;
	_ =	sdelay $0x2  }
0x29c: {  	v1 =	vadd.s32 $0x200B20, v1  }
0x29d: {  	[tilespmem:$0x17D0] =	vst v1  }
0x29e: {  	v1 =	vld.idx.msk [tilespmem:v2+s2+$0x0], $0xffff;
	_ =	sdelay $0x1  }
0x29f: {  	v2 =	vadd.s32 $0xB75, v0;
	_ =	sdelay $0x2  }
0x2a0: {  	v1 =	vadd.s32 $0x200B20, v1  }
0x2a1: {  	[tilespmem:$0x17E0] =	vst v1  }
0x2a2: {  	v1 =	vld.idx.msk [tilespmem:v2+s2+$0x0], $0xffff;
	_ =	sdelay $0x1  }
0x2a3: {  	v2 =	vadd.s32 $0x16, v0;
	_ =	sdelay $0x2  }
0x2a4: {  	v1 =	vadd.s32 $0x200B20, v1  }
0x2a5: {  	[tilespmem:$0x17F0] =	vst v1  }
0x2a6: {  	v1 =	vld.idx.msk [tilespmem:v2+s2+$0x0], $0xffff;
	_ =	sdelay $0x1  }
0x2a7: {  	v2 =	vadd.s32 $0x1B6, v0;
	_ =	sdelay $0x2  }
0x2a8: {  	v1 =	vadd.s32 $0x2191C0, v1  }
0x2a9: {  	[tilespmem:$0x1800] =	vst v1  }
0x2aa: {  	v1 =	vld.idx.msk [tilespmem:v2+s2+$0x0], $0xffff;
	_ =	sdelay $0x1  }
0x2ab: {  	v2 =	vadd.s32 $0x356, v0;
	_ =	sdelay $0x2  }
0x2ac: {  	v1 =	vadd.s32 $0x2191C0, v1  }
0x2ad: {  	[tilespmem:$0x1810] =	vst v1  }
0x2ae: {  	v1 =	vld.idx.msk [tilespmem:v2+s2+$0x0], $0xffff;
	_ =	sdelay $0x1  }
0x2af: {  	v2 =	vadd.s32 $0x4F6, v0;
	_ =	sdelay $0x2  }
0x2b0: {  	v1 =	vadd.s32 $0x2191C0, v1  }
0x2b1: {  	[tilespmem:$0x1820] =	vst v1  }
0x2b2: {  	v1 =	vld.idx.msk [tilespmem:v2+s2+$0x0], $0xffff;
	_ =	sdelay $0x1  }
0x2b3: {  	v2 =	vadd.s32 $0x696, v0;
	_ =	sdelay $0x2  }
0x2b4: {  	v1 =	vadd.s32 $0x2191C0, v1  }
0x2b5: {  	[tilespmem:$0x1830] =	vst v1  }
0x2b6: {  	v1 =	vld.idx.msk [tilespmem:v2+s2+$0x0], $0xffff;
	_ =	sdelay $0x1  }
0x2b7: {  	v2 =	vadd.s32 $0x836, v0;
	_ =	sdelay $0x2  }
0x2b8: {  	v1 =	vadd.s32 $0x2191C0, v1  }
0x2b9: {  	[tilespmem:$0x1840] =	vst v1  }
0x2ba: {  	v1 =	vld.idx.msk [tilespmem:v2+s2+$0x0], $0xffff;
	_ =	sdelay $0x1  }
0x2bb: {  	v2 =	vadd.s32 $0x9D6, v0;
	_ =	sdelay $0x2  }
0x2bc: {  	v1 =	vadd.s32 $0x2191C0, v1  }
0x2bd: {  	[tilespmem:$0x1850] =	vst v1  }
0x2be: {  	v1 =	vld.idx.msk [tilespmem:v2+s2+$0x0], $0xffff;
	_ =	sdelay $0x1  }
0x2bf: {  	v2 =	vadd.s32 $0xB76, v0;
	_ =	sdelay $0x2  }
0x2c0: {  	v1 =	vadd.s32 $0x2191C0, v1  }
0x2c1: {  	[tilespmem:$0x1860] =	vst v1  }
0x2c2: {  	v1 =	vld.idx.msk [tilespmem:v2+s2+$0x0], $0xffff;
	_ =	sdelay $0x1  }
0x2c3: {  	v2 =	vadd.s32 $0x17, v0;
	_ =	sdelay $0x2  }
0x2c4: {  	v1 =	vadd.s32 $0x2191C0, v1  }
0x2c5: {  	[tilespmem:$0x1870] =	vst v1  }
0x2c6: {  	v1 =	vld.idx.msk [tilespmem:v2+s2+$0x0], $0xffff;
	_ =	sdelay $0x1  }
0x2c7: {  	v2 =	vadd.s32 $0x1B7, v0;
	_ =	sdelay $0x2  }
0x2c8: {  	v1 =	vadd.s32 $0x231860, v1  }
0x2c9: {  	[tilespmem:$0x1880] =	vst v1  }
0x2ca: {  	v1 =	vld.idx.msk [tilespmem:v2+s2+$0x0], $0xffff;
	_ =	sdelay $0x1  }
0x2cb: {  	v2 =	vadd.s32 $0x357, v0;
	_ =	sdelay $0x2  }
0x2cc: {  	v1 =	vadd.s32 $0x231860, v1  }
0x2cd: {  	[tilespmem:$0x1890] =	vst v1  }
0x2ce: {  	v1 =	vld.idx.msk [tilespmem:v2+s2+$0x0], $0xffff;
	_ =	sdelay $0x1  }
0x2cf: {  	v2 =	vadd.s32 $0x4F7, v0;
	_ =	sdelay $0x2  }
0x2d0: {  	v1 =	vadd.s32 $0x231860, v1  }
0x2d1: {  	[tilespmem:$0x18A0] =	vst v1  }
0x2d2: {  	v1 =	vld.idx.msk [tilespmem:v2+s2+$0x0], $0xffff;
	_ =	sdelay $0x1  }
0x2d3: {  	v2 =	vadd.s32 $0x697, v0;
	_ =	sdelay $0x2  }
0x2d4: {  	v1 =	vadd.s32 $0x231860, v1  }
0x2d5: {  	[tilespmem:$0x18B0] =	vst v1  }
0x2d6: {  	v1 =	vld.idx.msk [tilespmem:v2+s2+$0x0], $0xffff;
	_ =	sdelay $0x1  }
0x2d7: {  	v2 =	vadd.s32 $0x837, v0;
	_ =	sdelay $0x2  }
0x2d8: {  	v1 =	vadd.s32 $0x231860, v1  }
0x2d9: {  	[tilespmem:$0x18C0] =	vst v1  }
0x2da: {  	v1 =	vld.idx.msk [tilespmem:v2+s2+$0x0], $0xffff;
	_ =	sdelay $0x1  }
0x2db: {  	v2 =	vadd.s32 $0x9D7, v0;
	_ =	sdelay $0x2  }
0x2dc: {  	v1 =	vadd.s32 $0x231860, v1  }
0x2dd: {  	[tilespmem:$0x18D0] =	vst v1  }
0x2de: {  	v1 =	vld.idx.msk [tilespmem:v2+s2+$0x0], $0xffff;
	_ =	sdelay $0x1  }
0x2df: {  	v2 =	vadd.s32 $0xB77, v0;
	_ =	sdelay $0x2  }
0x2e0: {  	v1 =	vadd.s32 $0x231860, v1  }
0x2e1: {  	[tilespmem:$0x18E0] =	vst v1  }
0x2e2: {  	v1 =	vld.idx.msk [tilespmem:v2+s2+$0x0], $0xffff;
	_ =	sdelay $0x1  }
0x2e3: {  	v2 =	vadd.s32 $0x18, v0;
	_ =	sdelay $0x2  }
0x2e4: {  	v1 =	vadd.s32 $0x231860, v1  }
0x2e5: {  	[tilespmem:$0x18F0] =	vst v1  }
0x2e6: {  	v1 =	vld.idx.msk [tilespmem:v2+s2+$0x0], $0xffff;
	_ =	sdelay $0x1  }
0x2e7: {  	v2 =	vadd.s32 $0x1B8, v0;
	_ =	sdelay $0x2  }
0x2e8: {  	v1 =	vadd.s32 $0x249F00, v1  }
0x2e9: {  	[tilespmem:$0x1900] =	vst v1  }
0x2ea: {  	v1 =	vld.idx.msk [tilespmem:v2+s2+$0x0], $0xffff;
	_ =	sdelay $0x1  }
0x2eb: {  	v2 =	vadd.s32 $0x358, v0;
	_ =	sdelay $0x2  }
0x2ec: {  	v1 =	vadd.s32 $0x249F00, v1  }
0x2ed: {  	[tilespmem:$0x1910] =	vst v1  }
0x2ee: {  	v1 =	vld.idx.msk [tilespmem:v2+s2+$0x0], $0xffff;
	_ =	sdelay $0x1  }
0x2ef: {  	v2 =	vadd.s32 $0x4F8, v0;
	_ =	sdelay $0x2  }
0x2f0: {  	v1 =	vadd.s32 $0x249F00, v1  }
0x2f1: {  	[tilespmem:$0x1920] =	vst v1  }
0x2f2: {  	v1 =	vld.idx.msk [tilespmem:v2+s2+$0x0], $0xffff;
	_ =	sdelay $0x1  }
0x2f3: {  	v2 =	vadd.s32 $0x698, v0;
	_ =	sdelay $0x2  }
0x2f4: {  	v1 =	vadd.s32 $0x249F00, v1  }
0x2f5: {  	[tilespmem:$0x1930] =	vst v1  }
0x2f6: {  	v1 =	vld.idx.msk [tilespmem:v2+s2+$0x0], $0xffff;
	_ =	sdelay $0x1  }
0x2f7: {  	v2 =	vadd.s32 $0x838, v0;
	_ =	sdelay $0x2  }
0x2f8: {  	v1 =	vadd.s32 $0x249F00, v1  }
0x2f9: {  	[tilespmem:$0x1940] =	vst v1  }
0x2fa: {  	v1 =	vld.idx.msk [tilespmem:v2+s2+$0x0], $0xffff;
	_ =	sdelay $0x1  }
0x2fb: {  	v2 =	vadd.s32 $0x9D8, v0;
	_ =	sdelay $0x2  }
0x2fc: {  	v1 =	vadd.s32 $0x249F00, v1  }
0x2fd: {  	[tilespmem:$0x1950] =	vst v1  }
0x2fe: {  	v1 =	vld.idx.msk [tilespmem:v2+s2+$0x0], $0xffff;
	_ =	sdelay $0x1  }
0x2ff: {  	v2 =	vadd.s32 $0xB78, v0;
	_ =	sdelay $0x2  }
0x300: {  	v1 =	vadd.s32 $0x249F00, v1  }
0x301: {  	[tilespmem:$0x1960] =	vst v1  }
0x302: {  	v1 =	vld.idx.msk [tilespmem:v2+s2+$0x0], $0xffff;
	_ =	sdelay $0x1  }
0x303: {  	v2 =	vadd.s32 $0x19, v0;
	_ =	sdelay $0x2  }
0x304: {  	v1 =	vadd.s32 $0x249F00, v1  }
0x305: {  	[tilespmem:$0x1970] =	vst v1  }
0x306: {  	v1 =	vld.idx.msk [tilespmem:v2+s2+$0x0], $0xffff;
	_ =	sdelay $0x1  }
0x307: {  	v2 =	vadd.s32 $0x1B9, v0;
	_ =	sdelay $0x2  }
0x308: {  	v1 =	vadd.s32 $0x2625A0, v1  }
0x309: {  	[tilespmem:$0x1980] =	vst v1  }
0x30a: {  	v1 =	vld.idx.msk [tilespmem:v2+s2+$0x0], $0xffff;
	_ =	sdelay $0x1  }
0x30b: {  	v2 =	vadd.s32 $0x359, v0;
	_ =	sdelay $0x2  }
0x30c: {  	v1 =	vadd.s32 $0x2625A0, v1  }
0x30d: {  	[tilespmem:$0x1990] =	vst v1  }
0x30e: {  	v1 =	vld.idx.msk [tilespmem:v2+s2+$0x0], $0xffff;
	_ =	sdelay $0x1  }
0x30f: {  	v2 =	vadd.s32 $0x4F9, v0;
	_ =	sdelay $0x2  }
0x310: {  	v1 =	vadd.s32 $0x2625A0, v1  }
0x311: {  	[tilespmem:$0x19A0] =	vst v1  }
0x312: {  	v1 =	vld.idx.msk [tilespmem:v2+s2+$0x0], $0xffff;
	_ =	sdelay $0x1  }
0x313: {  	v2 =	vadd.s32 $0x699, v0;
	_ =	sdelay $0x2  }
0x314: {  	v1 =	vadd.s32 $0x2625A0, v1  }
0x315: {  	[tilespmem:$0x19B0] =	vst v1  }
0x316: {  	v1 =	vld.idx.msk [tilespmem:v2+s2+$0x0], $0xffff;
	_ =	sdelay $0x1  }
0x317: {  	v2 =	vadd.s32 $0x839, v0;
	_ =	sdelay $0x2  }
0x318: {  	v1 =	vadd.s32 $0x2625A0, v1  }
0x319: {  	[tilespmem:$0x19C0] =	vst v1  }
0x31a: {  	v1 =	vld.idx.msk [tilespmem:v2+s2+$0x0], $0xffff;
	_ =	sdelay $0x1  }
0x31b: {  	v2 =	vadd.s32 $0x9D9, v0;
	_ =	sdelay $0x2  }
0x31c: {  	v1 =	vadd.s32 $0x2625A0, v1  }
0x31d: {  	[tilespmem:$0x19D0] =	vst v1  }
0x31e: {  	v1 =	vld.idx.msk [tilespmem:v2+s2+$0x0], $0xffff;
	_ =	sdelay $0x1  }
0x31f: {  	v2 =	vadd.s32 $0xB79, v0;
	_ =	sdelay $0x2  }
0x320: {  	v1 =	vadd.s32 $0x2625A0, v1  }
0x321: {  	[tilespmem:$0x19E0] =	vst v1  }
0x322: {  	v1 =	vld.idx.msk [tilespmem:v2+s2+$0x0], $0xffff;
	_ =	sdelay $0x4  }
0x323: {  	v1 =	vadd.s32 $0x2625A0, v1  }
0x324: {  	s12 =	rddreg [dreg:$0x3];
	[tilespmem:$0x19F0] =	vst v1  }
0x325: {  	[tilespmem:s20], [sflag:$0x1] =	stream.indirect.gather [hbm4b:s3+s7], $0x10, s12, s7, $0xb8;
	[tilespmem:$0xEA00] =	vst v63  }
0x326: {  	s13 =	rddreg [dreg:$0x4]  }
0x327: {  	[tilespmem:s21], [sflag:$0x1] =	stream.indirect.gather [hbm4b:s3+s7], $0x10, s13, s7, $0xb8;
	[tilespmem:$0xEA00] =	vst v63  }
0x328: {  	s10 =	rddreg [dreg:$0x5]  }
0x329: {  	[tilespmem:s22], [sflag:$0x1] =	stream.indirect.gather [hbm4b:s3+s7], $0x10, s10, s7, $0xb8;
	[tilespmem:$0xEA00] =	vst v63  }
0x32a: {  	s19 =	rddreg [dreg:$0x6]  }
0x32b: {  	[tilespmem:s23], [sflag:$0x1] =	stream.indirect.gather [hbm4b:s3+s7], $0x10, s19, s7, $0xb8;
	[tilespmem:$0xEA00] =	vst v63  }
0x32c: {  	s0 =	rddreg [dreg:$0x7]  }
0x32d: {  	[tilespmem:s24], [sflag:$0x1] =	stream.indirect.gather [hbm4b:s3+s7], $0x10, s0, s7, $0xb8;
	[tilespmem:$0xEA00] =	vst v63  }
0x32e: {  	s10 =	rddreg [dreg:$0x8]  }
0x32f: {  	[tilespmem:s25], [sflag:$0x1] =	stream.indirect.gather [hbm4b:s3+s7], $0x10, s10, s7, $0xb8;
	[tilespmem:$0xEA00] =	vst v63  }
0x330: {  	s19 =	rddreg [dreg:$0x9]  }
0x331: {  	[tilespmem:s26], [sflag:$0x1] =	stream.indirect.gather [hbm4b:s3+s7], $0x10, s19, s7, $0xb8;
	[tilespmem:$0xEA00] =	vst v63  }
0x332: {  	s0 =	rddreg [dreg:$0xa]  }
0x333: {  	[tilespmem:s28], [sflag:$0x1] =	stream.indirect.gather [hbm4b:s3+s7], $0x10, s0, s7, $0xb8;
	[tilespmem:$0xEA00] =	vst v63  }
0x334: {  	s10 =	rddreg [dreg:$0xb]  }
0x335: {  	[tilespmem:s29], [sflag:$0x1] =	stream.indirect.gather [hbm4b:s3+s7], $0x10, s10, s7, $0xb8;
	[tilespmem:$0xEA00] =	vst v63  }
0x336: {  	s19 =	rddreg [dreg:$0xc]  }
0x337: {  	[tilespmem:s30], [sflag:$0x1] =	stream.indirect.gather [hbm4b:s3+s7], $0x10, s19, s7, $0xb8;
	[tilespmem:$0xEA00] =	vst v63  }
0x338: {  	s0 =	rddreg [dreg:$0xd]  }
0x339: {  	[tilespmem:s31], [sflag:$0x1] =	stream.indirect.gather [hbm4b:s3+s7], $0x10, s0, s7, $0xb8;
	[tilespmem:$0xEA00] =	vst v63  }
0x33a: {  	s10 =	rddreg [dreg:$0xe]  }
0x33b: {  	[tilespmem:s1], [sflag:$0x1] =	stream.indirect.gather [hbm4b:s3+s7], $0x10, s10, s7, $0xb8;
	[tilespmem:$0xEA00] =	vst v63  }
0x33c: {  	s19 =	rddreg [dreg:$0xf];
	s0 =	simm.s32 $0x7A00  }
0x33d: {  	[tilespmem:s0], [sflag:$0x1] =	stream.indirect.gather [hbm4b:s3+s7], $0x10, s19, s7, $0xb8;
	[tilespmem:$0xEA00] =	vst v63  }
0x33e: {  	s10 =	rddreg [dreg:$0x10]  }
0x33f: {  	[tilespmem:s4], [sflag:$0x1] =	stream.indirect.gather [hbm4b:s3+s7], $0x10, s10, s7, $0xb8;
	[tilespmem:$0xEA00] =	vst v63  }
0x340: {  	s19 =	rddreg [dreg:$0x11]  }
0x341: {  	[tilespmem:s14], [sflag:$0x1] =	stream.indirect.gather [hbm4b:s3+s7], $0x10, s19, s7, $0xb8;
	[tilespmem:$0xEA00] =	vst v63  }
0x342: {  	s10 =	rddreg [dreg:$0x12]  }
0x343: {  	[tilespmem:s15], [sflag:$0x1] =	stream.indirect.gather [hbm4b:s3+s7], $0x10, s10, s7, $0xb8;
	[tilespmem:$0xEA00] =	vst v63  }
0x344: {  	s19 =	rddreg [dreg:$0x13]  }
0x345: {  	[tilespmem:s16], [sflag:$0x1] =	stream.indirect.gather [hbm4b:s3+s7], $0x10, s19, s7, $0xb8;
	[tilespmem:$0xEA00] =	vst v63  }
0x346: {  	s10 =	rddreg [dreg:$0x14]  }
0x347: {  	[tilespmem:s17], [sflag:$0x1] =	stream.indirect.gather [hbm4b:s3+s7], $0x10, s10, s7, $0xb8;
	[tilespmem:$0xEA00] =	vst v63  }
0x348: {  	s19 =	rddreg [dreg:$0x15];
	s10 =	simm.s32 $0xAA00  }
0x349: {  	[tilespmem:s10], [sflag:$0x1] =	stream.indirect.gather [hbm4b:s3+s7], $0x10, s19, s7, $0xb8;
	[tilespmem:$0xEA00] =	vst v63  }
0x34a: {  	s13 =	rddreg [dreg:$0x16];
	s19 =	simm.s32 $0xB200  }
0x34b: {  	[tilespmem:s19], [sflag:$0x1] =	stream.indirect.gather [hbm4b:s3+s7], $0x10, s13, s7, $0xb8;
	[tilespmem:$0xEA00] =	vst v63  }
0x34c: {  	s12 =	rddreg [dreg:$0x17];
	s19 =	simm.s32 $0xBA00  }
0x34d: {  	[tilespmem:s19], [sflag:$0x1] =	stream.indirect.gather [hbm4b:s3+s7], $0x10, s12, s7, $0xb8;
	[tilespmem:$0xEA00] =	vst v63  }
0x34e: {  	s13 =	rddreg [dreg:$0x18];
	s19 =	simm.s32 $0xC200  }
0x34f: {  	[tilespmem:s19], [sflag:$0x1] =	stream.indirect.gather [hbm4b:s3+s7], $0x10, s13, s7, $0xb8;
	[tilespmem:$0xEA00] =	vst v63  }
0x350: {  	s12 =	rddreg [dreg:$0x19];
	s19 =	simm.s32 $0xCA00  }
0x351: {  	[tilespmem:s19], [sflag:$0x1] =	stream.indirect.gather [hbm4b:s3+s7], $0x10, s12, s7, $0xb8;
	[tilespmem:$0xEA00] =	vst v63  }
0x352: {  	s13 =	rddreg [dreg:$0x1a];
	s19 =	simm.s32 $0xD200  }
0x353: {  	[tilespmem:s19], [sflag:$0x1] =	stream.indirect.gather [hbm4b:s3+s7], $0x10, s13, s7, $0xb8;
	[tilespmem:$0xEA00] =	vst v63  }
0x354: {  	s12 =	rddreg [dreg:$0x1b];
	s19 =	simm.s32 $0xDA00  }
0x355: {  	[tilespmem:s19], [sflag:$0x1] =	stream.indirect.gather [hbm4b:s3+s7], $0x10, s12, s7, $0xb8;
	[tilespmem:$0xEA00] =	vst v63  }
0x356: {  	s13 =	rddreg [dreg:$0x1c];
	s19 =	simm.s32 $0xE200  }
0x357: {  	v2 =	vmov v3;
	v3 =	vmov v4;
	[tilespmem:s19], [sflag:$0x1] =	stream.indirect.gather [hbm4b:s3+s7], $0x10, s13, s7, $0xb8;
	[tilespmem:$0xEA00] =	vst v63  }
0x358: {  	v4 =	vmovc v5;
	v5 =	vmovc v6;
	v6 =	vmov v7;
	v7 =	vmov v9;
	v9 =	vmov v8;
	v8 =	vld [tilespmem:$0x1FFF0];
	_ =	swait.ge [sflag:s5], $0x800  }
0x359: {  	[sflag:s5] =	ssyncset.done $0x0  }
0x35a: {  	[sflag:s5] =	ssyncadd.s32 $0xFFFFF800  }
0x35b: {  	_ =	swait.ge [sflag:s5], $0x800  }
0x35c: {  	[sflag:s5] =	ssyncset.done $0x0  }
0x35d: {  	[sflag:s5] =	ssyncadd.s32 $0xFFFFF800  }
0x35e: {  	_ =	swait.ge [sflag:s5], $0x800  }
0x35f: {  	[sflag:s5] =	ssyncset.done $0x0  }
0x360: {  	[sflag:s5] =	ssyncadd.s32 $0xFFFFF800  }
0x361: {  	_ =	swait.ge [sflag:s5], $0x800  }
0x362: {  	[sflag:s5] =	ssyncset.done $0x0  }
0x363: {  	[sflag:s5] =	ssyncadd.s32 $0xFFFFF800  }
0x364: {  	_ =	swait.ge [sflag:s5], $0x800  }
0x365: {  	[sflag:s5] =	ssyncset.done $0x0  }
0x366: {  	[sflag:s5] =	ssyncadd.s32 $0xFFFFF800  }
0x367: {  	_ =	swait.ge [sflag:s5], $0x800  }
0x368: {  	[sflag:s5] =	ssyncset.done $0x0  }
0x369: {  	[sflag:s5] =	ssyncadd.s32 $0xFFFFF800  }
0x36a: {  	_ =	swait.ge [sflag:s5], $0x800  }
0x36b: {  	[sflag:s5] =	ssyncset.done $0x0  }
0x36c: {  	[sflag:s5] =	ssyncadd.s32 $0xFFFFF800  }
0x36d: {  	_ =	swait.ge [sflag:s5], $0x800  }
0x36e: {  	[sflag:s5] =	ssyncset.done $0x0  }
0x36f: {  	[sflag:s5] =	ssyncadd.s32 $0xFFFFF800  }
0x370: {  	_ =	swait.ge [sflag:s5], $0x800  }
0x371: {  	[sflag:s5] =	ssyncset.done $0x0  }
0x372: {  	[sflag:s5] =	ssyncadd.s32 $0xFFFFF800  }
0x373: {  	_ =	swait.ge [sflag:s5], $0x800  }
0x374: {  	[sflag:s5] =	ssyncset.done $0x0  }
0x375: {  	[sflag:s5] =	ssyncadd.s32 $0xFFFFF800  }
0x376: {  	_ =	swait.ge [sflag:s5], $0x800  }
0x377: {  	[sflag:s5] =	ssyncset.done $0x0  }
0x378: {  	[sflag:s5] =	ssyncadd.s32 $0xFFFFF800  }
0x379: {  	_ =	swait.ge [sflag:s5], $0x800  }
0x37a: {  	[sflag:s5] =	ssyncset.done $0x0  }
0x37b: {  	[sflag:s5] =	ssyncadd.s32 $0xFFFFF800  }
0x37c: {  	_ =	swait.ge [sflag:s5], $0x800  }
0x37d: {  	[sflag:s5] =	ssyncset.done $0x0  }
0x37e: {  	[sflag:s5] =	ssyncadd.s32 $0xFFFFF800  }
0x37f: {  	_ =	swait.ge [sflag:s5], $0x800  }
0x380: {  	[sflag:s5] =	ssyncset.done $0x0  }
0x381: {  	[sflag:s5] =	ssyncadd.s32 $0xFFFFF800  }
0x382: {  	_ =	swait.ge [sflag:s5], $0x800  }
0x383: {  	[sflag:s5] =	ssyncset.done $0x0  }
0x384: {  	[sflag:s5] =	ssyncadd.s32 $0xFFFFF800  }
0x385: {  	_ =	swait.ge [sflag:s5], $0x800  }
0x386: {  	[sflag:s5] =	ssyncset.done $0x0  }
0x387: {  	[sflag:s5] =	ssyncadd.s32 $0xFFFFF800  }
0x388: {  	_ =	swait.ge [sflag:s5], $0x800  }
0x389: {  	[sflag:s5] =	ssyncset.done $0x0  }
0x38a: {  	[sflag:s5] =	ssyncadd.s32 $0xFFFFF800  }
0x38b: {  	_ =	swait.ge [sflag:s5], $0x800  }
0x38c: {  	[sflag:s5] =	ssyncset.done $0x0  }
0x38d: {  	[sflag:s5] =	ssyncadd.s32 $0xFFFFF800  }
0x38e: {  	_ =	swait.ge [sflag:s5], $0x800  }
0x38f: {  	[sflag:s5] =	ssyncset.done $0x0  }
0x390: {  	[sflag:s5] =	ssyncadd.s32 $0xFFFFF800  }
0x391: {  	_ =	swait.ge [sflag:s5], $0x800  }
0x392: {  	[sflag:s5] =	ssyncset.done $0x0  }
0x393: {  	[sflag:s5] =	ssyncadd.s32 $0xFFFFF800  }
0x394: {  	_ =	swait.ge [sflag:s5], $0x800  }
0x395: {  	[sflag:s5] =	ssyncset.done $0x0  }
0x396: {  	[sflag:s5] =	ssyncadd.s32 $0xFFFFF800  }
0x397: {  	_ =	swait.ge [sflag:s5], $0x800  }
0x398: {  	[sflag:s5] =	ssyncset.done $0x0  }
0x399: {  	[sflag:s5] =	ssyncadd.s32 $0xFFFFF800  }
0x39a: {  	_ =	swait.ge [sflag:s5], $0x800  }
0x39b: {  	[sflag:s5] =	ssyncset.done $0x0  }
0x39c: {  	[sflag:s5] =	ssyncadd.s32 $0xFFFFF800  }
0x39d: {  	_ =	swait.ge [sflag:s5], $0x800  }
0x39e: {  	[sflag:s5] =	ssyncset.done $0x0  }
0x39f: {  	[sflag:s5] =	ssyncadd.s32 $0xFFFFF800  }
0x3a0: {  	_ =	swait.ge [sflag:s5], $0x800  }
0x3a1: {  	[sflag:s5] =	ssyncset.done $0x0  }
0x3a2: {  	[sflag:s5] =	ssyncadd.s32 $0xFFFFF800  }
0x3a3: {  	_ =	swait.ge [sflag:s5], $0x800  }
0x3a4: {  	s13 =	rddreg [dreg:$0x2];
	[sflag:s5] =	ssyncset.done $0x0  }
0x3a5: {  	[sflag:s5] =	ssyncadd.s32 $0xFFFFF800;
	s12 =	sadd.s32 s18, s13  }
0x3a6: {  	[hbm4b:s12+s8] =	stream.strided.scatter [tilespmem:s20], [sflag:$0x2], $0x800, s9, s8, $0x38;
	[tilespmem:$0xEA00] =	vst v63  }
0x3a7: {  	_ =	swait.ge [sflag:s6], $0x800  }
0x3a8: {  	[sflag:s6] =	ssyncset.done $0x0  }
0x3a9: {  	s19 =	sadd.s32 $0x2, s12;
	[sflag:s6] =	ssyncadd.s32 $0xFFFFF800  }
0x3aa: {  	[hbm4b:s19+s8] =	stream.strided.scatter [tilespmem:s21], [sflag:$0x2], $0x800, s9, s8, $0x38;
	[tilespmem:$0xEA00] =	vst v63  }
0x3ab: {  	_ =	swait.ge [sflag:s6], $0x800  }
0x3ac: {  	[sflag:s6] =	ssyncset.done $0x0  }
0x3ad: {  	s19 =	sadd.s32 $0x4, s12;
	[sflag:s6] =	ssyncadd.s32 $0xFFFFF800  }
0x3ae: {  	[hbm4b:s19+s8] =	stream.strided.scatter [tilespmem:s22], [sflag:$0x2], $0x800, s9, s8, $0x38;
	[tilespmem:$0xEA00] =	vst v63  }
0x3af: {  	_ =	swait.ge [sflag:s6], $0x800  }
0x3b0: {  	[sflag:s6] =	ssyncset.done $0x0  }
0x3b1: {  	s19 =	sadd.s32 $0x6, s12;
	[sflag:s6] =	ssyncadd.s32 $0xFFFFF800  }
0x3b2: {  	[hbm4b:s19+s8] =	stream.strided.scatter [tilespmem:s23], [sflag:$0x2], $0x800, s9, s8, $0x38;
	[tilespmem:$0xEA00] =	vst v63  }
0x3b3: {  	_ =	swait.ge [sflag:s6], $0x800  }
0x3b4: {  	[sflag:s6] =	ssyncset.done $0x0  }
0x3b5: {  	s19 =	sadd.s32 $0x8, s12;
	[sflag:s6] =	ssyncadd.s32 $0xFFFFF800  }
0x3b6: {  	[hbm4b:s19+s8] =	stream.strided.scatter [tilespmem:s24], [sflag:$0x2], $0x800, s9, s8, $0x38;
	[tilespmem:$0xEA00] =	vst v63  }
0x3b7: {  	_ =	swait.ge [sflag:s6], $0x800  }
0x3b8: {  	[sflag:s6] =	ssyncset.done $0x0  }
0x3b9: {  	s19 =	sadd.s32 $0xA, s12;
	[sflag:s6] =	ssyncadd.s32 $0xFFFFF800  }
0x3ba: {  	[hbm4b:s19+s8] =	stream.strided.scatter [tilespmem:s25], [sflag:$0x2], $0x800, s9, s8, $0x38;
	[tilespmem:$0xEA00] =	vst v63  }
0x3bb: {  	_ =	swait.ge [sflag:s6], $0x800  }
0x3bc: {  	[sflag:s6] =	ssyncset.done $0x0  }
0x3bd: {  	s19 =	sadd.s32 $0xC, s12;
	[sflag:s6] =	ssyncadd.s32 $0xFFFFF800  }
0x3be: {  	[hbm4b:s19+s8] =	stream.strided.scatter [tilespmem:s26], [sflag:$0x2], $0x800, s9, s8, $0x38;
	[tilespmem:$0xEA00] =	vst v63  }
0x3bf: {  	_ =	swait.ge [sflag:s6], $0x800  }
0x3c0: {  	[sflag:s6] =	ssyncset.done $0x0  }
0x3c1: {  	s19 =	sadd.s32 $0xE, s12;
	[sflag:s6] =	ssyncadd.s32 $0xFFFFF800  }
0x3c2: {  	[hbm4b:s19+s8] =	stream.strided.scatter [tilespmem:s28], [sflag:$0x2], $0x800, s9, s8, $0x38;
	[tilespmem:$0xEA00] =	vst v63  }
0x3c3: {  	_ =	swait.ge [sflag:s6], $0x800  }
0x3c4: {  	[sflag:s6] =	ssyncset.done $0x0  }
0x3c5: {  	s19 =	sadd.s32 $0x10, s12;
	[sflag:s6] =	ssyncadd.s32 $0xFFFFF800  }
0x3c6: {  	[hbm4b:s19+s8] =	stream.strided.scatter [tilespmem:s29], [sflag:$0x2], $0x800, s9, s8, $0x38;
	[tilespmem:$0xEA00] =	vst v63  }
0x3c7: {  	_ =	swait.ge [sflag:s6], $0x800  }
0x3c8: {  	[sflag:s6] =	ssyncset.done $0x0  }
0x3c9: {  	s19 =	sadd.s32 $0x12, s12;
	[sflag:s6] =	ssyncadd.s32 $0xFFFFF800  }
0x3ca: {  	[hbm4b:s19+s8] =	stream.strided.scatter [tilespmem:s30], [sflag:$0x2], $0x800, s9, s8, $0x38;
	[tilespmem:$0xEA00] =	vst v63  }
0x3cb: {  	_ =	swait.ge [sflag:s6], $0x800  }
0x3cc: {  	[sflag:s6] =	ssyncset.done $0x0  }
0x3cd: {  	s19 =	sadd.s32 $0x14, s12;
	[sflag:s6] =	ssyncadd.s32 $0xFFFFF800  }
0x3ce: {  	[hbm4b:s19+s8] =	stream.strided.scatter [tilespmem:s31], [sflag:$0x2], $0x800, s9, s8, $0x38;
	[tilespmem:$0xEA00] =	vst v63  }
0x3cf: {  	_ =	swait.ge [sflag:s6], $0x800  }
0x3d0: {  	[sflag:s6] =	ssyncset.done $0x0  }
0x3d1: {  	s19 =	sadd.s32 $0x16, s12;
	[sflag:s6] =	ssyncadd.s32 $0xFFFFF800  }
0x3d2: {  	[hbm4b:s19+s8] =	stream.strided.scatter [tilespmem:s1], [sflag:$0x2], $0x800, s9, s8, $0x38;
	[tilespmem:$0xEA00] =	vst v63  }
0x3d3: {  	_ =	swait.ge [sflag:s6], $0x800  }
0x3d4: {  	[sflag:s6] =	ssyncset.done $0x0  }
0x3d5: {  	s19 =	sadd.s32 $0x18, s12;
	[sflag:s6] =	ssyncadd.s32 $0xFFFFF800  }
0x3d6: {  	[hbm4b:s19+s8] =	stream.strided.scatter [tilespmem:s0], [sflag:$0x2], $0x800, s9, s8, $0x38;
	[tilespmem:$0xEA00] =	vst v63  }
0x3d7: {  	_ =	swait.ge [sflag:s6], $0x800  }
0x3d8: {  	[sflag:s6] =	ssyncset.done $0x0  }
0x3d9: {  	s19 =	sadd.s32 $0x1A, s12;
	[sflag:s6] =	ssyncadd.s32 $0xFFFFF800  }
0x3da: {  	[hbm4b:s19+s8] =	stream.strided.scatter [tilespmem:s4], [sflag:$0x2], $0x800, s9, s8, $0x38;
	[tilespmem:$0xEA00] =	vst v63  }
0x3db: {  	_ =	swait.ge [sflag:s6], $0x800  }
0x3dc: {  	[sflag:s6] =	ssyncset.done $0x0  }
0x3dd: {  	s0 =	sadd.s32 $0x1C, s12;
	[sflag:s6] =	ssyncadd.s32 $0xFFFFF800  }
0x3de: {  	[hbm4b:s0+s8] =	stream.strided.scatter [tilespmem:s14], [sflag:$0x2], $0x800, s9, s8, $0x38;
	[tilespmem:$0xEA00] =	vst v63  }
0x3df: {  	_ =	swait.ge [sflag:s6], $0x800  }
0x3e0: {  	[sflag:s6] =	ssyncset.done $0x0  }
0x3e1: {  	s19 =	sadd.s32 $0x1E, s12;
	[sflag:s6] =	ssyncadd.s32 $0xFFFFF800  }
0x3e2: {  	[hbm4b:s19+s8] =	stream.strided.scatter [tilespmem:s15], [sflag:$0x2], $0x800, s9, s8, $0x38;
	[tilespmem:$0xEA00] =	vst v63  }
0x3e3: {  	_ =	swait.ge [sflag:s6], $0x800  }
0x3e4: {  	[sflag:s6] =	ssyncset.done $0x0  }
0x3e5: {  	s0 =	sadd.s32 $0x20, s12;
	[sflag:s6] =	ssyncadd.s32 $0xFFFFF800  }
0x3e6: {  	[hbm4b:s0+s8] =	stream.strided.scatter [tilespmem:s16], [sflag:$0x2], $0x800, s9, s8, $0x38;
	[tilespmem:$0xEA00] =	vst v63  }
0x3e7: {  	_ =	swait.ge [sflag:s6], $0x800  }
0x3e8: {  	[sflag:s6] =	ssyncset.done $0x0  }
0x3e9: {  	s19 =	sadd.s32 $0x22, s12;
	[sflag:s6] =	ssyncadd.s32 $0xFFFFF800  }
0x3ea: {  	[hbm4b:s19+s8] =	stream.strided.scatter [tilespmem:s17], [sflag:$0x2], $0x800, s9, s8, $0x38;
	[tilespmem:$0xEA00] =	vst v63  }
0x3eb: {  	_ =	swait.ge [sflag:s6], $0x800  }
0x3ec: {  	[sflag:s6] =	ssyncset.done $0x0  }
0x3ed: {  	s0 =	sadd.s32 $0x24, s12;
	[sflag:s6] =	ssyncadd.s32 $0xFFFFF800  }
0x3ee: {  	[hbm4b:s0+s8] =	stream.strided.scatter [tilespmem:s10], [sflag:$0x2], $0x800, s9, s8, $0x38;
	[tilespmem:$0xEA00] =	vst v63  }
0x3ef: {  	_ =	swait.ge [sflag:s6], $0x800  }
0x3f0: {  	[sflag:s6] =	ssyncset.done $0x0  }
0x3f1: {  	s19 =	simm.s32 $0xB200;
	s10 =	sadd.s32 $0x26, s12;
	[sflag:s6] =	ssyncadd.s32 $0xFFFFF800  }
0x3f2: {  	[hbm4b:s10+s8] =	stream.strided.scatter [tilespmem:s19], [sflag:$0x2], $0x800, s9, s8, $0x38;
	[tilespmem:$0xEA00] =	vst v63  }
0x3f3: {  	_ =	swait.ge [sflag:s6], $0x800  }
0x3f4: {  	[sflag:s6] =	ssyncset.done $0x0  }
0x3f5: {  	s10 =	sadd.s32 $0x28, s12;
	s19 =	simm.s32 $0xBA00;
	[sflag:s6] =	ssyncadd.s32 $0xFFFFF800  }
0x3f6: {  	[hbm4b:s10+s8] =	stream.strided.scatter [tilespmem:s19], [sflag:$0x2], $0x800, s9, s8, $0x38;
	[tilespmem:$0xEA00] =	vst v63  }
0x3f7: {  	_ =	swait.ge [sflag:s6], $0x800  }
0x3f8: {  	[sflag:s6] =	ssyncset.done $0x0  }
0x3f9: {  	s10 =	sadd.s32 $0x2A, s12;
	s19 =	simm.s32 $0xC200;
	[sflag:s6] =	ssyncadd.s32 $0xFFFFF800  }
0x3fa: {  	[hbm4b:s10+s8] =	stream.strided.scatter [tilespmem:s19], [sflag:$0x2], $0x800, s9, s8, $0x38;
	[tilespmem:$0xEA00] =	vst v63  }
0x3fb: {  	_ =	swait.ge [sflag:s6], $0x800  }
0x3fc: {  	[sflag:s6] =	ssyncset.done $0x0  }
0x3fd: {  	s10 =	sadd.s32 $0x2C, s12;
	s19 =	simm.s32 $0xCA00;
	[sflag:s6] =	ssyncadd.s32 $0xFFFFF800  }
0x3fe: {  	[hbm4b:s10+s8] =	stream.strided.scatter [tilespmem:s19], [sflag:$0x2], $0x800, s9, s8, $0x38;
	[tilespmem:$0xEA00] =	vst v63  }
0x3ff: {  	_ =	swait.ge [sflag:s6], $0x800  }
0x400: {  	[sflag:s6] =	ssyncset.done $0x0  }
0x401: {  	s10 =	sadd.s32 $0x2E, s12;
	s19 =	simm.s32 $0xD200;
	[sflag:s6] =	ssyncadd.s32 $0xFFFFF800  }
0x402: {  	[hbm4b:s10+s8] =	stream.strided.scatter [tilespmem:s19], [sflag:$0x2], $0x800, s9, s8, $0x38;
	[tilespmem:$0xEA00] =	vst v63  }
0x403: {  	_ =	swait.ge [sflag:s6], $0x800  }
0x404: {  	[sflag:s6] =	ssyncset.done $0x0  }
0x405: {  	s0 =	sadd.s32 $0x30, s12;
	s10 =	simm.s32 $0xDA00;
	[sflag:s6] =	ssyncadd.s32 $0xFFFFF800  }
0x406: {  	[hbm4b:s0+s8] =	stream.strided.scatter [tilespmem:s10], [sflag:$0x2], $0x800, s9, s8, $0x38;
	[tilespmem:$0xEA00] =	vst v63  }
0x407: {  	_ =	swait.ge [sflag:s6], $0x800  }
0x408: {  	p0 =	sne.s32 s18, $0x4E00;
	s12 =	sadd.s32 $0x32, s12;
	[sflag:s6] =	ssyncset.done $0x0  }
.Ltmp0:
0x409: {  	s19 =	simm.s32 $0xE200;
	[sflag:s6] =	ssyncadd.s32 $0xFFFFF800;
	(pc) =	sbr.rel @p0 .LBB2_2-.Ltmp0, $4  }
0x40a: {  	[hbm4b:s12+s8] =	stream.strided.scatter [tilespmem:s19], [sflag:$0x2], $0x800, s9, s8, $0x38;
	[tilespmem:$0xEA00] =	vst v63  }
0x40b: {  	_ =	swait.ge [sflag:s6], $0x800  }
0x40c: {  	[sflag:s6] =	ssyncset.done $0x0  }
0x40d: {  	s11 =	sadd.s32 $0x1A0, s11;
	s18 =	sadd.s32 $0x1A00, s18;
	[sflag:s6] =	ssyncadd.s32 $0xFFFFF800  }
0x40e: {  	s0 =	rddreg [dreg:$0x1f]  }
0x40f: {  	s10 =	rddreg [dreg:$0x1d];
	s0 =	sadd.s32 $0x1, s0  }
0x410: {  	p0 =	sne.s32 s0, s10  }
.Ltmp1:
0x411: {  	_ = 	snop;
	(pc) =	sbr.rel @p0 .LBB2_1-.Ltmp1, $1  }
0x412: {  	_ =	sdelay $0x3  }
0x413: {  	_ =	sfence.sel $0x180000  }
0x414: {  	[bflag:$0x0] =	sbarrier.arrive $0xFFFF  }
0x415: {  	_ =	strace $0x90000047  }
0x416: {  	s0 =	stileid.u32;
	[bflag:$0x2] =	sbarrier.arrive $0xFFFF  }
0x417: {  	p0 =	sne.s32 s0, $0x0;
	s0 =	rddreg [dreg:$0x1]  }
0x418: {  	s0 =	sadd.s32 @!p0 $0x100000, s0  }
0x419: {  	[sflag:s0] =	ssyncadd.tile.s32 @!p0 $0x1;
	_ =	shalt  }
.Lfunc_end2:
_tile_overlayer_lowered:
.L_overlay_start_2:
0x41a: {  	(tag) =	ssettag $0x2  }
0x41b: {  	s0 =	rddreg [dreg:$0x0];
	s2 =	stileid.u32  }
0x41c: {  	s1 =	rddreg [dreg:$0x1];
	p0 =	sne.s32 s2, $0x0  }
0x41d: {  	s3 =	rddreg [dreg:$0x2];
	[bflag:$0x3] =	sbarrier.arrive $0xFFFF;
	s2 =	simm.s32 @!p0 $0x1C02  }
0x41e: {  	[timem:s3], [sflag:s2] =	dma.local @!p0 [hbm:s0], s1  }
0x41f: {  	s0 =	simm.s32 @!p0 $0x2  }
0x420: {  	_ =	swait.ge @!p0 [sflag:s0], s1  }
0x421: {  	s1 =	ssub.s32 @!p0 $0x0, s1;
	[sflag:s0] =	ssyncset.done @!p0 $0x0  }
0x422: {  	[sflag:s0] =	ssyncadd.s32 @!p0 s1  }
0x423: {  	[bflag:$0x3] =	sbarrier.arrive $0xFFFF  }
0x424: {  	_ =	shalt  }

</sc_bundles>
